<compile_context>
chip_gen: v7x
topology: tpu7x:2x2x1
jax: 0.10.2.dev20260603
libtpu: 0.0.44.dev20260713+nightly
codegen_flags: <defaults>
</compile_context>

<pallas_src>
import functools

import jax
import jax.numpy as jnp
from jax import lax
from jax.experimental import pallas as pl
from jax.experimental.pallas import tpu as pltpu
from jax.experimental.pallas import tpu_sc as plsc

B, T, N, F = 4, 12, 10000, 1
H = 32
HORIZON = 12
E = 320000

NP = 10240
NB = 1024
W_ROW = B * H

NCORES = 2
NSUB = 16
NW = NCORES * NSUB
CH = 128
NCHUNK = 80
EPW = NCHUNK * CH
EP = NW * EPW
DROWS = NP // W_ROW



def _gru_body(x_r, emb_r, wenc_r, benc_r, wx_r, wh_r, bih_r, bhh_r,
              wg_r, wroot_r, bg_r, msg_r, hroot_r):
    embv = emb_r[...] + benc_r[...]
    c = jnp.dot(embv, wx_r[...], preferred_element_type=jnp.float32) + bih_r[...]
    a = jnp.dot(wenc_r[...], wx_r[...], preferred_element_type=jnp.float32)
    wh = wh_r[...]
    bhh = bhh_r[...]
    outs = []
    for b in range(B):
        xb = x_r[b]
        h = jnp.zeros((NB, H), jnp.float32)
        for t in range(T):
            xc = xb[:, t:t + 1]
            gx = xc * a + c
            gh = jnp.dot(h, wh, preferred_element_type=jnp.float32) + bhh
            r = jax.nn.sigmoid(gx[:, 0:H] + gh[:, 0:H])
            z = jax.nn.sigmoid(gx[:, H:2 * H] + gh[:, H:2 * H])
            n_ = jnp.tanh(gx[:, 2 * H:3 * H] + r * gh[:, 2 * H:3 * H])
            h = (1.0 - z) * n_ + z * h
        outs.append(jnp.dot(h, wg_r[...], preferred_element_type=jnp.float32))
        hroot_r[b] = jnp.dot(h, wroot_r[...], preferred_element_type=jnp.float32) + bg_r[...]
    msg_r[...] = jnp.concatenate(outs, axis=1)


def _tc_gru(x3, emb_p, wenc, benc, wx, wh, bih, bhh, wg, wroot, bg):
    grid = (NP // NB,)
    full = lambda shape: pl.BlockSpec(shape, lambda i: (0,) * len(shape))
    return pl.pallas_call(
        _gru_body,
        grid=grid,
        in_specs=[
            pl.BlockSpec((B, NB, T), lambda i: (0, i, 0)),
            pl.BlockSpec((NB, H), lambda i: (i, 0)),
            full((1, H)), full((1, H)), full((H, 3 * H)), full((H, 3 * H)),
            full((1, 3 * H)), full((1, 3 * H)),
            full((H, H)), full((H, H)), full((1, H)),
        ],
        out_specs=[
            pl.BlockSpec((NB, W_ROW), lambda i: (i, 0)),
            pl.BlockSpec((B, NB, H), lambda i: (0, i, 0)),
        ],
        out_shape=[
            jax.ShapeDtypeStruct((NP, W_ROW), jnp.float32),
            jax.ShapeDtypeStruct((B, NP, H), jnp.float32),
        ],
    )(x3, emb_p, wenc, benc, wx, wh, bih, bhh, wg, wroot, bg)



_ROWS_PER_TILE = NP // NSUB

_GDN = lax.GatherDimensionNumbers(
    offset_dims=(), collapsed_slice_dims=(0,), start_index_map=(0,))


def _sc_conv_body(msg_hbm, src_hbm, dst_hbm, w_hbm, zero_hbm,
                  acc_hbm, deg_hbm,
                  acc_sh, deg_sh, srcb, dstb, wbuf, rows, deg_priv, idb):
    cid = lax.axis_index("c")
    sid = lax.axis_index("s")
    wid = sid * NCORES + cid
    row0 = sid * _ROWS_PER_TILE

    pltpu.sync_copy(zero_hbm.at[pl.ds(row0, _ROWS_PER_TILE)],
                    acc_sh.at[pl.ds(row0, _ROWS_PER_TILE)])
    pltpu.sync_copy(zero_hbm.at[pl.ds(0, DROWS)], deg_priv)

    @pl.when(sid == 0)
    def _zero_deg():
        pltpu.sync_copy(zero_hbm.at[pl.ds(0, DROWS)], deg_sh)

    for g in range(DROWS // 16):
        idb[pl.ds(g * 16, 16)] = lax.iota(jnp.int32, 16) + g * 16

    plsc.subcore_barrier()

    lane_iota = lax.iota(jnp.int32, 16)

    @pl.loop(0, NCHUNK)
    def _chunk(ci):
        pltpu.sync_copy(src_hbm.at[wid, ci], srcb)
        pltpu.sync_copy(dst_hbm.at[wid, ci], dstb)
        pltpu.sync_copy(w_hbm.at[wid, ci], wbuf)

        pltpu.sync_copy(msg_hbm.at[srcb], rows)

        @pl.loop(0, CH // 16)
        def _grp(g):
            wv = wbuf[pl.ds(g * 16, 16)]
            j0 = g * 16
            for l in range(16):
                wsplat = lax.gather(
                    wv, jnp.full((16, 1), l, jnp.int32), _GDN, (1,),
                    mode=lax.GatherScatterMode.PROMISE_IN_BOUNDS)
                for cseg in range(W_ROW // 16):
                    sl = pl.ds(cseg * 16, 16)
                    rows[j0 + l, sl] = rows[j0 + l, sl] * wsplat

        pltpu.sync_copy(rows, acc_sh.at[dstb], add=True)

        @pl.loop(0, CH // 16)
        def _deg(g):
            dv = dstb[pl.ds(g * 16, 16)]
            wv = wbuf[pl.ds(g * 16, 16)]
            for l in range(16):
                d = dv[l]
                w = wv[l]
                r = lax.shift_right_logical(d, 7)
                s0 = lax.bitwise_and(lax.shift_right_logical(d, 4), 7) * 16
                lane = lax.bitwise_and(d, 15)
                seg = deg_priv[r, pl.ds(s0, 16)]
                upd = jnp.where(lane_iota == lane, w, 0.0)
                deg_priv[r, pl.ds(s0, 16)] = seg + upd

    pltpu.sync_copy(deg_priv, deg_sh.at[idb], add=True)
    plsc.subcore_barrier()

    pltpu.sync_copy(acc_sh.at[pl.ds(row0, _ROWS_PER_TILE)],
                    acc_hbm.at[cid, pl.ds(row0, _ROWS_PER_TILE)])

    @pl.when(sid == 0)
    def _dump_deg():
        pltpu.sync_copy(deg_sh, deg_hbm.at[cid])


_sc_conv = functools.partial(
    pl.kernel,
    out_type=(
        jax.ShapeDtypeStruct((NCORES, NP, W_ROW), jnp.float32),
        jax.ShapeDtypeStruct((NCORES, DROWS, W_ROW), jnp.float32),
    ),
    mesh=plsc.VectorSubcoreMesh(core_axis_name="c", subcore_axis_name="s"),
    scratch_types=[
        pltpu.VMEM_SHARED((NP, W_ROW), jnp.float32),
        pltpu.VMEM_SHARED((DROWS, W_ROW), jnp.float32),
        pltpu.VMEM((CH,), jnp.int32),
        pltpu.VMEM((CH,), jnp.int32),
        pltpu.VMEM((CH,), jnp.float32),
        pltpu.VMEM((CH, W_ROW), jnp.float32),
        pltpu.VMEM((DROWS, W_ROW), jnp.float32),
        pltpu.VMEM((DROWS,), jnp.int32),
    ],
)(_sc_conv_body)



def _decode_body(agg_r, deg_r, hroot_r, wdec_r, bdec_r, out_r):
    agg = agg_r[0] + agg_r[1]
    deg = deg_r[0] + deg_r[1]
    dinv = 1.0 / jnp.where(deg > 0, deg, 1.0)
    for b in range(B):
        zb = agg[:, b * H:(b + 1) * H] * dinv + hroot_r[b]
        out_r[b] = jnp.dot(zb, wdec_r[...], preferred_element_type=jnp.float32) + bdec_r[...]


def _tc_decode(agg_p, deg_p, hroot, wdec, bdec):
    grid = (NP // NB,)
    return pl.pallas_call(
        _decode_body,
        grid=grid,
        in_specs=[
            pl.BlockSpec((NCORES, NB, W_ROW), lambda i: (0, i, 0)),
            pl.BlockSpec((NCORES, NB, 1), lambda i: (0, i, 0)),
            pl.BlockSpec((B, NB, H), lambda i: (0, i, 0)),
            pl.BlockSpec((H, HORIZON), lambda i: (0, 0)),
            pl.BlockSpec((1, HORIZON), lambda i: (0, 0)),
        ],
        out_specs=pl.BlockSpec((B, NB, HORIZON), lambda i: (0, i, 0)),
        out_shape=jax.ShapeDtypeStruct((B, NP, HORIZON), jnp.float32),
    )(agg_p, deg_p, hroot, wdec, bdec)



def kernel(x, edge_index, edge_weight, W_enc, b_enc, emb, Wx, Wh, b_ih, b_hh,
           Wg, Wroot, bg, Wdec, bdec):
    x3 = jnp.transpose(x.reshape(B, T, N), (0, 2, 1))
    x3 = jnp.pad(x3, ((0, 0), (0, NP - N), (0, 0)))
    emb_p = jnp.pad(emb, ((0, NP - N), (0, 0)))

    msg, hroot = _tc_gru(
        x3, emb_p,
        W_enc.reshape(1, H), b_enc.reshape(1, H),
        Wx, Wh, b_ih.reshape(1, 3 * H), b_hh.reshape(1, 3 * H),
        Wg, Wroot, bg.reshape(1, H))

    src = jnp.pad(edge_index[0].astype(jnp.int32), (0, EP - E),
                  constant_values=NP - 1).reshape(NW, NCHUNK, CH)
    dst = jnp.pad(edge_index[1].astype(jnp.int32), (0, EP - E),
                  constant_values=NP - 1).reshape(NW, NCHUNK, CH)
    ew = jnp.pad(edge_weight.astype(jnp.float32), (0, EP - E)).reshape(NW, NCHUNK, CH)
    zeros_init = jnp.zeros((NP, W_ROW), jnp.float32)

    agg_p, deg_p = _sc_conv(msg, src, dst, ew, zeros_init)

    out = _tc_decode(agg_p, deg_p.reshape(NCORES, NP, 1), hroot,
                     Wdec, bdec.reshape(1, HORIZON))
    out = out[:, :N, :]
    return jnp.transpose(out, (0, 2, 1))[..., None]

# --- scband reference (transcript-rebuilt; emitter-appended) ---
"""Pipeline reference for scband-tts-rnn-gcn-5291399708928 (READ-ONLY COPY).

The authoritative reference and input builder live on the scoring server;
editing this copy changes nothing except your own understanding.
"""

import jax, jax.numpy as jnp
import numpy as np

B, T, N, F = 4, 12, 10000, 1
H = 32
HORIZON = 12
E = 320000

def setup_inputs(seed: int = 0):
    key = jax.random.key(seed)
    ks = jax.random.split(key, 16)
    s = 0.1
    x = jax.random.normal(ks[0], (B, T, N, F), dtype=jnp.float32)
    edge_index = jax.random.randint(ks[1], (2, E), 0, N)
    edge_weight = jax.random.uniform(ks[2], (E,), dtype=jnp.float32)
    W_enc = jax.random.normal(ks[3], (F, H), dtype=jnp.float32) * s
    b_enc = jnp.zeros((H,), jnp.float32)
    emb = jax.random.normal(ks[4], (N, H), dtype=jnp.float32) * s
    Wx = jax.random.normal(ks[5], (H, 3 * H), dtype=jnp.float32) * s
    Wh = jax.random.normal(ks[6], (H, 3 * H), dtype=jnp.float32) * s
    b_ih = jnp.zeros((3 * H,), jnp.float32)
    b_hh = jnp.zeros((3 * H,), jnp.float32)
    Wg = jax.random.normal(ks[7], (H, H), dtype=jnp.float32) * s
    Wroot = jax.random.normal(ks[8], (H, H), dtype=jnp.float32) * s
    bg = jnp.zeros((H,), jnp.float32)
    Wdec = jax.random.normal(ks[9], (H, F * HORIZON), dtype=jnp.float32) * s
    bdec = jnp.zeros((F * HORIZON,), jnp.float32)
    return {"x": x, "edge_index": edge_index, "edge_weight": edge_weight,
            "W_enc": W_enc, "b_enc": b_enc, "emb": emb,
            "Wx": Wx, "Wh": Wh, "b_ih": b_ih, "b_hh": b_hh,
            "Wg": Wg, "Wroot": Wroot, "bg": bg, "Wdec": Wdec, "bdec": bdec}

def _gru_last(x_seq, Wx, Wh, b_ih, b_hh):
    # x_seq: [B, T, N, H] -> last hidden state [B, N, H] (PyTorch GRU gate order r,z,n)
    h0 = jnp.zeros((x_seq.shape[0], x_seq.shape[2], x_seq.shape[3]), x_seq.dtype)
    xs = jnp.moveaxis(x_seq, 1, 0)
    def step(h, xt):
        gx = xt @ Wx + b_ih
        gh = h @ Wh + b_hh
        gxr, gxz, gxn = jnp.split(gx, 3, axis=-1)
        ghr, ghz, ghn = jnp.split(gh, 3, axis=-1)
        r = jax.nn.sigmoid(gxr + ghr)
        z = jax.nn.sigmoid(gxz + ghz)
        n_ = jnp.tanh(gxn + r * ghn)
        h_new = (1.0 - z) * n_ + z * h
        return h_new, None
    h_last, _ = jax.lax.scan(step, h0, xs)
    return h_last

def _graph_conv(h, edge_index, edge_weight, Wg, Wroot, bg):
    # tsl GraphConv with norm='mean' (D^-1 A), root weight and bias
    src = edge_index[0]
    dst = edge_index[1]
    deg = jax.ops.segment_sum(edge_weight, dst, num_segments=N)
    deg = jnp.where(deg > 0, deg, 1.0)
    w = edge_weight / deg[dst]
    out = h @ Wg
    msg = out[:, src, :] * w[None, :, None]
    agg = jnp.zeros_like(out).at[:, dst, :].add(msg)
    return agg + h @ Wroot + bg

def reference(x, edge_index, edge_weight, W_enc, b_enc, emb, Wx, Wh, b_ih, b_hh, Wg, Wroot, bg, Wdec, bdec):
    x_enc = x @ W_enc + b_enc                      # [B, T, N, H]
    x_emb = x_enc + emb                            # broadcast node embeddings
    h = _gru_last(x_emb, Wx, Wh, b_ih, b_hh)       # [B, N, H]
    z = _graph_conv(h, edge_index, edge_weight, Wg, Wroot, bg)  # [B, N, H]
    x_out = z @ Wdec + bdec                        # [B, N, F*HORIZON]
    x_h = x_out.reshape(x_out.shape[0], N, HORIZON, F)
    return jnp.transpose(x_h, (0, 2, 1, 3))        # 'b n (t f) -> b t n f'

if __name__ == "__main__":
    import jax
    _d = setup_inputs()
    print(jax.jit(kernel)(*tuple(_d.values())))

</pallas_src>

<mosaic_0001>
#map = affine_map<(d0, d1) -> (0, 0)>
#map1 = affine_map<(d0, d1) -> (0, 0, 0)>
module attributes {stable_mosaic.version = 14 : i64} {
  func.func @_sc_conv_body(%arg0: i32, %arg1: i32, %arg2: memref<10240x128xf32, #tpu.memory_space<hbm>>, %arg3: memref<32x80x128xi32, #tpu.memory_space<hbm>>, %arg4: memref<32x80x128xi32, #tpu.memory_space<hbm>>, %arg5: memref<32x80x128xf32, #tpu.memory_space<hbm>>, %arg6: memref<10240x128xf32, #tpu.memory_space<hbm>>, %arg7: memref<2x10240x128xf32, #tpu.memory_space<hbm>>, %arg8: memref<2x80x128xf32, #tpu.memory_space<hbm>>, %arg9: memref<10240x128xf32, #tpu.memory_space<vmem_shared>>, %arg10: memref<80x128xf32, #tpu.memory_space<vmem_shared>>, %arg11: memref<128xi32, #tpu.memory_space<vmem>>, %arg12: memref<128xi32, #tpu.memory_space<vmem>>, %arg13: memref<128xf32, #tpu.memory_space<vmem>>, %arg14: memref<128x128xf32, #tpu.memory_space<vmem>>, %arg15: memref<80x128xf32, #tpu.memory_space<vmem>>, %arg16: memref<80xi32, #tpu.memory_space<vmem>>) attributes {dimension_semantics = [#tpu.dimension_semantics<core_parallel>, #tpu.dimension_semantics<subcore_parallel>], iteration_bounds = array<i64: 2, 16>, scalar_prefetch = 0 : i64, scratch_operands = 8 : i64, tpu.core_type = #tpu.core_type<sc_vector_subcore>, window_params = [{transform_indices = #map}, {transform_indices = #map1}, {transform_indices = #map1}, {transform_indices = #map1}, {transform_indices = #map}, {transform_indices = #map1}, {transform_indices = #map1}]} {
    %mul3A = arith.constant 2 : i32
    %mul3A_0 = arith.muli %arg1, %mul3A : i32
    %add3A = arith.addi %mul3A_0, %arg0 : i32
    %mul3A_1 = arith.constant 640 : i32
    %mul3A_2 = arith.muli %arg1, %mul3A_1 : i32
    "tpu.region"() ({
      %run_scoped3A = tpu.sem_alloc : memref<!tpu.dma_semaphore, #tpu.memory_space<semaphore_mem>>
      %dma_start3A = arith.constant 0 : i32
      %dma_start3A_54 = tpu.memref_slice %arg9[%mul3A_2, %dma_start3A] : memref<10240x128xf32, #tpu.memory_space<vmem_shared>> -> memref<640x128xf32, #tpu.memory_space<vmem_shared>>
      %dma_start3A_55 = arith.constant 0 : i32
      %dma_start3A_56 = tpu.memref_slice %arg6[%mul3A_2, %dma_start3A_55] : memref<10240x128xf32, #tpu.memory_space<hbm>> -> memref<640x128xf32, #tpu.memory_space<hbm>>
      tpu.enqueue_dma source(%dma_start3A_56 : memref<640x128xf32, #tpu.memory_space<hbm>>) target(%dma_start3A_54 : memref<640x128xf32, #tpu.memory_space<vmem_shared>>) target_semaphore(%run_scoped3A : memref<!tpu.dma_semaphore, #tpu.memory_space<semaphore_mem>>)
      %dma_wait3A = arith.constant 0 : i32
      %dma_wait3A_57 = tpu.memref_slice %arg9[%mul3A_2, %dma_wait3A] : memref<10240x128xf32, #tpu.memory_space<vmem_shared>> -> memref<640x128xf32, #tpu.memory_space<vmem_shared>>
      %dma_wait3A_58 = arith.constant 0 : i32
      %dma_wait3A_59 = tpu.memref_slice %arg6[%mul3A_2, %dma_wait3A_58] : memref<10240x128xf32, #tpu.memory_space<hbm>> -> memref<640x128xf32, #tpu.memory_space<hbm>>
      tpu.wait_dma2 semaphore(%run_scoped3A : memref<!tpu.dma_semaphore, #tpu.memory_space<semaphore_mem>>) src(%dma_wait3A_59 : memref<640x128xf32, #tpu.memory_space<hbm>>) dst(%dma_wait3A_57 : memref<640x128xf32, #tpu.memory_space<vmem_shared>>)
      tpu.yield
    }) : () -> ()
    "tpu.region"() ({
      %run_scoped3A = tpu.sem_alloc : memref<!tpu.dma_semaphore, #tpu.memory_space<semaphore_mem>>
      %dma_start3A = arith.constant 0 : i32
      %dma_start3A_54 = arith.constant 0 : i32
      %dma_start3A_55 = tpu.memref_slice %arg6[%dma_start3A, %dma_start3A_54] : memref<10240x128xf32, #tpu.memory_space<hbm>> -> memref<80x128xf32, #tpu.memory_space<hbm>>
      %dma_start3A_56 = arith.constant 0 : i32
      %dma_start3A_57 = arith.constant 0 : i32
      %dma_start3A_58 = tpu.memref_slice %arg6[%dma_start3A_56, %dma_start3A_57] : memref<10240x128xf32, #tpu.memory_space<hbm>> -> memref<80x128xf32, #tpu.memory_space<hbm>>
      tpu.enqueue_dma source(%dma_start3A_58 : memref<80x128xf32, #tpu.memory_space<hbm>>) target(%arg15 : memref<80x128xf32, #tpu.memory_space<vmem>>) target_semaphore(%run_scoped3A : memref<!tpu.dma_semaphore, #tpu.memory_space<semaphore_mem>>)
      %dma_wait3A = arith.constant 0 : i32
      %dma_wait3A_59 = arith.constant 0 : i32
      %dma_wait3A_60 = tpu.memref_slice %arg6[%dma_wait3A, %dma_wait3A_59] : memref<10240x128xf32, #tpu.memory_space<hbm>> -> memref<80x128xf32, #tpu.memory_space<hbm>>
      %dma_wait3A_61 = arith.constant 0 : i32
      %dma_wait3A_62 = arith.constant 0 : i32
      %dma_wait3A_63 = tpu.memref_slice %arg6[%dma_wait3A_61, %dma_wait3A_62] : memref<10240x128xf32, #tpu.memory_space<hbm>> -> memref<80x128xf32, #tpu.memory_space<hbm>>
      tpu.wait_dma2 semaphore(%run_scoped3A : memref<!tpu.dma_semaphore, #tpu.memory_space<semaphore_mem>>) src(%dma_wait3A_63 : memref<80x128xf32, #tpu.memory_space<hbm>>) dst(%arg15 : memref<80x128xf32, #tpu.memory_space<vmem>>)
      tpu.yield
    }) : () -> ()
    %eq3A = arith.constant 0 : i32
    %eq3A_3 = arith.cmpi eq, %arg1, %eq3A : i32
    %convert_element_type3A = arith.extui %eq3A_3 : i1 to i32
    %cond3A = arith.constant 0 : i32
    %cond3A_4 = arith.cmpi ne, %convert_element_type3A, %cond3A : i32
    scf.if %cond3A_4 {
      "tpu.region"() ({
        %run_scoped3A = tpu.sem_alloc : memref<!tpu.dma_semaphore, #tpu.memory_space<semaphore_mem>>
        %dma_start3A = arith.constant 0 : i32
        %dma_start3A_54 = arith.constant 0 : i32
        %dma_start3A_55 = tpu.memref_slice %arg6[%dma_start3A, %dma_start3A_54] : memref<10240x128xf32, #tpu.memory_space<hbm>> -> memref<80x128xf32, #tpu.memory_space<hbm>>
        tpu.enqueue_dma source(%dma_start3A_55 : memref<80x128xf32, #tpu.memory_space<hbm>>) target(%arg10 : memref<80x128xf32, #tpu.memory_space<vmem_shared>>) target_semaphore(%run_scoped3A : memref<!tpu.dma_semaphore, #tpu.memory_space<semaphore_mem>>)
        %dma_wait3A = arith.constant 0 : i32
        %dma_wait3A_56 = arith.constant 0 : i32
        %dma_wait3A_57 = tpu.memref_slice %arg6[%dma_wait3A, %dma_wait3A_56] : memref<10240x128xf32, #tpu.memory_space<hbm>> -> memref<80x128xf32, #tpu.memory_space<hbm>>
        tpu.wait_dma2 semaphore(%run_scoped3A : memref<!tpu.dma_semaphore, #tpu.memory_space<semaphore_mem>>) src(%dma_wait3A_57 : memref<80x128xf32, #tpu.memory_space<hbm>>) dst(%arg10 : memref<80x128xf32, #tpu.memory_space<vmem_shared>>)
        tpu.yield
      }) : () -> ()
    } else {
    }
    %iota3A = tpu.iota {dimensions = array<i32: 0>} : vector<16xi32>
    %add3A_5 = arith.constant 0 : i32
    %add3A_6 = vector.broadcast %add3A_5 : i32 to vector<16xi32>
    %add3A_7 = arith.addi %iota3A, %add3A_6 : vector<16xi32>
    %swap3A = arith.constant 0 : index
    %swap3A_8 = tpu.vector_load %arg16[%swap3A] {strides = array<i32>} : memref<80xi32, #tpu.memory_space<vmem>>, vector<16xi32>,
    %swap3A_9 = vector.shape_cast %swap3A_8 : vector<16xi32> to vector<16xi32>
    %swap3A_10 = vector.shape_cast %add3A_7 : vector<16xi32> to vector<16xi32>
    tpu.vector_store %arg16[%swap3A], %swap3A_10 {strides = array<i32>} : memref<80xi32, #tpu.memory_space<vmem>>, vector<16xi32>,
    %iota3A_11 = tpu.iota {dimensions = array<i32: 0>} : vector<16xi32>
    %add3A_12 = arith.constant 16 : i32
    %add3A_13 = vector.broadcast %add3A_12 : i32 to vector<16xi32>
    %add3A_14 = arith.addi %iota3A_11, %add3A_13 : vector<16xi32>
    %swap3A_15 = arith.constant 16 : index
    %swap3A_16 = tpu.vector_load %arg16[%swap3A_15] {strides = array<i32>} : memref<80xi32, #tpu.memory_space<vmem>>, vector<16xi32>,
    %swap3A_17 = vector.shape_cast %swap3A_16 : vector<16xi32> to vector<16xi32>
    %swap3A_18 = vector.shape_cast %add3A_14 : vector<16xi32> to vector<16xi32>
    tpu.vector_store %arg16[%swap3A_15], %swap3A_18 {strides = array<i32>} : memref<80xi32, #tpu.memory_space<vmem>>, vector<16xi32>,
    %iota3A_19 = tpu.iota {dimensions = array<i32: 0>} : vector<16xi32>
    %add3A_20 = arith.constant 32 : i32
    %add3A_21 = vector.broadcast %add3A_20 : i32 to vector<16xi32>
    %add3A_22 = arith.addi %iota3A_19, %add3A_21 : vector<16xi32>
    %swap3A_23 = arith.constant 32 : index
    %swap3A_24 = tpu.vector_load %arg16[%swap3A_23] {strides = array<i32>} : memref<80xi32, #tpu.memory_space<vmem>>, vector<16xi32>,
    %swap3A_25 = vector.shape_cast %swap3A_24 : vector<16xi32> to vector<16xi32>
    %swap3A_26 = vector.shape_cast %add3A_22 : vector<16xi32> to vector<16xi32>
    tpu.vector_store %arg16[%swap3A_23], %swap3A_26 {strides = array<i32>} : memref<80xi32, #tpu.memory_space<vmem>>, vector<16xi32>,
    %iota3A_27 = tpu.iota {dimensions = array<i32: 0>} : vector<16xi32>
    %add3A_28 = arith.constant 48 : i32
    %add3A_29 = vector.broadcast %add3A_28 : i32 to vector<16xi32>
    %add3A_30 = arith.addi %iota3A_27, %add3A_29 : vector<16xi32>
    %swap3A_31 = arith.constant 48 : index
    %swap3A_32 = tpu.vector_load %arg16[%swap3A_31] {strides = array<i32>} : memref<80xi32, #tpu.memory_space<vmem>>, vector<16xi32>,
    %swap3A_33 = vector.shape_cast %swap3A_32 : vector<16xi32> to vector<16xi32>
    %swap3A_34 = vector.shape_cast %add3A_30 : vector<16xi32> to vector<16xi32>
    tpu.vector_store %arg16[%swap3A_31], %swap3A_34 {strides = array<i32>} : memref<80xi32, #tpu.memory_space<vmem>>, vector<16xi32>,
    %iota3A_35 = tpu.iota {dimensions = array<i32: 0>} : vector<16xi32>
    %add3A_36 = arith.constant 64 : i32
    %add3A_37 = vector.broadcast %add3A_36 : i32 to vector<16xi32>
    %add3A_38 = arith.addi %iota3A_35, %add3A_37 : vector<16xi32>
    %swap3A_39 = arith.constant 64 : index
    %swap3A_40 = tpu.vector_load %arg16[%swap3A_39] {strides = array<i32>} : memref<80xi32, #tpu.memory_space<vmem>>, vector<16xi32>,
    %swap3A_41 = vector.shape_cast %swap3A_40 : vector<16xi32> to vector<16xi32>
    %swap3A_42 = vector.shape_cast %add3A_38 : vector<16xi32> to vector<16xi32>
    tpu.vector_store %arg16[%swap3A_39], %swap3A_42 {strides = array<i32>} : memref<80xi32, #tpu.memory_space<vmem>>, vector<16xi32>,
    %barrier3A = arith.constant 0 : index
    tpu.barrier barrier_id(%barrier3A)
    %iota3A_43 = tpu.iota {dimensions = array<i32: 0>} : vector<16xi32>
    %scan3A = arith.constant 0 : i32
    %scan3A_44 = arith.constant 80 : i32
    %scan3A_45 = arith.addi %scan3A, %scan3A_44 : i32
    %scan3A_46 = arith.constant 1 : i32
    scf.for %scan3A_54 = %scan3A to %scan3A_45 step %scan3A_46  : i32 {
      %mul3A_55 = arith.constant 1 : i32
      %mul3A_56 = arith.muli %scan3A_54, %mul3A_55 : i32
      %add3A_57 = arith.constant 0 : i32
      %add3A_58 = arith.addi %add3A_57, %mul3A_56 : i32
      "tpu.region"() ({
        %run_scoped3A = tpu.sem_alloc : memref<!tpu.dma_semaphore, #tpu.memory_space<semaphore_mem>>
        %dma_start3A = arith.constant 0 : i32
        %dma_start3A_69 = tpu.memref_slice %arg3[%add3A, %add3A_58, %dma_start3A] : memref<32x80x128xi32, #tpu.memory_space<hbm>> -> memref<1x1x128xi32, #tpu.memory_space<hbm>>
        %dma_start3A_70 = tpu.memref_squeeze %dma_start3A_69 : memref<1x1x128xi32, #tpu.memory_space<hbm>> -> memref<128xi32, #tpu.memory_space<hbm>>
        %dma_start3A_71 = arith.constant 0 : i32
        %dma_start3A_72 = tpu.memref_slice %arg3[%add3A, %add3A_58, %dma_start3A_71] : memref<32x80x128xi32, #tpu.memory_space<hbm>> -> memref<1x1x128xi32, #tpu.memory_space<hbm>>
        %dma_start3A_73 = tpu.memref_squeeze %dma_start3A_72 : memref<1x1x128xi32, #tpu.memory_space<hbm>> -> memref<128xi32, #tpu.memory_space<hbm>>
        tpu.enqueue_dma source(%dma_start3A_73 : memref<128xi32, #tpu.memory_space<hbm>>) target(%arg11 : memref<128xi32, #tpu.memory_space<vmem>>) target_semaphore(%run_scoped3A : memref<!tpu.dma_semaphore, #tpu.memory_space<semaphore_mem>>)
        %dma_wait3A = arith.constant 0 : i32
        %dma_wait3A_74 = tpu.memref_slice %arg3[%add3A, %add3A_58, %dma_wait3A] : memref<32x80x128xi32, #tpu.memory_space<hbm>> -> memref<1x1x128xi32, #tpu.memory_space<hbm>>
        %dma_wait3A_75 = tpu.memref_squeeze %dma_wait3A_74 : memref<1x1x128xi32, #tpu.memory_space<hbm>> -> memref<128xi32, #tpu.memory_space<hbm>>
        %dma_wait3A_76 = arith.constant 0 : i32
        %dma_wait3A_77 = tpu.memref_slice %arg3[%add3A, %add3A_58, %dma_wait3A_76] : memref<32x80x128xi32, #tpu.memory_space<hbm>> -> memref<1x1x128xi32, #tpu.memory_space<hbm>>
        %dma_wait3A_78 = tpu.memref_squeeze %dma_wait3A_77 : memref<1x1x128xi32, #tpu.memory_space<hbm>> -> memref<128xi32, #tpu.memory_space<hbm>>
        tpu.wait_dma2 semaphore(%run_scoped3A : memref<!tpu.dma_semaphore, #tpu.memory_space<semaphore_mem>>) src(%dma_wait3A_78 : memref<128xi32, #tpu.memory_space<hbm>>) dst(%arg11 : memref<128xi32, #tpu.memory_space<vmem>>)
        tpu.yield
      }) : () -> ()
      "tpu.region"() ({
        %run_scoped3A = tpu.sem_alloc : memref<!tpu.dma_semaphore, #tpu.memory_space<semaphore_mem>>
        %dma_start3A = arith.constant 0 : i32
        %dma_start3A_69 = tpu.memref_slice %arg4[%add3A, %add3A_58, %dma_start3A] : memref<32x80x128xi32, #tpu.memory_space<hbm>> -> memref<1x1x128xi32, #tpu.memory_space<hbm>>
        %dma_start3A_70 = tpu.memref_squeeze %dma_start3A_69 : memref<1x1x128xi32, #tpu.memory_space<hbm>> -> memref<128xi32, #tpu.memory_space<hbm>>
        %dma_start3A_71 = arith.constant 0 : i32
        %dma_start3A_72 = tpu.memref_slice %arg4[%add3A, %add3A_58, %dma_start3A_71] : memref<32x80x128xi32, #tpu.memory_space<hbm>> -> memref<1x1x128xi32, #tpu.memory_space<hbm>>
        %dma_start3A_73 = tpu.memref_squeeze %dma_start3A_72 : memref<1x1x128xi32, #tpu.memory_space<hbm>> -> memref<128xi32, #tpu.memory_space<hbm>>
        tpu.enqueue_dma source(%dma_start3A_73 : memref<128xi32, #tpu.memory_space<hbm>>) target(%arg12 : memref<128xi32, #tpu.memory_space<vmem>>) target_semaphore(%run_scoped3A : memref<!tpu.dma_semaphore, #tpu.memory_space<semaphore_mem>>)
        %dma_wait3A = arith.constant 0 : i32
        %dma_wait3A_74 = tpu.memref_slice %arg4[%add3A, %add3A_58, %dma_wait3A] : memref<32x80x128xi32, #tpu.memory_space<hbm>> -> memref<1x1x128xi32, #tpu.memory_space<hbm>>
        %dma_wait3A_75 = tpu.memref_squeeze %dma_wait3A_74 : memref<1x1x128xi32, #tpu.memory_space<hbm>> -> memref<128xi32, #tpu.memory_space<hbm>>
        %dma_wait3A_76 = arith.constant 0 : i32
        %dma_wait3A_77 = tpu.memref_slice %arg4[%add3A, %add3A_58, %dma_wait3A_76] : memref<32x80x128xi32, #tpu.memory_space<hbm>> -> memref<1x1x128xi32, #tpu.memory_space<hbm>>
        %dma_wait3A_78 = tpu.memref_squeeze %dma_wait3A_77 : memref<1x1x128xi32, #tpu.memory_space<hbm>> -> memref<128xi32, #tpu.memory_space<hbm>>
        tpu.wait_dma2 semaphore(%run_scoped3A : memref<!tpu.dma_semaphore, #tpu.memory_space<semaphore_mem>>) src(%dma_wait3A_78 : memref<128xi32, #tpu.memory_space<hbm>>) dst(%arg12 : memref<128xi32, #tpu.memory_space<vmem>>)
        tpu.yield
      }) : () -> ()
      "tpu.region"() ({
        %run_scoped3A = tpu.sem_alloc : memref<!tpu.dma_semaphore, #tpu.memory_space<semaphore_mem>>
        %dma_start3A = arith.constant 0 : i32
        %dma_start3A_69 = tpu.memref_slice %arg5[%add3A, %add3A_58, %dma_start3A] : memref<32x80x128xf32, #tpu.memory_space<hbm>> -> memref<1x1x128xf32, #tpu.memory_space<hbm>>
        %dma_start3A_70 = tpu.memref_squeeze %dma_start3A_69 : memref<1x1x128xf32, #tpu.memory_space<hbm>> -> memref<128xf32, #tpu.memory_space<hbm>>
        %dma_start3A_71 = arith.constant 0 : i32
        %dma_start3A_72 = tpu.memref_slice %arg5[%add3A, %add3A_58, %dma_start3A_71] : memref<32x80x128xf32, #tpu.memory_space<hbm>> -> memref<1x1x128xf32, #tpu.memory_space<hbm>>
        %dma_start3A_73 = tpu.memref_squeeze %dma_start3A_72 : memref<1x1x128xf32, #tpu.memory_space<hbm>> -> memref<128xf32, #tpu.memory_space<hbm>>
        tpu.enqueue_dma source(%dma_start3A_73 : memref<128xf32, #tpu.memory_space<hbm>>) target(%arg13 : memref<128xf32, #tpu.memory_space<vmem>>) target_semaphore(%run_scoped3A : memref<!tpu.dma_semaphore, #tpu.memory_space<semaphore_mem>>)
        %dma_wait3A = arith.constant 0 : i32
        %dma_wait3A_74 = tpu.memref_slice %arg5[%add3A, %add3A_58, %dma_wait3A] : memref<32x80x128xf32, #tpu.memory_space<hbm>> -> memref<1x1x128xf32, #tpu.memory_space<hbm>>
        %dma_wait3A_75 = tpu.memref_squeeze %dma_wait3A_74 : memref<1x1x128xf32, #tpu.memory_space<hbm>> -> memref<128xf32, #tpu.memory_space<hbm>>
        %dma_wait3A_76 = arith.constant 0 : i32
        %dma_wait3A_77 = tpu.memref_slice %arg5[%add3A, %add3A_58, %dma_wait3A_76] : memref<32x80x128xf32, #tpu.memory_space<hbm>> -> memref<1x1x128xf32, #tpu.memory_space<hbm>>
        %dma_wait3A_78 = tpu.memref_squeeze %dma_wait3A_77 : memref<1x1x128xf32, #tpu.memory_space<hbm>> -> memref<128xf32, #tpu.memory_space<hbm>>
        tpu.wait_dma2 semaphore(%run_scoped3A : memref<!tpu.dma_semaphore, #tpu.memory_space<semaphore_mem>>) src(%dma_wait3A_78 : memref<128xf32, #tpu.memory_space<hbm>>) dst(%arg13 : memref<128xf32, #tpu.memory_space<vmem>>)
        tpu.yield
      }) : () -> ()
      "tpu.region"() ({
        %run_scoped3A = tpu.sem_alloc : memref<!tpu.dma_semaphore, #tpu.memory_space<semaphore_mem>>
        %dma_start3A = arith.constant 0 : i32
        %dma_start3A_69 = arith.constant 0 : i32
        %dma_start3A_70 = tpu.memref_slice %arg2[%dma_start3A, %dma_start3A_69] : memref<10240x128xf32, #tpu.memory_space<hbm>> -> memref<10240x128xf32, #tpu.memory_space<hbm>>
        tpu.enqueue_indirect_dma source(%dma_start3A_70 : memref<10240x128xf32, #tpu.memory_space<hbm>>) target(%arg14 : memref<128x128xf32, #tpu.memory_space<vmem>>) offsets(%arg11 : memref<128xi32, #tpu.memory_space<vmem>>) semaphore(%run_scoped3A : memref<!tpu.dma_semaphore, #tpu.memory_space<semaphore_mem>>)
        %dma_wait3A = arith.constant 0 : i32
        %dma_wait3A_71 = arith.constant 0 : i32
        %dma_wait3A_72 = tpu.memref_slice %arg2[%dma_wait3A, %dma_wait3A_71] : memref<10240x128xf32, #tpu.memory_space<hbm>> -> memref<10240x128xf32, #tpu.memory_space<hbm>>
        tpu.wait_indirect_dma semaphore(%run_scoped3A : memref<!tpu.dma_semaphore, #tpu.memory_space<semaphore_mem>>) src(%dma_wait3A_72 : memref<10240x128xf32, #tpu.memory_space<hbm>>) dst(%arg14 : memref<128x128xf32, #tpu.memory_space<vmem>>)
        tpu.yield
      }) : () -> ()
      %scan3A_59 = arith.constant 0 : i32
      %scan3A_60 = arith.constant 8 : i32
      %scan3A_61 = arith.addi %scan3A_59, %scan3A_60 : i32
      %scan3A_62 = arith.constant 1 : i32
      scf.for %scan3A_69 = %scan3A_59 to %scan3A_61 step %scan3A_62  : i32 {
        %mul3A_70 = arith.constant 1 : i32
        %mul3A_71 = arith.muli %scan3A_69, %mul3A_70 : i32
        %add3A_72 = arith.constant 0 : i32
        %add3A_73 = arith.addi %add3A_72, %mul3A_71 : i32
        %mul3A_74 = arith.constant 16 : i32
        %mul3A_75 = arith.muli %add3A_73, %mul3A_74 : i32
        %get3A = arith.index_cast %mul3A_75 : i32 to index
        %get3A_76 = tpu.vector_load %arg13[%get3A] {strides = array<i32>} : memref<128xf32, #tpu.memory_space<vmem>>, vector<16xf32>,
        %get3A_77 = vector.shape_cast %get3A_76 : vector<16xf32> to vector<16xf32>
        %mul3A_78 = arith.constant 16 : i32
        %mul3A_79 = arith.muli %add3A_73, %mul3A_78 : i32
        %broadcast_in_dim3A = arith.constant 0 : i32
        %broadcast_in_dim3A_80 = vector.broadcast %broadcast_in_dim3A : i32 to vector<16x1xi32>
        %gather3A = vector.shape_cast %broadcast_in_dim3A_80 : vector<16x1xi32> to vector<16xi32>
        %gather3A_81 = tpu.dynamic_gather %get3A_77[%gather3A] in [0] : vector<16xf32>, vector<16xi32> -> vector<16xf32>
        %add3A_82 = arith.constant 0 : i32
        %add3A_83 = arith.addi %mul3A_79, %add3A_82 : i32
        %get3A_84 = arith.index_cast %add3A_83 : i32 to index
        %get3A_85 = arith.constant 0 : index
        %get3A_86 = tpu.vector_load %arg14[%get3A_84, %get3A_85] {strides = array<i32>} : memref<128x128xf32, #tpu.memory_space<vmem>>, vector<1x16xf32>,
        %get3A_87 = vector.shape_cast %get3A_86 : vector<1x16xf32> to vector<16xf32>
        %mul3A_88 = arith.mulf %get3A_87, %gather3A_81 : vector<16xf32>
        %add3A_89 = arith.constant 0 : i32
        %add3A_90 = arith.addi %mul3A_79, %add3A_89 : i32
        %swap3A_91 = arith.index_cast %add3A_90 : i32 to index
        %swap3A_92 = arith.constant 0 : index
        %swap3A_93 = tpu.vector_load %arg14[%swap3A_91, %swap3A_92] {strides = array<i32>} : memref<128x128xf32, #tpu.memory_space<vmem>>, vector<1x16xf32>,
        %swap3A_94 = vector.shape_cast %swap3A_93 : vector<1x16xf32> to vector<16xf32>
        %swap3A_95 = vector.shape_cast %mul3A_88 : vector<16xf32> to vector<1x16xf32>
        tpu.vector_store %arg14[%swap3A_91, %swap3A_92], %swap3A_95 {strides = array<i32>} : memref<128x128xf32, #tpu.memory_space<vmem>>, vector<1x16xf32>,
        %add3A_96 = arith.constant 0 : i32
        %add3A_97 = arith.addi %mul3A_79, %add3A_96 : i32
        %get3A_98 = arith.index_cast %add3A_97 : i32 to index
        %get3A_99 = arith.constant 16 : index
        %get3A_100 = tpu.vector_load %arg14[%get3A_98, %get3A_99] {strides = array<i32>} : memref<128x128xf32, #tpu.memory_space<vmem>>, vector<1x16xf32>,
        %get3A_101 = vector.shape_cast %get3A_100 : vector<1x16xf32> to vector<16xf32>
        %mul3A_102 = arith.mulf %get3A_101, %gather3A_81 : vector<16xf32>
        %add3A_103 = arith.constant 0 : i32
        %add3A_104 = arith.addi %mul3A_79, %add3A_103 : i32
        %swap3A_105 = arith.index_cast %add3A_104 : i32 to index
        %swap3A_106 = arith.constant 16 : index
        %swap3A_107 = tpu.vector_load %arg14[%swap3A_105, %swap3A_106] {strides = array<i32>} : memref<128x128xf32, #tpu.memory_space<vmem>>, vector<1x16xf32>,
        %swap3A_108 = vector.shape_cast %swap3A_107 : vector<1x16xf32> to vector<16xf32>
        %swap3A_109 = vector.shape_cast %mul3A_102 : vector<16xf32> to vector<1x16xf32>
        tpu.vector_store %arg14[%swap3A_105, %swap3A_106], %swap3A_109 {strides = array<i32>} : memref<128x128xf32, #tpu.memory_space<vmem>>, vector<1x16xf32>,
        %add3A_110 = arith.constant 0 : i32
        %add3A_111 = arith.addi %mul3A_79, %add3A_110 : i32
        %get3A_112 = arith.index_cast %add3A_111 : i32 to index
        %get3A_113 = arith.constant 32 : index
        %get3A_114 = tpu.vector_load %arg14[%get3A_112, %get3A_113] {strides = array<i32>} : memref<128x128xf32, #tpu.memory_space<vmem>>, vector<1x16xf32>,
        %get3A_115 = vector.shape_cast %get3A_114 : vector<1x16xf32> to vector<16xf32>
        %mul3A_116 = arith.mulf %get3A_115, %gather3A_81 : vector<16xf32>
        %add3A_117 = arith.constant 0 : i32
        %add3A_118 = arith.addi %mul3A_79, %add3A_117 : i32
        %swap3A_119 = arith.index_cast %add3A_118 : i32 to index
        %swap3A_120 = arith.constant 32 : index
        %swap3A_121 = tpu.vector_load %arg14[%swap3A_119, %swap3A_120] {strides = array<i32>} : memref<128x128xf32, #tpu.memory_space<vmem>>, vector<1x16xf32>,
        %swap3A_122 = vector.shape_cast %swap3A_121 : vector<1x16xf32> to vector<16xf32>
        %swap3A_123 = vector.shape_cast %mul3A_116 : vector<16xf32> to vector<1x16xf32>
        tpu.vector_store %arg14[%swap3A_119, %swap3A_120], %swap3A_123 {strides = array<i32>} : memref<128x128xf32, #tpu.memory_space<vmem>>, vector<1x16xf32>,
        %add3A_124 = arith.constant 0 : i32
        %add3A_125 = arith.addi %mul3A_79, %add3A_124 : i32
        %get3A_126 = arith.index_cast %add3A_125 : i32 to index
        %get3A_127 = arith.constant 48 : index
        %get3A_128 = tpu.vector_load %arg14[%get3A_126, %get3A_127] {strides = array<i32>} : memref<128x128xf32, #tpu.memory_space<vmem>>, vector<1x16xf32>,
        %get3A_129 = vector.shape_cast %get3A_128 : vector<1x16xf32> to vector<16xf32>
        %mul3A_130 = arith.mulf %get3A_129, %gather3A_81 : vector<16xf32>
        %add3A_131 = arith.constant 0 : i32
        %add3A_132 = arith.addi %mul3A_79, %add3A_131 : i32
        %swap3A_133 = arith.index_cast %add3A_132 : i32 to index
        %swap3A_134 = arith.constant 48 : index
        %swap3A_135 = tpu.vector_load %arg14[%swap3A_133, %swap3A_134] {strides = array<i32>} : memref<128x128xf32, #tpu.memory_space<vmem>>, vector<1x16xf32>,
        %swap3A_136 = vector.shape_cast %swap3A_135 : vector<1x16xf32> to vector<16xf32>
        %swap3A_137 = vector.shape_cast %mul3A_130 : vector<16xf32> to vector<1x16xf32>
        tpu.vector_store %arg14[%swap3A_133, %swap3A_134], %swap3A_137 {strides = array<i32>} : memref<128x128xf32, #tpu.memory_space<vmem>>, vector<1x16xf32>,
        %add3A_138 = arith.constant 0 : i32
        %add3A_139 = arith.addi %mul3A_79, %add3A_138 : i32
        %get3A_140 = arith.index_cast %add3A_139 : i32 to index
        %get3A_141 = arith.constant 64 : index
        %get3A_142 = tpu.vector_load %arg14[%get3A_140, %get3A_141] {strides = array<i32>} : memref<128x128xf32, #tpu.memory_space<vmem>>, vector<1x16xf32>,
        %get3A_143 = vector.shape_cast %get3A_142 : vector<1x16xf32> to vector<16xf32>
        %mul3A_144 = arith.mulf %get3A_143, %gather3A_81 : vector<16xf32>
        %add3A_145 = arith.constant 0 : i32
        %add3A_146 = arith.addi %mul3A_79, %add3A_145 : i32
        %swap3A_147 = arith.index_cast %add3A_146 : i32 to index
        %swap3A_148 = arith.constant 64 : index
        %swap3A_149 = tpu.vector_load %arg14[%swap3A_147, %swap3A_148] {strides = array<i32>} : memref<128x128xf32, #tpu.memory_space<vmem>>, vector<1x16xf32>,
        %swap3A_150 = vector.shape_cast %swap3A_149 : vector<1x16xf32> to vector<16xf32>
        %swap3A_151 = vector.shape_cast %mul3A_144 : vector<16xf32> to vector<1x16xf32>
        tpu.vector_store %arg14[%swap3A_147, %swap3A_148], %swap3A_151 {strides = array<i32>} : memref<128x128xf32, #tpu.memory_space<vmem>>, vector<1x16xf32>,
        %add3A_152 = arith.constant 0 : i32
        %add3A_153 = arith.addi %mul3A_79, %add3A_152 : i32
        %get3A_154 = arith.index_cast %add3A_153 : i32 to index
        %get3A_155 = arith.constant 80 : index
        %get3A_156 = tpu.vector_load %arg14[%get3A_154, %get3A_155] {strides = array<i32>} : memref<128x128xf32, #tpu.memory_space<vmem>>, vector<1x16xf32>,
        %get3A_157 = vector.shape_cast %get3A_156 : vector<1x16xf32> to vector<16xf32>
        %mul3A_158 = arith.mulf %get3A_157, %gather3A_81 : vector<16xf32>
        %add3A_159 = arith.constant 0 : i32
        %add3A_160 = arith.addi %mul3A_79, %add3A_159 : i32
        %swap3A_161 = arith.index_cast %add3A_160 : i32 to index
        %swap3A_162 = arith.constant 80 : index
        %swap3A_163 = tpu.vector_load %arg14[%swap3A_161, %swap3A_162] {strides = array<i32>} : memref<128x128xf32, #tpu.memory_space<vmem>>, vector<1x16xf32>,
        %swap3A_164 = vector.shape_cast %swap3A_163 : vector<1x16xf32> to vector<16xf32>
        %swap3A_165 = vector.shape_cast %mul3A_158 : vector<16xf32> to vector<1x16xf32>
        tpu.vector_store %arg14[%swap3A_161, %swap3A_162], %swap3A_165 {strides = array<i32>} : memref<128x128xf32, #tpu.memory_space<vmem>>, vector<1x16xf32>,
        %add3A_166 = arith.constant 0 : i32
        %add3A_167 = arith.addi %mul3A_79, %add3A_166 : i32
        %get3A_168 = arith.index_cast %add3A_167 : i32 to index
        %get3A_169 = arith.constant 96 : index
        %get3A_170 = tpu.vector_load %arg14[%get3A_168, %get3A_169] {strides = array<i32>} : memref<128x128xf32, #tpu.memory_space<vmem>>, vector<1x16xf32>,
        %get3A_171 = vector.shape_cast %get3A_170 : vector<1x16xf32> to vector<16xf32>
        %mul3A_172 = arith.mulf %get3A_171, %gather3A_81 : vector<16xf32>
        %add3A_173 = arith.constant 0 : i32
        %add3A_174 = arith.addi %mul3A_79, %add3A_173 : i32
        %swap3A_175 = arith.index_cast %add3A_174 : i32 to index
        %swap3A_176 = arith.constant 96 : index
        %swap3A_177 = tpu.vector_load %arg14[%swap3A_175, %swap3A_176] {strides = array<i32>} : memref<128x128xf32, #tpu.memory_space<vmem>>, vector<1x16xf32>,
        %swap3A_178 = vector.shape_cast %swap3A_177 : vector<1x16xf32> to vector<16xf32>
        %swap3A_179 = vector.shape_cast %mul3A_172 : vector<16xf32> to vector<1x16xf32>
        tpu.vector_store %arg14[%swap3A_175, %swap3A_176], %swap3A_179 {strides = array<i32>} : memref<128x128xf32, #tpu.memory_space<vmem>>, vector<1x16xf32>,
        %add3A_180 = arith.constant 0 : i32
        %add3A_181 = arith.addi %mul3A_79, %add3A_180 : i32
        %get3A_182 = arith.index_cast %add3A_181 : i32 to index
        %get3A_183 = arith.constant 112 : index
        %get3A_184 = tpu.vector_load %arg14[%get3A_182, %get3A_183] {strides = array<i32>} : memref<128x128xf32, #tpu.memory_space<vmem>>, vector<1x16xf32>,
        %get3A_185 = vector.shape_cast %get3A_184 : vector<1x16xf32> to vector<16xf32>
        %mul3A_186 = arith.mulf %get3A_185, %gather3A_81 : vector<16xf32>
        %add3A_187 = arith.constant 0 : i32
        %add3A_188 = arith.addi %mul3A_79, %add3A_187 : i32
        %swap3A_189 = arith.index_cast %add3A_188 : i32 to index
        %swap3A_190 = arith.constant 112 : index
        %swap3A_191 = tpu.vector_load %arg14[%swap3A_189, %swap3A_190] {strides = array<i32>} : memref<128x128xf32, #tpu.memory_space<vmem>>, vector<1x16xf32>,
        %swap3A_192 = vector.shape_cast %swap3A_191 : vector<1x16xf32> to vector<16xf32>
        %swap3A_193 = vector.shape_cast %mul3A_186 : vector<16xf32> to vector<1x16xf32>
        tpu.vector_store %arg14[%swap3A_189, %swap3A_190], %swap3A_193 {strides = array<i32>} : memref<128x128xf32, #tpu.memory_space<vmem>>, vector<1x16xf32>,
        %broadcast_in_dim3A_194 = arith.constant 1 : i32
        %broadcast_in_dim3A_195 = vector.broadcast %broadcast_in_dim3A_194 : i32 to vector<16x1xi32>
        %gather3A_196 = vector.shape_cast %broadcast_in_dim3A_195 : vector<16x1xi32> to vector<16xi32>
        %gather3A_197 = tpu.dynamic_gather %get3A_77[%gather3A_196] in [0] : vector<16xf32>, vector<16xi32> -> vector<16xf32>
        %add3A_198 = arith.constant 1 : i32
        %add3A_199 = arith.addi %mul3A_79, %add3A_198 : i32
        %get3A_200 = arith.index_cast %add3A_199 : i32 to index
        %get3A_201 = arith.constant 0 : index
        %get3A_202 = tpu.vector_load %arg14[%get3A_200, %get3A_201] {strides = array<i32>} : memref<128x128xf32, #tpu.memory_space<vmem>>, vector<1x16xf32>,
        %get3A_203 = vector.shape_cast %get3A_202 : vector<1x16xf32> to vector<16xf32>
        %mul3A_204 = arith.mulf %get3A_203, %gather3A_197 : vector<16xf32>
        %add3A_205 = arith.constant 1 : i32
        %add3A_206 = arith.addi %mul3A_79, %add3A_205 : i32
        %swap3A_207 = arith.index_cast %add3A_206 : i32 to index
        %swap3A_208 = arith.constant 0 : index
        %swap3A_209 = tpu.vector_load %arg14[%swap3A_207, %swap3A_208] {strides = array<i32>} : memref<128x128xf32, #tpu.memory_space<vmem>>, vector<1x16xf32>,
        %swap3A_210 = vector.shape_cast %swap3A_209 : vector<1x16xf32> to vector<16xf32>
        %swap3A_211 = vector.shape_cast %mul3A_204 : vector<16xf32> to vector<1x16xf32>
        tpu.vector_store %arg14[%swap3A_207, %swap3A_208], %swap3A_211 {strides = array<i32>} : memref<128x128xf32, #tpu.memory_space<vmem>>, vector<1x16xf32>,
        %add3A_212 = arith.constant 1 : i32
        %add3A_213 = arith.addi %mul3A_79, %add3A_212 : i32
        %get3A_214 = arith.index_cast %add3A_213 : i32 to index
        %get3A_215 = arith.constant 16 : index
        %get3A_216 = tpu.vector_load %arg14[%get3A_214, %get3A_215] {strides = array<i32>} : memref<128x128xf32, #tpu.memory_space<vmem>>, vector<1x16xf32>,
        %get3A_217 = vector.shape_cast %get3A_216 : vector<1x16xf32> to vector<16xf32>
        %mul3A_218 = arith.mulf %get3A_217, %gather3A_197 : vector<16xf32>
        %add3A_219 = arith.constant 1 : i32
        %add3A_220 = arith.addi %mul3A_79, %add3A_219 : i32
        %swap3A_221 = arith.index_cast %add3A_220 : i32 to index
        %swap3A_222 = arith.constant 16 : index
        %swap3A_223 = tpu.vector_load %arg14[%swap3A_221, %swap3A_222] {strides = array<i32>} : memref<128x128xf32, #tpu.memory_space<vmem>>, vector<1x16xf32>,
        %swap3A_224 = vector.shape_cast %swap3A_223 : vector<1x16xf32> to vector<16xf32>
        %swap3A_225 = vector.shape_cast %mul3A_218 : vector<16xf32> to vector<1x16xf32>
        tpu.vector_store %arg14[%swap3A_221, %swap3A_222], %swap3A_225 {strides = array<i32>} : memref<128x128xf32, #tpu.memory_space<vmem>>, vector<1x16xf32>,
        %add3A_226 = arith.constant 1 : i32
        %add3A_227 = arith.addi %mul3A_79, %add3A_226 : i32
        %get3A_228 = arith.index_cast %add3A_227 : i32 to index
        %get3A_229 = arith.constant 32 : index
        %get3A_230 = tpu.vector_load %arg14[%get3A_228, %get3A_229] {strides = array<i32>} : memref<128x128xf32, #tpu.memory_space<vmem>>, vector<1x16xf32>,
        %get3A_231 = vector.shape_cast %get3A_230 : vector<1x16xf32> to vector<16xf32>
        %mul3A_232 = arith.mulf %get3A_231, %gather3A_197 : vector<16xf32>
        %add3A_233 = arith.constant 1 : i32
        %add3A_234 = arith.addi %mul3A_79, %add3A_233 : i32
        %swap3A_235 = arith.index_cast %add3A_234 : i32 to index
        %swap3A_236 = arith.constant 32 : index
        %swap3A_237 = tpu.vector_load %arg14[%swap3A_235, %swap3A_236] {strides = array<i32>} : memref<128x128xf32, #tpu.memory_space<vmem>>, vector<1x16xf32>,
        %swap3A_238 = vector.shape_cast %swap3A_237 : vector<1x16xf32> to vector<16xf32>
        %swap3A_239 = vector.shape_cast %mul3A_232 : vector<16xf32> to vector<1x16xf32>
        tpu.vector_store %arg14[%swap3A_235, %swap3A_236], %swap3A_239 {strides = array<i32>} : memref<128x128xf32, #tpu.memory_space<vmem>>, vector<1x16xf32>,
        %add3A_240 = arith.constant 1 : i32
        %add3A_241 = arith.addi %mul3A_79, %add3A_240 : i32
        %get3A_242 = arith.index_cast %add3A_241 : i32 to index
        %get3A_243 = arith.constant 48 : index
        %get3A_244 = tpu.vector_load %arg14[%get3A_242, %get3A_243] {strides = array<i32>} : memref<128x128xf32, #tpu.memory_space<vmem>>, vector<1x16xf32>,
        %get3A_245 = vector.shape_cast %get3A_244 : vector<1x16xf32> to vector<16xf32>
        %mul3A_246 = arith.mulf %get3A_245, %gather3A_197 : vector<16xf32>
        %add3A_247 = arith.constant 1 : i32
        %add3A_248 = arith.addi %mul3A_79, %add3A_247 : i32
        %swap3A_249 = arith.index_cast %add3A_248 : i32 to index
        %swap3A_250 = arith.constant 48 : index
        %swap3A_251 = tpu.vector_load %arg14[%swap3A_249, %swap3A_250] {strides = array<i32>} : memref<128x128xf32, #tpu.memory_space<vmem>>, vector<1x16xf32>,
        %swap3A_252 = vector.shape_cast %swap3A_251 : vector<1x16xf32> to vector<16xf32>
        %swap3A_253 = vector.shape_cast %mul3A_246 : vector<16xf32> to vector<1x16xf32>
        tpu.vector_store %arg14[%swap3A_249, %swap3A_250], %swap3A_253 {strides = array<i32>} : memref<128x128xf32, #tpu.memory_space<vmem>>, vector<1x16xf32>,
        %add3A_254 = arith.constant 1 : i32
        %add3A_255 = arith.addi %mul3A_79, %add3A_254 : i32
        %get3A_256 = arith.index_cast %add3A_255 : i32 to index
        %get3A_257 = arith.constant 64 : index
        %get3A_258 = tpu.vector_load %arg14[%get3A_256, %get3A_257] {strides = array<i32>} : memref<128x128xf32, #tpu.memory_space<vmem>>, vector<1x16xf32>,
        %get3A_259 = vector.shape_cast %get3A_258 : vector<1x16xf32> to vector<16xf32>
        %mul3A_260 = arith.mulf %get3A_259, %gather3A_197 : vector<16xf32>
        %add3A_261 = arith.constant 1 : i32
        %add3A_262 = arith.addi %mul3A_79, %add3A_261 : i32
        %swap3A_263 = arith.index_cast %add3A_262 : i32 to index
        %swap3A_264 = arith.constant 64 : index
        %swap3A_265 = tpu.vector_load %arg14[%swap3A_263, %swap3A_264] {strides = array<i32>} : memref<128x128xf32, #tpu.memory_space<vmem>>, vector<1x16xf32>,
        %swap3A_266 = vector.shape_cast %swap3A_265 : vector<1x16xf32> to vector<16xf32>
        %swap3A_267 = vector.shape_cast %mul3A_260 : vector<16xf32> to vector<1x16xf32>
        tpu.vector_store %arg14[%swap3A_263, %swap3A_264], %swap3A_267 {strides = array<i32>} : memref<128x128xf32, #tpu.memory_space<vmem>>, vector<1x16xf32>,
        %add3A_268 = arith.constant 1 : i32
        %add3A_269 = arith.addi %mul3A_79, %add3A_268 : i32
        %get3A_270 = arith.index_cast %add3A_269 : i32 to index
        %get3A_271 = arith.constant 80 : index
        %get3A_272 = tpu.vector_load %arg14[%get3A_270, %get3A_271] {strides = array<i32>} : memref<128x128xf32, #tpu.memory_space<vmem>>, vector<1x16xf32>,
        %get3A_273 = vector.shape_cast %get3A_272 : vector<1x16xf32> to vector<16xf32>
        %mul3A_274 = arith.mulf %get3A_273, %gather3A_197 : vector<16xf32>
        %add3A_275 = arith.constant 1 : i32
        %add3A_276 = arith.addi %mul3A_79, %add3A_275 : i32
        %swap3A_277 = arith.index_cast %add3A_276 : i32 to index
        %swap3A_278 = arith.constant 80 : index
        %swap3A_279 = tpu.vector_load %arg14[%swap3A_277, %swap3A_278] {strides = array<i32>} : memref<128x128xf32, #tpu.memory_space<vmem>>, vector<1x16xf32>,
        %swap3A_280 = vector.shape_cast %swap3A_279 : vector<1x16xf32> to vector<16xf32>
        %swap3A_281 = vector.shape_cast %mul3A_274 : vector<16xf32> to vector<1x16xf32>
        tpu.vector_store %arg14[%swap3A_277, %swap3A_278], %swap3A_281 {strides = array<i32>} : memref<128x128xf32, #tpu.memory_space<vmem>>, vector<1x16xf32>,
        %add3A_282 = arith.constant 1 : i32
        %add3A_283 = arith.addi %mul3A_79, %add3A_282 : i32
        %get3A_284 = arith.index_cast %add3A_283 : i32 to index
        %get3A_285 = arith.constant 96 : index
        %get3A_286 = tpu.vector_load %arg14[%get3A_284, %get3A_285] {strides = array<i32>} : memref<128x128xf32, #tpu.memory_space<vmem>>, vector<1x16xf32>,
        %get3A_287 = vector.shape_cast %get3A_286 : vector<1x16xf32> to vector<16xf32>
        %mul3A_288 = arith.mulf %get3A_287, %gather3A_197 : vector<16xf32>
        %add3A_289 = arith.constant 1 : i32
        %add3A_290 = arith.addi %mul3A_79, %add3A_289 : i32
        %swap3A_291 = arith.index_cast %add3A_290 : i32 to index
        %swap3A_292 = arith.constant 96 : index
        %swap3A_293 = tpu.vector_load %arg14[%swap3A_291, %swap3A_292] {strides = array<i32>} : memref<128x128xf32, #tpu.memory_space<vmem>>, vector<1x16xf32>,
        %swap3A_294 = vector.shape_cast %swap3A_293 : vector<1x16xf32> to vector<16xf32>
        %swap3A_295 = vector.shape_cast %mul3A_288 : vector<16xf32> to vector<1x16xf32>
        tpu.vector_store %arg14[%swap3A_291, %swap3A_292], %swap3A_295 {strides = array<i32>} : memref<128x128xf32, #tpu.memory_space<vmem>>, vector<1x16xf32>,
        %add3A_296 = arith.constant 1 : i32
        %add3A_297 = arith.addi %mul3A_79, %add3A_296 : i32
        %get3A_298 = arith.index_cast %add3A_297 : i32 to index
        %get3A_299 = arith.constant 112 : index
        %get3A_300 = tpu.vector_load %arg14[%get3A_298, %get3A_299] {strides = array<i32>} : memref<128x128xf32, #tpu.memory_space<vmem>>, vector<1x16xf32>,
        %get3A_301 = vector.shape_cast %get3A_300 : vector<1x16xf32> to vector<16xf32>
        %mul3A_302 = arith.mulf %get3A_301, %gather3A_197 : vector<16xf32>
        %add3A_303 = arith.constant 1 : i32
        %add3A_304 = arith.addi %mul3A_79, %add3A_303 : i32
        %swap3A_305 = arith.index_cast %add3A_304 : i32 to index
        %swap3A_306 = arith.constant 112 : index
        %swap3A_307 = tpu.vector_load %arg14[%swap3A_305, %swap3A_306] {strides = array<i32>} : memref<128x128xf32, #tpu.memory_space<vmem>>, vector<1x16xf32>,
        %swap3A_308 = vector.shape_cast %swap3A_307 : vector<1x16xf32> to vector<16xf32>
        %swap3A_309 = vector.shape_cast %mul3A_302 : vector<16xf32> to vector<1x16xf32>
        tpu.vector_store %arg14[%swap3A_305, %swap3A_306], %swap3A_309 {strides = array<i32>} : memref<128x128xf32, #tpu.memory_space<vmem>>, vector<1x16xf32>,
        %broadcast_in_dim3A_310 = arith.constant 2 : i32
        %broadcast_in_dim3A_311 = vector.broadcast %broadcast_in_dim3A_310 : i32 to vector<16x1xi32>
        %gather3A_312 = vector.shape_cast %broadcast_in_dim3A_311 : vector<16x1xi32> to vector<16xi32>
        %gather3A_313 = tpu.dynamic_gather %get3A_77[%gather3A_312] in [0] : vector<16xf32>, vector<16xi32> -> vector<16xf32>
        %add3A_314 = arith.constant 2 : i32
        %add3A_315 = arith.addi %mul3A_79, %add3A_314 : i32
        %get3A_316 = arith.index_cast %add3A_315 : i32 to index
        %get3A_317 = arith.constant 0 : index
        %get3A_318 = tpu.vector_load %arg14[%get3A_316, %get3A_317] {strides = array<i32>} : memref<128x128xf32, #tpu.memory_space<vmem>>, vector<1x16xf32>,
        %get3A_319 = vector.shape_cast %get3A_318 : vector<1x16xf32> to vector<16xf32>
        %mul3A_320 = arith.mulf %get3A_319, %gather3A_313 : vector<16xf32>
        %add3A_321 = arith.constant 2 : i32
        %add3A_322 = arith.addi %mul3A_79, %add3A_321 : i32
        %swap3A_323 = arith.index_cast %add3A_322 : i32 to index
        %swap3A_324 = arith.constant 0 : index
        %swap3A_325 = tpu.vector_load %arg14[%swap3A_323, %swap3A_324] {strides = array<i32>} : memref<128x128xf32, #tpu.memory_space<vmem>>, vector<1x16xf32>,
        %swap3A_326 = vector.shape_cast %swap3A_325 : vector<1x16xf32> to vector<16xf32>
        %swap3A_327 = vector.shape_cast %mul3A_320 : vector<16xf32> to vector<1x16xf32>
        tpu.vector_store %arg14[%swap3A_323, %swap3A_324], %swap3A_327 {strides = array<i32>} : memref<128x128xf32, #tpu.memory_space<vmem>>, vector<1x16xf32>,
        %add3A_328 = arith.constant 2 : i32
        %add3A_329 = arith.addi %mul3A_79, %add3A_328 : i32
        %get3A_330 = arith.index_cast %add3A_329 : i32 to index
        %get3A_331 = arith.constant 16 : index
        %get3A_332 = tpu.vector_load %arg14[%get3A_330, %get3A_331] {strides = array<i32>} : memref<128x128xf32, #tpu.memory_space<vmem>>, vector<1x16xf32>,
        %get3A_333 = vector.shape_cast %get3A_332 : vector<1x16xf32> to vector<16xf32>
        %mul3A_334 = arith.mulf %get3A_333, %gather3A_313 : vector<16xf32>
        %add3A_335 = arith.constant 2 : i32
        %add3A_336 = arith.addi %mul3A_79, %add3A_335 : i32
        %swap3A_337 = arith.index_cast %add3A_336 : i32 to index
        %swap3A_338 = arith.constant 16 : index
        %swap3A_339 = tpu.vector_load %arg14[%swap3A_337, %swap3A_338] {strides = array<i32>} : memref<128x128xf32, #tpu.memory_space<vmem>>, vector<1x16xf32>,
        %swap3A_340 = vector.shape_cast %swap3A_339 : vector<1x16xf32> to vector<16xf32>
        %swap3A_341 = vector.shape_cast %mul3A_334 : vector<16xf32> to vector<1x16xf32>
        tpu.vector_store %arg14[%swap3A_337, %swap3A_338], %swap3A_341 {strides = array<i32>} : memref<128x128xf32, #tpu.memory_space<vmem>>, vector<1x16xf32>,
        %add3A_342 = arith.constant 2 : i32
        %add3A_343 = arith.addi %mul3A_79, %add3A_342 : i32
        %get3A_344 = arith.index_cast %add3A_343 : i32 to index
        %get3A_345 = arith.constant 32 : index
        %get3A_346 = tpu.vector_load %arg14[%get3A_344, %get3A_345] {strides = array<i32>} : memref<128x128xf32, #tpu.memory_space<vmem>>, vector<1x16xf32>,
        %get3A_347 = vector.shape_cast %get3A_346 : vector<1x16xf32> to vector<16xf32>
        %mul3A_348 = arith.mulf %get3A_347, %gather3A_313 : vector<16xf32>
        %add3A_349 = arith.constant 2 : i32
        %add3A_350 = arith.addi %mul3A_79, %add3A_349 : i32
        %swap3A_351 = arith.index_cast %add3A_350 : i32 to index
        %swap3A_352 = arith.constant 32 : index
        %swap3A_353 = tpu.vector_load %arg14[%swap3A_351, %swap3A_352] {strides = array<i32>} : memref<128x128xf32, #tpu.memory_space<vmem>>, vector<1x16xf32>,
        %swap3A_354 = vector.shape_cast %swap3A_353 : vector<1x16xf32> to vector<16xf32>
        %swap3A_355 = vector.shape_cast %mul3A_348 : vector<16xf32> to vector<1x16xf32>
        tpu.vector_store %arg14[%swap3A_351, %swap3A_352], %swap3A_355 {strides = array<i32>} : memref<128x128xf32, #tpu.memory_space<vmem>>, vector<1x16xf32>,
        %add3A_356 = arith.constant 2 : i32
        %add3A_357 = arith.addi %mul3A_79, %add3A_356 : i32
        %get3A_358 = arith.index_cast %add3A_357 : i32 to index
        %get3A_359 = arith.constant 48 : index
        %get3A_360 = tpu.vector_load %arg14[%get3A_358, %get3A_359] {strides = array<i32>} : memref<128x128xf32, #tpu.memory_space<vmem>>, vector<1x16xf32>,
        %get3A_361 = vector.shape_cast %get3A_360 : vector<1x16xf32> to vector<16xf32>
        %mul3A_362 = arith.mulf %get3A_361, %gather3A_313 : vector<16xf32>
        %add3A_363 = arith.constant 2 : i32
        %add3A_364 = arith.addi %mul3A_79, %add3A_363 : i32
        %swap3A_365 = arith.index_cast %add3A_364 : i32 to index
        %swap3A_366 = arith.constant 48 : index
        %swap3A_367 = tpu.vector_load %arg14[%swap3A_365, %swap3A_366] {strides = array<i32>} : memref<128x128xf32, #tpu.memory_space<vmem>>, vector<1x16xf32>,
        %swap3A_368 = vector.shape_cast %swap3A_367 : vector<1x16xf32> to vector<16xf32>
        %swap3A_369 = vector.shape_cast %mul3A_362 : vector<16xf32> to vector<1x16xf32>
        tpu.vector_store %arg14[%swap3A_365, %swap3A_366], %swap3A_369 {strides = array<i32>} : memref<128x128xf32, #tpu.memory_space<vmem>>, vector<1x16xf32>,
        %add3A_370 = arith.constant 2 : i32
        %add3A_371 = arith.addi %mul3A_79, %add3A_370 : i32
        %get3A_372 = arith.index_cast %add3A_371 : i32 to index
        %get3A_373 = arith.constant 64 : index
        %get3A_374 = tpu.vector_load %arg14[%get3A_372, %get3A_373] {strides = array<i32>} : memref<128x128xf32, #tpu.memory_space<vmem>>, vector<1x16xf32>,
        %get3A_375 = vector.shape_cast %get3A_374 : vector<1x16xf32> to vector<16xf32>
        %mul3A_376 = arith.mulf %get3A_375, %gather3A_313 : vector<16xf32>
        %add3A_377 = arith.constant 2 : i32
        %add3A_378 = arith.addi %mul3A_79, %add3A_377 : i32
        %swap3A_379 = arith.index_cast %add3A_378 : i32 to index
        %swap3A_380 = arith.constant 64 : index
        %swap3A_381 = tpu.vector_load %arg14[%swap3A_379, %swap3A_380] {strides = array<i32>} : memref<128x128xf32, #tpu.memory_space<vmem>>, vector<1x16xf32>,
        %swap3A_382 = vector.shape_cast %swap3A_381 : vector<1x16xf32> to vector<16xf32>
        %swap3A_383 = vector.shape_cast %mul3A_376 : vector<16xf32> to vector<1x16xf32>
        tpu.vector_store %arg14[%swap3A_379, %swap3A_380], %swap3A_383 {strides = array<i32>} : memref<128x128xf32, #tpu.memory_space<vmem>>, vector<1x16xf32>,
        %add3A_384 = arith.constant 2 : i32
        %add3A_385 = arith.addi %mul3A_79, %add3A_384 : i32
        %get3A_386 = arith.index_cast %add3A_385 : i32 to index
        %get3A_387 = arith.constant 80 : index
        %get3A_388 = tpu.vector_load %arg14[%get3A_386, %get3A_387] {strides = array<i32>} : memref<128x128xf32, #tpu.memory_space<vmem>>, vector<1x16xf32>,
        %get3A_389 = vector.shape_cast %get3A_388 : vector<1x16xf32> to vector<16xf32>
        %mul3A_390 = arith.mulf %get3A_389, %gather3A_313 : vector<16xf32>
        %add3A_391 = arith.constant 2 : i32
        %add3A_392 = arith.addi %mul3A_79, %add3A_391 : i32
        %swap3A_393 = arith.index_cast %add3A_392 : i32 to index
        %swap3A_394 = arith.constant 80 : index
        %swap3A_395 = tpu.vector_load %arg14[%swap3A_393, %swap3A_394] {strides = array<i32>} : memref<128x128xf32, #tpu.memory_space<vmem>>, vector<1x16xf32>,
        %swap3A_396 = vector.shape_cast %swap3A_395 : vector<1x16xf32> to vector<16xf32>
        %swap3A_397 = vector.shape_cast %mul3A_390 : vector<16xf32> to vector<1x16xf32>
        tpu.vector_store %arg14[%swap3A_393, %swap3A_394], %swap3A_397 {strides = array<i32>} : memref<128x128xf32, #tpu.memory_space<vmem>>, vector<1x16xf32>,
        %add3A_398 = arith.constant 2 : i32
        %add3A_399 = arith.addi %mul3A_79, %add3A_398 : i32
        %get3A_400 = arith.index_cast %add3A_399 : i32 to index
        %get3A_401 = arith.constant 96 : index
        %get3A_402 = tpu.vector_load %arg14[%get3A_400, %get3A_401] {strides = array<i32>} : memref<128x128xf32, #tpu.memory_space<vmem>>, vector<1x16xf32>,
        %get3A_403 = vector.shape_cast %get3A_402 : vector<1x16xf32> to vector<16xf32>
        %mul3A_404 = arith.mulf %get3A_403, %gather3A_313 : vector<16xf32>
        %add3A_405 = arith.constant 2 : i32
        %add3A_406 = arith.addi %mul3A_79, %add3A_405 : i32
        %swap3A_407 = arith.index_cast %add3A_406 : i32 to index
        %swap3A_408 = arith.constant 96 : index
        %swap3A_409 = tpu.vector_load %arg14[%swap3A_407, %swap3A_408] {strides = array<i32>} : memref<128x128xf32, #tpu.memory_space<vmem>>, vector<1x16xf32>,
        %swap3A_410 = vector.shape_cast %swap3A_409 : vector<1x16xf32> to vector<16xf32>
        %swap3A_411 = vector.shape_cast %mul3A_404 : vector<16xf32> to vector<1x16xf32>
        tpu.vector_store %arg14[%swap3A_407, %swap3A_408], %swap3A_411 {strides = array<i32>} : memref<128x128xf32, #tpu.memory_space<vmem>>, vector<1x16xf32>,
        %add3A_412 = arith.constant 2 : i32
        %add3A_413 = arith.addi %mul3A_79, %add3A_412 : i32
        %get3A_414 = arith.index_cast %add3A_413 : i32 to index
        %get3A_415 = arith.constant 112 : index
        %get3A_416 = tpu.vector_load %arg14[%get3A_414, %get3A_415] {strides = array<i32>} : memref<128x128xf32, #tpu.memory_space<vmem>>, vector<1x16xf32>,
        %get3A_417 = vector.shape_cast %get3A_416 : vector<1x16xf32> to vector<16xf32>
        %mul3A_418 = arith.mulf %get3A_417, %gather3A_313 : vector<16xf32>
        %add3A_419 = arith.constant 2 : i32
        %add3A_420 = arith.addi %mul3A_79, %add3A_419 : i32
        %swap3A_421 = arith.index_cast %add3A_420 : i32 to index
        %swap3A_422 = arith.constant 112 : index
        %swap3A_423 = tpu.vector_load %arg14[%swap3A_421, %swap3A_422] {strides = array<i32>} : memref<128x128xf32, #tpu.memory_space<vmem>>, vector<1x16xf32>,
        %swap3A_424 = vector.shape_cast %swap3A_423 : vector<1x16xf32> to vector<16xf32>
        %swap3A_425 = vector.shape_cast %mul3A_418 : vector<16xf32> to vector<1x16xf32>
        tpu.vector_store %arg14[%swap3A_421, %swap3A_422], %swap3A_425 {strides = array<i32>} : memref<128x128xf32, #tpu.memory_space<vmem>>, vector<1x16xf32>,
        %broadcast_in_dim3A_426 = arith.constant 3 : i32
        %broadcast_in_dim3A_427 = vector.broadcast %broadcast_in_dim3A_426 : i32 to vector<16x1xi32>
        %gather3A_428 = vector.shape_cast %broadcast_in_dim3A_427 : vector<16x1xi32> to vector<16xi32>
        %gather3A_429 = tpu.dynamic_gather %get3A_77[%gather3A_428] in [0] : vector<16xf32>, vector<16xi32> -> vector<16xf32>
        %add3A_430 = arith.constant 3 : i32
        %add3A_431 = arith.addi %mul3A_79, %add3A_430 : i32
        %get3A_432 = arith.index_cast %add3A_431 : i32 to index
        %get3A_433 = arith.constant 0 : index
        %get3A_434 = tpu.vector_load %arg14[%get3A_432, %get3A_433] {strides = array<i32>} : memref<128x128xf32, #tpu.memory_space<vmem>>, vector<1x16xf32>,
        %get3A_435 = vector.shape_cast %get3A_434 : vector<1x16xf32> to vector<16xf32>
        %mul3A_436 = arith.mulf %get3A_435, %gather3A_429 : vector<16xf32>
        %add3A_437 = arith.constant 3 : i32
        %add3A_438 = arith.addi %mul3A_79, %add3A_437 : i32
        %swap3A_439 = arith.index_cast %add3A_438 : i32 to index
        %swap3A_440 = arith.constant 0 : index
        %swap3A_441 = tpu.vector_load %arg14[%swap3A_439, %swap3A_440] {strides = array<i32>} : memref<128x128xf32, #tpu.memory_space<vmem>>, vector<1x16xf32>,
        %swap3A_442 = vector.shape_cast %swap3A_441 : vector<1x16xf32> to vector<16xf32>
        %swap3A_443 = vector.shape_cast %mul3A_436 : vector<16xf32> to vector<1x16xf32>
        tpu.vector_store %arg14[%swap3A_439, %swap3A_440], %swap3A_443 {strides = array<i32>} : memref<128x128xf32, #tpu.memory_space<vmem>>, vector<1x16xf32>,
        %add3A_444 = arith.constant 3 : i32
        %add3A_445 = arith.addi %mul3A_79, %add3A_444 : i32
        %get3A_446 = arith.index_cast %add3A_445 : i32 to index
        %get3A_447 = arith.constant 16 : index
        %get3A_448 = tpu.vector_load %arg14[%get3A_446, %get3A_447] {strides = array<i32>} : memref<128x128xf32, #tpu.memory_space<vmem>>, vector<1x16xf32>,
        %get3A_449 = vector.shape_cast %get3A_448 : vector<1x16xf32> to vector<16xf32>
        %mul3A_450 = arith.mulf %get3A_449, %gather3A_429 : vector<16xf32>
        %add3A_451 = arith.constant 3 : i32
        %add3A_452 = arith.addi %mul3A_79, %add3A_451 : i32
        %swap3A_453 = arith.index_cast %add3A_452 : i32 to index
        %swap3A_454 = arith.constant 16 : index
        %swap3A_455 = tpu.vector_load %arg14[%swap3A_453, %swap3A_454] {strides = array<i32>} : memref<128x128xf32, #tpu.memory_space<vmem>>, vector<1x16xf32>,
        %swap3A_456 = vector.shape_cast %swap3A_455 : vector<1x16xf32> to vector<16xf32>
        %swap3A_457 = vector.shape_cast %mul3A_450 : vector<16xf32> to vector<1x16xf32>
        tpu.vector_store %arg14[%swap3A_453, %swap3A_454], %swap3A_457 {strides = array<i32>} : memref<128x128xf32, #tpu.memory_space<vmem>>, vector<1x16xf32>,
        %add3A_458 = arith.constant 3 : i32
        %add3A_459 = arith.addi %mul3A_79, %add3A_458 : i32
        %get3A_460 = arith.index_cast %add3A_459 : i32 to index
        %get3A_461 = arith.constant 32 : index
        %get3A_462 = tpu.vector_load %arg14[%get3A_460, %get3A_461] {strides = array<i32>} : memref<128x128xf32, #tpu.memory_space<vmem>>, vector<1x16xf32>,
        %get3A_463 = vector.shape_cast %get3A_462 : vector<1x16xf32> to vector<16xf32>
        %mul3A_464 = arith.mulf %get3A_463, %gather3A_429 : vector<16xf32>
        %add3A_465 = arith.constant 3 : i32
        %add3A_466 = arith.addi %mul3A_79, %add3A_465 : i32
        %swap3A_467 = arith.index_cast %add3A_466 : i32 to index
        %swap3A_468 = arith.constant 32 : index
        %swap3A_469 = tpu.vector_load %arg14[%swap3A_467, %swap3A_468] {strides = array<i32>} : memref<128x128xf32, #tpu.memory_space<vmem>>, vector<1x16xf32>,
        %swap3A_470 = vector.shape_cast %swap3A_469 : vector<1x16xf32> to vector<16xf32>
        %swap3A_471 = vector.shape_cast %mul3A_464 : vector<16xf32> to vector<1x16xf32>
        tpu.vector_store %arg14[%swap3A_467, %swap3A_468], %swap3A_471 {strides = array<i32>} : memref<128x128xf32, #tpu.memory_space<vmem>>, vector<1x16xf32>,
        %add3A_472 = arith.constant 3 : i32
        %add3A_473 = arith.addi %mul3A_79, %add3A_472 : i32
        %get3A_474 = arith.index_cast %add3A_473 : i32 to index
        %get3A_475 = arith.constant 48 : index
        %get3A_476 = tpu.vector_load %arg14[%get3A_474, %get3A_475] {strides = array<i32>} : memref<128x128xf32, #tpu.memory_space<vmem>>, vector<1x16xf32>,
        %get3A_477 = vector.shape_cast %get3A_476 : vector<1x16xf32> to vector<16xf32>
        %mul3A_478 = arith.mulf %get3A_477, %gather3A_429 : vector<16xf32>
        %add3A_479 = arith.constant 3 : i32
        %add3A_480 = arith.addi %mul3A_79, %add3A_479 : i32
        %swap3A_481 = arith.index_cast %add3A_480 : i32 to index
        %swap3A_482 = arith.constant 48 : index
        %swap3A_483 = tpu.vector_load %arg14[%swap3A_481, %swap3A_482] {strides = array<i32>} : memref<128x128xf32, #tpu.memory_space<vmem>>, vector<1x16xf32>,
        %swap3A_484 = vector.shape_cast %swap3A_483 : vector<1x16xf32> to vector<16xf32>
        %swap3A_485 = vector.shape_cast %mul3A_478 : vector<16xf32> to vector<1x16xf32>
        tpu.vector_store %arg14[%swap3A_481, %swap3A_482], %swap3A_485 {strides = array<i32>} : memref<128x128xf32, #tpu.memory_space<vmem>>, vector<1x16xf32>,
        %add3A_486 = arith.constant 3 : i32
        %add3A_487 = arith.addi %mul3A_79, %add3A_486 : i32
        %get3A_488 = arith.index_cast %add3A_487 : i32 to index
        %get3A_489 = arith.constant 64 : index
        %get3A_490 = tpu.vector_load %arg14[%get3A_488, %get3A_489] {strides = array<i32>} : memref<128x128xf32, #tpu.memory_space<vmem>>, vector<1x16xf32>,
        %get3A_491 = vector.shape_cast %get3A_490 : vector<1x16xf32> to vector<16xf32>
        %mul3A_492 = arith.mulf %get3A_491, %gather3A_429 : vector<16xf32>
        %add3A_493 = arith.constant 3 : i32
        %add3A_494 = arith.addi %mul3A_79, %add3A_493 : i32
        %swap3A_495 = arith.index_cast %add3A_494 : i32 to index
        %swap3A_496 = arith.constant 64 : index
        %swap3A_497 = tpu.vector_load %arg14[%swap3A_495, %swap3A_496] {strides = array<i32>} : memref<128x128xf32, #tpu.memory_space<vmem>>, vector<1x16xf32>,
        %swap3A_498 = vector.shape_cast %swap3A_497 : vector<1x16xf32> to vector<16xf32>
        %swap3A_499 = vector.shape_cast %mul3A_492 : vector<16xf32> to vector<1x16xf32>
        tpu.vector_store %arg14[%swap3A_495, %swap3A_496], %swap3A_499 {strides = array<i32>} : memref<128x128xf32, #tpu.memory_space<vmem>>, vector<1x16xf32>,
        %add3A_500 = arith.constant 3 : i32
        %add3A_501 = arith.addi %mul3A_79, %add3A_500 : i32
        %get3A_502 = arith.index_cast %add3A_501 : i32 to index
        %get3A_503 = arith.constant 80 : index
        %get3A_504 = tpu.vector_load %arg14[%get3A_502, %get3A_503] {strides = array<i32>} : memref<128x128xf32, #tpu.memory_space<vmem>>, vector<1x16xf32>,
        %get3A_505 = vector.shape_cast %get3A_504 : vector<1x16xf32> to vector<16xf32>
        %mul3A_506 = arith.mulf %get3A_505, %gather3A_429 : vector<16xf32>
        %add3A_507 = arith.constant 3 : i32
        %add3A_508 = arith.addi %mul3A_79, %add3A_507 : i32
        %swap3A_509 = arith.index_cast %add3A_508 : i32 to index
        %swap3A_510 = arith.constant 80 : index
        %swap3A_511 = tpu.vector_load %arg14[%swap3A_509, %swap3A_510] {strides = array<i32>} : memref<128x128xf32, #tpu.memory_space<vmem>>, vector<1x16xf32>,
        %swap3A_512 = vector.shape_cast %swap3A_511 : vector<1x16xf32> to vector<16xf32>
        %swap3A_513 = vector.shape_cast %mul3A_506 : vector<16xf32> to vector<1x16xf32>
        tpu.vector_store %arg14[%swap3A_509, %swap3A_510], %swap3A_513 {strides = array<i32>} : memref<128x128xf32, #tpu.memory_space<vmem>>, vector<1x16xf32>,
        %add3A_514 = arith.constant 3 : i32
        %add3A_515 = arith.addi %mul3A_79, %add3A_514 : i32
        %get3A_516 = arith.index_cast %add3A_515 : i32 to index
        %get3A_517 = arith.constant 96 : index
        %get3A_518 = tpu.vector_load %arg14[%get3A_516, %get3A_517] {strides = array<i32>} : memref<128x128xf32, #tpu.memory_space<vmem>>, vector<1x16xf32>,
        %get3A_519 = vector.shape_cast %get3A_518 : vector<1x16xf32> to vector<16xf32>
        %mul3A_520 = arith.mulf %get3A_519, %gather3A_429 : vector<16xf32>
        %add3A_521 = arith.constant 3 : i32
        %add3A_522 = arith.addi %mul3A_79, %add3A_521 : i32
        %swap3A_523 = arith.index_cast %add3A_522 : i32 to index
        %swap3A_524 = arith.constant 96 : index
        %swap3A_525 = tpu.vector_load %arg14[%swap3A_523, %swap3A_524] {strides = array<i32>} : memref<128x128xf32, #tpu.memory_space<vmem>>, vector<1x16xf32>,
        %swap3A_526 = vector.shape_cast %swap3A_525 : vector<1x16xf32> to vector<16xf32>
        %swap3A_527 = vector.shape_cast %mul3A_520 : vector<16xf32> to vector<1x16xf32>
        tpu.vector_store %arg14[%swap3A_523, %swap3A_524], %swap3A_527 {strides = array<i32>} : memref<128x128xf32, #tpu.memory_space<vmem>>, vector<1x16xf32>,
        %add3A_528 = arith.constant 3 : i32
        %add3A_529 = arith.addi %mul3A_79, %add3A_528 : i32
        %get3A_530 = arith.index_cast %add3A_529 : i32 to index
        %get3A_531 = arith.constant 112 : index
        %get3A_532 = tpu.vector_load %arg14[%get3A_530, %get3A_531] {strides = array<i32>} : memref<128x128xf32, #tpu.memory_space<vmem>>, vector<1x16xf32>,
        %get3A_533 = vector.shape_cast %get3A_532 : vector<1x16xf32> to vector<16xf32>
        %mul3A_534 = arith.mulf %get3A_533, %gather3A_429 : vector<16xf32>
        %add3A_535 = arith.constant 3 : i32
        %add3A_536 = arith.addi %mul3A_79, %add3A_535 : i32
        %swap3A_537 = arith.index_cast %add3A_536 : i32 to index
        %swap3A_538 = arith.constant 112 : index
        %swap3A_539 = tpu.vector_load %arg14[%swap3A_537, %swap3A_538] {strides = array<i32>} : memref<128x128xf32, #tpu.memory_space<vmem>>, vector<1x16xf32>,
        %swap3A_540 = vector.shape_cast %swap3A_539 : vector<1x16xf32> to vector<16xf32>
        %swap3A_541 = vector.shape_cast %mul3A_534 : vector<16xf32> to vector<1x16xf32>
        tpu.vector_store %arg14[%swap3A_537, %swap3A_538], %swap3A_541 {strides = array<i32>} : memref<128x128xf32, #tpu.memory_space<vmem>>, vector<1x16xf32>,
        %broadcast_in_dim3A_542 = arith.constant 4 : i32
        %broadcast_in_dim3A_543 = vector.broadcast %broadcast_in_dim3A_542 : i32 to vector<16x1xi32>
        %gather3A_544 = vector.shape_cast %broadcast_in_dim3A_543 : vector<16x1xi32> to vector<16xi32>
        %gather3A_545 = tpu.dynamic_gather %get3A_77[%gather3A_544] in [0] : vector<16xf32>, vector<16xi32> -> vector<16xf32>
        %add3A_546 = arith.constant 4 : i32
        %add3A_547 = arith.addi %mul3A_79, %add3A_546 : i32
        %get3A_548 = arith.index_cast %add3A_547 : i32 to index
        %get3A_549 = arith.constant 0 : index
        %get3A_550 = tpu.vector_load %arg14[%get3A_548, %get3A_549] {strides = array<i32>} : memref<128x128xf32, #tpu.memory_space<vmem>>, vector<1x16xf32>,
        %get3A_551 = vector.shape_cast %get3A_550 : vector<1x16xf32> to vector<16xf32>
        %mul3A_552 = arith.mulf %get3A_551, %gather3A_545 : vector<16xf32>
        %add3A_553 = arith.constant 4 : i32
        %add3A_554 = arith.addi %mul3A_79, %add3A_553 : i32
        %swap3A_555 = arith.index_cast %add3A_554 : i32 to index
        %swap3A_556 = arith.constant 0 : index
        %swap3A_557 = tpu.vector_load %arg14[%swap3A_555, %swap3A_556] {strides = array<i32>} : memref<128x128xf32, #tpu.memory_space<vmem>>, vector<1x16xf32>,
        %swap3A_558 = vector.shape_cast %swap3A_557 : vector<1x16xf32> to vector<16xf32>
        %swap3A_559 = vector.shape_cast %mul3A_552 : vector<16xf32> to vector<1x16xf32>
        tpu.vector_store %arg14[%swap3A_555, %swap3A_556], %swap3A_559 {strides = array<i32>} : memref<128x128xf32, #tpu.memory_space<vmem>>, vector<1x16xf32>,
        %add3A_560 = arith.constant 4 : i32
        %add3A_561 = arith.addi %mul3A_79, %add3A_560 : i32
        %get3A_562 = arith.index_cast %add3A_561 : i32 to index
        %get3A_563 = arith.constant 16 : index
        %get3A_564 = tpu.vector_load %arg14[%get3A_562, %get3A_563] {strides = array<i32>} : memref<128x128xf32, #tpu.memory_space<vmem>>, vector<1x16xf32>,
        %get3A_565 = vector.shape_cast %get3A_564 : vector<1x16xf32> to vector<16xf32>
        %mul3A_566 = arith.mulf %get3A_565, %gather3A_545 : vector<16xf32>
        %add3A_567 = arith.constant 4 : i32
        %add3A_568 = arith.addi %mul3A_79, %add3A_567 : i32
        %swap3A_569 = arith.index_cast %add3A_568 : i32 to index
        %swap3A_570 = arith.constant 16 : index
        %swap3A_571 = tpu.vector_load %arg14[%swap3A_569, %swap3A_570] {strides = array<i32>} : memref<128x128xf32, #tpu.memory_space<vmem>>, vector<1x16xf32>,
        %swap3A_572 = vector.shape_cast %swap3A_571 : vector<1x16xf32> to vector<16xf32>
        %swap3A_573 = vector.shape_cast %mul3A_566 : vector<16xf32> to vector<1x16xf32>
        tpu.vector_store %arg14[%swap3A_569, %swap3A_570], %swap3A_573 {strides = array<i32>} : memref<128x128xf32, #tpu.memory_space<vmem>>, vector<1x16xf32>,
        %add3A_574 = arith.constant 4 : i32
        %add3A_575 = arith.addi %mul3A_79, %add3A_574 : i32
        %get3A_576 = arith.index_cast %add3A_575 : i32 to index
        %get3A_577 = arith.constant 32 : index
        %get3A_578 = tpu.vector_load %arg14[%get3A_576, %get3A_577] {strides = array<i32>} : memref<128x128xf32, #tpu.memory_space<vmem>>, vector<1x16xf32>,
        %get3A_579 = vector.shape_cast %get3A_578 : vector<1x16xf32> to vector<16xf32>
        %mul3A_580 = arith.mulf %get3A_579, %gather3A_545 : vector<16xf32>
        %add3A_581 = arith.constant 4 : i32
        %add3A_582 = arith.addi %mul3A_79, %add3A_581 : i32
        %swap3A_583 = arith.index_cast %add3A_582 : i32 to index
        %swap3A_584 = arith.constant 32 : index
        %swap3A_585 = tpu.vector_load %arg14[%swap3A_583, %swap3A_584] {strides = array<i32>} : memref<128x128xf32, #tpu.memory_space<vmem>>, vector<1x16xf32>,
        %swap3A_586 = vector.shape_cast %swap3A_585 : vector<1x16xf32> to vector<16xf32>
        %swap3A_587 = vector.shape_cast %mul3A_580 : vector<16xf32> to vector<1x16xf32>
        tpu.vector_store %arg14[%swap3A_583, %swap3A_584], %swap3A_587 {strides = array<i32>} : memref<128x128xf32, #tpu.memory_space<vmem>>, vector<1x16xf32>,
        %add3A_588 = arith.constant 4 : i32
        %add3A_589 = arith.addi %mul3A_79, %add3A_588 : i32
        %get3A_590 = arith.index_cast %add3A_589 : i32 to index
        %get3A_591 = arith.constant 48 : index
        %get3A_592 = tpu.vector_load %arg14[%get3A_590, %get3A_591] {strides = array<i32>} : memref<128x128xf32, #tpu.memory_space<vmem>>, vector<1x16xf32>,
        %get3A_593 = vector.shape_cast %get3A_592 : vector<1x16xf32> to vector<16xf32>
        %mul3A_594 = arith.mulf %get3A_593, %gather3A_545 : vector<16xf32>
        %add3A_595 = arith.constant 4 : i32
        %add3A_596 = arith.addi %mul3A_79, %add3A_595 : i32
        %swap3A_597 = arith.index_cast %add3A_596 : i32 to index
        %swap3A_598 = arith.constant 48 : index
        %swap3A_599 = tpu.vector_load %arg14[%swap3A_597, %swap3A_598] {strides = array<i32>} : memref<128x128xf32, #tpu.memory_space<vmem>>, vector<1x16xf32>,
        %swap3A_600 = vector.shape_cast %swap3A_599 : vector<1x16xf32> to vector<16xf32>
        %swap3A_601 = vector.shape_cast %mul3A_594 : vector<16xf32> to vector<1x16xf32>
        tpu.vector_store %arg14[%swap3A_597, %swap3A_598], %swap3A_601 {strides = array<i32>} : memref<128x128xf32, #tpu.memory_space<vmem>>, vector<1x16xf32>,
        %add3A_602 = arith.constant 4 : i32
        %add3A_603 = arith.addi %mul3A_79, %add3A_602 : i32
        %get3A_604 = arith.index_cast %add3A_603 : i32 to index
        %get3A_605 = arith.constant 64 : index
        %get3A_606 = tpu.vector_load %arg14[%get3A_604, %get3A_605] {strides = array<i32>} : memref<128x128xf32, #tpu.memory_space<vmem>>, vector<1x16xf32>,
        %get3A_607 = vector.shape_cast %get3A_606 : vector<1x16xf32> to vector<16xf32>
        %mul3A_608 = arith.mulf %get3A_607, %gather3A_545 : vector<16xf32>
        %add3A_609 = arith.constant 4 : i32
        %add3A_610 = arith.addi %mul3A_79, %add3A_609 : i32
        %swap3A_611 = arith.index_cast %add3A_610 : i32 to index
        %swap3A_612 = arith.constant 64 : index
        %swap3A_613 = tpu.vector_load %arg14[%swap3A_611, %swap3A_612] {strides = array<i32>} : memref<128x128xf32, #tpu.memory_space<vmem>>, vector<1x16xf32>,
        %swap3A_614 = vector.shape_cast %swap3A_613 : vector<1x16xf32> to vector<16xf32>
        %swap3A_615 = vector.shape_cast %mul3A_608 : vector<16xf32> to vector<1x16xf32>
        tpu.vector_store %arg14[%swap3A_611, %swap3A_612], %swap3A_615 {strides = array<i32>} : memref<128x128xf32, #tpu.memory_space<vmem>>, vector<1x16xf32>,
        %add3A_616 = arith.constant 4 : i32
        %add3A_617 = arith.addi %mul3A_79, %add3A_616 : i32
        %get3A_618 = arith.index_cast %add3A_617 : i32 to index
        %get3A_619 = arith.constant 80 : index
        %get3A_620 = tpu.vector_load %arg14[%get3A_618, %get3A_619] {strides = array<i32>} : memref<128x128xf32, #tpu.memory_space<vmem>>, vector<1x16xf32>,
        %get3A_621 = vector.shape_cast %get3A_620 : vector<1x16xf32> to vector<16xf32>
        %mul3A_622 = arith.mulf %get3A_621, %gather3A_545 : vector<16xf32>
        %add3A_623 = arith.constant 4 : i32
        %add3A_624 = arith.addi %mul3A_79, %add3A_623 : i32
        %swap3A_625 = arith.index_cast %add3A_624 : i32 to index
        %swap3A_626 = arith.constant 80 : index
        %swap3A_627 = tpu.vector_load %arg14[%swap3A_625, %swap3A_626] {strides = array<i32>} : memref<128x128xf32, #tpu.memory_space<vmem>>, vector<1x16xf32>,
        %swap3A_628 = vector.shape_cast %swap3A_627 : vector<1x16xf32> to vector<16xf32>
        %swap3A_629 = vector.shape_cast %mul3A_622 : vector<16xf32> to vector<1x16xf32>
        tpu.vector_store %arg14[%swap3A_625, %swap3A_626], %swap3A_629 {strides = array<i32>} : memref<128x128xf32, #tpu.memory_space<vmem>>, vector<1x16xf32>,
        %add3A_630 = arith.constant 4 : i32
        %add3A_631 = arith.addi %mul3A_79, %add3A_630 : i32
        %get3A_632 = arith.index_cast %add3A_631 : i32 to index
        %get3A_633 = arith.constant 96 : index
        %get3A_634 = tpu.vector_load %arg14[%get3A_632, %get3A_633] {strides = array<i32>} : memref<128x128xf32, #tpu.memory_space<vmem>>, vector<1x16xf32>,
        %get3A_635 = vector.shape_cast %get3A_634 : vector<1x16xf32> to vector<16xf32>
        %mul3A_636 = arith.mulf %get3A_635, %gather3A_545 : vector<16xf32>
        %add3A_637 = arith.constant 4 : i32
        %add3A_638 = arith.addi %mul3A_79, %add3A_637 : i32
        %swap3A_639 = arith.index_cast %add3A_638 : i32 to index
        %swap3A_640 = arith.constant 96 : index
        %swap3A_641 = tpu.vector_load %arg14[%swap3A_639, %swap3A_640] {strides = array<i32>} : memref<128x128xf32, #tpu.memory_space<vmem>>, vector<1x16xf32>,
        %swap3A_642 = vector.shape_cast %swap3A_641 : vector<1x16xf32> to vector<16xf32>
        %swap3A_643 = vector.shape_cast %mul3A_636 : vector<16xf32> to vector<1x16xf32>
        tpu.vector_store %arg14[%swap3A_639, %swap3A_640], %swap3A_643 {strides = array<i32>} : memref<128x128xf32, #tpu.memory_space<vmem>>, vector<1x16xf32>,
        %add3A_644 = arith.constant 4 : i32
        %add3A_645 = arith.addi %mul3A_79, %add3A_644 : i32
        %get3A_646 = arith.index_cast %add3A_645 : i32 to index
        %get3A_647 = arith.constant 112 : index
        %get3A_648 = tpu.vector_load %arg14[%get3A_646, %get3A_647] {strides = array<i32>} : memref<128x128xf32, #tpu.memory_space<vmem>>, vector<1x16xf32>,
        %get3A_649 = vector.shape_cast %get3A_648 : vector<1x16xf32> to vector<16xf32>
        %mul3A_650 = arith.mulf %get3A_649, %gather3A_545 : vector<16xf32>
        %add3A_651 = arith.constant 4 : i32
        %add3A_652 = arith.addi %mul3A_79, %add3A_651 : i32
        %swap3A_653 = arith.index_cast %add3A_652 : i32 to index
        %swap3A_654 = arith.constant 112 : index
        %swap3A_655 = tpu.vector_load %arg14[%swap3A_653, %swap3A_654] {strides = array<i32>} : memref<128x128xf32, #tpu.memory_space<vmem>>, vector<1x16xf32>,
        %swap3A_656 = vector.shape_cast %swap3A_655 : vector<1x16xf32> to vector<16xf32>
        %swap3A_657 = vector.shape_cast %mul3A_650 : vector<16xf32> to vector<1x16xf32>
        tpu.vector_store %arg14[%swap3A_653, %swap3A_654], %swap3A_657 {strides = array<i32>} : memref<128x128xf32, #tpu.memory_space<vmem>>, vector<1x16xf32>,
        %broadcast_in_dim3A_658 = arith.constant 5 : i32
        %broadcast_in_dim3A_659 = vector.broadcast %broadcast_in_dim3A_658 : i32 to vector<16x1xi32>
        %gather3A_660 = vector.shape_cast %broadcast_in_dim3A_659 : vector<16x1xi32> to vector<16xi32>
        %gather3A_661 = tpu.dynamic_gather %get3A_77[%gather3A_660] in [0] : vector<16xf32>, vector<16xi32> -> vector<16xf32>
        %add3A_662 = arith.constant 5 : i32
        %add3A_663 = arith.addi %mul3A_79, %add3A_662 : i32
        %get3A_664 = arith.index_cast %add3A_663 : i32 to index
        %get3A_665 = arith.constant 0 : index
        %get3A_666 = tpu.vector_load %arg14[%get3A_664, %get3A_665] {strides = array<i32>} : memref<128x128xf32, #tpu.memory_space<vmem>>, vector<1x16xf32>,
        %get3A_667 = vector.shape_cast %get3A_666 : vector<1x16xf32> to vector<16xf32>
        %mul3A_668 = arith.mulf %get3A_667, %gather3A_661 : vector<16xf32>
        %add3A_669 = arith.constant 5 : i32
        %add3A_670 = arith.addi %mul3A_79, %add3A_669 : i32
        %swap3A_671 = arith.index_cast %add3A_670 : i32 to index
        %swap3A_672 = arith.constant 0 : index
        %swap3A_673 = tpu.vector_load %arg14[%swap3A_671, %swap3A_672] {strides = array<i32>} : memref<128x128xf32, #tpu.memory_space<vmem>>, vector<1x16xf32>,
        %swap3A_674 = vector.shape_cast %swap3A_673 : vector<1x16xf32> to vector<16xf32>
        %swap3A_675 = vector.shape_cast %mul3A_668 : vector<16xf32> to vector<1x16xf32>
        tpu.vector_store %arg14[%swap3A_671, %swap3A_672], %swap3A_675 {strides = array<i32>} : memref<128x128xf32, #tpu.memory_space<vmem>>, vector<1x16xf32>,
        %add3A_676 = arith.constant 5 : i32
        %add3A_677 = arith.addi %mul3A_79, %add3A_676 : i32
        %get3A_678 = arith.index_cast %add3A_677 : i32 to index
        %get3A_679 = arith.constant 16 : index
        %get3A_680 = tpu.vector_load %arg14[%get3A_678, %get3A_679] {strides = array<i32>} : memref<128x128xf32, #tpu.memory_space<vmem>>, vector<1x16xf32>,
        %get3A_681 = vector.shape_cast %get3A_680 : vector<1x16xf32> to vector<16xf32>
        %mul3A_682 = arith.mulf %get3A_681, %gather3A_661 : vector<16xf32>
        %add3A_683 = arith.constant 5 : i32
        %add3A_684 = arith.addi %mul3A_79, %add3A_683 : i32
        %swap3A_685 = arith.index_cast %add3A_684 : i32 to index
        %swap3A_686 = arith.constant 16 : index
        %swap3A_687 = tpu.vector_load %arg14[%swap3A_685, %swap3A_686] {strides = array<i32>} : memref<128x128xf32, #tpu.memory_space<vmem>>, vector<1x16xf32>,
        %swap3A_688 = vector.shape_cast %swap3A_687 : vector<1x16xf32> to vector<16xf32>
        %swap3A_689 = vector.shape_cast %mul3A_682 : vector<16xf32> to vector<1x16xf32>
        tpu.vector_store %arg14[%swap3A_685, %swap3A_686], %swap3A_689 {strides = array<i32>} : memref<128x128xf32, #tpu.memory_space<vmem>>, vector<1x16xf32>,
        %add3A_690 = arith.constant 5 : i32
        %add3A_691 = arith.addi %mul3A_79, %add3A_690 : i32
        %get3A_692 = arith.index_cast %add3A_691 : i32 to index
        %get3A_693 = arith.constant 32 : index
        %get3A_694 = tpu.vector_load %arg14[%get3A_692, %get3A_693] {strides = array<i32>} : memref<128x128xf32, #tpu.memory_space<vmem>>, vector<1x16xf32>,
        %get3A_695 = vector.shape_cast %get3A_694 : vector<1x16xf32> to vector<16xf32>
        %mul3A_696 = arith.mulf %get3A_695, %gather3A_661 : vector<16xf32>
        %add3A_697 = arith.constant 5 : i32
        %add3A_698 = arith.addi %mul3A_79, %add3A_697 : i32
        %swap3A_699 = arith.index_cast %add3A_698 : i32 to index
        %swap3A_700 = arith.constant 32 : index
        %swap3A_701 = tpu.vector_load %arg14[%swap3A_699, %swap3A_700] {strides = array<i32>} : memref<128x128xf32, #tpu.memory_space<vmem>>, vector<1x16xf32>,
        %swap3A_702 = vector.shape_cast %swap3A_701 : vector<1x16xf32> to vector<16xf32>
        %swap3A_703 = vector.shape_cast %mul3A_696 : vector<16xf32> to vector<1x16xf32>
        tpu.vector_store %arg14[%swap3A_699, %swap3A_700], %swap3A_703 {strides = array<i32>} : memref<128x128xf32, #tpu.memory_space<vmem>>, vector<1x16xf32>,
        %add3A_704 = arith.constant 5 : i32
        %add3A_705 = arith.addi %mul3A_79, %add3A_704 : i32
        %get3A_706 = arith.index_cast %add3A_705 : i32 to index
        %get3A_707 = arith.constant 48 : index
        %get3A_708 = tpu.vector_load %arg14[%get3A_706, %get3A_707] {strides = array<i32>} : memref<128x128xf32, #tpu.memory_space<vmem>>, vector<1x16xf32>,
        %get3A_709 = vector.shape_cast %get3A_708 : vector<1x16xf32> to vector<16xf32>
        %mul3A_710 = arith.mulf %get3A_709, %gather3A_661 : vector<16xf32>
        %add3A_711 = arith.constant 5 : i32
        %add3A_712 = arith.addi %mul3A_79, %add3A_711 : i32
        %swap3A_713 = arith.index_cast %add3A_712 : i32 to index
        %swap3A_714 = arith.constant 48 : index
        %swap3A_715 = tpu.vector_load %arg14[%swap3A_713, %swap3A_714] {strides = array<i32>} : memref<128x128xf32, #tpu.memory_space<vmem>>, vector<1x16xf32>,
        %swap3A_716 = vector.shape_cast %swap3A_715 : vector<1x16xf32> to vector<16xf32>
        %swap3A_717 = vector.shape_cast %mul3A_710 : vector<16xf32> to vector<1x16xf32>
        tpu.vector_store %arg14[%swap3A_713, %swap3A_714], %swap3A_717 {strides = array<i32>} : memref<128x128xf32, #tpu.memory_space<vmem>>, vector<1x16xf32>,
        %add3A_718 = arith.constant 5 : i32
        %add3A_719 = arith.addi %mul3A_79, %add3A_718 : i32
        %get3A_720 = arith.index_cast %add3A_719 : i32 to index
        %get3A_721 = arith.constant 64 : index
        %get3A_722 = tpu.vector_load %arg14[%get3A_720, %get3A_721] {strides = array<i32>} : memref<128x128xf32, #tpu.memory_space<vmem>>, vector<1x16xf32>,
        %get3A_723 = vector.shape_cast %get3A_722 : vector<1x16xf32> to vector<16xf32>
        %mul3A_724 = arith.mulf %get3A_723, %gather3A_661 : vector<16xf32>
        %add3A_725 = arith.constant 5 : i32
        %add3A_726 = arith.addi %mul3A_79, %add3A_725 : i32
        %swap3A_727 = arith.index_cast %add3A_726 : i32 to index
        %swap3A_728 = arith.constant 64 : index
        %swap3A_729 = tpu.vector_load %arg14[%swap3A_727, %swap3A_728] {strides = array<i32>} : memref<128x128xf32, #tpu.memory_space<vmem>>, vector<1x16xf32>,
        %swap3A_730 = vector.shape_cast %swap3A_729 : vector<1x16xf32> to vector<16xf32>
        %swap3A_731 = vector.shape_cast %mul3A_724 : vector<16xf32> to vector<1x16xf32>
        tpu.vector_store %arg14[%swap3A_727, %swap3A_728], %swap3A_731 {strides = array<i32>} : memref<128x128xf32, #tpu.memory_space<vmem>>, vector<1x16xf32>,
        %add3A_732 = arith.constant 5 : i32
        %add3A_733 = arith.addi %mul3A_79, %add3A_732 : i32
        %get3A_734 = arith.index_cast %add3A_733 : i32 to index
        %get3A_735 = arith.constant 80 : index
        %get3A_736 = tpu.vector_load %arg14[%get3A_734, %get3A_735] {strides = array<i32>} : memref<128x128xf32, #tpu.memory_space<vmem>>, vector<1x16xf32>,
        %get3A_737 = vector.shape_cast %get3A_736 : vector<1x16xf32> to vector<16xf32>
        %mul3A_738 = arith.mulf %get3A_737, %gather3A_661 : vector<16xf32>
        %add3A_739 = arith.constant 5 : i32
        %add3A_740 = arith.addi %mul3A_79, %add3A_739 : i32
        %swap3A_741 = arith.index_cast %add3A_740 : i32 to index
        %swap3A_742 = arith.constant 80 : index
        %swap3A_743 = tpu.vector_load %arg14[%swap3A_741, %swap3A_742] {strides = array<i32>} : memref<128x128xf32, #tpu.memory_space<vmem>>, vector<1x16xf32>,
        %swap3A_744 = vector.shape_cast %swap3A_743 : vector<1x16xf32> to vector<16xf32>
        %swap3A_745 = vector.shape_cast %mul3A_738 : vector<16xf32> to vector<1x16xf32>
        tpu.vector_store %arg14[%swap3A_741, %swap3A_742], %swap3A_745 {strides = array<i32>} : memref<128x128xf32, #tpu.memory_space<vmem>>, vector<1x16xf32>,
        %add3A_746 = arith.constant 5 : i32
        %add3A_747 = arith.addi %mul3A_79, %add3A_746 : i32
        %get3A_748 = arith.index_cast %add3A_747 : i32 to index
        %get3A_749 = arith.constant 96 : index
        %get3A_750 = tpu.vector_load %arg14[%get3A_748, %get3A_749] {strides = array<i32>} : memref<128x128xf32, #tpu.memory_space<vmem>>, vector<1x16xf32>,
        %get3A_751 = vector.shape_cast %get3A_750 : vector<1x16xf32> to vector<16xf32>
        %mul3A_752 = arith.mulf %get3A_751, %gather3A_661 : vector<16xf32>
        %add3A_753 = arith.constant 5 : i32
        %add3A_754 = arith.addi %mul3A_79, %add3A_753 : i32
        %swap3A_755 = arith.index_cast %add3A_754 : i32 to index
        %swap3A_756 = arith.constant 96 : index
        %swap3A_757 = tpu.vector_load %arg14[%swap3A_755, %swap3A_756] {strides = array<i32>} : memref<128x128xf32, #tpu.memory_space<vmem>>, vector<1x16xf32>,
        %swap3A_758 = vector.shape_cast %swap3A_757 : vector<1x16xf32> to vector<16xf32>
        %swap3A_759 = vector.shape_cast %mul3A_752 : vector<16xf32> to vector<1x16xf32>
        tpu.vector_store %arg14[%swap3A_755, %swap3A_756], %swap3A_759 {strides = array<i32>} : memref<128x128xf32, #tpu.memory_space<vmem>>, vector<1x16xf32>,
        %add3A_760 = arith.constant 5 : i32
        %add3A_761 = arith.addi %mul3A_79, %add3A_760 : i32
        %get3A_762 = arith.index_cast %add3A_761 : i32 to index
        %get3A_763 = arith.constant 112 : index
        %get3A_764 = tpu.vector_load %arg14[%get3A_762, %get3A_763] {strides = array<i32>} : memref<128x128xf32, #tpu.memory_space<vmem>>, vector<1x16xf32>,
        %get3A_765 = vector.shape_cast %get3A_764 : vector<1x16xf32> to vector<16xf32>
        %mul3A_766 = arith.mulf %get3A_765, %gather3A_661 : vector<16xf32>
        %add3A_767 = arith.constant 5 : i32
        %add3A_768 = arith.addi %mul3A_79, %add3A_767 : i32
        %swap3A_769 = arith.index_cast %add3A_768 : i32 to index
        %swap3A_770 = arith.constant 112 : index
        %swap3A_771 = tpu.vector_load %arg14[%swap3A_769, %swap3A_770] {strides = array<i32>} : memref<128x128xf32, #tpu.memory_space<vmem>>, vector<1x16xf32>,
        %swap3A_772 = vector.shape_cast %swap3A_771 : vector<1x16xf32> to vector<16xf32>
        %swap3A_773 = vector.shape_cast %mul3A_766 : vector<16xf32> to vector<1x16xf32>
        tpu.vector_store %arg14[%swap3A_769, %swap3A_770], %swap3A_773 {strides = array<i32>} : memref<128x128xf32, #tpu.memory_space<vmem>>, vector<1x16xf32>,
        %broadcast_in_dim3A_774 = arith.constant 6 : i32
        %broadcast_in_dim3A_775 = vector.broadcast %broadcast_in_dim3A_774 : i32 to vector<16x1xi32>
        %gather3A_776 = vector.shape_cast %broadcast_in_dim3A_775 : vector<16x1xi32> to vector<16xi32>
        %gather3A_777 = tpu.dynamic_gather %get3A_77[%gather3A_776] in [0] : vector<16xf32>, vector<16xi32> -> vector<16xf32>
        %add3A_778 = arith.constant 6 : i32
        %add3A_779 = arith.addi %mul3A_79, %add3A_778 : i32
        %get3A_780 = arith.index_cast %add3A_779 : i32 to index
        %get3A_781 = arith.constant 0 : index
        %get3A_782 = tpu.vector_load %arg14[%get3A_780, %get3A_781] {strides = array<i32>} : memref<128x128xf32, #tpu.memory_space<vmem>>, vector<1x16xf32>,
        %get3A_783 = vector.shape_cast %get3A_782 : vector<1x16xf32> to vector<16xf32>
        %mul3A_784 = arith.mulf %get3A_783, %gather3A_777 : vector<16xf32>
        %add3A_785 = arith.constant 6 : i32
        %add3A_786 = arith.addi %mul3A_79, %add3A_785 : i32
        %swap3A_787 = arith.index_cast %add3A_786 : i32 to index
        %swap3A_788 = arith.constant 0 : index
        %swap3A_789 = tpu.vector_load %arg14[%swap3A_787, %swap3A_788] {strides = array<i32>} : memref<128x128xf32, #tpu.memory_space<vmem>>, vector<1x16xf32>,
        %swap3A_790 = vector.shape_cast %swap3A_789 : vector<1x16xf32> to vector<16xf32>
        %swap3A_791 = vector.shape_cast %mul3A_784 : vector<16xf32> to vector<1x16xf32>
        tpu.vector_store %arg14[%swap3A_787, %swap3A_788], %swap3A_791 {strides = array<i32>} : memref<128x128xf32, #tpu.memory_space<vmem>>, vector<1x16xf32>,
        %add3A_792 = arith.constant 6 : i32
        %add3A_793 = arith.addi %mul3A_79, %add3A_792 : i32
        %get3A_794 = arith.index_cast %add3A_793 : i32 to index
        %get3A_795 = arith.constant 16 : index
        %get3A_796 = tpu.vector_load %arg14[%get3A_794, %get3A_795] {strides = array<i32>} : memref<128x128xf32, #tpu.memory_space<vmem>>, vector<1x16xf32>,
        %get3A_797 = vector.shape_cast %get3A_796 : vector<1x16xf32> to vector<16xf32>
        %mul3A_798 = arith.mulf %get3A_797, %gather3A_777 : vector<16xf32>
        %add3A_799 = arith.constant 6 : i32
        %add3A_800 = arith.addi %mul3A_79, %add3A_799 : i32
        %swap3A_801 = arith.index_cast %add3A_800 : i32 to index
        %swap3A_802 = arith.constant 16 : index
        %swap3A_803 = tpu.vector_load %arg14[%swap3A_801, %swap3A_802] {strides = array<i32>} : memref<128x128xf32, #tpu.memory_space<vmem>>, vector<1x16xf32>,
        %swap3A_804 = vector.shape_cast %swap3A_803 : vector<1x16xf32> to vector<16xf32>
        %swap3A_805 = vector.shape_cast %mul3A_798 : vector<16xf32> to vector<1x16xf32>
        tpu.vector_store %arg14[%swap3A_801, %swap3A_802], %swap3A_805 {strides = array<i32>} : memref<128x128xf32, #tpu.memory_space<vmem>>, vector<1x16xf32>,
        %add3A_806 = arith.constant 6 : i32
        %add3A_807 = arith.addi %mul3A_79, %add3A_806 : i32
        %get3A_808 = arith.index_cast %add3A_807 : i32 to index
        %get3A_809 = arith.constant 32 : index
        %get3A_810 = tpu.vector_load %arg14[%get3A_808, %get3A_809] {strides = array<i32>} : memref<128x128xf32, #tpu.memory_space<vmem>>, vector<1x16xf32>,
        %get3A_811 = vector.shape_cast %get3A_810 : vector<1x16xf32> to vector<16xf32>
        %mul3A_812 = arith.mulf %get3A_811, %gather3A_777 : vector<16xf32>
        %add3A_813 = arith.constant 6 : i32
        %add3A_814 = arith.addi %mul3A_79, %add3A_813 : i32
        %swap3A_815 = arith.index_cast %add3A_814 : i32 to index
        %swap3A_816 = arith.constant 32 : index
        %swap3A_817 = tpu.vector_load %arg14[%swap3A_815, %swap3A_816] {strides = array<i32>} : memref<128x128xf32, #tpu.memory_space<vmem>>, vector<1x16xf32>,
        %swap3A_818 = vector.shape_cast %swap3A_817 : vector<1x16xf32> to vector<16xf32>
        %swap3A_819 = vector.shape_cast %mul3A_812 : vector<16xf32> to vector<1x16xf32>
        tpu.vector_store %arg14[%swap3A_815, %swap3A_816], %swap3A_819 {strides = array<i32>} : memref<128x128xf32, #tpu.memory_space<vmem>>, vector<1x16xf32>,
        %add3A_820 = arith.constant 6 : i32
        %add3A_821 = arith.addi %mul3A_79, %add3A_820 : i32
        %get3A_822 = arith.index_cast %add3A_821 : i32 to index
        %get3A_823 = arith.constant 48 : index
        %get3A_824 = tpu.vector_load %arg14[%get3A_822, %get3A_823] {strides = array<i32>} : memref<128x128xf32, #tpu.memory_space<vmem>>, vector<1x16xf32>,
        %get3A_825 = vector.shape_cast %get3A_824 : vector<1x16xf32> to vector<16xf32>
        %mul3A_826 = arith.mulf %get3A_825, %gather3A_777 : vector<16xf32>
        %add3A_827 = arith.constant 6 : i32
        %add3A_828 = arith.addi %mul3A_79, %add3A_827 : i32
        %swap3A_829 = arith.index_cast %add3A_828 : i32 to index
        %swap3A_830 = arith.constant 48 : index
        %swap3A_831 = tpu.vector_load %arg14[%swap3A_829, %swap3A_830] {strides = array<i32>} : memref<128x128xf32, #tpu.memory_space<vmem>>, vector<1x16xf32>,
        %swap3A_832 = vector.shape_cast %swap3A_831 : vector<1x16xf32> to vector<16xf32>
        %swap3A_833 = vector.shape_cast %mul3A_826 : vector<16xf32> to vector<1x16xf32>
        tpu.vector_store %arg14[%swap3A_829, %swap3A_830], %swap3A_833 {strides = array<i32>} : memref<128x128xf32, #tpu.memory_space<vmem>>, vector<1x16xf32>,
        %add3A_834 = arith.constant 6 : i32
        %add3A_835 = arith.addi %mul3A_79, %add3A_834 : i32
        %get3A_836 = arith.index_cast %add3A_835 : i32 to index
        %get3A_837 = arith.constant 64 : index
        %get3A_838 = tpu.vector_load %arg14[%get3A_836, %get3A_837] {strides = array<i32>} : memref<128x128xf32, #tpu.memory_space<vmem>>, vector<1x16xf32>,
        %get3A_839 = vector.shape_cast %get3A_838 : vector<1x16xf32> to vector<16xf32>
        %mul3A_840 = arith.mulf %get3A_839, %gather3A_777 : vector<16xf32>
        %add3A_841 = arith.constant 6 : i32
        %add3A_842 = arith.addi %mul3A_79, %add3A_841 : i32
        %swap3A_843 = arith.index_cast %add3A_842 : i32 to index
        %swap3A_844 = arith.constant 64 : index
        %swap3A_845 = tpu.vector_load %arg14[%swap3A_843, %swap3A_844] {strides = array<i32>} : memref<128x128xf32, #tpu.memory_space<vmem>>, vector<1x16xf32>,
        %swap3A_846 = vector.shape_cast %swap3A_845 : vector<1x16xf32> to vector<16xf32>
        %swap3A_847 = vector.shape_cast %mul3A_840 : vector<16xf32> to vector<1x16xf32>
        tpu.vector_store %arg14[%swap3A_843, %swap3A_844], %swap3A_847 {strides = array<i32>} : memref<128x128xf32, #tpu.memory_space<vmem>>, vector<1x16xf32>,
        %add3A_848 = arith.constant 6 : i32
        %add3A_849 = arith.addi %mul3A_79, %add3A_848 : i32
        %get3A_850 = arith.index_cast %add3A_849 : i32 to index
        %get3A_851 = arith.constant 80 : index
        %get3A_852 = tpu.vector_load %arg14[%get3A_850, %get3A_851] {strides = array<i32>} : memref<128x128xf32, #tpu.memory_space<vmem>>, vector<1x16xf32>,
        %get3A_853 = vector.shape_cast %get3A_852 : vector<1x16xf32> to vector<16xf32>
        %mul3A_854 = arith.mulf %get3A_853, %gather3A_777 : vector<16xf32>
        %add3A_855 = arith.constant 6 : i32
        %add3A_856 = arith.addi %mul3A_79, %add3A_855 : i32
        %swap3A_857 = arith.index_cast %add3A_856 : i32 to index
        %swap3A_858 = arith.constant 80 : index
        %swap3A_859 = tpu.vector_load %arg14[%swap3A_857, %swap3A_858] {strides = array<i32>} : memref<128x128xf32, #tpu.memory_space<vmem>>, vector<1x16xf32>,
        %swap3A_860 = vector.shape_cast %swap3A_859 : vector<1x16xf32> to vector<16xf32>
        %swap3A_861 = vector.shape_cast %mul3A_854 : vector<16xf32> to vector<1x16xf32>
        tpu.vector_store %arg14[%swap3A_857, %swap3A_858], %swap3A_861 {strides = array<i32>} : memref<128x128xf32, #tpu.memory_space<vmem>>, vector<1x16xf32>,
        %add3A_862 = arith.constant 6 : i32
        %add3A_863 = arith.addi %mul3A_79, %add3A_862 : i32
        %get3A_864 = arith.index_cast %add3A_863 : i32 to index
        %get3A_865 = arith.constant 96 : index
        %get3A_866 = tpu.vector_load %arg14[%get3A_864, %get3A_865] {strides = array<i32>} : memref<128x128xf32, #tpu.memory_space<vmem>>, vector<1x16xf32>,
        %get3A_867 = vector.shape_cast %get3A_866 : vector<1x16xf32> to vector<16xf32>
        %mul3A_868 = arith.mulf %get3A_867, %gather3A_777 : vector<16xf32>
        %add3A_869 = arith.constant 6 : i32
        %add3A_870 = arith.addi %mul3A_79, %add3A_869 : i32
        %swap3A_871 = arith.index_cast %add3A_870 : i32 to index
        %swap3A_872 = arith.constant 96 : index
        %swap3A_873 = tpu.vector_load %arg14[%swap3A_871, %swap3A_872] {strides = array<i32>} : memref<128x128xf32, #tpu.memory_space<vmem>>, vector<1x16xf32>,
        %swap3A_874 = vector.shape_cast %swap3A_873 : vector<1x16xf32> to vector<16xf32>
        %swap3A_875 = vector.shape_cast %mul3A_868 : vector<16xf32> to vector<1x16xf32>
        tpu.vector_store %arg14[%swap3A_871, %swap3A_872], %swap3A_875 {strides = array<i32>} : memref<128x128xf32, #tpu.memory_space<vmem>>, vector<1x16xf32>,
        %add3A_876 = arith.constant 6 : i32
        %add3A_877 = arith.addi %mul3A_79, %add3A_876 : i32
        %get3A_878 = arith.index_cast %add3A_877 : i32 to index
        %get3A_879 = arith.constant 112 : index
        %get3A_880 = tpu.vector_load %arg14[%get3A_878, %get3A_879] {strides = array<i32>} : memref<128x128xf32, #tpu.memory_space<vmem>>, vector<1x16xf32>,
        %get3A_881 = vector.shape_cast %get3A_880 : vector<1x16xf32> to vector<16xf32>
        %mul3A_882 = arith.mulf %get3A_881, %gather3A_777 : vector<16xf32>
        %add3A_883 = arith.constant 6 : i32
        %add3A_884 = arith.addi %mul3A_79, %add3A_883 : i32
        %swap3A_885 = arith.index_cast %add3A_884 : i32 to index
        %swap3A_886 = arith.constant 112 : index
        %swap3A_887 = tpu.vector_load %arg14[%swap3A_885, %swap3A_886] {strides = array<i32>} : memref<128x128xf32, #tpu.memory_space<vmem>>, vector<1x16xf32>,
        %swap3A_888 = vector.shape_cast %swap3A_887 : vector<1x16xf32> to vector<16xf32>
        %swap3A_889 = vector.shape_cast %mul3A_882 : vector<16xf32> to vector<1x16xf32>
        tpu.vector_store %arg14[%swap3A_885, %swap3A_886], %swap3A_889 {strides = array<i32>} : memref<128x128xf32, #tpu.memory_space<vmem>>, vector<1x16xf32>,
        %broadcast_in_dim3A_890 = arith.constant 7 : i32
        %broadcast_in_dim3A_891 = vector.broadcast %broadcast_in_dim3A_890 : i32 to vector<16x1xi32>
        %gather3A_892 = vector.shape_cast %broadcast_in_dim3A_891 : vector<16x1xi32> to vector<16xi32>
        %gather3A_893 = tpu.dynamic_gather %get3A_77[%gather3A_892] in [0] : vector<16xf32>, vector<16xi32> -> vector<16xf32>
        %add3A_894 = arith.constant 7 : i32
        %add3A_895 = arith.addi %mul3A_79, %add3A_894 : i32
        %get3A_896 = arith.index_cast %add3A_895 : i32 to index
        %get3A_897 = arith.constant 0 : index
        %get3A_898 = tpu.vector_load %arg14[%get3A_896, %get3A_897] {strides = array<i32>} : memref<128x128xf32, #tpu.memory_space<vmem>>, vector<1x16xf32>,
        %get3A_899 = vector.shape_cast %get3A_898 : vector<1x16xf32> to vector<16xf32>
        %mul3A_900 = arith.mulf %get3A_899, %gather3A_893 : vector<16xf32>
        %add3A_901 = arith.constant 7 : i32
        %add3A_902 = arith.addi %mul3A_79, %add3A_901 : i32
        %swap3A_903 = arith.index_cast %add3A_902 : i32 to index
        %swap3A_904 = arith.constant 0 : index
        %swap3A_905 = tpu.vector_load %arg14[%swap3A_903, %swap3A_904] {strides = array<i32>} : memref<128x128xf32, #tpu.memory_space<vmem>>, vector<1x16xf32>,
        %swap3A_906 = vector.shape_cast %swap3A_905 : vector<1x16xf32> to vector<16xf32>
        %swap3A_907 = vector.shape_cast %mul3A_900 : vector<16xf32> to vector<1x16xf32>
        tpu.vector_store %arg14[%swap3A_903, %swap3A_904], %swap3A_907 {strides = array<i32>} : memref<128x128xf32, #tpu.memory_space<vmem>>, vector<1x16xf32>,
        %add3A_908 = arith.constant 7 : i32
        %add3A_909 = arith.addi %mul3A_79, %add3A_908 : i32
        %get3A_910 = arith.index_cast %add3A_909 : i32 to index
        %get3A_911 = arith.constant 16 : index
        %get3A_912 = tpu.vector_load %arg14[%get3A_910, %get3A_911] {strides = array<i32>} : memref<128x128xf32, #tpu.memory_space<vmem>>, vector<1x16xf32>,
        %get3A_913 = vector.shape_cast %get3A_912 : vector<1x16xf32> to vector<16xf32>
        %mul3A_914 = arith.mulf %get3A_913, %gather3A_893 : vector<16xf32>
        %add3A_915 = arith.constant 7 : i32
        %add3A_916 = arith.addi %mul3A_79, %add3A_915 : i32
        %swap3A_917 = arith.index_cast %add3A_916 : i32 to index
        %swap3A_918 = arith.constant 16 : index
        %swap3A_919 = tpu.vector_load %arg14[%swap3A_917, %swap3A_918] {strides = array<i32>} : memref<128x128xf32, #tpu.memory_space<vmem>>, vector<1x16xf32>,
        %swap3A_920 = vector.shape_cast %swap3A_919 : vector<1x16xf32> to vector<16xf32>
        %swap3A_921 = vector.shape_cast %mul3A_914 : vector<16xf32> to vector<1x16xf32>
        tpu.vector_store %arg14[%swap3A_917, %swap3A_918], %swap3A_921 {strides = array<i32>} : memref<128x128xf32, #tpu.memory_space<vmem>>, vector<1x16xf32>,
        %add3A_922 = arith.constant 7 : i32
        %add3A_923 = arith.addi %mul3A_79, %add3A_922 : i32
        %get3A_924 = arith.index_cast %add3A_923 : i32 to index
        %get3A_925 = arith.constant 32 : index
        %get3A_926 = tpu.vector_load %arg14[%get3A_924, %get3A_925] {strides = array<i32>} : memref<128x128xf32, #tpu.memory_space<vmem>>, vector<1x16xf32>,
        %get3A_927 = vector.shape_cast %get3A_926 : vector<1x16xf32> to vector<16xf32>
        %mul3A_928 = arith.mulf %get3A_927, %gather3A_893 : vector<16xf32>
        %add3A_929 = arith.constant 7 : i32
        %add3A_930 = arith.addi %mul3A_79, %add3A_929 : i32
        %swap3A_931 = arith.index_cast %add3A_930 : i32 to index
        %swap3A_932 = arith.constant 32 : index
        %swap3A_933 = tpu.vector_load %arg14[%swap3A_931, %swap3A_932] {strides = array<i32>} : memref<128x128xf32, #tpu.memory_space<vmem>>, vector<1x16xf32>,
        %swap3A_934 = vector.shape_cast %swap3A_933 : vector<1x16xf32> to vector<16xf32>
        %swap3A_935 = vector.shape_cast %mul3A_928 : vector<16xf32> to vector<1x16xf32>
        tpu.vector_store %arg14[%swap3A_931, %swap3A_932], %swap3A_935 {strides = array<i32>} : memref<128x128xf32, #tpu.memory_space<vmem>>, vector<1x16xf32>,
        %add3A_936 = arith.constant 7 : i32
        %add3A_937 = arith.addi %mul3A_79, %add3A_936 : i32
        %get3A_938 = arith.index_cast %add3A_937 : i32 to index
        %get3A_939 = arith.constant 48 : index
        %get3A_940 = tpu.vector_load %arg14[%get3A_938, %get3A_939] {strides = array<i32>} : memref<128x128xf32, #tpu.memory_space<vmem>>, vector<1x16xf32>,
        %get3A_941 = vector.shape_cast %get3A_940 : vector<1x16xf32> to vector<16xf32>
        %mul3A_942 = arith.mulf %get3A_941, %gather3A_893 : vector<16xf32>
        %add3A_943 = arith.constant 7 : i32
        %add3A_944 = arith.addi %mul3A_79, %add3A_943 : i32
        %swap3A_945 = arith.index_cast %add3A_944 : i32 to index
        %swap3A_946 = arith.constant 48 : index
        %swap3A_947 = tpu.vector_load %arg14[%swap3A_945, %swap3A_946] {strides = array<i32>} : memref<128x128xf32, #tpu.memory_space<vmem>>, vector<1x16xf32>,
        %swap3A_948 = vector.shape_cast %swap3A_947 : vector<1x16xf32> to vector<16xf32>
        %swap3A_949 = vector.shape_cast %mul3A_942 : vector<16xf32> to vector<1x16xf32>
        tpu.vector_store %arg14[%swap3A_945, %swap3A_946], %swap3A_949 {strides = array<i32>} : memref<128x128xf32, #tpu.memory_space<vmem>>, vector<1x16xf32>,
        %add3A_950 = arith.constant 7 : i32
        %add3A_951 = arith.addi %mul3A_79, %add3A_950 : i32
        %get3A_952 = arith.index_cast %add3A_951 : i32 to index
        %get3A_953 = arith.constant 64 : index
        %get3A_954 = tpu.vector_load %arg14[%get3A_952, %get3A_953] {strides = array<i32>} : memref<128x128xf32, #tpu.memory_space<vmem>>, vector<1x16xf32>,
        %get3A_955 = vector.shape_cast %get3A_954 : vector<1x16xf32> to vector<16xf32>
        %mul3A_956 = arith.mulf %get3A_955, %gather3A_893 : vector<16xf32>
        %add3A_957 = arith.constant 7 : i32
        %add3A_958 = arith.addi %mul3A_79, %add3A_957 : i32
        %swap3A_959 = arith.index_cast %add3A_958 : i32 to index
        %swap3A_960 = arith.constant 64 : index
        %swap3A_961 = tpu.vector_load %arg14[%swap3A_959, %swap3A_960] {strides = array<i32>} : memref<128x128xf32, #tpu.memory_space<vmem>>, vector<1x16xf32>,
        %swap3A_962 = vector.shape_cast %swap3A_961 : vector<1x16xf32> to vector<16xf32>
        %swap3A_963 = vector.shape_cast %mul3A_956 : vector<16xf32> to vector<1x16xf32>
        tpu.vector_store %arg14[%swap3A_959, %swap3A_960], %swap3A_963 {strides = array<i32>} : memref<128x128xf32, #tpu.memory_space<vmem>>, vector<1x16xf32>,
        %add3A_964 = arith.constant 7 : i32
        %add3A_965 = arith.addi %mul3A_79, %add3A_964 : i32
        %get3A_966 = arith.index_cast %add3A_965 : i32 to index
        %get3A_967 = arith.constant 80 : index
        %get3A_968 = tpu.vector_load %arg14[%get3A_966, %get3A_967] {strides = array<i32>} : memref<128x128xf32, #tpu.memory_space<vmem>>, vector<1x16xf32>,
        %get3A_969 = vector.shape_cast %get3A_968 : vector<1x16xf32> to vector<16xf32>
        %mul3A_970 = arith.mulf %get3A_969, %gather3A_893 : vector<16xf32>
        %add3A_971 = arith.constant 7 : i32
        %add3A_972 = arith.addi %mul3A_79, %add3A_971 : i32
        %swap3A_973 = arith.index_cast %add3A_972 : i32 to index
        %swap3A_974 = arith.constant 80 : index
        %swap3A_975 = tpu.vector_load %arg14[%swap3A_973, %swap3A_974] {strides = array<i32>} : memref<128x128xf32, #tpu.memory_space<vmem>>, vector<1x16xf32>,
        %swap3A_976 = vector.shape_cast %swap3A_975 : vector<1x16xf32> to vector<16xf32>
        %swap3A_977 = vector.shape_cast %mul3A_970 : vector<16xf32> to vector<1x16xf32>
        tpu.vector_store %arg14[%swap3A_973, %swap3A_974], %swap3A_977 {strides = array<i32>} : memref<128x128xf32, #tpu.memory_space<vmem>>, vector<1x16xf32>,
        %add3A_978 = arith.constant 7 : i32
        %add3A_979 = arith.addi %mul3A_79, %add3A_978 : i32
        %get3A_980 = arith.index_cast %add3A_979 : i32 to index
        %get3A_981 = arith.constant 96 : index
        %get3A_982 = tpu.vector_load %arg14[%get3A_980, %get3A_981] {strides = array<i32>} : memref<128x128xf32, #tpu.memory_space<vmem>>, vector<1x16xf32>,
        %get3A_983 = vector.shape_cast %get3A_982 : vector<1x16xf32> to vector<16xf32>
        %mul3A_984 = arith.mulf %get3A_983, %gather3A_893 : vector<16xf32>
        %add3A_985 = arith.constant 7 : i32
        %add3A_986 = arith.addi %mul3A_79, %add3A_985 : i32
        %swap3A_987 = arith.index_cast %add3A_986 : i32 to index
        %swap3A_988 = arith.constant 96 : index
        %swap3A_989 = tpu.vector_load %arg14[%swap3A_987, %swap3A_988] {strides = array<i32>} : memref<128x128xf32, #tpu.memory_space<vmem>>, vector<1x16xf32>,
        %swap3A_990 = vector.shape_cast %swap3A_989 : vector<1x16xf32> to vector<16xf32>
        %swap3A_991 = vector.shape_cast %mul3A_984 : vector<16xf32> to vector<1x16xf32>
        tpu.vector_store %arg14[%swap3A_987, %swap3A_988], %swap3A_991 {strides = array<i32>} : memref<128x128xf32, #tpu.memory_space<vmem>>, vector<1x16xf32>,
        %add3A_992 = arith.constant 7 : i32
        %add3A_993 = arith.addi %mul3A_79, %add3A_992 : i32
        %get3A_994 = arith.index_cast %add3A_993 : i32 to index
        %get3A_995 = arith.constant 112 : index
        %get3A_996 = tpu.vector_load %arg14[%get3A_994, %get3A_995] {strides = array<i32>} : memref<128x128xf32, #tpu.memory_space<vmem>>, vector<1x16xf32>,
        %get3A_997 = vector.shape_cast %get3A_996 : vector<1x16xf32> to vector<16xf32>
        %mul3A_998 = arith.mulf %get3A_997, %gather3A_893 : vector<16xf32>
        %add3A_999 = arith.constant 7 : i32
        %add3A_1000 = arith.addi %mul3A_79, %add3A_999 : i32
        %swap3A_1001 = arith.index_cast %add3A_1000 : i32 to index
        %swap3A_1002 = arith.constant 112 : index
        %swap3A_1003 = tpu.vector_load %arg14[%swap3A_1001, %swap3A_1002] {strides = array<i32>} : memref<128x128xf32, #tpu.memory_space<vmem>>, vector<1x16xf32>,
        %swap3A_1004 = vector.shape_cast %swap3A_1003 : vector<1x16xf32> to vector<16xf32>
        %swap3A_1005 = vector.shape_cast %mul3A_998 : vector<16xf32> to vector<1x16xf32>
        tpu.vector_store %arg14[%swap3A_1001, %swap3A_1002], %swap3A_1005 {strides = array<i32>} : memref<128x128xf32, #tpu.memory_space<vmem>>, vector<1x16xf32>,
        %broadcast_in_dim3A_1006 = arith.constant 8 : i32
        %broadcast_in_dim3A_1007 = vector.broadcast %broadcast_in_dim3A_1006 : i32 to vector<16x1xi32>
        %gather3A_1008 = vector.shape_cast %broadcast_in_dim3A_1007 : vector<16x1xi32> to vector<16xi32>
        %gather3A_1009 = tpu.dynamic_gather %get3A_77[%gather3A_1008] in [0] : vector<16xf32>, vector<16xi32> -> vector<16xf32>
        %add3A_1010 = arith.constant 8 : i32
        %add3A_1011 = arith.addi %mul3A_79, %add3A_1010 : i32
        %get3A_1012 = arith.index_cast %add3A_1011 : i32 to index
        %get3A_1013 = arith.constant 0 : index
        %get3A_1014 = tpu.vector_load %arg14[%get3A_1012, %get3A_1013] {strides = array<i32>} : memref<128x128xf32, #tpu.memory_space<vmem>>, vector<1x16xf32>,
        %get3A_1015 = vector.shape_cast %get3A_1014 : vector<1x16xf32> to vector<16xf32>
        %mul3A_1016 = arith.mulf %get3A_1015, %gather3A_1009 : vector<16xf32>
        %add3A_1017 = arith.constant 8 : i32
        %add3A_1018 = arith.addi %mul3A_79, %add3A_1017 : i32
        %swap3A_1019 = arith.index_cast %add3A_1018 : i32 to index
        %swap3A_1020 = arith.constant 0 : index
        %swap3A_1021 = tpu.vector_load %arg14[%swap3A_1019, %swap3A_1020] {strides = array<i32>} : memref<128x128xf32, #tpu.memory_space<vmem>>, vector<1x16xf32>,
        %swap3A_1022 = vector.shape_cast %swap3A_1021 : vector<1x16xf32> to vector<16xf32>
        %swap3A_1023 = vector.shape_cast %mul3A_1016 : vector<16xf32> to vector<1x16xf32>
        tpu.vector_store %arg14[%swap3A_1019, %swap3A_1020], %swap3A_1023 {strides = array<i32>} : memref<128x128xf32, #tpu.memory_space<vmem>>, vector<1x16xf32>,
        %add3A_1024 = arith.constant 8 : i32
        %add3A_1025 = arith.addi %mul3A_79, %add3A_1024 : i32
        %get3A_1026 = arith.index_cast %add3A_1025 : i32 to index
        %get3A_1027 = arith.constant 16 : index
        %get3A_1028 = tpu.vector_load %arg14[%get3A_1026, %get3A_1027] {strides = array<i32>} : memref<128x128xf32, #tpu.memory_space<vmem>>, vector<1x16xf32>,
        %get3A_1029 = vector.shape_cast %get3A_1028 : vector<1x16xf32> to vector<16xf32>
        %mul3A_1030 = arith.mulf %get3A_1029, %gather3A_1009 : vector<16xf32>
        %add3A_1031 = arith.constant 8 : i32
        %add3A_1032 = arith.addi %mul3A_79, %add3A_1031 : i32
        %swap3A_1033 = arith.index_cast %add3A_1032 : i32 to index
        %swap3A_1034 = arith.constant 16 : index
        %swap3A_1035 = tpu.vector_load %arg14[%swap3A_1033, %swap3A_1034] {strides = array<i32>} : memref<128x128xf32, #tpu.memory_space<vmem>>, vector<1x16xf32>,
        %swap3A_1036 = vector.shape_cast %swap3A_1035 : vector<1x16xf32> to vector<16xf32>
        %swap3A_1037 = vector.shape_cast %mul3A_1030 : vector<16xf32> to vector<1x16xf32>
        tpu.vector_store %arg14[%swap3A_1033, %swap3A_1034], %swap3A_1037 {strides = array<i32>} : memref<128x128xf32, #tpu.memory_space<vmem>>, vector<1x16xf32>,
        %add3A_1038 = arith.constant 8 : i32
        %add3A_1039 = arith.addi %mul3A_79, %add3A_1038 : i32
        %get3A_1040 = arith.index_cast %add3A_1039 : i32 to index
        %get3A_1041 = arith.constant 32 : index
        %get3A_1042 = tpu.vector_load %arg14[%get3A_1040, %get3A_1041] {strides = array<i32>} : memref<128x128xf32, #tpu.memory_space<vmem>>, vector<1x16xf32>,
        %get3A_1043 = vector.shape_cast %get3A_1042 : vector<1x16xf32> to vector<16xf32>
        %mul3A_1044 = arith.mulf %get3A_1043, %gather3A_1009 : vector<16xf32>
        %add3A_1045 = arith.constant 8 : i32
        %add3A_1046 = arith.addi %mul3A_79, %add3A_1045 : i32
        %swap3A_1047 = arith.index_cast %add3A_1046 : i32 to index
        %swap3A_1048 = arith.constant 32 : index
        %swap3A_1049 = tpu.vector_load %arg14[%swap3A_1047, %swap3A_1048] {strides = array<i32>} : memref<128x128xf32, #tpu.memory_space<vmem>>, vector<1x16xf32>,
        %swap3A_1050 = vector.shape_cast %swap3A_1049 : vector<1x16xf32> to vector<16xf32>
        %swap3A_1051 = vector.shape_cast %mul3A_1044 : vector<16xf32> to vector<1x16xf32>
        tpu.vector_store %arg14[%swap3A_1047, %swap3A_1048], %swap3A_1051 {strides = array<i32>} : memref<128x128xf32, #tpu.memory_space<vmem>>, vector<1x16xf32>,
        %add3A_1052 = arith.constant 8 : i32
        %add3A_1053 = arith.addi %mul3A_79, %add3A_1052 : i32
        %get3A_1054 = arith.index_cast %add3A_1053 : i32 to index
        %get3A_1055 = arith.constant 48 : index
        %get3A_1056 = tpu.vector_load %arg14[%get3A_1054, %get3A_1055] {strides = array<i32>} : memref<128x128xf32, #tpu.memory_space<vmem>>, vector<1x16xf32>,
        %get3A_1057 = vector.shape_cast %get3A_1056 : vector<1x16xf32> to vector<16xf32>
        %mul3A_1058 = arith.mulf %get3A_1057, %gather3A_1009 : vector<16xf32>
        %add3A_1059 = arith.constant 8 : i32
        %add3A_1060 = arith.addi %mul3A_79, %add3A_1059 : i32
        %swap3A_1061 = arith.index_cast %add3A_1060 : i32 to index
        %swap3A_1062 = arith.constant 48 : index
        %swap3A_1063 = tpu.vector_load %arg14[%swap3A_1061, %swap3A_1062] {strides = array<i32>} : memref<128x128xf32, #tpu.memory_space<vmem>>, vector<1x16xf32>,
        %swap3A_1064 = vector.shape_cast %swap3A_1063 : vector<1x16xf32> to vector<16xf32>
        %swap3A_1065 = vector.shape_cast %mul3A_1058 : vector<16xf32> to vector<1x16xf32>
        tpu.vector_store %arg14[%swap3A_1061, %swap3A_1062], %swap3A_1065 {strides = array<i32>} : memref<128x128xf32, #tpu.memory_space<vmem>>, vector<1x16xf32>,
        %add3A_1066 = arith.constant 8 : i32
        %add3A_1067 = arith.addi %mul3A_79, %add3A_1066 : i32
        %get3A_1068 = arith.index_cast %add3A_1067 : i32 to index
        %get3A_1069 = arith.constant 64 : index
        %get3A_1070 = tpu.vector_load %arg14[%get3A_1068, %get3A_1069] {strides = array<i32>} : memref<128x128xf32, #tpu.memory_space<vmem>>, vector<1x16xf32>,
        %get3A_1071 = vector.shape_cast %get3A_1070 : vector<1x16xf32> to vector<16xf32>
        %mul3A_1072 = arith.mulf %get3A_1071, %gather3A_1009 : vector<16xf32>
        %add3A_1073 = arith.constant 8 : i32
        %add3A_1074 = arith.addi %mul3A_79, %add3A_1073 : i32
        %swap3A_1075 = arith.index_cast %add3A_1074 : i32 to index
        %swap3A_1076 = arith.constant 64 : index
        %swap3A_1077 = tpu.vector_load %arg14[%swap3A_1075, %swap3A_1076] {strides = array<i32>} : memref<128x128xf32, #tpu.memory_space<vmem>>, vector<1x16xf32>,
        %swap3A_1078 = vector.shape_cast %swap3A_1077 : vector<1x16xf32> to vector<16xf32>
        %swap3A_1079 = vector.shape_cast %mul3A_1072 : vector<16xf32> to vector<1x16xf32>
        tpu.vector_store %arg14[%swap3A_1075, %swap3A_1076], %swap3A_1079 {strides = array<i32>} : memref<128x128xf32, #tpu.memory_space<vmem>>, vector<1x16xf32>,
        %add3A_1080 = arith.constant 8 : i32
        %add3A_1081 = arith.addi %mul3A_79, %add3A_1080 : i32
        %get3A_1082 = arith.index_cast %add3A_1081 : i32 to index
        %get3A_1083 = arith.constant 80 : index
        %get3A_1084 = tpu.vector_load %arg14[%get3A_1082, %get3A_1083] {strides = array<i32>} : memref<128x128xf32, #tpu.memory_space<vmem>>, vector<1x16xf32>,
        %get3A_1085 = vector.shape_cast %get3A_1084 : vector<1x16xf32> to vector<16xf32>
        %mul3A_1086 = arith.mulf %get3A_1085, %gather3A_1009 : vector<16xf32>
        %add3A_1087 = arith.constant 8 : i32
        %add3A_1088 = arith.addi %mul3A_79, %add3A_1087 : i32
        %swap3A_1089 = arith.index_cast %add3A_1088 : i32 to index
        %swap3A_1090 = arith.constant 80 : index
        %swap3A_1091 = tpu.vector_load %arg14[%swap3A_1089, %swap3A_1090] {strides = array<i32>} : memref<128x128xf32, #tpu.memory_space<vmem>>, vector<1x16xf32>,
        %swap3A_1092 = vector.shape_cast %swap3A_1091 : vector<1x16xf32> to vector<16xf32>
        %swap3A_1093 = vector.shape_cast %mul3A_1086 : vector<16xf32> to vector<1x16xf32>
        tpu.vector_store %arg14[%swap3A_1089, %swap3A_1090], %swap3A_1093 {strides = array<i32>} : memref<128x128xf32, #tpu.memory_space<vmem>>, vector<1x16xf32>,
        %add3A_1094 = arith.constant 8 : i32
        %add3A_1095 = arith.addi %mul3A_79, %add3A_1094 : i32
        %get3A_1096 = arith.index_cast %add3A_1095 : i32 to index
        %get3A_1097 = arith.constant 96 : index
        %get3A_1098 = tpu.vector_load %arg14[%get3A_1096, %get3A_1097] {strides = array<i32>} : memref<128x128xf32, #tpu.memory_space<vmem>>, vector<1x16xf32>,
        %get3A_1099 = vector.shape_cast %get3A_1098 : vector<1x16xf32> to vector<16xf32>
        %mul3A_1100 = arith.mulf %get3A_1099, %gather3A_1009 : vector<16xf32>
        %add3A_1101 = arith.constant 8 : i32
        %add3A_1102 = arith.addi %mul3A_79, %add3A_1101 : i32
        %swap3A_1103 = arith.index_cast %add3A_1102 : i32 to index
        %swap3A_1104 = arith.constant 96 : index
        %swap3A_1105 = tpu.vector_load %arg14[%swap3A_1103, %swap3A_1104] {strides = array<i32>} : memref<128x128xf32, #tpu.memory_space<vmem>>, vector<1x16xf32>,
        %swap3A_1106 = vector.shape_cast %swap3A_1105 : vector<1x16xf32> to vector<16xf32>
        %swap3A_1107 = vector.shape_cast %mul3A_1100 : vector<16xf32> to vector<1x16xf32>
        tpu.vector_store %arg14[%swap3A_1103, %swap3A_1104], %swap3A_1107 {strides = array<i32>} : memref<128x128xf32, #tpu.memory_space<vmem>>, vector<1x16xf32>,
        %add3A_1108 = arith.constant 8 : i32
        %add3A_1109 = arith.addi %mul3A_79, %add3A_1108 : i32
        %get3A_1110 = arith.index_cast %add3A_1109 : i32 to index
        %get3A_1111 = arith.constant 112 : index
        %get3A_1112 = tpu.vector_load %arg14[%get3A_1110, %get3A_1111] {strides = array<i32>} : memref<128x128xf32, #tpu.memory_space<vmem>>, vector<1x16xf32>,
        %get3A_1113 = vector.shape_cast %get3A_1112 : vector<1x16xf32> to vector<16xf32>
        %mul3A_1114 = arith.mulf %get3A_1113, %gather3A_1009 : vector<16xf32>
        %add3A_1115 = arith.constant 8 : i32
        %add3A_1116 = arith.addi %mul3A_79, %add3A_1115 : i32
        %swap3A_1117 = arith.index_cast %add3A_1116 : i32 to index
        %swap3A_1118 = arith.constant 112 : index
        %swap3A_1119 = tpu.vector_load %arg14[%swap3A_1117, %swap3A_1118] {strides = array<i32>} : memref<128x128xf32, #tpu.memory_space<vmem>>, vector<1x16xf32>,
        %swap3A_1120 = vector.shape_cast %swap3A_1119 : vector<1x16xf32> to vector<16xf32>
        %swap3A_1121 = vector.shape_cast %mul3A_1114 : vector<16xf32> to vector<1x16xf32>
        tpu.vector_store %arg14[%swap3A_1117, %swap3A_1118], %swap3A_1121 {strides = array<i32>} : memref<128x128xf32, #tpu.memory_space<vmem>>, vector<1x16xf32>,
        %broadcast_in_dim3A_1122 = arith.constant 9 : i32
        %broadcast_in_dim3A_1123 = vector.broadcast %broadcast_in_dim3A_1122 : i32 to vector<16x1xi32>
        %gather3A_1124 = vector.shape_cast %broadcast_in_dim3A_1123 : vector<16x1xi32> to vector<16xi32>
        %gather3A_1125 = tpu.dynamic_gather %get3A_77[%gather3A_1124] in [0] : vector<16xf32>, vector<16xi32> -> vector<16xf32>
        %add3A_1126 = arith.constant 9 : i32
        %add3A_1127 = arith.addi %mul3A_79, %add3A_1126 : i32
        %get3A_1128 = arith.index_cast %add3A_1127 : i32 to index
        %get3A_1129 = arith.constant 0 : index
        %get3A_1130 = tpu.vector_load %arg14[%get3A_1128, %get3A_1129] {strides = array<i32>} : memref<128x128xf32, #tpu.memory_space<vmem>>, vector<1x16xf32>,
        %get3A_1131 = vector.shape_cast %get3A_1130 : vector<1x16xf32> to vector<16xf32>
        %mul3A_1132 = arith.mulf %get3A_1131, %gather3A_1125 : vector<16xf32>
        %add3A_1133 = arith.constant 9 : i32
        %add3A_1134 = arith.addi %mul3A_79, %add3A_1133 : i32
        %swap3A_1135 = arith.index_cast %add3A_1134 : i32 to index
        %swap3A_1136 = arith.constant 0 : index
        %swap3A_1137 = tpu.vector_load %arg14[%swap3A_1135, %swap3A_1136] {strides = array<i32>} : memref<128x128xf32, #tpu.memory_space<vmem>>, vector<1x16xf32>,
        %swap3A_1138 = vector.shape_cast %swap3A_1137 : vector<1x16xf32> to vector<16xf32>
        %swap3A_1139 = vector.shape_cast %mul3A_1132 : vector<16xf32> to vector<1x16xf32>
        tpu.vector_store %arg14[%swap3A_1135, %swap3A_1136], %swap3A_1139 {strides = array<i32>} : memref<128x128xf32, #tpu.memory_space<vmem>>, vector<1x16xf32>,
        %add3A_1140 = arith.constant 9 : i32
        %add3A_1141 = arith.addi %mul3A_79, %add3A_1140 : i32
        %get3A_1142 = arith.index_cast %add3A_1141 : i32 to index
        %get3A_1143 = arith.constant 16 : index
        %get3A_1144 = tpu.vector_load %arg14[%get3A_1142, %get3A_1143] {strides = array<i32>} : memref<128x128xf32, #tpu.memory_space<vmem>>, vector<1x16xf32>,
        %get3A_1145 = vector.shape_cast %get3A_1144 : vector<1x16xf32> to vector<16xf32>
        %mul3A_1146 = arith.mulf %get3A_1145, %gather3A_1125 : vector<16xf32>
        %add3A_1147 = arith.constant 9 : i32
        %add3A_1148 = arith.addi %mul3A_79, %add3A_1147 : i32
        %swap3A_1149 = arith.index_cast %add3A_1148 : i32 to index
        %swap3A_1150 = arith.constant 16 : index
        %swap3A_1151 = tpu.vector_load %arg14[%swap3A_1149, %swap3A_1150] {strides = array<i32>} : memref<128x128xf32, #tpu.memory_space<vmem>>, vector<1x16xf32>,
        %swap3A_1152 = vector.shape_cast %swap3A_1151 : vector<1x16xf32> to vector<16xf32>
        %swap3A_1153 = vector.shape_cast %mul3A_1146 : vector<16xf32> to vector<1x16xf32>
        tpu.vector_store %arg14[%swap3A_1149, %swap3A_1150], %swap3A_1153 {strides = array<i32>} : memref<128x128xf32, #tpu.memory_space<vmem>>, vector<1x16xf32>,
        %add3A_1154 = arith.constant 9 : i32
        %add3A_1155 = arith.addi %mul3A_79, %add3A_1154 : i32
        %get3A_1156 = arith.index_cast %add3A_1155 : i32 to index
        %get3A_1157 = arith.constant 32 : index
        %get3A_1158 = tpu.vector_load %arg14[%get3A_1156, %get3A_1157] {strides = array<i32>} : memref<128x128xf32, #tpu.memory_space<vmem>>, vector<1x16xf32>,
        %get3A_1159 = vector.shape_cast %get3A_1158 : vector<1x16xf32> to vector<16xf32>
        %mul3A_1160 = arith.mulf %get3A_1159, %gather3A_1125 : vector<16xf32>
        %add3A_1161 = arith.constant 9 : i32
        %add3A_1162 = arith.addi %mul3A_79, %add3A_1161 : i32
        %swap3A_1163 = arith.index_cast %add3A_1162 : i32 to index
        %swap3A_1164 = arith.constant 32 : index
        %swap3A_1165 = tpu.vector_load %arg14[%swap3A_1163, %swap3A_1164] {strides = array<i32>} : memref<128x128xf32, #tpu.memory_space<vmem>>, vector<1x16xf32>,
        %swap3A_1166 = vector.shape_cast %swap3A_1165 : vector<1x16xf32> to vector<16xf32>
        %swap3A_1167 = vector.shape_cast %mul3A_1160 : vector<16xf32> to vector<1x16xf32>
        tpu.vector_store %arg14[%swap3A_1163, %swap3A_1164], %swap3A_1167 {strides = array<i32>} : memref<128x128xf32, #tpu.memory_space<vmem>>, vector<1x16xf32>,
        %add3A_1168 = arith.constant 9 : i32
        %add3A_1169 = arith.addi %mul3A_79, %add3A_1168 : i32
        %get3A_1170 = arith.index_cast %add3A_1169 : i32 to index
        %get3A_1171 = arith.constant 48 : index
        %get3A_1172 = tpu.vector_load %arg14[%get3A_1170, %get3A_1171] {strides = array<i32>} : memref<128x128xf32, #tpu.memory_space<vmem>>, vector<1x16xf32>,
        %get3A_1173 = vector.shape_cast %get3A_1172 : vector<1x16xf32> to vector<16xf32>
        %mul3A_1174 = arith.mulf %get3A_1173, %gather3A_1125 : vector<16xf32>
        %add3A_1175 = arith.constant 9 : i32
        %add3A_1176 = arith.addi %mul3A_79, %add3A_1175 : i32
        %swap3A_1177 = arith.index_cast %add3A_1176 : i32 to index
        %swap3A_1178 = arith.constant 48 : index
        %swap3A_1179 = tpu.vector_load %arg14[%swap3A_1177, %swap3A_1178] {strides = array<i32>} : memref<128x128xf32, #tpu.memory_space<vmem>>, vector<1x16xf32>,
        %swap3A_1180 = vector.shape_cast %swap3A_1179 : vector<1x16xf32> to vector<16xf32>
        %swap3A_1181 = vector.shape_cast %mul3A_1174 : vector<16xf32> to vector<1x16xf32>
        tpu.vector_store %arg14[%swap3A_1177, %swap3A_1178], %swap3A_1181 {strides = array<i32>} : memref<128x128xf32, #tpu.memory_space<vmem>>, vector<1x16xf32>,
        %add3A_1182 = arith.constant 9 : i32
        %add3A_1183 = arith.addi %mul3A_79, %add3A_1182 : i32
        %get3A_1184 = arith.index_cast %add3A_1183 : i32 to index
        %get3A_1185 = arith.constant 64 : index
        %get3A_1186 = tpu.vector_load %arg14[%get3A_1184, %get3A_1185] {strides = array<i32>} : memref<128x128xf32, #tpu.memory_space<vmem>>, vector<1x16xf32>,
        %get3A_1187 = vector.shape_cast %get3A_1186 : vector<1x16xf32> to vector<16xf32>
        %mul3A_1188 = arith.mulf %get3A_1187, %gather3A_1125 : vector<16xf32>
        %add3A_1189 = arith.constant 9 : i32
        %add3A_1190 = arith.addi %mul3A_79, %add3A_1189 : i32
        %swap3A_1191 = arith.index_cast %add3A_1190 : i32 to index
        %swap3A_1192 = arith.constant 64 : index
        %swap3A_1193 = tpu.vector_load %arg14[%swap3A_1191, %swap3A_1192] {strides = array<i32>} : memref<128x128xf32, #tpu.memory_space<vmem>>, vector<1x16xf32>,
        %swap3A_1194 = vector.shape_cast %swap3A_1193 : vector<1x16xf32> to vector<16xf32>
        %swap3A_1195 = vector.shape_cast %mul3A_1188 : vector<16xf32> to vector<1x16xf32>
        tpu.vector_store %arg14[%swap3A_1191, %swap3A_1192], %swap3A_1195 {strides = array<i32>} : memref<128x128xf32, #tpu.memory_space<vmem>>, vector<1x16xf32>,
        %add3A_1196 = arith.constant 9 : i32
        %add3A_1197 = arith.addi %mul3A_79, %add3A_1196 : i32
        %get3A_1198 = arith.index_cast %add3A_1197 : i32 to index
        %get3A_1199 = arith.constant 80 : index
        %get3A_1200 = tpu.vector_load %arg14[%get3A_1198, %get3A_1199] {strides = array<i32>} : memref<128x128xf32, #tpu.memory_space<vmem>>, vector<1x16xf32>,
        %get3A_1201 = vector.shape_cast %get3A_1200 : vector<1x16xf32> to vector<16xf32>
        %mul3A_1202 = arith.mulf %get3A_1201, %gather3A_1125 : vector<16xf32>
        %add3A_1203 = arith.constant 9 : i32
        %add3A_1204 = arith.addi %mul3A_79, %add3A_1203 : i32
        %swap3A_1205 = arith.index_cast %add3A_1204 : i32 to index
        %swap3A_1206 = arith.constant 80 : index
        %swap3A_1207 = tpu.vector_load %arg14[%swap3A_1205, %swap3A_1206] {strides = array<i32>} : memref<128x128xf32, #tpu.memory_space<vmem>>, vector<1x16xf32>,
        %swap3A_1208 = vector.shape_cast %swap3A_1207 : vector<1x16xf32> to vector<16xf32>
        %swap3A_1209 = vector.shape_cast %mul3A_1202 : vector<16xf32> to vector<1x16xf32>
        tpu.vector_store %arg14[%swap3A_1205, %swap3A_1206], %swap3A_1209 {strides = array<i32>} : memref<128x128xf32, #tpu.memory_space<vmem>>, vector<1x16xf32>,
        %add3A_1210 = arith.constant 9 : i32
        %add3A_1211 = arith.addi %mul3A_79, %add3A_1210 : i32
        %get3A_1212 = arith.index_cast %add3A_1211 : i32 to index
        %get3A_1213 = arith.constant 96 : index
        %get3A_1214 = tpu.vector_load %arg14[%get3A_1212, %get3A_1213] {strides = array<i32>} : memref<128x128xf32, #tpu.memory_space<vmem>>, vector<1x16xf32>,
        %get3A_1215 = vector.shape_cast %get3A_1214 : vector<1x16xf32> to vector<16xf32>
        %mul3A_1216 = arith.mulf %get3A_1215, %gather3A_1125 : vector<16xf32>
        %add3A_1217 = arith.constant 9 : i32
        %add3A_1218 = arith.addi %mul3A_79, %add3A_1217 : i32
        %swap3A_1219 = arith.index_cast %add3A_1218 : i32 to index
        %swap3A_1220 = arith.constant 96 : index
        %swap3A_1221 = tpu.vector_load %arg14[%swap3A_1219, %swap3A_1220] {strides = array<i32>} : memref<128x128xf32, #tpu.memory_space<vmem>>, vector<1x16xf32>,
        %swap3A_1222 = vector.shape_cast %swap3A_1221 : vector<1x16xf32> to vector<16xf32>
        %swap3A_1223 = vector.shape_cast %mul3A_1216 : vector<16xf32> to vector<1x16xf32>
        tpu.vector_store %arg14[%swap3A_1219, %swap3A_1220], %swap3A_1223 {strides = array<i32>} : memref<128x128xf32, #tpu.memory_space<vmem>>, vector<1x16xf32>,
        %add3A_1224 = arith.constant 9 : i32
        %add3A_1225 = arith.addi %mul3A_79, %add3A_1224 : i32
        %get3A_1226 = arith.index_cast %add3A_1225 : i32 to index
        %get3A_1227 = arith.constant 112 : index
        %get3A_1228 = tpu.vector_load %arg14[%get3A_1226, %get3A_1227] {strides = array<i32>} : memref<128x128xf32, #tpu.memory_space<vmem>>, vector<1x16xf32>,
        %get3A_1229 = vector.shape_cast %get3A_1228 : vector<1x16xf32> to vector<16xf32>
        %mul3A_1230 = arith.mulf %get3A_1229, %gather3A_1125 : vector<16xf32>
        %add3A_1231 = arith.constant 9 : i32
        %add3A_1232 = arith.addi %mul3A_79, %add3A_1231 : i32
        %swap3A_1233 = arith.index_cast %add3A_1232 : i32 to index
        %swap3A_1234 = arith.constant 112 : index
        %swap3A_1235 = tpu.vector_load %arg14[%swap3A_1233, %swap3A_1234] {strides = array<i32>} : memref<128x128xf32, #tpu.memory_space<vmem>>, vector<1x16xf32>,
        %swap3A_1236 = vector.shape_cast %swap3A_1235 : vector<1x16xf32> to vector<16xf32>
        %swap3A_1237 = vector.shape_cast %mul3A_1230 : vector<16xf32> to vector<1x16xf32>
        tpu.vector_store %arg14[%swap3A_1233, %swap3A_1234], %swap3A_1237 {strides = array<i32>} : memref<128x128xf32, #tpu.memory_space<vmem>>, vector<1x16xf32>,
        %broadcast_in_dim3A_1238 = arith.constant 10 : i32
        %broadcast_in_dim3A_1239 = vector.broadcast %broadcast_in_dim3A_1238 : i32 to vector<16x1xi32>
        %gather3A_1240 = vector.shape_cast %broadcast_in_dim3A_1239 : vector<16x1xi32> to vector<16xi32>
        %gather3A_1241 = tpu.dynamic_gather %get3A_77[%gather3A_1240] in [0] : vector<16xf32>, vector<16xi32> -> vector<16xf32>
        %add3A_1242 = arith.constant 10 : i32
        %add3A_1243 = arith.addi %mul3A_79, %add3A_1242 : i32
        %get3A_1244 = arith.index_cast %add3A_1243 : i32 to index
        %get3A_1245 = arith.constant 0 : index
        %get3A_1246 = tpu.vector_load %arg14[%get3A_1244, %get3A_1245] {strides = array<i32>} : memref<128x128xf32, #tpu.memory_space<vmem>>, vector<1x16xf32>,
        %get3A_1247 = vector.shape_cast %get3A_1246 : vector<1x16xf32> to vector<16xf32>
        %mul3A_1248 = arith.mulf %get3A_1247, %gather3A_1241 : vector<16xf32>
        %add3A_1249 = arith.constant 10 : i32
        %add3A_1250 = arith.addi %mul3A_79, %add3A_1249 : i32
        %swap3A_1251 = arith.index_cast %add3A_1250 : i32 to index
        %swap3A_1252 = arith.constant 0 : index
        %swap3A_1253 = tpu.vector_load %arg14[%swap3A_1251, %swap3A_1252] {strides = array<i32>} : memref<128x128xf32, #tpu.memory_space<vmem>>, vector<1x16xf32>,
        %swap3A_1254 = vector.shape_cast %swap3A_1253 : vector<1x16xf32> to vector<16xf32>
        %swap3A_1255 = vector.shape_cast %mul3A_1248 : vector<16xf32> to vector<1x16xf32>
        tpu.vector_store %arg14[%swap3A_1251, %swap3A_1252], %swap3A_1255 {strides = array<i32>} : memref<128x128xf32, #tpu.memory_space<vmem>>, vector<1x16xf32>,
        %add3A_1256 = arith.constant 10 : i32
        %add3A_1257 = arith.addi %mul3A_79, %add3A_1256 : i32
        %get3A_1258 = arith.index_cast %add3A_1257 : i32 to index
        %get3A_1259 = arith.constant 16 : index
        %get3A_1260 = tpu.vector_load %arg14[%get3A_1258, %get3A_1259] {strides = array<i32>} : memref<128x128xf32, #tpu.memory_space<vmem>>, vector<1x16xf32>,
        %get3A_1261 = vector.shape_cast %get3A_1260 : vector<1x16xf32> to vector<16xf32>
        %mul3A_1262 = arith.mulf %get3A_1261, %gather3A_1241 : vector<16xf32>
        %add3A_1263 = arith.constant 10 : i32
        %add3A_1264 = arith.addi %mul3A_79, %add3A_1263 : i32
        %swap3A_1265 = arith.index_cast %add3A_1264 : i32 to index
        %swap3A_1266 = arith.constant 16 : index
        %swap3A_1267 = tpu.vector_load %arg14[%swap3A_1265, %swap3A_1266] {strides = array<i32>} : memref<128x128xf32, #tpu.memory_space<vmem>>, vector<1x16xf32>,
        %swap3A_1268 = vector.shape_cast %swap3A_1267 : vector<1x16xf32> to vector<16xf32>
        %swap3A_1269 = vector.shape_cast %mul3A_1262 : vector<16xf32> to vector<1x16xf32>
        tpu.vector_store %arg14[%swap3A_1265, %swap3A_1266], %swap3A_1269 {strides = array<i32>} : memref<128x128xf32, #tpu.memory_space<vmem>>, vector<1x16xf32>,
        %add3A_1270 = arith.constant 10 : i32
        %add3A_1271 = arith.addi %mul3A_79, %add3A_1270 : i32
        %get3A_1272 = arith.index_cast %add3A_1271 : i32 to index
        %get3A_1273 = arith.constant 32 : index
        %get3A_1274 = tpu.vector_load %arg14[%get3A_1272, %get3A_1273] {strides = array<i32>} : memref<128x128xf32, #tpu.memory_space<vmem>>, vector<1x16xf32>,
        %get3A_1275 = vector.shape_cast %get3A_1274 : vector<1x16xf32> to vector<16xf32>
        %mul3A_1276 = arith.mulf %get3A_1275, %gather3A_1241 : vector<16xf32>
        %add3A_1277 = arith.constant 10 : i32
        %add3A_1278 = arith.addi %mul3A_79, %add3A_1277 : i32
        %swap3A_1279 = arith.index_cast %add3A_1278 : i32 to index
        %swap3A_1280 = arith.constant 32 : index
        %swap3A_1281 = tpu.vector_load %arg14[%swap3A_1279, %swap3A_1280] {strides = array<i32>} : memref<128x128xf32, #tpu.memory_space<vmem>>, vector<1x16xf32>,
        %swap3A_1282 = vector.shape_cast %swap3A_1281 : vector<1x16xf32> to vector<16xf32>
        %swap3A_1283 = vector.shape_cast %mul3A_1276 : vector<16xf32> to vector<1x16xf32>
        tpu.vector_store %arg14[%swap3A_1279, %swap3A_1280], %swap3A_1283 {strides = array<i32>} : memref<128x128xf32, #tpu.memory_space<vmem>>, vector<1x16xf32>,
        %add3A_1284 = arith.constant 10 : i32
        %add3A_1285 = arith.addi %mul3A_79, %add3A_1284 : i32
        %get3A_1286 = arith.index_cast %add3A_1285 : i32 to index
        %get3A_1287 = arith.constant 48 : index
        %get3A_1288 = tpu.vector_load %arg14[%get3A_1286, %get3A_1287] {strides = array<i32>} : memref<128x128xf32, #tpu.memory_space<vmem>>, vector<1x16xf32>,
        %get3A_1289 = vector.shape_cast %get3A_1288 : vector<1x16xf32> to vector<16xf32>
        %mul3A_1290 = arith.mulf %get3A_1289, %gather3A_1241 : vector<16xf32>
        %add3A_1291 = arith.constant 10 : i32
        %add3A_1292 = arith.addi %mul3A_79, %add3A_1291 : i32
        %swap3A_1293 = arith.index_cast %add3A_1292 : i32 to index
        %swap3A_1294 = arith.constant 48 : index
        %swap3A_1295 = tpu.vector_load %arg14[%swap3A_1293, %swap3A_1294] {strides = array<i32>} : memref<128x128xf32, #tpu.memory_space<vmem>>, vector<1x16xf32>,
        %swap3A_1296 = vector.shape_cast %swap3A_1295 : vector<1x16xf32> to vector<16xf32>
        %swap3A_1297 = vector.shape_cast %mul3A_1290 : vector<16xf32> to vector<1x16xf32>
        tpu.vector_store %arg14[%swap3A_1293, %swap3A_1294], %swap3A_1297 {strides = array<i32>} : memref<128x128xf32, #tpu.memory_space<vmem>>, vector<1x16xf32>,
        %add3A_1298 = arith.constant 10 : i32
        %add3A_1299 = arith.addi %mul3A_79, %add3A_1298 : i32
        %get3A_1300 = arith.index_cast %add3A_1299 : i32 to index
        %get3A_1301 = arith.constant 64 : index
        %get3A_1302 = tpu.vector_load %arg14[%get3A_1300, %get3A_1301] {strides = array<i32>} : memref<128x128xf32, #tpu.memory_space<vmem>>, vector<1x16xf32>,
        %get3A_1303 = vector.shape_cast %get3A_1302 : vector<1x16xf32> to vector<16xf32>
        %mul3A_1304 = arith.mulf %get3A_1303, %gather3A_1241 : vector<16xf32>
        %add3A_1305 = arith.constant 10 : i32
        %add3A_1306 = arith.addi %mul3A_79, %add3A_1305 : i32
        %swap3A_1307 = arith.index_cast %add3A_1306 : i32 to index
        %swap3A_1308 = arith.constant 64 : index
        %swap3A_1309 = tpu.vector_load %arg14[%swap3A_1307, %swap3A_1308] {strides = array<i32>} : memref<128x128xf32, #tpu.memory_space<vmem>>, vector<1x16xf32>,
        %swap3A_1310 = vector.shape_cast %swap3A_1309 : vector<1x16xf32> to vector<16xf32>
        %swap3A_1311 = vector.shape_cast %mul3A_1304 : vector<16xf32> to vector<1x16xf32>
        tpu.vector_store %arg14[%swap3A_1307, %swap3A_1308], %swap3A_1311 {strides = array<i32>} : memref<128x128xf32, #tpu.memory_space<vmem>>, vector<1x16xf32>,
        %add3A_1312 = arith.constant 10 : i32
        %add3A_1313 = arith.addi %mul3A_79, %add3A_1312 : i32
        %get3A_1314 = arith.index_cast %add3A_1313 : i32 to index
        %get3A_1315 = arith.constant 80 : index
        %get3A_1316 = tpu.vector_load %arg14[%get3A_1314, %get3A_1315] {strides = array<i32>} : memref<128x128xf32, #tpu.memory_space<vmem>>, vector<1x16xf32>,
        %get3A_1317 = vector.shape_cast %get3A_1316 : vector<1x16xf32> to vector<16xf32>
        %mul3A_1318 = arith.mulf %get3A_1317, %gather3A_1241 : vector<16xf32>
        %add3A_1319 = arith.constant 10 : i32
        %add3A_1320 = arith.addi %mul3A_79, %add3A_1319 : i32
        %swap3A_1321 = arith.index_cast %add3A_1320 : i32 to index
        %swap3A_1322 = arith.constant 80 : index
        %swap3A_1323 = tpu.vector_load %arg14[%swap3A_1321, %swap3A_1322] {strides = array<i32>} : memref<128x128xf32, #tpu.memory_space<vmem>>, vector<1x16xf32>,
        %swap3A_1324 = vector.shape_cast %swap3A_1323 : vector<1x16xf32> to vector<16xf32>
        %swap3A_1325 = vector.shape_cast %mul3A_1318 : vector<16xf32> to vector<1x16xf32>
        tpu.vector_store %arg14[%swap3A_1321, %swap3A_1322], %swap3A_1325 {strides = array<i32>} : memref<128x128xf32, #tpu.memory_space<vmem>>, vector<1x16xf32>,
        %add3A_1326 = arith.constant 10 : i32
        %add3A_1327 = arith.addi %mul3A_79, %add3A_1326 : i32
        %get3A_1328 = arith.index_cast %add3A_1327 : i32 to index
        %get3A_1329 = arith.constant 96 : index
        %get3A_1330 = tpu.vector_load %arg14[%get3A_1328, %get3A_1329] {strides = array<i32>} : memref<128x128xf32, #tpu.memory_space<vmem>>, vector<1x16xf32>,
        %get3A_1331 = vector.shape_cast %get3A_1330 : vector<1x16xf32> to vector<16xf32>
        %mul3A_1332 = arith.mulf %get3A_1331, %gather3A_1241 : vector<16xf32>
        %add3A_1333 = arith.constant 10 : i32
        %add3A_1334 = arith.addi %mul3A_79, %add3A_1333 : i32
        %swap3A_1335 = arith.index_cast %add3A_1334 : i32 to index
        %swap3A_1336 = arith.constant 96 : index
        %swap3A_1337 = tpu.vector_load %arg14[%swap3A_1335, %swap3A_1336] {strides = array<i32>} : memref<128x128xf32, #tpu.memory_space<vmem>>, vector<1x16xf32>,
        %swap3A_1338 = vector.shape_cast %swap3A_1337 : vector<1x16xf32> to vector<16xf32>
        %swap3A_1339 = vector.shape_cast %mul3A_1332 : vector<16xf32> to vector<1x16xf32>
        tpu.vector_store %arg14[%swap3A_1335, %swap3A_1336], %swap3A_1339 {strides = array<i32>} : memref<128x128xf32, #tpu.memory_space<vmem>>, vector<1x16xf32>,
        %add3A_1340 = arith.constant 10 : i32
        %add3A_1341 = arith.addi %mul3A_79, %add3A_1340 : i32
        %get3A_1342 = arith.index_cast %add3A_1341 : i32 to index
        %get3A_1343 = arith.constant 112 : index
        %get3A_1344 = tpu.vector_load %arg14[%get3A_1342, %get3A_1343] {strides = array<i32>} : memref<128x128xf32, #tpu.memory_space<vmem>>, vector<1x16xf32>,
        %get3A_1345 = vector.shape_cast %get3A_1344 : vector<1x16xf32> to vector<16xf32>
        %mul3A_1346 = arith.mulf %get3A_1345, %gather3A_1241 : vector<16xf32>
        %add3A_1347 = arith.constant 10 : i32
        %add3A_1348 = arith.addi %mul3A_79, %add3A_1347 : i32
        %swap3A_1349 = arith.index_cast %add3A_1348 : i32 to index
        %swap3A_1350 = arith.constant 112 : index
        %swap3A_1351 = tpu.vector_load %arg14[%swap3A_1349, %swap3A_1350] {strides = array<i32>} : memref<128x128xf32, #tpu.memory_space<vmem>>, vector<1x16xf32>,
        %swap3A_1352 = vector.shape_cast %swap3A_1351 : vector<1x16xf32> to vector<16xf32>
        %swap3A_1353 = vector.shape_cast %mul3A_1346 : vector<16xf32> to vector<1x16xf32>
        tpu.vector_store %arg14[%swap3A_1349, %swap3A_1350], %swap3A_1353 {strides = array<i32>} : memref<128x128xf32, #tpu.memory_space<vmem>>, vector<1x16xf32>,
        %broadcast_in_dim3A_1354 = arith.constant 11 : i32
        %broadcast_in_dim3A_1355 = vector.broadcast %broadcast_in_dim3A_1354 : i32 to vector<16x1xi32>
        %gather3A_1356 = vector.shape_cast %broadcast_in_dim3A_1355 : vector<16x1xi32> to vector<16xi32>
        %gather3A_1357 = tpu.dynamic_gather %get3A_77[%gather3A_1356] in [0] : vector<16xf32>, vector<16xi32> -> vector<16xf32>
        %add3A_1358 = arith.constant 11 : i32
        %add3A_1359 = arith.addi %mul3A_79, %add3A_1358 : i32
        %get3A_1360 = arith.index_cast %add3A_1359 : i32 to index
        %get3A_1361 = arith.constant 0 : index
        %get3A_1362 = tpu.vector_load %arg14[%get3A_1360, %get3A_1361] {strides = array<i32>} : memref<128x128xf32, #tpu.memory_space<vmem>>, vector<1x16xf32>,
        %get3A_1363 = vector.shape_cast %get3A_1362 : vector<1x16xf32> to vector<16xf32>
        %mul3A_1364 = arith.mulf %get3A_1363, %gather3A_1357 : vector<16xf32>
        %add3A_1365 = arith.constant 11 : i32
        %add3A_1366 = arith.addi %mul3A_79, %add3A_1365 : i32
        %swap3A_1367 = arith.index_cast %add3A_1366 : i32 to index
        %swap3A_1368 = arith.constant 0 : index
        %swap3A_1369 = tpu.vector_load %arg14[%swap3A_1367, %swap3A_1368] {strides = array<i32>} : memref<128x128xf32, #tpu.memory_space<vmem>>, vector<1x16xf32>,
        %swap3A_1370 = vector.shape_cast %swap3A_1369 : vector<1x16xf32> to vector<16xf32>
        %swap3A_1371 = vector.shape_cast %mul3A_1364 : vector<16xf32> to vector<1x16xf32>
        tpu.vector_store %arg14[%swap3A_1367, %swap3A_1368], %swap3A_1371 {strides = array<i32>} : memref<128x128xf32, #tpu.memory_space<vmem>>, vector<1x16xf32>,
        %add3A_1372 = arith.constant 11 : i32
        %add3A_1373 = arith.addi %mul3A_79, %add3A_1372 : i32
        %get3A_1374 = arith.index_cast %add3A_1373 : i32 to index
        %get3A_1375 = arith.constant 16 : index
        %get3A_1376 = tpu.vector_load %arg14[%get3A_1374, %get3A_1375] {strides = array<i32>} : memref<128x128xf32, #tpu.memory_space<vmem>>, vector<1x16xf32>,
        %get3A_1377 = vector.shape_cast %get3A_1376 : vector<1x16xf32> to vector<16xf32>
        %mul3A_1378 = arith.mulf %get3A_1377, %gather3A_1357 : vector<16xf32>
        %add3A_1379 = arith.constant 11 : i32
        %add3A_1380 = arith.addi %mul3A_79, %add3A_1379 : i32
        %swap3A_1381 = arith.index_cast %add3A_1380 : i32 to index
        %swap3A_1382 = arith.constant 16 : index
        %swap3A_1383 = tpu.vector_load %arg14[%swap3A_1381, %swap3A_1382] {strides = array<i32>} : memref<128x128xf32, #tpu.memory_space<vmem>>, vector<1x16xf32>,
        %swap3A_1384 = vector.shape_cast %swap3A_1383 : vector<1x16xf32> to vector<16xf32>
        %swap3A_1385 = vector.shape_cast %mul3A_1378 : vector<16xf32> to vector<1x16xf32>
        tpu.vector_store %arg14[%swap3A_1381, %swap3A_1382], %swap3A_1385 {strides = array<i32>} : memref<128x128xf32, #tpu.memory_space<vmem>>, vector<1x16xf32>,
        %add3A_1386 = arith.constant 11 : i32
        %add3A_1387 = arith.addi %mul3A_79, %add3A_1386 : i32
        %get3A_1388 = arith.index_cast %add3A_1387 : i32 to index
        %get3A_1389 = arith.constant 32 : index
        %get3A_1390 = tpu.vector_load %arg14[%get3A_1388, %get3A_1389] {strides = array<i32>} : memref<128x128xf32, #tpu.memory_space<vmem>>, vector<1x16xf32>,
        %get3A_1391 = vector.shape_cast %get3A_1390 : vector<1x16xf32> to vector<16xf32>
        %mul3A_1392 = arith.mulf %get3A_1391, %gather3A_1357 : vector<16xf32>
        %add3A_1393 = arith.constant 11 : i32
        %add3A_1394 = arith.addi %mul3A_79, %add3A_1393 : i32
        %swap3A_1395 = arith.index_cast %add3A_1394 : i32 to index
        %swap3A_1396 = arith.constant 32 : index
        %swap3A_1397 = tpu.vector_load %arg14[%swap3A_1395, %swap3A_1396] {strides = array<i32>} : memref<128x128xf32, #tpu.memory_space<vmem>>, vector<1x16xf32>,
        %swap3A_1398 = vector.shape_cast %swap3A_1397 : vector<1x16xf32> to vector<16xf32>
        %swap3A_1399 = vector.shape_cast %mul3A_1392 : vector<16xf32> to vector<1x16xf32>
        tpu.vector_store %arg14[%swap3A_1395, %swap3A_1396], %swap3A_1399 {strides = array<i32>} : memref<128x128xf32, #tpu.memory_space<vmem>>, vector<1x16xf32>,
        %add3A_1400 = arith.constant 11 : i32
        %add3A_1401 = arith.addi %mul3A_79, %add3A_1400 : i32
        %get3A_1402 = arith.index_cast %add3A_1401 : i32 to index
        %get3A_1403 = arith.constant 48 : index
        %get3A_1404 = tpu.vector_load %arg14[%get3A_1402, %get3A_1403] {strides = array<i32>} : memref<128x128xf32, #tpu.memory_space<vmem>>, vector<1x16xf32>,
        %get3A_1405 = vector.shape_cast %get3A_1404 : vector<1x16xf32> to vector<16xf32>
        %mul3A_1406 = arith.mulf %get3A_1405, %gather3A_1357 : vector<16xf32>
        %add3A_1407 = arith.constant 11 : i32
        %add3A_1408 = arith.addi %mul3A_79, %add3A_1407 : i32
        %swap3A_1409 = arith.index_cast %add3A_1408 : i32 to index
        %swap3A_1410 = arith.constant 48 : index
        %swap3A_1411 = tpu.vector_load %arg14[%swap3A_1409, %swap3A_1410] {strides = array<i32>} : memref<128x128xf32, #tpu.memory_space<vmem>>, vector<1x16xf32>,
        %swap3A_1412 = vector.shape_cast %swap3A_1411 : vector<1x16xf32> to vector<16xf32>
        %swap3A_1413 = vector.shape_cast %mul3A_1406 : vector<16xf32> to vector<1x16xf32>
        tpu.vector_store %arg14[%swap3A_1409, %swap3A_1410], %swap3A_1413 {strides = array<i32>} : memref<128x128xf32, #tpu.memory_space<vmem>>, vector<1x16xf32>,
        %add3A_1414 = arith.constant 11 : i32
        %add3A_1415 = arith.addi %mul3A_79, %add3A_1414 : i32
        %get3A_1416 = arith.index_cast %add3A_1415 : i32 to index
        %get3A_1417 = arith.constant 64 : index
        %get3A_1418 = tpu.vector_load %arg14[%get3A_1416, %get3A_1417] {strides = array<i32>} : memref<128x128xf32, #tpu.memory_space<vmem>>, vector<1x16xf32>,
        %get3A_1419 = vector.shape_cast %get3A_1418 : vector<1x16xf32> to vector<16xf32>
        %mul3A_1420 = arith.mulf %get3A_1419, %gather3A_1357 : vector<16xf32>
        %add3A_1421 = arith.constant 11 : i32
        %add3A_1422 = arith.addi %mul3A_79, %add3A_1421 : i32
        %swap3A_1423 = arith.index_cast %add3A_1422 : i32 to index
        %swap3A_1424 = arith.constant 64 : index
        %swap3A_1425 = tpu.vector_load %arg14[%swap3A_1423, %swap3A_1424] {strides = array<i32>} : memref<128x128xf32, #tpu.memory_space<vmem>>, vector<1x16xf32>,
        %swap3A_1426 = vector.shape_cast %swap3A_1425 : vector<1x16xf32> to vector<16xf32>
        %swap3A_1427 = vector.shape_cast %mul3A_1420 : vector<16xf32> to vector<1x16xf32>
        tpu.vector_store %arg14[%swap3A_1423, %swap3A_1424], %swap3A_1427 {strides = array<i32>} : memref<128x128xf32, #tpu.memory_space<vmem>>, vector<1x16xf32>,
        %add3A_1428 = arith.constant 11 : i32
        %add3A_1429 = arith.addi %mul3A_79, %add3A_1428 : i32
        %get3A_1430 = arith.index_cast %add3A_1429 : i32 to index
        %get3A_1431 = arith.constant 80 : index
        %get3A_1432 = tpu.vector_load %arg14[%get3A_1430, %get3A_1431] {strides = array<i32>} : memref<128x128xf32, #tpu.memory_space<vmem>>, vector<1x16xf32>,
        %get3A_1433 = vector.shape_cast %get3A_1432 : vector<1x16xf32> to vector<16xf32>
        %mul3A_1434 = arith.mulf %get3A_1433, %gather3A_1357 : vector<16xf32>
        %add3A_1435 = arith.constant 11 : i32
        %add3A_1436 = arith.addi %mul3A_79, %add3A_1435 : i32
        %swap3A_1437 = arith.index_cast %add3A_1436 : i32 to index
        %swap3A_1438 = arith.constant 80 : index
        %swap3A_1439 = tpu.vector_load %arg14[%swap3A_1437, %swap3A_1438] {strides = array<i32>} : memref<128x128xf32, #tpu.memory_space<vmem>>, vector<1x16xf32>,
        %swap3A_1440 = vector.shape_cast %swap3A_1439 : vector<1x16xf32> to vector<16xf32>
        %swap3A_1441 = vector.shape_cast %mul3A_1434 : vector<16xf32> to vector<1x16xf32>
        tpu.vector_store %arg14[%swap3A_1437, %swap3A_1438], %swap3A_1441 {strides = array<i32>} : memref<128x128xf32, #tpu.memory_space<vmem>>, vector<1x16xf32>,
        %add3A_1442 = arith.constant 11 : i32
        %add3A_1443 = arith.addi %mul3A_79, %add3A_1442 : i32
        %get3A_1444 = arith.index_cast %add3A_1443 : i32 to index
        %get3A_1445 = arith.constant 96 : index
        %get3A_1446 = tpu.vector_load %arg14[%get3A_1444, %get3A_1445] {strides = array<i32>} : memref<128x128xf32, #tpu.memory_space<vmem>>, vector<1x16xf32>,
        %get3A_1447 = vector.shape_cast %get3A_1446 : vector<1x16xf32> to vector<16xf32>
        %mul3A_1448 = arith.mulf %get3A_1447, %gather3A_1357 : vector<16xf32>
        %add3A_1449 = arith.constant 11 : i32
        %add3A_1450 = arith.addi %mul3A_79, %add3A_1449 : i32
        %swap3A_1451 = arith.index_cast %add3A_1450 : i32 to index
        %swap3A_1452 = arith.constant 96 : index
        %swap3A_1453 = tpu.vector_load %arg14[%swap3A_1451, %swap3A_1452] {strides = array<i32>} : memref<128x128xf32, #tpu.memory_space<vmem>>, vector<1x16xf32>,
        %swap3A_1454 = vector.shape_cast %swap3A_1453 : vector<1x16xf32> to vector<16xf32>
        %swap3A_1455 = vector.shape_cast %mul3A_1448 : vector<16xf32> to vector<1x16xf32>
        tpu.vector_store %arg14[%swap3A_1451, %swap3A_1452], %swap3A_1455 {strides = array<i32>} : memref<128x128xf32, #tpu.memory_space<vmem>>, vector<1x16xf32>,
        %add3A_1456 = arith.constant 11 : i32
        %add3A_1457 = arith.addi %mul3A_79, %add3A_1456 : i32
        %get3A_1458 = arith.index_cast %add3A_1457 : i32 to index
        %get3A_1459 = arith.constant 112 : index
        %get3A_1460 = tpu.vector_load %arg14[%get3A_1458, %get3A_1459] {strides = array<i32>} : memref<128x128xf32, #tpu.memory_space<vmem>>, vector<1x16xf32>,
        %get3A_1461 = vector.shape_cast %get3A_1460 : vector<1x16xf32> to vector<16xf32>
        %mul3A_1462 = arith.mulf %get3A_1461, %gather3A_1357 : vector<16xf32>
        %add3A_1463 = arith.constant 11 : i32
        %add3A_1464 = arith.addi %mul3A_79, %add3A_1463 : i32
        %swap3A_1465 = arith.index_cast %add3A_1464 : i32 to index
        %swap3A_1466 = arith.constant 112 : index
        %swap3A_1467 = tpu.vector_load %arg14[%swap3A_1465, %swap3A_1466] {strides = array<i32>} : memref<128x128xf32, #tpu.memory_space<vmem>>, vector<1x16xf32>,
        %swap3A_1468 = vector.shape_cast %swap3A_1467 : vector<1x16xf32> to vector<16xf32>
        %swap3A_1469 = vector.shape_cast %mul3A_1462 : vector<16xf32> to vector<1x16xf32>
        tpu.vector_store %arg14[%swap3A_1465, %swap3A_1466], %swap3A_1469 {strides = array<i32>} : memref<128x128xf32, #tpu.memory_space<vmem>>, vector<1x16xf32>,
        %broadcast_in_dim3A_1470 = arith.constant 12 : i32
        %broadcast_in_dim3A_1471 = vector.broadcast %broadcast_in_dim3A_1470 : i32 to vector<16x1xi32>
        %gather3A_1472 = vector.shape_cast %broadcast_in_dim3A_1471 : vector<16x1xi32> to vector<16xi32>
        %gather3A_1473 = tpu.dynamic_gather %get3A_77[%gather3A_1472] in [0] : vector<16xf32>, vector<16xi32> -> vector<16xf32>
        %add3A_1474 = arith.constant 12 : i32
        %add3A_1475 = arith.addi %mul3A_79, %add3A_1474 : i32
        %get3A_1476 = arith.index_cast %add3A_1475 : i32 to index
        %get3A_1477 = arith.constant 0 : index
        %get3A_1478 = tpu.vector_load %arg14[%get3A_1476, %get3A_1477] {strides = array<i32>} : memref<128x128xf32, #tpu.memory_space<vmem>>, vector<1x16xf32>,
        %get3A_1479 = vector.shape_cast %get3A_1478 : vector<1x16xf32> to vector<16xf32>
        %mul3A_1480 = arith.mulf %get3A_1479, %gather3A_1473 : vector<16xf32>
        %add3A_1481 = arith.constant 12 : i32
        %add3A_1482 = arith.addi %mul3A_79, %add3A_1481 : i32
        %swap3A_1483 = arith.index_cast %add3A_1482 : i32 to index
        %swap3A_1484 = arith.constant 0 : index
        %swap3A_1485 = tpu.vector_load %arg14[%swap3A_1483, %swap3A_1484] {strides = array<i32>} : memref<128x128xf32, #tpu.memory_space<vmem>>, vector<1x16xf32>,
        %swap3A_1486 = vector.shape_cast %swap3A_1485 : vector<1x16xf32> to vector<16xf32>
        %swap3A_1487 = vector.shape_cast %mul3A_1480 : vector<16xf32> to vector<1x16xf32>
        tpu.vector_store %arg14[%swap3A_1483, %swap3A_1484], %swap3A_1487 {strides = array<i32>} : memref<128x128xf32, #tpu.memory_space<vmem>>, vector<1x16xf32>,
        %add3A_1488 = arith.constant 12 : i32
        %add3A_1489 = arith.addi %mul3A_79, %add3A_1488 : i32
        %get3A_1490 = arith.index_cast %add3A_1489 : i32 to index
        %get3A_1491 = arith.constant 16 : index
        %get3A_1492 = tpu.vector_load %arg14[%get3A_1490, %get3A_1491] {strides = array<i32>} : memref<128x128xf32, #tpu.memory_space<vmem>>, vector<1x16xf32>,
        %get3A_1493 = vector.shape_cast %get3A_1492 : vector<1x16xf32> to vector<16xf32>
        %mul3A_1494 = arith.mulf %get3A_1493, %gather3A_1473 : vector<16xf32>
        %add3A_1495 = arith.constant 12 : i32
        %add3A_1496 = arith.addi %mul3A_79, %add3A_1495 : i32
        %swap3A_1497 = arith.index_cast %add3A_1496 : i32 to index
        %swap3A_1498 = arith.constant 16 : index
        %swap3A_1499 = tpu.vector_load %arg14[%swap3A_1497, %swap3A_1498] {strides = array<i32>} : memref<128x128xf32, #tpu.memory_space<vmem>>, vector<1x16xf32>,
        %swap3A_1500 = vector.shape_cast %swap3A_1499 : vector<1x16xf32> to vector<16xf32>
        %swap3A_1501 = vector.shape_cast %mul3A_1494 : vector<16xf32> to vector<1x16xf32>
        tpu.vector_store %arg14[%swap3A_1497, %swap3A_1498], %swap3A_1501 {strides = array<i32>} : memref<128x128xf32, #tpu.memory_space<vmem>>, vector<1x16xf32>,
        %add3A_1502 = arith.constant 12 : i32
        %add3A_1503 = arith.addi %mul3A_79, %add3A_1502 : i32
        %get3A_1504 = arith.index_cast %add3A_1503 : i32 to index
        %get3A_1505 = arith.constant 32 : index
        %get3A_1506 = tpu.vector_load %arg14[%get3A_1504, %get3A_1505] {strides = array<i32>} : memref<128x128xf32, #tpu.memory_space<vmem>>, vector<1x16xf32>,
        %get3A_1507 = vector.shape_cast %get3A_1506 : vector<1x16xf32> to vector<16xf32>
        %mul3A_1508 = arith.mulf %get3A_1507, %gather3A_1473 : vector<16xf32>
        %add3A_1509 = arith.constant 12 : i32
        %add3A_1510 = arith.addi %mul3A_79, %add3A_1509 : i32
        %swap3A_1511 = arith.index_cast %add3A_1510 : i32 to index
        %swap3A_1512 = arith.constant 32 : index
        %swap3A_1513 = tpu.vector_load %arg14[%swap3A_1511, %swap3A_1512] {strides = array<i32>} : memref<128x128xf32, #tpu.memory_space<vmem>>, vector<1x16xf32>,
        %swap3A_1514 = vector.shape_cast %swap3A_1513 : vector<1x16xf32> to vector<16xf32>
        %swap3A_1515 = vector.shape_cast %mul3A_1508 : vector<16xf32> to vector<1x16xf32>
        tpu.vector_store %arg14[%swap3A_1511, %swap3A_1512], %swap3A_1515 {strides = array<i32>} : memref<128x128xf32, #tpu.memory_space<vmem>>, vector<1x16xf32>,
        %add3A_1516 = arith.constant 12 : i32
        %add3A_1517 = arith.addi %mul3A_79, %add3A_1516 : i32
        %get3A_1518 = arith.index_cast %add3A_1517 : i32 to index
        %get3A_1519 = arith.constant 48 : index
        %get3A_1520 = tpu.vector_load %arg14[%get3A_1518, %get3A_1519] {strides = array<i32>} : memref<128x128xf32, #tpu.memory_space<vmem>>, vector<1x16xf32>,
        %get3A_1521 = vector.shape_cast %get3A_1520 : vector<1x16xf32> to vector<16xf32>
        %mul3A_1522 = arith.mulf %get3A_1521, %gather3A_1473 : vector<16xf32>
        %add3A_1523 = arith.constant 12 : i32
        %add3A_1524 = arith.addi %mul3A_79, %add3A_1523 : i32
        %swap3A_1525 = arith.index_cast %add3A_1524 : i32 to index
        %swap3A_1526 = arith.constant 48 : index
        %swap3A_1527 = tpu.vector_load %arg14[%swap3A_1525, %swap3A_1526] {strides = array<i32>} : memref<128x128xf32, #tpu.memory_space<vmem>>, vector<1x16xf32>,
        %swap3A_1528 = vector.shape_cast %swap3A_1527 : vector<1x16xf32> to vector<16xf32>
        %swap3A_1529 = vector.shape_cast %mul3A_1522 : vector<16xf32> to vector<1x16xf32>
        tpu.vector_store %arg14[%swap3A_1525, %swap3A_1526], %swap3A_1529 {strides = array<i32>} : memref<128x128xf32, #tpu.memory_space<vmem>>, vector<1x16xf32>,
        %add3A_1530 = arith.constant 12 : i32
        %add3A_1531 = arith.addi %mul3A_79, %add3A_1530 : i32
        %get3A_1532 = arith.index_cast %add3A_1531 : i32 to index
        %get3A_1533 = arith.constant 64 : index
        %get3A_1534 = tpu.vector_load %arg14[%get3A_1532, %get3A_1533] {strides = array<i32>} : memref<128x128xf32, #tpu.memory_space<vmem>>, vector<1x16xf32>,
        %get3A_1535 = vector.shape_cast %get3A_1534 : vector<1x16xf32> to vector<16xf32>
        %mul3A_1536 = arith.mulf %get3A_1535, %gather3A_1473 : vector<16xf32>
        %add3A_1537 = arith.constant 12 : i32
        %add3A_1538 = arith.addi %mul3A_79, %add3A_1537 : i32
        %swap3A_1539 = arith.index_cast %add3A_1538 : i32 to index
        %swap3A_1540 = arith.constant 64 : index
        %swap3A_1541 = tpu.vector_load %arg14[%swap3A_1539, %swap3A_1540] {strides = array<i32>} : memref<128x128xf32, #tpu.memory_space<vmem>>, vector<1x16xf32>,
        %swap3A_1542 = vector.shape_cast %swap3A_1541 : vector<1x16xf32> to vector<16xf32>
        %swap3A_1543 = vector.shape_cast %mul3A_1536 : vector<16xf32> to vector<1x16xf32>
        tpu.vector_store %arg14[%swap3A_1539, %swap3A_1540], %swap3A_1543 {strides = array<i32>} : memref<128x128xf32, #tpu.memory_space<vmem>>, vector<1x16xf32>,
        %add3A_1544 = arith.constant 12 : i32
        %add3A_1545 = arith.addi %mul3A_79, %add3A_1544 : i32
        %get3A_1546 = arith.index_cast %add3A_1545 : i32 to index
        %get3A_1547 = arith.constant 80 : index
        %get3A_1548 = tpu.vector_load %arg14[%get3A_1546, %get3A_1547] {strides = array<i32>} : memref<128x128xf32, #tpu.memory_space<vmem>>, vector<1x16xf32>,
        %get3A_1549 = vector.shape_cast %get3A_1548 : vector<1x16xf32> to vector<16xf32>
        %mul3A_1550 = arith.mulf %get3A_1549, %gather3A_1473 : vector<16xf32>
        %add3A_1551 = arith.constant 12 : i32
        %add3A_1552 = arith.addi %mul3A_79, %add3A_1551 : i32
        %swap3A_1553 = arith.index_cast %add3A_1552 : i32 to index
        %swap3A_1554 = arith.constant 80 : index
        %swap3A_1555 = tpu.vector_load %arg14[%swap3A_1553, %swap3A_1554] {strides = array<i32>} : memref<128x128xf32, #tpu.memory_space<vmem>>, vector<1x16xf32>,
        %swap3A_1556 = vector.shape_cast %swap3A_1555 : vector<1x16xf32> to vector<16xf32>
        %swap3A_1557 = vector.shape_cast %mul3A_1550 : vector<16xf32> to vector<1x16xf32>
        tpu.vector_store %arg14[%swap3A_1553, %swap3A_1554], %swap3A_1557 {strides = array<i32>} : memref<128x128xf32, #tpu.memory_space<vmem>>, vector<1x16xf32>,
        %add3A_1558 = arith.constant 12 : i32
        %add3A_1559 = arith.addi %mul3A_79, %add3A_1558 : i32
        %get3A_1560 = arith.index_cast %add3A_1559 : i32 to index
        %get3A_1561 = arith.constant 96 : index
        %get3A_1562 = tpu.vector_load %arg14[%get3A_1560, %get3A_1561] {strides = array<i32>} : memref<128x128xf32, #tpu.memory_space<vmem>>, vector<1x16xf32>,
        %get3A_1563 = vector.shape_cast %get3A_1562 : vector<1x16xf32> to vector<16xf32>
        %mul3A_1564 = arith.mulf %get3A_1563, %gather3A_1473 : vector<16xf32>
        %add3A_1565 = arith.constant 12 : i32
        %add3A_1566 = arith.addi %mul3A_79, %add3A_1565 : i32
        %swap3A_1567 = arith.index_cast %add3A_1566 : i32 to index
        %swap3A_1568 = arith.constant 96 : index
        %swap3A_1569 = tpu.vector_load %arg14[%swap3A_1567, %swap3A_1568] {strides = array<i32>} : memref<128x128xf32, #tpu.memory_space<vmem>>, vector<1x16xf32>,
        %swap3A_1570 = vector.shape_cast %swap3A_1569 : vector<1x16xf32> to vector<16xf32>
        %swap3A_1571 = vector.shape_cast %mul3A_1564 : vector<16xf32> to vector<1x16xf32>
        tpu.vector_store %arg14[%swap3A_1567, %swap3A_1568], %swap3A_1571 {strides = array<i32>} : memref<128x128xf32, #tpu.memory_space<vmem>>, vector<1x16xf32>,
        %add3A_1572 = arith.constant 12 : i32
        %add3A_1573 = arith.addi %mul3A_79, %add3A_1572 : i32
        %get3A_1574 = arith.index_cast %add3A_1573 : i32 to index
        %get3A_1575 = arith.constant 112 : index
        %get3A_1576 = tpu.vector_load %arg14[%get3A_1574, %get3A_1575] {strides = array<i32>} : memref<128x128xf32, #tpu.memory_space<vmem>>, vector<1x16xf32>,
        %get3A_1577 = vector.shape_cast %get3A_1576 : vector<1x16xf32> to vector<16xf32>
        %mul3A_1578 = arith.mulf %get3A_1577, %gather3A_1473 : vector<16xf32>
        %add3A_1579 = arith.constant 12 : i32
        %add3A_1580 = arith.addi %mul3A_79, %add3A_1579 : i32
        %swap3A_1581 = arith.index_cast %add3A_1580 : i32 to index
        %swap3A_1582 = arith.constant 112 : index
        %swap3A_1583 = tpu.vector_load %arg14[%swap3A_1581, %swap3A_1582] {strides = array<i32>} : memref<128x128xf32, #tpu.memory_space<vmem>>, vector<1x16xf32>,
        %swap3A_1584 = vector.shape_cast %swap3A_1583 : vector<1x16xf32> to vector<16xf32>
        %swap3A_1585 = vector.shape_cast %mul3A_1578 : vector<16xf32> to vector<1x16xf32>
        tpu.vector_store %arg14[%swap3A_1581, %swap3A_1582], %swap3A_1585 {strides = array<i32>} : memref<128x128xf32, #tpu.memory_space<vmem>>, vector<1x16xf32>,
        %broadcast_in_dim3A_1586 = arith.constant 13 : i32
        %broadcast_in_dim3A_1587 = vector.broadcast %broadcast_in_dim3A_1586 : i32 to vector<16x1xi32>
        %gather3A_1588 = vector.shape_cast %broadcast_in_dim3A_1587 : vector<16x1xi32> to vector<16xi32>
        %gather3A_1589 = tpu.dynamic_gather %get3A_77[%gather3A_1588] in [0] : vector<16xf32>, vector<16xi32> -> vector<16xf32>
        %add3A_1590 = arith.constant 13 : i32
        %add3A_1591 = arith.addi %mul3A_79, %add3A_1590 : i32
        %get3A_1592 = arith.index_cast %add3A_1591 : i32 to index
        %get3A_1593 = arith.constant 0 : index
        %get3A_1594 = tpu.vector_load %arg14[%get3A_1592, %get3A_1593] {strides = array<i32>} : memref<128x128xf32, #tpu.memory_space<vmem>>, vector<1x16xf32>,
        %get3A_1595 = vector.shape_cast %get3A_1594 : vector<1x16xf32> to vector<16xf32>
        %mul3A_1596 = arith.mulf %get3A_1595, %gather3A_1589 : vector<16xf32>
        %add3A_1597 = arith.constant 13 : i32
        %add3A_1598 = arith.addi %mul3A_79, %add3A_1597 : i32
        %swap3A_1599 = arith.index_cast %add3A_1598 : i32 to index
        %swap3A_1600 = arith.constant 0 : index
        %swap3A_1601 = tpu.vector_load %arg14[%swap3A_1599, %swap3A_1600] {strides = array<i32>} : memref<128x128xf32, #tpu.memory_space<vmem>>, vector<1x16xf32>,
        %swap3A_1602 = vector.shape_cast %swap3A_1601 : vector<1x16xf32> to vector<16xf32>
        %swap3A_1603 = vector.shape_cast %mul3A_1596 : vector<16xf32> to vector<1x16xf32>
        tpu.vector_store %arg14[%swap3A_1599, %swap3A_1600], %swap3A_1603 {strides = array<i32>} : memref<128x128xf32, #tpu.memory_space<vmem>>, vector<1x16xf32>,
        %add3A_1604 = arith.constant 13 : i32
        %add3A_1605 = arith.addi %mul3A_79, %add3A_1604 : i32
        %get3A_1606 = arith.index_cast %add3A_1605 : i32 to index
        %get3A_1607 = arith.constant 16 : index
        %get3A_1608 = tpu.vector_load %arg14[%get3A_1606, %get3A_1607] {strides = array<i32>} : memref<128x128xf32, #tpu.memory_space<vmem>>, vector<1x16xf32>,
        %get3A_1609 = vector.shape_cast %get3A_1608 : vector<1x16xf32> to vector<16xf32>
        %mul3A_1610 = arith.mulf %get3A_1609, %gather3A_1589 : vector<16xf32>
        %add3A_1611 = arith.constant 13 : i32
        %add3A_1612 = arith.addi %mul3A_79, %add3A_1611 : i32
        %swap3A_1613 = arith.index_cast %add3A_1612 : i32 to index
        %swap3A_1614 = arith.constant 16 : index
        %swap3A_1615 = tpu.vector_load %arg14[%swap3A_1613, %swap3A_1614] {strides = array<i32>} : memref<128x128xf32, #tpu.memory_space<vmem>>, vector<1x16xf32>,
        %swap3A_1616 = vector.shape_cast %swap3A_1615 : vector<1x16xf32> to vector<16xf32>
        %swap3A_1617 = vector.shape_cast %mul3A_1610 : vector<16xf32> to vector<1x16xf32>
        tpu.vector_store %arg14[%swap3A_1613, %swap3A_1614], %swap3A_1617 {strides = array<i32>} : memref<128x128xf32, #tpu.memory_space<vmem>>, vector<1x16xf32>,
        %add3A_1618 = arith.constant 13 : i32
        %add3A_1619 = arith.addi %mul3A_79, %add3A_1618 : i32
        %get3A_1620 = arith.index_cast %add3A_1619 : i32 to index
        %get3A_1621 = arith.constant 32 : index
        %get3A_1622 = tpu.vector_load %arg14[%get3A_1620, %get3A_1621] {strides = array<i32>} : memref<128x128xf32, #tpu.memory_space<vmem>>, vector<1x16xf32>,
        %get3A_1623 = vector.shape_cast %get3A_1622 : vector<1x16xf32> to vector<16xf32>
        %mul3A_1624 = arith.mulf %get3A_1623, %gather3A_1589 : vector<16xf32>
        %add3A_1625 = arith.constant 13 : i32
        %add3A_1626 = arith.addi %mul3A_79, %add3A_1625 : i32
        %swap3A_1627 = arith.index_cast %add3A_1626 : i32 to index
        %swap3A_1628 = arith.constant 32 : index
        %swap3A_1629 = tpu.vector_load %arg14[%swap3A_1627, %swap3A_1628] {strides = array<i32>} : memref<128x128xf32, #tpu.memory_space<vmem>>, vector<1x16xf32>,
        %swap3A_1630 = vector.shape_cast %swap3A_1629 : vector<1x16xf32> to vector<16xf32>
        %swap3A_1631 = vector.shape_cast %mul3A_1624 : vector<16xf32> to vector<1x16xf32>
        tpu.vector_store %arg14[%swap3A_1627, %swap3A_1628], %swap3A_1631 {strides = array<i32>} : memref<128x128xf32, #tpu.memory_space<vmem>>, vector<1x16xf32>,
        %add3A_1632 = arith.constant 13 : i32
        %add3A_1633 = arith.addi %mul3A_79, %add3A_1632 : i32
        %get3A_1634 = arith.index_cast %add3A_1633 : i32 to index
        %get3A_1635 = arith.constant 48 : index
        %get3A_1636 = tpu.vector_load %arg14[%get3A_1634, %get3A_1635] {strides = array<i32>} : memref<128x128xf32, #tpu.memory_space<vmem>>, vector<1x16xf32>,
        %get3A_1637 = vector.shape_cast %get3A_1636 : vector<1x16xf32> to vector<16xf32>
        %mul3A_1638 = arith.mulf %get3A_1637, %gather3A_1589 : vector<16xf32>
        %add3A_1639 = arith.constant 13 : i32
        %add3A_1640 = arith.addi %mul3A_79, %add3A_1639 : i32
        %swap3A_1641 = arith.index_cast %add3A_1640 : i32 to index
        %swap3A_1642 = arith.constant 48 : index
        %swap3A_1643 = tpu.vector_load %arg14[%swap3A_1641, %swap3A_1642] {strides = array<i32>} : memref<128x128xf32, #tpu.memory_space<vmem>>, vector<1x16xf32>,
        %swap3A_1644 = vector.shape_cast %swap3A_1643 : vector<1x16xf32> to vector<16xf32>
        %swap3A_1645 = vector.shape_cast %mul3A_1638 : vector<16xf32> to vector<1x16xf32>
        tpu.vector_store %arg14[%swap3A_1641, %swap3A_1642], %swap3A_1645 {strides = array<i32>} : memref<128x128xf32, #tpu.memory_space<vmem>>, vector<1x16xf32>,
        %add3A_1646 = arith.constant 13 : i32
        %add3A_1647 = arith.addi %mul3A_79, %add3A_1646 : i32
        %get3A_1648 = arith.index_cast %add3A_1647 : i32 to index
        %get3A_1649 = arith.constant 64 : index
        %get3A_1650 = tpu.vector_load %arg14[%get3A_1648, %get3A_1649] {strides = array<i32>} : memref<128x128xf32, #tpu.memory_space<vmem>>, vector<1x16xf32>,
        %get3A_1651 = vector.shape_cast %get3A_1650 : vector<1x16xf32> to vector<16xf32>
        %mul3A_1652 = arith.mulf %get3A_1651, %gather3A_1589 : vector<16xf32>
        %add3A_1653 = arith.constant 13 : i32
        %add3A_1654 = arith.addi %mul3A_79, %add3A_1653 : i32
        %swap3A_1655 = arith.index_cast %add3A_1654 : i32 to index
        %swap3A_1656 = arith.constant 64 : index
        %swap3A_1657 = tpu.vector_load %arg14[%swap3A_1655, %swap3A_1656] {strides = array<i32>} : memref<128x128xf32, #tpu.memory_space<vmem>>, vector<1x16xf32>,
        %swap3A_1658 = vector.shape_cast %swap3A_1657 : vector<1x16xf32> to vector<16xf32>
        %swap3A_1659 = vector.shape_cast %mul3A_1652 : vector<16xf32> to vector<1x16xf32>
        tpu.vector_store %arg14[%swap3A_1655, %swap3A_1656], %swap3A_1659 {strides = array<i32>} : memref<128x128xf32, #tpu.memory_space<vmem>>, vector<1x16xf32>,
        %add3A_1660 = arith.constant 13 : i32
        %add3A_1661 = arith.addi %mul3A_79, %add3A_1660 : i32
        %get3A_1662 = arith.index_cast %add3A_1661 : i32 to index
        %get3A_1663 = arith.constant 80 : index
        %get3A_1664 = tpu.vector_load %arg14[%get3A_1662, %get3A_1663] {strides = array<i32>} : memref<128x128xf32, #tpu.memory_space<vmem>>, vector<1x16xf32>,
        %get3A_1665 = vector.shape_cast %get3A_1664 : vector<1x16xf32> to vector<16xf32>
        %mul3A_1666 = arith.mulf %get3A_1665, %gather3A_1589 : vector<16xf32>
        %add3A_1667 = arith.constant 13 : i32
        %add3A_1668 = arith.addi %mul3A_79, %add3A_1667 : i32
        %swap3A_1669 = arith.index_cast %add3A_1668 : i32 to index
        %swap3A_1670 = arith.constant 80 : index
        %swap3A_1671 = tpu.vector_load %arg14[%swap3A_1669, %swap3A_1670] {strides = array<i32>} : memref<128x128xf32, #tpu.memory_space<vmem>>, vector<1x16xf32>,
        %swap3A_1672 = vector.shape_cast %swap3A_1671 : vector<1x16xf32> to vector<16xf32>
        %swap3A_1673 = vector.shape_cast %mul3A_1666 : vector<16xf32> to vector<1x16xf32>
        tpu.vector_store %arg14[%swap3A_1669, %swap3A_1670], %swap3A_1673 {strides = array<i32>} : memref<128x128xf32, #tpu.memory_space<vmem>>, vector<1x16xf32>,
        %add3A_1674 = arith.constant 13 : i32
        %add3A_1675 = arith.addi %mul3A_79, %add3A_1674 : i32
        %get3A_1676 = arith.index_cast %add3A_1675 : i32 to index
        %get3A_1677 = arith.constant 96 : index
        %get3A_1678 = tpu.vector_load %arg14[%get3A_1676, %get3A_1677] {strides = array<i32>} : memref<128x128xf32, #tpu.memory_space<vmem>>, vector<1x16xf32>,
        %get3A_1679 = vector.shape_cast %get3A_1678 : vector<1x16xf32> to vector<16xf32>
        %mul3A_1680 = arith.mulf %get3A_1679, %gather3A_1589 : vector<16xf32>
        %add3A_1681 = arith.constant 13 : i32
        %add3A_1682 = arith.addi %mul3A_79, %add3A_1681 : i32
        %swap3A_1683 = arith.index_cast %add3A_1682 : i32 to index
        %swap3A_1684 = arith.constant 96 : index
        %swap3A_1685 = tpu.vector_load %arg14[%swap3A_1683, %swap3A_1684] {strides = array<i32>} : memref<128x128xf32, #tpu.memory_space<vmem>>, vector<1x16xf32>,
        %swap3A_1686 = vector.shape_cast %swap3A_1685 : vector<1x16xf32> to vector<16xf32>
        %swap3A_1687 = vector.shape_cast %mul3A_1680 : vector<16xf32> to vector<1x16xf32>
        tpu.vector_store %arg14[%swap3A_1683, %swap3A_1684], %swap3A_1687 {strides = array<i32>} : memref<128x128xf32, #tpu.memory_space<vmem>>, vector<1x16xf32>,
        %add3A_1688 = arith.constant 13 : i32
        %add3A_1689 = arith.addi %mul3A_79, %add3A_1688 : i32
        %get3A_1690 = arith.index_cast %add3A_1689 : i32 to index
        %get3A_1691 = arith.constant 112 : index
        %get3A_1692 = tpu.vector_load %arg14[%get3A_1690, %get3A_1691] {strides = array<i32>} : memref<128x128xf32, #tpu.memory_space<vmem>>, vector<1x16xf32>,
        %get3A_1693 = vector.shape_cast %get3A_1692 : vector<1x16xf32> to vector<16xf32>
        %mul3A_1694 = arith.mulf %get3A_1693, %gather3A_1589 : vector<16xf32>
        %add3A_1695 = arith.constant 13 : i32
        %add3A_1696 = arith.addi %mul3A_79, %add3A_1695 : i32
        %swap3A_1697 = arith.index_cast %add3A_1696 : i32 to index
        %swap3A_1698 = arith.constant 112 : index
        %swap3A_1699 = tpu.vector_load %arg14[%swap3A_1697, %swap3A_1698] {strides = array<i32>} : memref<128x128xf32, #tpu.memory_space<vmem>>, vector<1x16xf32>,
        %swap3A_1700 = vector.shape_cast %swap3A_1699 : vector<1x16xf32> to vector<16xf32>
        %swap3A_1701 = vector.shape_cast %mul3A_1694 : vector<16xf32> to vector<1x16xf32>
        tpu.vector_store %arg14[%swap3A_1697, %swap3A_1698], %swap3A_1701 {strides = array<i32>} : memref<128x128xf32, #tpu.memory_space<vmem>>, vector<1x16xf32>,
        %broadcast_in_dim3A_1702 = arith.constant 14 : i32
        %broadcast_in_dim3A_1703 = vector.broadcast %broadcast_in_dim3A_1702 : i32 to vector<16x1xi32>
        %gather3A_1704 = vector.shape_cast %broadcast_in_dim3A_1703 : vector<16x1xi32> to vector<16xi32>
        %gather3A_1705 = tpu.dynamic_gather %get3A_77[%gather3A_1704] in [0] : vector<16xf32>, vector<16xi32> -> vector<16xf32>
        %add3A_1706 = arith.constant 14 : i32
        %add3A_1707 = arith.addi %mul3A_79, %add3A_1706 : i32
        %get3A_1708 = arith.index_cast %add3A_1707 : i32 to index
        %get3A_1709 = arith.constant 0 : index
        %get3A_1710 = tpu.vector_load %arg14[%get3A_1708, %get3A_1709] {strides = array<i32>} : memref<128x128xf32, #tpu.memory_space<vmem>>, vector<1x16xf32>,
        %get3A_1711 = vector.shape_cast %get3A_1710 : vector<1x16xf32> to vector<16xf32>
        %mul3A_1712 = arith.mulf %get3A_1711, %gather3A_1705 : vector<16xf32>
        %add3A_1713 = arith.constant 14 : i32
        %add3A_1714 = arith.addi %mul3A_79, %add3A_1713 : i32
        %swap3A_1715 = arith.index_cast %add3A_1714 : i32 to index
        %swap3A_1716 = arith.constant 0 : index
        %swap3A_1717 = tpu.vector_load %arg14[%swap3A_1715, %swap3A_1716] {strides = array<i32>} : memref<128x128xf32, #tpu.memory_space<vmem>>, vector<1x16xf32>,
        %swap3A_1718 = vector.shape_cast %swap3A_1717 : vector<1x16xf32> to vector<16xf32>
        %swap3A_1719 = vector.shape_cast %mul3A_1712 : vector<16xf32> to vector<1x16xf32>
        tpu.vector_store %arg14[%swap3A_1715, %swap3A_1716], %swap3A_1719 {strides = array<i32>} : memref<128x128xf32, #tpu.memory_space<vmem>>, vector<1x16xf32>,
        %add3A_1720 = arith.constant 14 : i32
        %add3A_1721 = arith.addi %mul3A_79, %add3A_1720 : i32
        %get3A_1722 = arith.index_cast %add3A_1721 : i32 to index
        %get3A_1723 = arith.constant 16 : index
        %get3A_1724 = tpu.vector_load %arg14[%get3A_1722, %get3A_1723] {strides = array<i32>} : memref<128x128xf32, #tpu.memory_space<vmem>>, vector<1x16xf32>,
        %get3A_1725 = vector.shape_cast %get3A_1724 : vector<1x16xf32> to vector<16xf32>
        %mul3A_1726 = arith.mulf %get3A_1725, %gather3A_1705 : vector<16xf32>
        %add3A_1727 = arith.constant 14 : i32
        %add3A_1728 = arith.addi %mul3A_79, %add3A_1727 : i32
        %swap3A_1729 = arith.index_cast %add3A_1728 : i32 to index
        %swap3A_1730 = arith.constant 16 : index
        %swap3A_1731 = tpu.vector_load %arg14[%swap3A_1729, %swap3A_1730] {strides = array<i32>} : memref<128x128xf32, #tpu.memory_space<vmem>>, vector<1x16xf32>,
        %swap3A_1732 = vector.shape_cast %swap3A_1731 : vector<1x16xf32> to vector<16xf32>
        %swap3A_1733 = vector.shape_cast %mul3A_1726 : vector<16xf32> to vector<1x16xf32>
        tpu.vector_store %arg14[%swap3A_1729, %swap3A_1730], %swap3A_1733 {strides = array<i32>} : memref<128x128xf32, #tpu.memory_space<vmem>>, vector<1x16xf32>,
        %add3A_1734 = arith.constant 14 : i32
        %add3A_1735 = arith.addi %mul3A_79, %add3A_1734 : i32
        %get3A_1736 = arith.index_cast %add3A_1735 : i32 to index
        %get3A_1737 = arith.constant 32 : index
        %get3A_1738 = tpu.vector_load %arg14[%get3A_1736, %get3A_1737] {strides = array<i32>} : memref<128x128xf32, #tpu.memory_space<vmem>>, vector<1x16xf32>,
        %get3A_1739 = vector.shape_cast %get3A_1738 : vector<1x16xf32> to vector<16xf32>
        %mul3A_1740 = arith.mulf %get3A_1739, %gather3A_1705 : vector<16xf32>
        %add3A_1741 = arith.constant 14 : i32
        %add3A_1742 = arith.addi %mul3A_79, %add3A_1741 : i32
        %swap3A_1743 = arith.index_cast %add3A_1742 : i32 to index
        %swap3A_1744 = arith.constant 32 : index
        %swap3A_1745 = tpu.vector_load %arg14[%swap3A_1743, %swap3A_1744] {strides = array<i32>} : memref<128x128xf32, #tpu.memory_space<vmem>>, vector<1x16xf32>,
        %swap3A_1746 = vector.shape_cast %swap3A_1745 : vector<1x16xf32> to vector<16xf32>
        %swap3A_1747 = vector.shape_cast %mul3A_1740 : vector<16xf32> to vector<1x16xf32>
        tpu.vector_store %arg14[%swap3A_1743, %swap3A_1744], %swap3A_1747 {strides = array<i32>} : memref<128x128xf32, #tpu.memory_space<vmem>>, vector<1x16xf32>,
        %add3A_1748 = arith.constant 14 : i32
        %add3A_1749 = arith.addi %mul3A_79, %add3A_1748 : i32
        %get3A_1750 = arith.index_cast %add3A_1749 : i32 to index
        %get3A_1751 = arith.constant 48 : index
        %get3A_1752 = tpu.vector_load %arg14[%get3A_1750, %get3A_1751] {strides = array<i32>} : memref<128x128xf32, #tpu.memory_space<vmem>>, vector<1x16xf32>,
        %get3A_1753 = vector.shape_cast %get3A_1752 : vector<1x16xf32> to vector<16xf32>
        %mul3A_1754 = arith.mulf %get3A_1753, %gather3A_1705 : vector<16xf32>
        %add3A_1755 = arith.constant 14 : i32
        %add3A_1756 = arith.addi %mul3A_79, %add3A_1755 : i32
        %swap3A_1757 = arith.index_cast %add3A_1756 : i32 to index
        %swap3A_1758 = arith.constant 48 : index
        %swap3A_1759 = tpu.vector_load %arg14[%swap3A_1757, %swap3A_1758] {strides = array<i32>} : memref<128x128xf32, #tpu.memory_space<vmem>>, vector<1x16xf32>,
        %swap3A_1760 = vector.shape_cast %swap3A_1759 : vector<1x16xf32> to vector<16xf32>
        %swap3A_1761 = vector.shape_cast %mul3A_1754 : vector<16xf32> to vector<1x16xf32>
        tpu.vector_store %arg14[%swap3A_1757, %swap3A_1758], %swap3A_1761 {strides = array<i32>} : memref<128x128xf32, #tpu.memory_space<vmem>>, vector<1x16xf32>,
        %add3A_1762 = arith.constant 14 : i32
        %add3A_1763 = arith.addi %mul3A_79, %add3A_1762 : i32
        %get3A_1764 = arith.index_cast %add3A_1763 : i32 to index
        %get3A_1765 = arith.constant 64 : index
        %get3A_1766 = tpu.vector_load %arg14[%get3A_1764, %get3A_1765] {strides = array<i32>} : memref<128x128xf32, #tpu.memory_space<vmem>>, vector<1x16xf32>,
        %get3A_1767 = vector.shape_cast %get3A_1766 : vector<1x16xf32> to vector<16xf32>
        %mul3A_1768 = arith.mulf %get3A_1767, %gather3A_1705 : vector<16xf32>
        %add3A_1769 = arith.constant 14 : i32
        %add3A_1770 = arith.addi %mul3A_79, %add3A_1769 : i32
        %swap3A_1771 = arith.index_cast %add3A_1770 : i32 to index
        %swap3A_1772 = arith.constant 64 : index
        %swap3A_1773 = tpu.vector_load %arg14[%swap3A_1771, %swap3A_1772] {strides = array<i32>} : memref<128x128xf32, #tpu.memory_space<vmem>>, vector<1x16xf32>,
        %swap3A_1774 = vector.shape_cast %swap3A_1773 : vector<1x16xf32> to vector<16xf32>
        %swap3A_1775 = vector.shape_cast %mul3A_1768 : vector<16xf32> to vector<1x16xf32>
        tpu.vector_store %arg14[%swap3A_1771, %swap3A_1772], %swap3A_1775 {strides = array<i32>} : memref<128x128xf32, #tpu.memory_space<vmem>>, vector<1x16xf32>,
        %add3A_1776 = arith.constant 14 : i32
        %add3A_1777 = arith.addi %mul3A_79, %add3A_1776 : i32
        %get3A_1778 = arith.index_cast %add3A_1777 : i32 to index
        %get3A_1779 = arith.constant 80 : index
        %get3A_1780 = tpu.vector_load %arg14[%get3A_1778, %get3A_1779] {strides = array<i32>} : memref<128x128xf32, #tpu.memory_space<vmem>>, vector<1x16xf32>,
        %get3A_1781 = vector.shape_cast %get3A_1780 : vector<1x16xf32> to vector<16xf32>
        %mul3A_1782 = arith.mulf %get3A_1781, %gather3A_1705 : vector<16xf32>
        %add3A_1783 = arith.constant 14 : i32
        %add3A_1784 = arith.addi %mul3A_79, %add3A_1783 : i32
        %swap3A_1785 = arith.index_cast %add3A_1784 : i32 to index
        %swap3A_1786 = arith.constant 80 : index
        %swap3A_1787 = tpu.vector_load %arg14[%swap3A_1785, %swap3A_1786] {strides = array<i32>} : memref<128x128xf32, #tpu.memory_space<vmem>>, vector<1x16xf32>,
        %swap3A_1788 = vector.shape_cast %swap3A_1787 : vector<1x16xf32> to vector<16xf32>
        %swap3A_1789 = vector.shape_cast %mul3A_1782 : vector<16xf32> to vector<1x16xf32>
        tpu.vector_store %arg14[%swap3A_1785, %swap3A_1786], %swap3A_1789 {strides = array<i32>} : memref<128x128xf32, #tpu.memory_space<vmem>>, vector<1x16xf32>,
        %add3A_1790 = arith.constant 14 : i32
        %add3A_1791 = arith.addi %mul3A_79, %add3A_1790 : i32
        %get3A_1792 = arith.index_cast %add3A_1791 : i32 to index
        %get3A_1793 = arith.constant 96 : index
        %get3A_1794 = tpu.vector_load %arg14[%get3A_1792, %get3A_1793] {strides = array<i32>} : memref<128x128xf32, #tpu.memory_space<vmem>>, vector<1x16xf32>,
        %get3A_1795 = vector.shape_cast %get3A_1794 : vector<1x16xf32> to vector<16xf32>
        %mul3A_1796 = arith.mulf %get3A_1795, %gather3A_1705 : vector<16xf32>
        %add3A_1797 = arith.constant 14 : i32
        %add3A_1798 = arith.addi %mul3A_79, %add3A_1797 : i32
        %swap3A_1799 = arith.index_cast %add3A_1798 : i32 to index
        %swap3A_1800 = arith.constant 96 : index
        %swap3A_1801 = tpu.vector_load %arg14[%swap3A_1799, %swap3A_1800] {strides = array<i32>} : memref<128x128xf32, #tpu.memory_space<vmem>>, vector<1x16xf32>,
        %swap3A_1802 = vector.shape_cast %swap3A_1801 : vector<1x16xf32> to vector<16xf32>
        %swap3A_1803 = vector.shape_cast %mul3A_1796 : vector<16xf32> to vector<1x16xf32>
        tpu.vector_store %arg14[%swap3A_1799, %swap3A_1800], %swap3A_1803 {strides = array<i32>} : memref<128x128xf32, #tpu.memory_space<vmem>>, vector<1x16xf32>,
        %add3A_1804 = arith.constant 14 : i32
        %add3A_1805 = arith.addi %mul3A_79, %add3A_1804 : i32
        %get3A_1806 = arith.index_cast %add3A_1805 : i32 to index
        %get3A_1807 = arith.constant 112 : index
        %get3A_1808 = tpu.vector_load %arg14[%get3A_1806, %get3A_1807] {strides = array<i32>} : memref<128x128xf32, #tpu.memory_space<vmem>>, vector<1x16xf32>,
        %get3A_1809 = vector.shape_cast %get3A_1808 : vector<1x16xf32> to vector<16xf32>
        %mul3A_1810 = arith.mulf %get3A_1809, %gather3A_1705 : vector<16xf32>
        %add3A_1811 = arith.constant 14 : i32
        %add3A_1812 = arith.addi %mul3A_79, %add3A_1811 : i32
        %swap3A_1813 = arith.index_cast %add3A_1812 : i32 to index
        %swap3A_1814 = arith.constant 112 : index
        %swap3A_1815 = tpu.vector_load %arg14[%swap3A_1813, %swap3A_1814] {strides = array<i32>} : memref<128x128xf32, #tpu.memory_space<vmem>>, vector<1x16xf32>,
        %swap3A_1816 = vector.shape_cast %swap3A_1815 : vector<1x16xf32> to vector<16xf32>
        %swap3A_1817 = vector.shape_cast %mul3A_1810 : vector<16xf32> to vector<1x16xf32>
        tpu.vector_store %arg14[%swap3A_1813, %swap3A_1814], %swap3A_1817 {strides = array<i32>} : memref<128x128xf32, #tpu.memory_space<vmem>>, vector<1x16xf32>,
        %broadcast_in_dim3A_1818 = arith.constant 15 : i32
        %broadcast_in_dim3A_1819 = vector.broadcast %broadcast_in_dim3A_1818 : i32 to vector<16x1xi32>
        %gather3A_1820 = vector.shape_cast %broadcast_in_dim3A_1819 : vector<16x1xi32> to vector<16xi32>
        %gather3A_1821 = tpu.dynamic_gather %get3A_77[%gather3A_1820] in [0] : vector<16xf32>, vector<16xi32> -> vector<16xf32>
        %add3A_1822 = arith.constant 15 : i32
        %add3A_1823 = arith.addi %mul3A_79, %add3A_1822 : i32
        %get3A_1824 = arith.index_cast %add3A_1823 : i32 to index
        %get3A_1825 = arith.constant 0 : index
        %get3A_1826 = tpu.vector_load %arg14[%get3A_1824, %get3A_1825] {strides = array<i32>} : memref<128x128xf32, #tpu.memory_space<vmem>>, vector<1x16xf32>,
        %get3A_1827 = vector.shape_cast %get3A_1826 : vector<1x16xf32> to vector<16xf32>
        %mul3A_1828 = arith.mulf %get3A_1827, %gather3A_1821 : vector<16xf32>
        %add3A_1829 = arith.constant 15 : i32
        %add3A_1830 = arith.addi %mul3A_79, %add3A_1829 : i32
        %swap3A_1831 = arith.index_cast %add3A_1830 : i32 to index
        %swap3A_1832 = arith.constant 0 : index
        %swap3A_1833 = tpu.vector_load %arg14[%swap3A_1831, %swap3A_1832] {strides = array<i32>} : memref<128x128xf32, #tpu.memory_space<vmem>>, vector<1x16xf32>,
        %swap3A_1834 = vector.shape_cast %swap3A_1833 : vector<1x16xf32> to vector<16xf32>
        %swap3A_1835 = vector.shape_cast %mul3A_1828 : vector<16xf32> to vector<1x16xf32>
        tpu.vector_store %arg14[%swap3A_1831, %swap3A_1832], %swap3A_1835 {strides = array<i32>} : memref<128x128xf32, #tpu.memory_space<vmem>>, vector<1x16xf32>,
        %add3A_1836 = arith.constant 15 : i32
        %add3A_1837 = arith.addi %mul3A_79, %add3A_1836 : i32
        %get3A_1838 = arith.index_cast %add3A_1837 : i32 to index
        %get3A_1839 = arith.constant 16 : index
        %get3A_1840 = tpu.vector_load %arg14[%get3A_1838, %get3A_1839] {strides = array<i32>} : memref<128x128xf32, #tpu.memory_space<vmem>>, vector<1x16xf32>,
        %get3A_1841 = vector.shape_cast %get3A_1840 : vector<1x16xf32> to vector<16xf32>
        %mul3A_1842 = arith.mulf %get3A_1841, %gather3A_1821 : vector<16xf32>
        %add3A_1843 = arith.constant 15 : i32
        %add3A_1844 = arith.addi %mul3A_79, %add3A_1843 : i32
        %swap3A_1845 = arith.index_cast %add3A_1844 : i32 to index
        %swap3A_1846 = arith.constant 16 : index
        %swap3A_1847 = tpu.vector_load %arg14[%swap3A_1845, %swap3A_1846] {strides = array<i32>} : memref<128x128xf32, #tpu.memory_space<vmem>>, vector<1x16xf32>,
        %swap3A_1848 = vector.shape_cast %swap3A_1847 : vector<1x16xf32> to vector<16xf32>
        %swap3A_1849 = vector.shape_cast %mul3A_1842 : vector<16xf32> to vector<1x16xf32>
        tpu.vector_store %arg14[%swap3A_1845, %swap3A_1846], %swap3A_1849 {strides = array<i32>} : memref<128x128xf32, #tpu.memory_space<vmem>>, vector<1x16xf32>,
        %add3A_1850 = arith.constant 15 : i32
        %add3A_1851 = arith.addi %mul3A_79, %add3A_1850 : i32
        %get3A_1852 = arith.index_cast %add3A_1851 : i32 to index
        %get3A_1853 = arith.constant 32 : index
        %get3A_1854 = tpu.vector_load %arg14[%get3A_1852, %get3A_1853] {strides = array<i32>} : memref<128x128xf32, #tpu.memory_space<vmem>>, vector<1x16xf32>,
        %get3A_1855 = vector.shape_cast %get3A_1854 : vector<1x16xf32> to vector<16xf32>
        %mul3A_1856 = arith.mulf %get3A_1855, %gather3A_1821 : vector<16xf32>
        %add3A_1857 = arith.constant 15 : i32
        %add3A_1858 = arith.addi %mul3A_79, %add3A_1857 : i32
        %swap3A_1859 = arith.index_cast %add3A_1858 : i32 to index
        %swap3A_1860 = arith.constant 32 : index
        %swap3A_1861 = tpu.vector_load %arg14[%swap3A_1859, %swap3A_1860] {strides = array<i32>} : memref<128x128xf32, #tpu.memory_space<vmem>>, vector<1x16xf32>,
        %swap3A_1862 = vector.shape_cast %swap3A_1861 : vector<1x16xf32> to vector<16xf32>
        %swap3A_1863 = vector.shape_cast %mul3A_1856 : vector<16xf32> to vector<1x16xf32>
        tpu.vector_store %arg14[%swap3A_1859, %swap3A_1860], %swap3A_1863 {strides = array<i32>} : memref<128x128xf32, #tpu.memory_space<vmem>>, vector<1x16xf32>,
        %add3A_1864 = arith.constant 15 : i32
        %add3A_1865 = arith.addi %mul3A_79, %add3A_1864 : i32
        %get3A_1866 = arith.index_cast %add3A_1865 : i32 to index
        %get3A_1867 = arith.constant 48 : index
        %get3A_1868 = tpu.vector_load %arg14[%get3A_1866, %get3A_1867] {strides = array<i32>} : memref<128x128xf32, #tpu.memory_space<vmem>>, vector<1x16xf32>,
        %get3A_1869 = vector.shape_cast %get3A_1868 : vector<1x16xf32> to vector<16xf32>
        %mul3A_1870 = arith.mulf %get3A_1869, %gather3A_1821 : vector<16xf32>
        %add3A_1871 = arith.constant 15 : i32
        %add3A_1872 = arith.addi %mul3A_79, %add3A_1871 : i32
        %swap3A_1873 = arith.index_cast %add3A_1872 : i32 to index
        %swap3A_1874 = arith.constant 48 : index
        %swap3A_1875 = tpu.vector_load %arg14[%swap3A_1873, %swap3A_1874] {strides = array<i32>} : memref<128x128xf32, #tpu.memory_space<vmem>>, vector<1x16xf32>,
        %swap3A_1876 = vector.shape_cast %swap3A_1875 : vector<1x16xf32> to vector<16xf32>
        %swap3A_1877 = vector.shape_cast %mul3A_1870 : vector<16xf32> to vector<1x16xf32>
        tpu.vector_store %arg14[%swap3A_1873, %swap3A_1874], %swap3A_1877 {strides = array<i32>} : memref<128x128xf32, #tpu.memory_space<vmem>>, vector<1x16xf32>,
        %add3A_1878 = arith.constant 15 : i32
        %add3A_1879 = arith.addi %mul3A_79, %add3A_1878 : i32
        %get3A_1880 = arith.index_cast %add3A_1879 : i32 to index
        %get3A_1881 = arith.constant 64 : index
        %get3A_1882 = tpu.vector_load %arg14[%get3A_1880, %get3A_1881] {strides = array<i32>} : memref<128x128xf32, #tpu.memory_space<vmem>>, vector<1x16xf32>,
        %get3A_1883 = vector.shape_cast %get3A_1882 : vector<1x16xf32> to vector<16xf32>
        %mul3A_1884 = arith.mulf %get3A_1883, %gather3A_1821 : vector<16xf32>
        %add3A_1885 = arith.constant 15 : i32
        %add3A_1886 = arith.addi %mul3A_79, %add3A_1885 : i32
        %swap3A_1887 = arith.index_cast %add3A_1886 : i32 to index
        %swap3A_1888 = arith.constant 64 : index
        %swap3A_1889 = tpu.vector_load %arg14[%swap3A_1887, %swap3A_1888] {strides = array<i32>} : memref<128x128xf32, #tpu.memory_space<vmem>>, vector<1x16xf32>,
        %swap3A_1890 = vector.shape_cast %swap3A_1889 : vector<1x16xf32> to vector<16xf32>
        %swap3A_1891 = vector.shape_cast %mul3A_1884 : vector<16xf32> to vector<1x16xf32>
        tpu.vector_store %arg14[%swap3A_1887, %swap3A_1888], %swap3A_1891 {strides = array<i32>} : memref<128x128xf32, #tpu.memory_space<vmem>>, vector<1x16xf32>,
        %add3A_1892 = arith.constant 15 : i32
        %add3A_1893 = arith.addi %mul3A_79, %add3A_1892 : i32
        %get3A_1894 = arith.index_cast %add3A_1893 : i32 to index
        %get3A_1895 = arith.constant 80 : index
        %get3A_1896 = tpu.vector_load %arg14[%get3A_1894, %get3A_1895] {strides = array<i32>} : memref<128x128xf32, #tpu.memory_space<vmem>>, vector<1x16xf32>,
        %get3A_1897 = vector.shape_cast %get3A_1896 : vector<1x16xf32> to vector<16xf32>
        %mul3A_1898 = arith.mulf %get3A_1897, %gather3A_1821 : vector<16xf32>
        %add3A_1899 = arith.constant 15 : i32
        %add3A_1900 = arith.addi %mul3A_79, %add3A_1899 : i32
        %swap3A_1901 = arith.index_cast %add3A_1900 : i32 to index
        %swap3A_1902 = arith.constant 80 : index
        %swap3A_1903 = tpu.vector_load %arg14[%swap3A_1901, %swap3A_1902] {strides = array<i32>} : memref<128x128xf32, #tpu.memory_space<vmem>>, vector<1x16xf32>,
        %swap3A_1904 = vector.shape_cast %swap3A_1903 : vector<1x16xf32> to vector<16xf32>
        %swap3A_1905 = vector.shape_cast %mul3A_1898 : vector<16xf32> to vector<1x16xf32>
        tpu.vector_store %arg14[%swap3A_1901, %swap3A_1902], %swap3A_1905 {strides = array<i32>} : memref<128x128xf32, #tpu.memory_space<vmem>>, vector<1x16xf32>,
        %add3A_1906 = arith.constant 15 : i32
        %add3A_1907 = arith.addi %mul3A_79, %add3A_1906 : i32
        %get3A_1908 = arith.index_cast %add3A_1907 : i32 to index
        %get3A_1909 = arith.constant 96 : index
        %get3A_1910 = tpu.vector_load %arg14[%get3A_1908, %get3A_1909] {strides = array<i32>} : memref<128x128xf32, #tpu.memory_space<vmem>>, vector<1x16xf32>,
        %get3A_1911 = vector.shape_cast %get3A_1910 : vector<1x16xf32> to vector<16xf32>
        %mul3A_1912 = arith.mulf %get3A_1911, %gather3A_1821 : vector<16xf32>
        %add3A_1913 = arith.constant 15 : i32
        %add3A_1914 = arith.addi %mul3A_79, %add3A_1913 : i32
        %swap3A_1915 = arith.index_cast %add3A_1914 : i32 to index
        %swap3A_1916 = arith.constant 96 : index
        %swap3A_1917 = tpu.vector_load %arg14[%swap3A_1915, %swap3A_1916] {strides = array<i32>} : memref<128x128xf32, #tpu.memory_space<vmem>>, vector<1x16xf32>,
        %swap3A_1918 = vector.shape_cast %swap3A_1917 : vector<1x16xf32> to vector<16xf32>
        %swap3A_1919 = vector.shape_cast %mul3A_1912 : vector<16xf32> to vector<1x16xf32>
        tpu.vector_store %arg14[%swap3A_1915, %swap3A_1916], %swap3A_1919 {strides = array<i32>} : memref<128x128xf32, #tpu.memory_space<vmem>>, vector<1x16xf32>,
        %add3A_1920 = arith.constant 15 : i32
        %add3A_1921 = arith.addi %mul3A_79, %add3A_1920 : i32
        %get3A_1922 = arith.index_cast %add3A_1921 : i32 to index
        %get3A_1923 = arith.constant 112 : index
        %get3A_1924 = tpu.vector_load %arg14[%get3A_1922, %get3A_1923] {strides = array<i32>} : memref<128x128xf32, #tpu.memory_space<vmem>>, vector<1x16xf32>,
        %get3A_1925 = vector.shape_cast %get3A_1924 : vector<1x16xf32> to vector<16xf32>
        %mul3A_1926 = arith.mulf %get3A_1925, %gather3A_1821 : vector<16xf32>
        %add3A_1927 = arith.constant 15 : i32
        %add3A_1928 = arith.addi %mul3A_79, %add3A_1927 : i32
        %swap3A_1929 = arith.index_cast %add3A_1928 : i32 to index
        %swap3A_1930 = arith.constant 112 : index
        %swap3A_1931 = tpu.vector_load %arg14[%swap3A_1929, %swap3A_1930] {strides = array<i32>} : memref<128x128xf32, #tpu.memory_space<vmem>>, vector<1x16xf32>,
        %swap3A_1932 = vector.shape_cast %swap3A_1931 : vector<1x16xf32> to vector<16xf32>
        %swap3A_1933 = vector.shape_cast %mul3A_1926 : vector<16xf32> to vector<1x16xf32>
        tpu.vector_store %arg14[%swap3A_1929, %swap3A_1930], %swap3A_1933 {strides = array<i32>} : memref<128x128xf32, #tpu.memory_space<vmem>>, vector<1x16xf32>,
      }
      %scan3A_63 = arith.constant 8 : i32
      "tpu.region"() ({
        %run_scoped3A = tpu.sem_alloc : memref<!tpu.dma_semaphore, #tpu.memory_space<semaphore_mem>>
        %dma_start3A = arith.constant 0 : i32
        %dma_start3A_69 = arith.constant 0 : i32
        %dma_start3A_70 = tpu.memref_slice %arg9[%dma_start3A, %dma_start3A_69] : memref<10240x128xf32, #tpu.memory_space<vmem_shared>> -> memref<10240x128xf32, #tpu.memory_space<vmem_shared>>
        tpu.enqueue_indirect_dma source(%arg14 : memref<128x128xf32, #tpu.memory_space<vmem>>) target(%dma_start3A_70 : memref<10240x128xf32, #tpu.memory_space<vmem_shared>>) offsets(%arg12 : memref<128xi32, #tpu.memory_space<vmem>>) semaphore(%run_scoped3A : memref<!tpu.dma_semaphore, #tpu.memory_space<semaphore_mem>>) {add = true}
        %dma_wait3A = arith.constant 0 : i32
        %dma_wait3A_71 = arith.constant 0 : i32
        %dma_wait3A_72 = tpu.memref_slice %arg9[%dma_wait3A, %dma_wait3A_71] : memref<10240x128xf32, #tpu.memory_space<vmem_shared>> -> memref<10240x128xf32, #tpu.memory_space<vmem_shared>>
        tpu.wait_indirect_dma semaphore(%run_scoped3A : memref<!tpu.dma_semaphore, #tpu.memory_space<semaphore_mem>>) src(%arg14 : memref<128x128xf32, #tpu.memory_space<vmem>>) dst(%dma_wait3A_72 : memref<10240x128xf32, #tpu.memory_space<vmem_shared>>)
        tpu.yield
      }) : () -> ()
      %scan3A_64 = arith.constant 0 : i32
      %scan3A_65 = arith.constant 8 : i32
      %scan3A_66 = arith.addi %scan3A_64, %scan3A_65 : i32
      %scan3A_67 = arith.constant 1 : i32
      scf.for %scan3A_69 = %scan3A_64 to %scan3A_66 step %scan3A_67  : i32 {
        %mul3A_70 = arith.constant 1 : i32
        %mul3A_71 = arith.muli %scan3A_69, %mul3A_70 : i32
        %add3A_72 = arith.constant 0 : i32
        %add3A_73 = arith.addi %add3A_72, %mul3A_71 : i32
        %mul3A_74 = arith.constant 16 : i32
        %mul3A_75 = arith.muli %add3A_73, %mul3A_74 : i32
        %get3A = arith.index_cast %mul3A_75 : i32 to index
        %get3A_76 = tpu.vector_load %arg12[%get3A] {strides = array<i32>} : memref<128xi32, #tpu.memory_space<vmem>>, vector<16xi32>,
        %get3A_77 = vector.shape_cast %get3A_76 : vector<16xi32> to vector<16xi32>
        %mul3A_78 = arith.constant 16 : i32
        %mul3A_79 = arith.muli %add3A_73, %mul3A_78 : i32
        %get3A_80 = arith.index_cast %mul3A_79 : i32 to index
        %get3A_81 = tpu.vector_load %arg13[%get3A_80] {strides = array<i32>} : memref<128xf32, #tpu.memory_space<vmem>>, vector<16xf32>,
        %get3A_82 = vector.shape_cast %get3A_81 : vector<16xf32> to vector<16xf32>
        %slice3A = vector.extract_strided_slice %get3A_77 {offsets = [0], sizes = [1], strides = [1]} : vector<16xi32> to vector<1xi32>
        %squeeze3A = vector.extract %slice3A[0] : i32 from vector<1xi32>
        %slice3A_83 = vector.extract_strided_slice %get3A_82 {offsets = [0], sizes = [1], strides = [1]} : vector<16xf32> to vector<1xf32>
        %squeeze3A_84 = vector.extract %slice3A_83[0] : f32 from vector<1xf32>
        %shift_right_logical3A = arith.constant 7 : i32
        %shift_right_logical3A_85 = arith.shrui %squeeze3A, %shift_right_logical3A : i32
        %shift_right_logical3A_86 = arith.constant 4 : i32
        %shift_right_logical3A_87 = arith.shrui %squeeze3A, %shift_right_logical3A_86 : i32
        %and3A = arith.constant 7 : i32
        %and3A_88 = arith.andi %shift_right_logical3A_87, %and3A : i32
        %mul3A_89 = arith.constant 16 : i32
        %mul3A_90 = arith.muli %and3A_88, %mul3A_89 : i32
        %and3A_91 = arith.constant 15 : i32
        %and3A_92 = arith.andi %squeeze3A, %and3A_91 : i32
        %get3A_93 = arith.index_cast %shift_right_logical3A_85 : i32 to index
        %get3A_94 = arith.index_cast %mul3A_90 : i32 to index
        %get3A_95 = tpu.vector_load %arg15[%get3A_93, %get3A_94] {strides = array<i32>} : memref<80x128xf32, #tpu.memory_space<vmem>>, vector<1x16xf32>,
        %get3A_96 = vector.shape_cast %get3A_95 : vector<1x16xf32> to vector<16xf32>
        %eq3A_97 = vector.broadcast %and3A_92 : i32 to vector<16xi32>
        %eq3A_98 = arith.cmpi eq, %iota3A_43, %eq3A_97 : vector<16xi32>
        %jit3A = arith.constant 0.000000e+00 : f32
        %broadcast_in_dim3A = vector.broadcast %squeeze3A_84 : f32 to vector<16xf32>
        %broadcast_in_dim3A_99 = vector.broadcast %jit3A : f32 to vector<16xf32>
        %select_n3A = arith.select %eq3A_98, %broadcast_in_dim3A, %broadcast_in_dim3A_99 : vector<16xi1>, vector<16xf32>
        %add3A_100 = arith.addf %get3A_96, %select_n3A : vector<16xf32>
        %swap3A_101 = arith.index_cast %shift_right_logical3A_85 : i32 to index
        %swap3A_102 = arith.index_cast %mul3A_90 : i32 to index
        %swap3A_103 = tpu.vector_load %arg15[%swap3A_101, %swap3A_102] {strides = array<i32>} : memref<80x128xf32, #tpu.memory_space<vmem>>, vector<1x16xf32>,
        %swap3A_104 = vector.shape_cast %swap3A_103 : vector<1x16xf32> to vector<16xf32>
        %swap3A_105 = vector.shape_cast %add3A_100 : vector<16xf32> to vector<1x16xf32>
        tpu.vector_store %arg15[%swap3A_101, %swap3A_102], %swap3A_105 {strides = array<i32>} : memref<80x128xf32, #tpu.memory_space<vmem>>, vector<1x16xf32>,
        %slice3A_106 = vector.extract_strided_slice %get3A_77 {offsets = [1], sizes = [1], strides = [1]} : vector<16xi32> to vector<1xi32>
        %squeeze3A_107 = vector.extract %slice3A_106[0] : i32 from vector<1xi32>
        %slice3A_108 = vector.extract_strided_slice %get3A_82 {offsets = [1], sizes = [1], strides = [1]} : vector<16xf32> to vector<1xf32>
        %squeeze3A_109 = vector.extract %slice3A_108[0] : f32 from vector<1xf32>
        %shift_right_logical3A_110 = arith.constant 7 : i32
        %shift_right_logical3A_111 = arith.shrui %squeeze3A_107, %shift_right_logical3A_110 : i32
        %shift_right_logical3A_112 = arith.constant 4 : i32
        %shift_right_logical3A_113 = arith.shrui %squeeze3A_107, %shift_right_logical3A_112 : i32
        %and3A_114 = arith.constant 7 : i32
        %and3A_115 = arith.andi %shift_right_logical3A_113, %and3A_114 : i32
        %mul3A_116 = arith.constant 16 : i32
        %mul3A_117 = arith.muli %and3A_115, %mul3A_116 : i32
        %and3A_118 = arith.constant 15 : i32
        %and3A_119 = arith.andi %squeeze3A_107, %and3A_118 : i32
        %get3A_120 = arith.index_cast %shift_right_logical3A_111 : i32 to index
        %get3A_121 = arith.index_cast %mul3A_117 : i32 to index
        %get3A_122 = tpu.vector_load %arg15[%get3A_120, %get3A_121] {strides = array<i32>} : memref<80x128xf32, #tpu.memory_space<vmem>>, vector<1x16xf32>,
        %get3A_123 = vector.shape_cast %get3A_122 : vector<1x16xf32> to vector<16xf32>
        %eq3A_124 = vector.broadcast %and3A_119 : i32 to vector<16xi32>
        %eq3A_125 = arith.cmpi eq, %iota3A_43, %eq3A_124 : vector<16xi32>
        %jit3A_126 = arith.constant 0.000000e+00 : f32
        %broadcast_in_dim3A_127 = vector.broadcast %squeeze3A_109 : f32 to vector<16xf32>
        %broadcast_in_dim3A_128 = vector.broadcast %jit3A_126 : f32 to vector<16xf32>
        %select_n3A_129 = arith.select %eq3A_125, %broadcast_in_dim3A_127, %broadcast_in_dim3A_128 : vector<16xi1>, vector<16xf32>
        %add3A_130 = arith.addf %get3A_123, %select_n3A_129 : vector<16xf32>
        %swap3A_131 = arith.index_cast %shift_right_logical3A_111 : i32 to index
        %swap3A_132 = arith.index_cast %mul3A_117 : i32 to index
        %swap3A_133 = tpu.vector_load %arg15[%swap3A_131, %swap3A_132] {strides = array<i32>} : memref<80x128xf32, #tpu.memory_space<vmem>>, vector<1x16xf32>,
        %swap3A_134 = vector.shape_cast %swap3A_133 : vector<1x16xf32> to vector<16xf32>
        %swap3A_135 = vector.shape_cast %add3A_130 : vector<16xf32> to vector<1x16xf32>
        tpu.vector_store %arg15[%swap3A_131, %swap3A_132], %swap3A_135 {strides = array<i32>} : memref<80x128xf32, #tpu.memory_space<vmem>>, vector<1x16xf32>,
        %slice3A_136 = vector.extract_strided_slice %get3A_77 {offsets = [2], sizes = [1], strides = [1]} : vector<16xi32> to vector<1xi32>
        %squeeze3A_137 = vector.extract %slice3A_136[0] : i32 from vector<1xi32>
        %slice3A_138 = vector.extract_strided_slice %get3A_82 {offsets = [2], sizes = [1], strides = [1]} : vector<16xf32> to vector<1xf32>
        %squeeze3A_139 = vector.extract %slice3A_138[0] : f32 from vector<1xf32>
        %shift_right_logical3A_140 = arith.constant 7 : i32
        %shift_right_logical3A_141 = arith.shrui %squeeze3A_137, %shift_right_logical3A_140 : i32
        %shift_right_logical3A_142 = arith.constant 4 : i32
        %shift_right_logical3A_143 = arith.shrui %squeeze3A_137, %shift_right_logical3A_142 : i32
        %and3A_144 = arith.constant 7 : i32
        %and3A_145 = arith.andi %shift_right_logical3A_143, %and3A_144 : i32
        %mul3A_146 = arith.constant 16 : i32
        %mul3A_147 = arith.muli %and3A_145, %mul3A_146 : i32
        %and3A_148 = arith.constant 15 : i32
        %and3A_149 = arith.andi %squeeze3A_137, %and3A_148 : i32
        %get3A_150 = arith.index_cast %shift_right_logical3A_141 : i32 to index
        %get3A_151 = arith.index_cast %mul3A_147 : i32 to index
        %get3A_152 = tpu.vector_load %arg15[%get3A_150, %get3A_151] {strides = array<i32>} : memref<80x128xf32, #tpu.memory_space<vmem>>, vector<1x16xf32>,
        %get3A_153 = vector.shape_cast %get3A_152 : vector<1x16xf32> to vector<16xf32>
        %eq3A_154 = vector.broadcast %and3A_149 : i32 to vector<16xi32>
        %eq3A_155 = arith.cmpi eq, %iota3A_43, %eq3A_154 : vector<16xi32>
        %jit3A_156 = arith.constant 0.000000e+00 : f32
        %broadcast_in_dim3A_157 = vector.broadcast %squeeze3A_139 : f32 to vector<16xf32>
        %broadcast_in_dim3A_158 = vector.broadcast %jit3A_156 : f32 to vector<16xf32>
        %select_n3A_159 = arith.select %eq3A_155, %broadcast_in_dim3A_157, %broadcast_in_dim3A_158 : vector<16xi1>, vector<16xf32>
        %add3A_160 = arith.addf %get3A_153, %select_n3A_159 : vector<16xf32>
        %swap3A_161 = arith.index_cast %shift_right_logical3A_141 : i32 to index
        %swap3A_162 = arith.index_cast %mul3A_147 : i32 to index
        %swap3A_163 = tpu.vector_load %arg15[%swap3A_161, %swap3A_162] {strides = array<i32>} : memref<80x128xf32, #tpu.memory_space<vmem>>, vector<1x16xf32>,
        %swap3A_164 = vector.shape_cast %swap3A_163 : vector<1x16xf32> to vector<16xf32>
        %swap3A_165 = vector.shape_cast %add3A_160 : vector<16xf32> to vector<1x16xf32>
        tpu.vector_store %arg15[%swap3A_161, %swap3A_162], %swap3A_165 {strides = array<i32>} : memref<80x128xf32, #tpu.memory_space<vmem>>, vector<1x16xf32>,
        %slice3A_166 = vector.extract_strided_slice %get3A_77 {offsets = [3], sizes = [1], strides = [1]} : vector<16xi32> to vector<1xi32>
        %squeeze3A_167 = vector.extract %slice3A_166[0] : i32 from vector<1xi32>
        %slice3A_168 = vector.extract_strided_slice %get3A_82 {offsets = [3], sizes = [1], strides = [1]} : vector<16xf32> to vector<1xf32>
        %squeeze3A_169 = vector.extract %slice3A_168[0] : f32 from vector<1xf32>
        %shift_right_logical3A_170 = arith.constant 7 : i32
        %shift_right_logical3A_171 = arith.shrui %squeeze3A_167, %shift_right_logical3A_170 : i32
        %shift_right_logical3A_172 = arith.constant 4 : i32
        %shift_right_logical3A_173 = arith.shrui %squeeze3A_167, %shift_right_logical3A_172 : i32
        %and3A_174 = arith.constant 7 : i32
        %and3A_175 = arith.andi %shift_right_logical3A_173, %and3A_174 : i32
        %mul3A_176 = arith.constant 16 : i32
        %mul3A_177 = arith.muli %and3A_175, %mul3A_176 : i32
        %and3A_178 = arith.constant 15 : i32
        %and3A_179 = arith.andi %squeeze3A_167, %and3A_178 : i32
        %get3A_180 = arith.index_cast %shift_right_logical3A_171 : i32 to index
        %get3A_181 = arith.index_cast %mul3A_177 : i32 to index
        %get3A_182 = tpu.vector_load %arg15[%get3A_180, %get3A_181] {strides = array<i32>} : memref<80x128xf32, #tpu.memory_space<vmem>>, vector<1x16xf32>,
        %get3A_183 = vector.shape_cast %get3A_182 : vector<1x16xf32> to vector<16xf32>
        %eq3A_184 = vector.broadcast %and3A_179 : i32 to vector<16xi32>
        %eq3A_185 = arith.cmpi eq, %iota3A_43, %eq3A_184 : vector<16xi32>
        %jit3A_186 = arith.constant 0.000000e+00 : f32
        %broadcast_in_dim3A_187 = vector.broadcast %squeeze3A_169 : f32 to vector<16xf32>
        %broadcast_in_dim3A_188 = vector.broadcast %jit3A_186 : f32 to vector<16xf32>
        %select_n3A_189 = arith.select %eq3A_185, %broadcast_in_dim3A_187, %broadcast_in_dim3A_188 : vector<16xi1>, vector<16xf32>
        %add3A_190 = arith.addf %get3A_183, %select_n3A_189 : vector<16xf32>
        %swap3A_191 = arith.index_cast %shift_right_logical3A_171 : i32 to index
        %swap3A_192 = arith.index_cast %mul3A_177 : i32 to index
        %swap3A_193 = tpu.vector_load %arg15[%swap3A_191, %swap3A_192] {strides = array<i32>} : memref<80x128xf32, #tpu.memory_space<vmem>>, vector<1x16xf32>,
        %swap3A_194 = vector.shape_cast %swap3A_193 : vector<1x16xf32> to vector<16xf32>
        %swap3A_195 = vector.shape_cast %add3A_190 : vector<16xf32> to vector<1x16xf32>
        tpu.vector_store %arg15[%swap3A_191, %swap3A_192], %swap3A_195 {strides = array<i32>} : memref<80x128xf32, #tpu.memory_space<vmem>>, vector<1x16xf32>,
        %slice3A_196 = vector.extract_strided_slice %get3A_77 {offsets = [4], sizes = [1], strides = [1]} : vector<16xi32> to vector<1xi32>
        %squeeze3A_197 = vector.extract %slice3A_196[0] : i32 from vector<1xi32>
        %slice3A_198 = vector.extract_strided_slice %get3A_82 {offsets = [4], sizes = [1], strides = [1]} : vector<16xf32> to vector<1xf32>
        %squeeze3A_199 = vector.extract %slice3A_198[0] : f32 from vector<1xf32>
        %shift_right_logical3A_200 = arith.constant 7 : i32
        %shift_right_logical3A_201 = arith.shrui %squeeze3A_197, %shift_right_logical3A_200 : i32
        %shift_right_logical3A_202 = arith.constant 4 : i32
        %shift_right_logical3A_203 = arith.shrui %squeeze3A_197, %shift_right_logical3A_202 : i32
        %and3A_204 = arith.constant 7 : i32
        %and3A_205 = arith.andi %shift_right_logical3A_203, %and3A_204 : i32
        %mul3A_206 = arith.constant 16 : i32
        %mul3A_207 = arith.muli %and3A_205, %mul3A_206 : i32
        %and3A_208 = arith.constant 15 : i32
        %and3A_209 = arith.andi %squeeze3A_197, %and3A_208 : i32
        %get3A_210 = arith.index_cast %shift_right_logical3A_201 : i32 to index
        %get3A_211 = arith.index_cast %mul3A_207 : i32 to index
        %get3A_212 = tpu.vector_load %arg15[%get3A_210, %get3A_211] {strides = array<i32>} : memref<80x128xf32, #tpu.memory_space<vmem>>, vector<1x16xf32>,
        %get3A_213 = vector.shape_cast %get3A_212 : vector<1x16xf32> to vector<16xf32>
        %eq3A_214 = vector.broadcast %and3A_209 : i32 to vector<16xi32>
        %eq3A_215 = arith.cmpi eq, %iota3A_43, %eq3A_214 : vector<16xi32>
        %jit3A_216 = arith.constant 0.000000e+00 : f32
        %broadcast_in_dim3A_217 = vector.broadcast %squeeze3A_199 : f32 to vector<16xf32>
        %broadcast_in_dim3A_218 = vector.broadcast %jit3A_216 : f32 to vector<16xf32>
        %select_n3A_219 = arith.select %eq3A_215, %broadcast_in_dim3A_217, %broadcast_in_dim3A_218 : vector<16xi1>, vector<16xf32>
        %add3A_220 = arith.addf %get3A_213, %select_n3A_219 : vector<16xf32>
        %swap3A_221 = arith.index_cast %shift_right_logical3A_201 : i32 to index
        %swap3A_222 = arith.index_cast %mul3A_207 : i32 to index
        %swap3A_223 = tpu.vector_load %arg15[%swap3A_221, %swap3A_222] {strides = array<i32>} : memref<80x128xf32, #tpu.memory_space<vmem>>, vector<1x16xf32>,
        %swap3A_224 = vector.shape_cast %swap3A_223 : vector<1x16xf32> to vector<16xf32>
        %swap3A_225 = vector.shape_cast %add3A_220 : vector<16xf32> to vector<1x16xf32>
        tpu.vector_store %arg15[%swap3A_221, %swap3A_222], %swap3A_225 {strides = array<i32>} : memref<80x128xf32, #tpu.memory_space<vmem>>, vector<1x16xf32>,
        %slice3A_226 = vector.extract_strided_slice %get3A_77 {offsets = [5], sizes = [1], strides = [1]} : vector<16xi32> to vector<1xi32>
        %squeeze3A_227 = vector.extract %slice3A_226[0] : i32 from vector<1xi32>
        %slice3A_228 = vector.extract_strided_slice %get3A_82 {offsets = [5], sizes = [1], strides = [1]} : vector<16xf32> to vector<1xf32>
        %squeeze3A_229 = vector.extract %slice3A_228[0] : f32 from vector<1xf32>
        %shift_right_logical3A_230 = arith.constant 7 : i32
        %shift_right_logical3A_231 = arith.shrui %squeeze3A_227, %shift_right_logical3A_230 : i32
        %shift_right_logical3A_232 = arith.constant 4 : i32
        %shift_right_logical3A_233 = arith.shrui %squeeze3A_227, %shift_right_logical3A_232 : i32
        %and3A_234 = arith.constant 7 : i32
        %and3A_235 = arith.andi %shift_right_logical3A_233, %and3A_234 : i32
        %mul3A_236 = arith.constant 16 : i32
        %mul3A_237 = arith.muli %and3A_235, %mul3A_236 : i32
        %and3A_238 = arith.constant 15 : i32
        %and3A_239 = arith.andi %squeeze3A_227, %and3A_238 : i32
        %get3A_240 = arith.index_cast %shift_right_logical3A_231 : i32 to index
        %get3A_241 = arith.index_cast %mul3A_237 : i32 to index
        %get3A_242 = tpu.vector_load %arg15[%get3A_240, %get3A_241] {strides = array<i32>} : memref<80x128xf32, #tpu.memory_space<vmem>>, vector<1x16xf32>,
        %get3A_243 = vector.shape_cast %get3A_242 : vector<1x16xf32> to vector<16xf32>
        %eq3A_244 = vector.broadcast %and3A_239 : i32 to vector<16xi32>
        %eq3A_245 = arith.cmpi eq, %iota3A_43, %eq3A_244 : vector<16xi32>
        %jit3A_246 = arith.constant 0.000000e+00 : f32
        %broadcast_in_dim3A_247 = vector.broadcast %squeeze3A_229 : f32 to vector<16xf32>
        %broadcast_in_dim3A_248 = vector.broadcast %jit3A_246 : f32 to vector<16xf32>
        %select_n3A_249 = arith.select %eq3A_245, %broadcast_in_dim3A_247, %broadcast_in_dim3A_248 : vector<16xi1>, vector<16xf32>
        %add3A_250 = arith.addf %get3A_243, %select_n3A_249 : vector<16xf32>
        %swap3A_251 = arith.index_cast %shift_right_logical3A_231 : i32 to index
        %swap3A_252 = arith.index_cast %mul3A_237 : i32 to index
        %swap3A_253 = tpu.vector_load %arg15[%swap3A_251, %swap3A_252] {strides = array<i32>} : memref<80x128xf32, #tpu.memory_space<vmem>>, vector<1x16xf32>,
        %swap3A_254 = vector.shape_cast %swap3A_253 : vector<1x16xf32> to vector<16xf32>
        %swap3A_255 = vector.shape_cast %add3A_250 : vector<16xf32> to vector<1x16xf32>
        tpu.vector_store %arg15[%swap3A_251, %swap3A_252], %swap3A_255 {strides = array<i32>} : memref<80x128xf32, #tpu.memory_space<vmem>>, vector<1x16xf32>,
        %slice3A_256 = vector.extract_strided_slice %get3A_77 {offsets = [6], sizes = [1], strides = [1]} : vector<16xi32> to vector<1xi32>
        %squeeze3A_257 = vector.extract %slice3A_256[0] : i32 from vector<1xi32>
        %slice3A_258 = vector.extract_strided_slice %get3A_82 {offsets = [6], sizes = [1], strides = [1]} : vector<16xf32> to vector<1xf32>
        %squeeze3A_259 = vector.extract %slice3A_258[0] : f32 from vector<1xf32>
        %shift_right_logical3A_260 = arith.constant 7 : i32
        %shift_right_logical3A_261 = arith.shrui %squeeze3A_257, %shift_right_logical3A_260 : i32
        %shift_right_logical3A_262 = arith.constant 4 : i32
        %shift_right_logical3A_263 = arith.shrui %squeeze3A_257, %shift_right_logical3A_262 : i32
        %and3A_264 = arith.constant 7 : i32
        %and3A_265 = arith.andi %shift_right_logical3A_263, %and3A_264 : i32
        %mul3A_266 = arith.constant 16 : i32
        %mul3A_267 = arith.muli %and3A_265, %mul3A_266 : i32
        %and3A_268 = arith.constant 15 : i32
        %and3A_269 = arith.andi %squeeze3A_257, %and3A_268 : i32
        %get3A_270 = arith.index_cast %shift_right_logical3A_261 : i32 to index
        %get3A_271 = arith.index_cast %mul3A_267 : i32 to index
        %get3A_272 = tpu.vector_load %arg15[%get3A_270, %get3A_271] {strides = array<i32>} : memref<80x128xf32, #tpu.memory_space<vmem>>, vector<1x16xf32>,
        %get3A_273 = vector.shape_cast %get3A_272 : vector<1x16xf32> to vector<16xf32>
        %eq3A_274 = vector.broadcast %and3A_269 : i32 to vector<16xi32>
        %eq3A_275 = arith.cmpi eq, %iota3A_43, %eq3A_274 : vector<16xi32>
        %jit3A_276 = arith.constant 0.000000e+00 : f32
        %broadcast_in_dim3A_277 = vector.broadcast %squeeze3A_259 : f32 to vector<16xf32>
        %broadcast_in_dim3A_278 = vector.broadcast %jit3A_276 : f32 to vector<16xf32>
        %select_n3A_279 = arith.select %eq3A_275, %broadcast_in_dim3A_277, %broadcast_in_dim3A_278 : vector<16xi1>, vector<16xf32>
        %add3A_280 = arith.addf %get3A_273, %select_n3A_279 : vector<16xf32>
        %swap3A_281 = arith.index_cast %shift_right_logical3A_261 : i32 to index
        %swap3A_282 = arith.index_cast %mul3A_267 : i32 to index
        %swap3A_283 = tpu.vector_load %arg15[%swap3A_281, %swap3A_282] {strides = array<i32>} : memref<80x128xf32, #tpu.memory_space<vmem>>, vector<1x16xf32>,
        %swap3A_284 = vector.shape_cast %swap3A_283 : vector<1x16xf32> to vector<16xf32>
        %swap3A_285 = vector.shape_cast %add3A_280 : vector<16xf32> to vector<1x16xf32>
        tpu.vector_store %arg15[%swap3A_281, %swap3A_282], %swap3A_285 {strides = array<i32>} : memref<80x128xf32, #tpu.memory_space<vmem>>, vector<1x16xf32>,
        %slice3A_286 = vector.extract_strided_slice %get3A_77 {offsets = [7], sizes = [1], strides = [1]} : vector<16xi32> to vector<1xi32>
        %squeeze3A_287 = vector.extract %slice3A_286[0] : i32 from vector<1xi32>
        %slice3A_288 = vector.extract_strided_slice %get3A_82 {offsets = [7], sizes = [1], strides = [1]} : vector<16xf32> to vector<1xf32>
        %squeeze3A_289 = vector.extract %slice3A_288[0] : f32 from vector<1xf32>
        %shift_right_logical3A_290 = arith.constant 7 : i32
        %shift_right_logical3A_291 = arith.shrui %squeeze3A_287, %shift_right_logical3A_290 : i32
        %shift_right_logical3A_292 = arith.constant 4 : i32
        %shift_right_logical3A_293 = arith.shrui %squeeze3A_287, %shift_right_logical3A_292 : i32
        %and3A_294 = arith.constant 7 : i32
        %and3A_295 = arith.andi %shift_right_logical3A_293, %and3A_294 : i32
        %mul3A_296 = arith.constant 16 : i32
        %mul3A_297 = arith.muli %and3A_295, %mul3A_296 : i32
        %and3A_298 = arith.constant 15 : i32
        %and3A_299 = arith.andi %squeeze3A_287, %and3A_298 : i32
        %get3A_300 = arith.index_cast %shift_right_logical3A_291 : i32 to index
        %get3A_301 = arith.index_cast %mul3A_297 : i32 to index
        %get3A_302 = tpu.vector_load %arg15[%get3A_300, %get3A_301] {strides = array<i32>} : memref<80x128xf32, #tpu.memory_space<vmem>>, vector<1x16xf32>,
        %get3A_303 = vector.shape_cast %get3A_302 : vector<1x16xf32> to vector<16xf32>
        %eq3A_304 = vector.broadcast %and3A_299 : i32 to vector<16xi32>
        %eq3A_305 = arith.cmpi eq, %iota3A_43, %eq3A_304 : vector<16xi32>
        %jit3A_306 = arith.constant 0.000000e+00 : f32
        %broadcast_in_dim3A_307 = vector.broadcast %squeeze3A_289 : f32 to vector<16xf32>
        %broadcast_in_dim3A_308 = vector.broadcast %jit3A_306 : f32 to vector<16xf32>
        %select_n3A_309 = arith.select %eq3A_305, %broadcast_in_dim3A_307, %broadcast_in_dim3A_308 : vector<16xi1>, vector<16xf32>
        %add3A_310 = arith.addf %get3A_303, %select_n3A_309 : vector<16xf32>
        %swap3A_311 = arith.index_cast %shift_right_logical3A_291 : i32 to index
        %swap3A_312 = arith.index_cast %mul3A_297 : i32 to index
        %swap3A_313 = tpu.vector_load %arg15[%swap3A_311, %swap3A_312] {strides = array<i32>} : memref<80x128xf32, #tpu.memory_space<vmem>>, vector<1x16xf32>,
        %swap3A_314 = vector.shape_cast %swap3A_313 : vector<1x16xf32> to vector<16xf32>
        %swap3A_315 = vector.shape_cast %add3A_310 : vector<16xf32> to vector<1x16xf32>
        tpu.vector_store %arg15[%swap3A_311, %swap3A_312], %swap3A_315 {strides = array<i32>} : memref<80x128xf32, #tpu.memory_space<vmem>>, vector<1x16xf32>,
        %slice3A_316 = vector.extract_strided_slice %get3A_77 {offsets = [8], sizes = [1], strides = [1]} : vector<16xi32> to vector<1xi32>
        %squeeze3A_317 = vector.extract %slice3A_316[0] : i32 from vector<1xi32>
        %slice3A_318 = vector.extract_strided_slice %get3A_82 {offsets = [8], sizes = [1], strides = [1]} : vector<16xf32> to vector<1xf32>
        %squeeze3A_319 = vector.extract %slice3A_318[0] : f32 from vector<1xf32>
        %shift_right_logical3A_320 = arith.constant 7 : i32
        %shift_right_logical3A_321 = arith.shrui %squeeze3A_317, %shift_right_logical3A_320 : i32
        %shift_right_logical3A_322 = arith.constant 4 : i32
        %shift_right_logical3A_323 = arith.shrui %squeeze3A_317, %shift_right_logical3A_322 : i32
        %and3A_324 = arith.constant 7 : i32
        %and3A_325 = arith.andi %shift_right_logical3A_323, %and3A_324 : i32
        %mul3A_326 = arith.constant 16 : i32
        %mul3A_327 = arith.muli %and3A_325, %mul3A_326 : i32
        %and3A_328 = arith.constant 15 : i32
        %and3A_329 = arith.andi %squeeze3A_317, %and3A_328 : i32
        %get3A_330 = arith.index_cast %shift_right_logical3A_321 : i32 to index
        %get3A_331 = arith.index_cast %mul3A_327 : i32 to index
        %get3A_332 = tpu.vector_load %arg15[%get3A_330, %get3A_331] {strides = array<i32>} : memref<80x128xf32, #tpu.memory_space<vmem>>, vector<1x16xf32>,
        %get3A_333 = vector.shape_cast %get3A_332 : vector<1x16xf32> to vector<16xf32>
        %eq3A_334 = vector.broadcast %and3A_329 : i32 to vector<16xi32>
        %eq3A_335 = arith.cmpi eq, %iota3A_43, %eq3A_334 : vector<16xi32>
        %jit3A_336 = arith.constant 0.000000e+00 : f32
        %broadcast_in_dim3A_337 = vector.broadcast %squeeze3A_319 : f32 to vector<16xf32>
        %broadcast_in_dim3A_338 = vector.broadcast %jit3A_336 : f32 to vector<16xf32>
        %select_n3A_339 = arith.select %eq3A_335, %broadcast_in_dim3A_337, %broadcast_in_dim3A_338 : vector<16xi1>, vector<16xf32>
        %add3A_340 = arith.addf %get3A_333, %select_n3A_339 : vector<16xf32>
        %swap3A_341 = arith.index_cast %shift_right_logical3A_321 : i32 to index
        %swap3A_342 = arith.index_cast %mul3A_327 : i32 to index
        %swap3A_343 = tpu.vector_load %arg15[%swap3A_341, %swap3A_342] {strides = array<i32>} : memref<80x128xf32, #tpu.memory_space<vmem>>, vector<1x16xf32>,
        %swap3A_344 = vector.shape_cast %swap3A_343 : vector<1x16xf32> to vector<16xf32>
        %swap3A_345 = vector.shape_cast %add3A_340 : vector<16xf32> to vector<1x16xf32>
        tpu.vector_store %arg15[%swap3A_341, %swap3A_342], %swap3A_345 {strides = array<i32>} : memref<80x128xf32, #tpu.memory_space<vmem>>, vector<1x16xf32>,
        %slice3A_346 = vector.extract_strided_slice %get3A_77 {offsets = [9], sizes = [1], strides = [1]} : vector<16xi32> to vector<1xi32>
        %squeeze3A_347 = vector.extract %slice3A_346[0] : i32 from vector<1xi32>
        %slice3A_348 = vector.extract_strided_slice %get3A_82 {offsets = [9], sizes = [1], strides = [1]} : vector<16xf32> to vector<1xf32>
        %squeeze3A_349 = vector.extract %slice3A_348[0] : f32 from vector<1xf32>
        %shift_right_logical3A_350 = arith.constant 7 : i32
        %shift_right_logical3A_351 = arith.shrui %squeeze3A_347, %shift_right_logical3A_350 : i32
        %shift_right_logical3A_352 = arith.constant 4 : i32
        %shift_right_logical3A_353 = arith.shrui %squeeze3A_347, %shift_right_logical3A_352 : i32
        %and3A_354 = arith.constant 7 : i32
        %and3A_355 = arith.andi %shift_right_logical3A_353, %and3A_354 : i32
        %mul3A_356 = arith.constant 16 : i32
        %mul3A_357 = arith.muli %and3A_355, %mul3A_356 : i32
        %and3A_358 = arith.constant 15 : i32
        %and3A_359 = arith.andi %squeeze3A_347, %and3A_358 : i32
        %get3A_360 = arith.index_cast %shift_right_logical3A_351 : i32 to index
        %get3A_361 = arith.index_cast %mul3A_357 : i32 to index
        %get3A_362 = tpu.vector_load %arg15[%get3A_360, %get3A_361] {strides = array<i32>} : memref<80x128xf32, #tpu.memory_space<vmem>>, vector<1x16xf32>,
        %get3A_363 = vector.shape_cast %get3A_362 : vector<1x16xf32> to vector<16xf32>
        %eq3A_364 = vector.broadcast %and3A_359 : i32 to vector<16xi32>
        %eq3A_365 = arith.cmpi eq, %iota3A_43, %eq3A_364 : vector<16xi32>
        %jit3A_366 = arith.constant 0.000000e+00 : f32
        %broadcast_in_dim3A_367 = vector.broadcast %squeeze3A_349 : f32 to vector<16xf32>
        %broadcast_in_dim3A_368 = vector.broadcast %jit3A_366 : f32 to vector<16xf32>
        %select_n3A_369 = arith.select %eq3A_365, %broadcast_in_dim3A_367, %broadcast_in_dim3A_368 : vector<16xi1>, vector<16xf32>
        %add3A_370 = arith.addf %get3A_363, %select_n3A_369 : vector<16xf32>
        %swap3A_371 = arith.index_cast %shift_right_logical3A_351 : i32 to index
        %swap3A_372 = arith.index_cast %mul3A_357 : i32 to index
        %swap3A_373 = tpu.vector_load %arg15[%swap3A_371, %swap3A_372] {strides = array<i32>} : memref<80x128xf32, #tpu.memory_space<vmem>>, vector<1x16xf32>,
        %swap3A_374 = vector.shape_cast %swap3A_373 : vector<1x16xf32> to vector<16xf32>
        %swap3A_375 = vector.shape_cast %add3A_370 : vector<16xf32> to vector<1x16xf32>
        tpu.vector_store %arg15[%swap3A_371, %swap3A_372], %swap3A_375 {strides = array<i32>} : memref<80x128xf32, #tpu.memory_space<vmem>>, vector<1x16xf32>,
        %slice3A_376 = vector.extract_strided_slice %get3A_77 {offsets = [10], sizes = [1], strides = [1]} : vector<16xi32> to vector<1xi32>
        %squeeze3A_377 = vector.extract %slice3A_376[0] : i32 from vector<1xi32>
        %slice3A_378 = vector.extract_strided_slice %get3A_82 {offsets = [10], sizes = [1], strides = [1]} : vector<16xf32> to vector<1xf32>
        %squeeze3A_379 = vector.extract %slice3A_378[0] : f32 from vector<1xf32>
        %shift_right_logical3A_380 = arith.constant 7 : i32
        %shift_right_logical3A_381 = arith.shrui %squeeze3A_377, %shift_right_logical3A_380 : i32
        %shift_right_logical3A_382 = arith.constant 4 : i32
        %shift_right_logical3A_383 = arith.shrui %squeeze3A_377, %shift_right_logical3A_382 : i32
        %and3A_384 = arith.constant 7 : i32
        %and3A_385 = arith.andi %shift_right_logical3A_383, %and3A_384 : i32
        %mul3A_386 = arith.constant 16 : i32
        %mul3A_387 = arith.muli %and3A_385, %mul3A_386 : i32
        %and3A_388 = arith.constant 15 : i32
        %and3A_389 = arith.andi %squeeze3A_377, %and3A_388 : i32
        %get3A_390 = arith.index_cast %shift_right_logical3A_381 : i32 to index
        %get3A_391 = arith.index_cast %mul3A_387 : i32 to index
        %get3A_392 = tpu.vector_load %arg15[%get3A_390, %get3A_391] {strides = array<i32>} : memref<80x128xf32, #tpu.memory_space<vmem>>, vector<1x16xf32>,
        %get3A_393 = vector.shape_cast %get3A_392 : vector<1x16xf32> to vector<16xf32>
        %eq3A_394 = vector.broadcast %and3A_389 : i32 to vector<16xi32>
        %eq3A_395 = arith.cmpi eq, %iota3A_43, %eq3A_394 : vector<16xi32>
        %jit3A_396 = arith.constant 0.000000e+00 : f32
        %broadcast_in_dim3A_397 = vector.broadcast %squeeze3A_379 : f32 to vector<16xf32>
        %broadcast_in_dim3A_398 = vector.broadcast %jit3A_396 : f32 to vector<16xf32>
        %select_n3A_399 = arith.select %eq3A_395, %broadcast_in_dim3A_397, %broadcast_in_dim3A_398 : vector<16xi1>, vector<16xf32>
        %add3A_400 = arith.addf %get3A_393, %select_n3A_399 : vector<16xf32>
        %swap3A_401 = arith.index_cast %shift_right_logical3A_381 : i32 to index
        %swap3A_402 = arith.index_cast %mul3A_387 : i32 to index
        %swap3A_403 = tpu.vector_load %arg15[%swap3A_401, %swap3A_402] {strides = array<i32>} : memref<80x128xf32, #tpu.memory_space<vmem>>, vector<1x16xf32>,
        %swap3A_404 = vector.shape_cast %swap3A_403 : vector<1x16xf32> to vector<16xf32>
        %swap3A_405 = vector.shape_cast %add3A_400 : vector<16xf32> to vector<1x16xf32>
        tpu.vector_store %arg15[%swap3A_401, %swap3A_402], %swap3A_405 {strides = array<i32>} : memref<80x128xf32, #tpu.memory_space<vmem>>, vector<1x16xf32>,
        %slice3A_406 = vector.extract_strided_slice %get3A_77 {offsets = [11], sizes = [1], strides = [1]} : vector<16xi32> to vector<1xi32>
        %squeeze3A_407 = vector.extract %slice3A_406[0] : i32 from vector<1xi32>
        %slice3A_408 = vector.extract_strided_slice %get3A_82 {offsets = [11], sizes = [1], strides = [1]} : vector<16xf32> to vector<1xf32>
        %squeeze3A_409 = vector.extract %slice3A_408[0] : f32 from vector<1xf32>
        %shift_right_logical3A_410 = arith.constant 7 : i32
        %shift_right_logical3A_411 = arith.shrui %squeeze3A_407, %shift_right_logical3A_410 : i32
        %shift_right_logical3A_412 = arith.constant 4 : i32
        %shift_right_logical3A_413 = arith.shrui %squeeze3A_407, %shift_right_logical3A_412 : i32
        %and3A_414 = arith.constant 7 : i32
        %and3A_415 = arith.andi %shift_right_logical3A_413, %and3A_414 : i32
        %mul3A_416 = arith.constant 16 : i32
        %mul3A_417 = arith.muli %and3A_415, %mul3A_416 : i32
        %and3A_418 = arith.constant 15 : i32
        %and3A_419 = arith.andi %squeeze3A_407, %and3A_418 : i32
        %get3A_420 = arith.index_cast %shift_right_logical3A_411 : i32 to index
        %get3A_421 = arith.index_cast %mul3A_417 : i32 to index
        %get3A_422 = tpu.vector_load %arg15[%get3A_420, %get3A_421] {strides = array<i32>} : memref<80x128xf32, #tpu.memory_space<vmem>>, vector<1x16xf32>,
        %get3A_423 = vector.shape_cast %get3A_422 : vector<1x16xf32> to vector<16xf32>
        %eq3A_424 = vector.broadcast %and3A_419 : i32 to vector<16xi32>
        %eq3A_425 = arith.cmpi eq, %iota3A_43, %eq3A_424 : vector<16xi32>
        %jit3A_426 = arith.constant 0.000000e+00 : f32
        %broadcast_in_dim3A_427 = vector.broadcast %squeeze3A_409 : f32 to vector<16xf32>
        %broadcast_in_dim3A_428 = vector.broadcast %jit3A_426 : f32 to vector<16xf32>
        %select_n3A_429 = arith.select %eq3A_425, %broadcast_in_dim3A_427, %broadcast_in_dim3A_428 : vector<16xi1>, vector<16xf32>
        %add3A_430 = arith.addf %get3A_423, %select_n3A_429 : vector<16xf32>
        %swap3A_431 = arith.index_cast %shift_right_logical3A_411 : i32 to index
        %swap3A_432 = arith.index_cast %mul3A_417 : i32 to index
        %swap3A_433 = tpu.vector_load %arg15[%swap3A_431, %swap3A_432] {strides = array<i32>} : memref<80x128xf32, #tpu.memory_space<vmem>>, vector<1x16xf32>,
        %swap3A_434 = vector.shape_cast %swap3A_433 : vector<1x16xf32> to vector<16xf32>
        %swap3A_435 = vector.shape_cast %add3A_430 : vector<16xf32> to vector<1x16xf32>
        tpu.vector_store %arg15[%swap3A_431, %swap3A_432], %swap3A_435 {strides = array<i32>} : memref<80x128xf32, #tpu.memory_space<vmem>>, vector<1x16xf32>,
        %slice3A_436 = vector.extract_strided_slice %get3A_77 {offsets = [12], sizes = [1], strides = [1]} : vector<16xi32> to vector<1xi32>
        %squeeze3A_437 = vector.extract %slice3A_436[0] : i32 from vector<1xi32>
        %slice3A_438 = vector.extract_strided_slice %get3A_82 {offsets = [12], sizes = [1], strides = [1]} : vector<16xf32> to vector<1xf32>
        %squeeze3A_439 = vector.extract %slice3A_438[0] : f32 from vector<1xf32>
        %shift_right_logical3A_440 = arith.constant 7 : i32
        %shift_right_logical3A_441 = arith.shrui %squeeze3A_437, %shift_right_logical3A_440 : i32
        %shift_right_logical3A_442 = arith.constant 4 : i32
        %shift_right_logical3A_443 = arith.shrui %squeeze3A_437, %shift_right_logical3A_442 : i32
        %and3A_444 = arith.constant 7 : i32
        %and3A_445 = arith.andi %shift_right_logical3A_443, %and3A_444 : i32
        %mul3A_446 = arith.constant 16 : i32
        %mul3A_447 = arith.muli %and3A_445, %mul3A_446 : i32
        %and3A_448 = arith.constant 15 : i32
        %and3A_449 = arith.andi %squeeze3A_437, %and3A_448 : i32
        %get3A_450 = arith.index_cast %shift_right_logical3A_441 : i32 to index
        %get3A_451 = arith.index_cast %mul3A_447 : i32 to index
        %get3A_452 = tpu.vector_load %arg15[%get3A_450, %get3A_451] {strides = array<i32>} : memref<80x128xf32, #tpu.memory_space<vmem>>, vector<1x16xf32>,
        %get3A_453 = vector.shape_cast %get3A_452 : vector<1x16xf32> to vector<16xf32>
        %eq3A_454 = vector.broadcast %and3A_449 : i32 to vector<16xi32>
        %eq3A_455 = arith.cmpi eq, %iota3A_43, %eq3A_454 : vector<16xi32>
        %jit3A_456 = arith.constant 0.000000e+00 : f32
        %broadcast_in_dim3A_457 = vector.broadcast %squeeze3A_439 : f32 to vector<16xf32>
        %broadcast_in_dim3A_458 = vector.broadcast %jit3A_456 : f32 to vector<16xf32>
        %select_n3A_459 = arith.select %eq3A_455, %broadcast_in_dim3A_457, %broadcast_in_dim3A_458 : vector<16xi1>, vector<16xf32>
        %add3A_460 = arith.addf %get3A_453, %select_n3A_459 : vector<16xf32>
        %swap3A_461 = arith.index_cast %shift_right_logical3A_441 : i32 to index
        %swap3A_462 = arith.index_cast %mul3A_447 : i32 to index
        %swap3A_463 = tpu.vector_load %arg15[%swap3A_461, %swap3A_462] {strides = array<i32>} : memref<80x128xf32, #tpu.memory_space<vmem>>, vector<1x16xf32>,
        %swap3A_464 = vector.shape_cast %swap3A_463 : vector<1x16xf32> to vector<16xf32>
        %swap3A_465 = vector.shape_cast %add3A_460 : vector<16xf32> to vector<1x16xf32>
        tpu.vector_store %arg15[%swap3A_461, %swap3A_462], %swap3A_465 {strides = array<i32>} : memref<80x128xf32, #tpu.memory_space<vmem>>, vector<1x16xf32>,
        %slice3A_466 = vector.extract_strided_slice %get3A_77 {offsets = [13], sizes = [1], strides = [1]} : vector<16xi32> to vector<1xi32>
        %squeeze3A_467 = vector.extract %slice3A_466[0] : i32 from vector<1xi32>
        %slice3A_468 = vector.extract_strided_slice %get3A_82 {offsets = [13], sizes = [1], strides = [1]} : vector<16xf32> to vector<1xf32>
        %squeeze3A_469 = vector.extract %slice3A_468[0] : f32 from vector<1xf32>
        %shift_right_logical3A_470 = arith.constant 7 : i32
        %shift_right_logical3A_471 = arith.shrui %squeeze3A_467, %shift_right_logical3A_470 : i32
        %shift_right_logical3A_472 = arith.constant 4 : i32
        %shift_right_logical3A_473 = arith.shrui %squeeze3A_467, %shift_right_logical3A_472 : i32
        %and3A_474 = arith.constant 7 : i32
        %and3A_475 = arith.andi %shift_right_logical3A_473, %and3A_474 : i32
        %mul3A_476 = arith.constant 16 : i32
        %mul3A_477 = arith.muli %and3A_475, %mul3A_476 : i32
        %and3A_478 = arith.constant 15 : i32
        %and3A_479 = arith.andi %squeeze3A_467, %and3A_478 : i32
        %get3A_480 = arith.index_cast %shift_right_logical3A_471 : i32 to index
        %get3A_481 = arith.index_cast %mul3A_477 : i32 to index
        %get3A_482 = tpu.vector_load %arg15[%get3A_480, %get3A_481] {strides = array<i32>} : memref<80x128xf32, #tpu.memory_space<vmem>>, vector<1x16xf32>,
        %get3A_483 = vector.shape_cast %get3A_482 : vector<1x16xf32> to vector<16xf32>
        %eq3A_484 = vector.broadcast %and3A_479 : i32 to vector<16xi32>
        %eq3A_485 = arith.cmpi eq, %iota3A_43, %eq3A_484 : vector<16xi32>
        %jit3A_486 = arith.constant 0.000000e+00 : f32
        %broadcast_in_dim3A_487 = vector.broadcast %squeeze3A_469 : f32 to vector<16xf32>
        %broadcast_in_dim3A_488 = vector.broadcast %jit3A_486 : f32 to vector<16xf32>
        %select_n3A_489 = arith.select %eq3A_485, %broadcast_in_dim3A_487, %broadcast_in_dim3A_488 : vector<16xi1>, vector<16xf32>
        %add3A_490 = arith.addf %get3A_483, %select_n3A_489 : vector<16xf32>
        %swap3A_491 = arith.index_cast %shift_right_logical3A_471 : i32 to index
        %swap3A_492 = arith.index_cast %mul3A_477 : i32 to index
        %swap3A_493 = tpu.vector_load %arg15[%swap3A_491, %swap3A_492] {strides = array<i32>} : memref<80x128xf32, #tpu.memory_space<vmem>>, vector<1x16xf32>,
        %swap3A_494 = vector.shape_cast %swap3A_493 : vector<1x16xf32> to vector<16xf32>
        %swap3A_495 = vector.shape_cast %add3A_490 : vector<16xf32> to vector<1x16xf32>
        tpu.vector_store %arg15[%swap3A_491, %swap3A_492], %swap3A_495 {strides = array<i32>} : memref<80x128xf32, #tpu.memory_space<vmem>>, vector<1x16xf32>,
        %slice3A_496 = vector.extract_strided_slice %get3A_77 {offsets = [14], sizes = [1], strides = [1]} : vector<16xi32> to vector<1xi32>
        %squeeze3A_497 = vector.extract %slice3A_496[0] : i32 from vector<1xi32>
        %slice3A_498 = vector.extract_strided_slice %get3A_82 {offsets = [14], sizes = [1], strides = [1]} : vector<16xf32> to vector<1xf32>
        %squeeze3A_499 = vector.extract %slice3A_498[0] : f32 from vector<1xf32>
        %shift_right_logical3A_500 = arith.constant 7 : i32
        %shift_right_logical3A_501 = arith.shrui %squeeze3A_497, %shift_right_logical3A_500 : i32
        %shift_right_logical3A_502 = arith.constant 4 : i32
        %shift_right_logical3A_503 = arith.shrui %squeeze3A_497, %shift_right_logical3A_502 : i32
        %and3A_504 = arith.constant 7 : i32
        %and3A_505 = arith.andi %shift_right_logical3A_503, %and3A_504 : i32
        %mul3A_506 = arith.constant 16 : i32
        %mul3A_507 = arith.muli %and3A_505, %mul3A_506 : i32
        %and3A_508 = arith.constant 15 : i32
        %and3A_509 = arith.andi %squeeze3A_497, %and3A_508 : i32
        %get3A_510 = arith.index_cast %shift_right_logical3A_501 : i32 to index
        %get3A_511 = arith.index_cast %mul3A_507 : i32 to index
        %get3A_512 = tpu.vector_load %arg15[%get3A_510, %get3A_511] {strides = array<i32>} : memref<80x128xf32, #tpu.memory_space<vmem>>, vector<1x16xf32>,
        %get3A_513 = vector.shape_cast %get3A_512 : vector<1x16xf32> to vector<16xf32>
        %eq3A_514 = vector.broadcast %and3A_509 : i32 to vector<16xi32>
        %eq3A_515 = arith.cmpi eq, %iota3A_43, %eq3A_514 : vector<16xi32>
        %jit3A_516 = arith.constant 0.000000e+00 : f32
        %broadcast_in_dim3A_517 = vector.broadcast %squeeze3A_499 : f32 to vector<16xf32>
        %broadcast_in_dim3A_518 = vector.broadcast %jit3A_516 : f32 to vector<16xf32>
        %select_n3A_519 = arith.select %eq3A_515, %broadcast_in_dim3A_517, %broadcast_in_dim3A_518 : vector<16xi1>, vector<16xf32>
        %add3A_520 = arith.addf %get3A_513, %select_n3A_519 : vector<16xf32>
        %swap3A_521 = arith.index_cast %shift_right_logical3A_501 : i32 to index
        %swap3A_522 = arith.index_cast %mul3A_507 : i32 to index
        %swap3A_523 = tpu.vector_load %arg15[%swap3A_521, %swap3A_522] {strides = array<i32>} : memref<80x128xf32, #tpu.memory_space<vmem>>, vector<1x16xf32>,
        %swap3A_524 = vector.shape_cast %swap3A_523 : vector<1x16xf32> to vector<16xf32>
        %swap3A_525 = vector.shape_cast %add3A_520 : vector<16xf32> to vector<1x16xf32>
        tpu.vector_store %arg15[%swap3A_521, %swap3A_522], %swap3A_525 {strides = array<i32>} : memref<80x128xf32, #tpu.memory_space<vmem>>, vector<1x16xf32>,
        %slice3A_526 = vector.extract_strided_slice %get3A_77 {offsets = [15], sizes = [1], strides = [1]} : vector<16xi32> to vector<1xi32>
        %squeeze3A_527 = vector.extract %slice3A_526[0] : i32 from vector<1xi32>
        %slice3A_528 = vector.extract_strided_slice %get3A_82 {offsets = [15], sizes = [1], strides = [1]} : vector<16xf32> to vector<1xf32>
        %squeeze3A_529 = vector.extract %slice3A_528[0] : f32 from vector<1xf32>
        %shift_right_logical3A_530 = arith.constant 7 : i32
        %shift_right_logical3A_531 = arith.shrui %squeeze3A_527, %shift_right_logical3A_530 : i32
        %shift_right_logical3A_532 = arith.constant 4 : i32
        %shift_right_logical3A_533 = arith.shrui %squeeze3A_527, %shift_right_logical3A_532 : i32
        %and3A_534 = arith.constant 7 : i32
        %and3A_535 = arith.andi %shift_right_logical3A_533, %and3A_534 : i32
        %mul3A_536 = arith.constant 16 : i32
        %mul3A_537 = arith.muli %and3A_535, %mul3A_536 : i32
        %and3A_538 = arith.constant 15 : i32
        %and3A_539 = arith.andi %squeeze3A_527, %and3A_538 : i32
        %get3A_540 = arith.index_cast %shift_right_logical3A_531 : i32 to index
        %get3A_541 = arith.index_cast %mul3A_537 : i32 to index
        %get3A_542 = tpu.vector_load %arg15[%get3A_540, %get3A_541] {strides = array<i32>} : memref<80x128xf32, #tpu.memory_space<vmem>>, vector<1x16xf32>,
        %get3A_543 = vector.shape_cast %get3A_542 : vector<1x16xf32> to vector<16xf32>
        %eq3A_544 = vector.broadcast %and3A_539 : i32 to vector<16xi32>
        %eq3A_545 = arith.cmpi eq, %iota3A_43, %eq3A_544 : vector<16xi32>
        %jit3A_546 = arith.constant 0.000000e+00 : f32
        %broadcast_in_dim3A_547 = vector.broadcast %squeeze3A_529 : f32 to vector<16xf32>
        %broadcast_in_dim3A_548 = vector.broadcast %jit3A_546 : f32 to vector<16xf32>
        %select_n3A_549 = arith.select %eq3A_545, %broadcast_in_dim3A_547, %broadcast_in_dim3A_548 : vector<16xi1>, vector<16xf32>
        %add3A_550 = arith.addf %get3A_543, %select_n3A_549 : vector<16xf32>
        %swap3A_551 = arith.index_cast %shift_right_logical3A_531 : i32 to index
        %swap3A_552 = arith.index_cast %mul3A_537 : i32 to index
        %swap3A_553 = tpu.vector_load %arg15[%swap3A_551, %swap3A_552] {strides = array<i32>} : memref<80x128xf32, #tpu.memory_space<vmem>>, vector<1x16xf32>,
        %swap3A_554 = vector.shape_cast %swap3A_553 : vector<1x16xf32> to vector<16xf32>
        %swap3A_555 = vector.shape_cast %add3A_550 : vector<16xf32> to vector<1x16xf32>
        tpu.vector_store %arg15[%swap3A_551, %swap3A_552], %swap3A_555 {strides = array<i32>} : memref<80x128xf32, #tpu.memory_space<vmem>>, vector<1x16xf32>,
      }
      %scan3A_68 = arith.constant 8 : i32
    }
    %scan3A_47 = arith.constant 80 : i32
    "tpu.region"() ({
      %run_scoped3A = tpu.sem_alloc : memref<!tpu.dma_semaphore, #tpu.memory_space<semaphore_mem>>
      %dma_start3A = arith.constant 0 : i32
      %dma_start3A_54 = arith.constant 0 : i32
      %dma_start3A_55 = tpu.memref_slice %arg10[%dma_start3A, %dma_start3A_54] : memref<80x128xf32, #tpu.memory_space<vmem_shared>> -> memref<80x128xf32, #tpu.memory_space<vmem_shared>>
      tpu.enqueue_indirect_dma source(%arg15 : memref<80x128xf32, #tpu.memory_space<vmem>>) target(%dma_start3A_55 : memref<80x128xf32, #tpu.memory_space<vmem_shared>>) offsets(%arg16 : memref<80xi32, #tpu.memory_space<vmem>>) semaphore(%run_scoped3A : memref<!tpu.dma_semaphore, #tpu.memory_space<semaphore_mem>>) {add = true}
      %dma_wait3A = arith.constant 0 : i32
      %dma_wait3A_56 = arith.constant 0 : i32
      %dma_wait3A_57 = tpu.memref_slice %arg10[%dma_wait3A, %dma_wait3A_56] : memref<80x128xf32, #tpu.memory_space<vmem_shared>> -> memref<80x128xf32, #tpu.memory_space<vmem_shared>>
      tpu.wait_indirect_dma semaphore(%run_scoped3A : memref<!tpu.dma_semaphore, #tpu.memory_space<semaphore_mem>>) src(%arg15 : memref<80x128xf32, #tpu.memory_space<vmem>>) dst(%dma_wait3A_57 : memref<80x128xf32, #tpu.memory_space<vmem_shared>>)
      tpu.yield
    }) : () -> ()
    %barrier3A_48 = arith.constant 0 : index
    tpu.barrier barrier_id(%barrier3A_48)
    "tpu.region"() ({
      %run_scoped3A = tpu.sem_alloc : memref<!tpu.dma_semaphore, #tpu.memory_space<semaphore_mem>>
      %dma_start3A = arith.constant 0 : i32
      %dma_start3A_54 = tpu.memref_slice %arg7[%arg0, %mul3A_2, %dma_start3A] : memref<2x10240x128xf32, #tpu.memory_space<hbm>> -> memref<1x640x128xf32, #tpu.memory_space<hbm>>
      %dma_start3A_55 = tpu.memref_squeeze %dma_start3A_54 : memref<1x640x128xf32, #tpu.memory_space<hbm>> -> memref<640x128xf32, #tpu.memory_space<hbm>>
      %dma_start3A_56 = arith.constant 0 : i32
      %dma_start3A_57 = tpu.memref_slice %arg9[%mul3A_2, %dma_start3A_56] : memref<10240x128xf32, #tpu.memory_space<vmem_shared>> -> memref<640x128xf32, #tpu.memory_space<vmem_shared>>
      tpu.enqueue_dma source(%dma_start3A_57 : memref<640x128xf32, #tpu.memory_space<vmem_shared>>) target(%dma_start3A_55 : memref<640x128xf32, #tpu.memory_space<hbm>>) target_semaphore(%run_scoped3A : memref<!tpu.dma_semaphore, #tpu.memory_space<semaphore_mem>>)
      %dma_wait3A = arith.constant 0 : i32
      %dma_wait3A_58 = tpu.memref_slice %arg7[%arg0, %mul3A_2, %dma_wait3A] : memref<2x10240x128xf32, #tpu.memory_space<hbm>> -> memref<1x640x128xf32, #tpu.memory_space<hbm>>
      %dma_wait3A_59 = tpu.memref_squeeze %dma_wait3A_58 : memref<1x640x128xf32, #tpu.memory_space<hbm>> -> memref<640x128xf32, #tpu.memory_space<hbm>>
      %dma_wait3A_60 = arith.constant 0 : i32
      %dma_wait3A_61 = tpu.memref_slice %arg9[%mul3A_2, %dma_wait3A_60] : memref<10240x128xf32, #tpu.memory_space<vmem_shared>> -> memref<640x128xf32, #tpu.memory_space<vmem_shared>>
      tpu.wait_dma2 semaphore(%run_scoped3A : memref<!tpu.dma_semaphore, #tpu.memory_space<semaphore_mem>>) src(%dma_wait3A_61 : memref<640x128xf32, #tpu.memory_space<vmem_shared>>) dst(%dma_wait3A_59 : memref<640x128xf32, #tpu.memory_space<hbm>>)
      tpu.yield
    }) : () -> ()
    %eq3A_49 = arith.constant 0 : i32
    %eq3A_50 = arith.cmpi eq, %arg1, %eq3A_49 : i32
    %convert_element_type3A_51 = arith.extui %eq3A_50 : i1 to i32
    %cond3A_52 = arith.constant 0 : i32
    %cond3A_53 = arith.cmpi ne, %convert_element_type3A_51, %cond3A_52 : i32
    scf.if %cond3A_53 {
      "tpu.region"() ({
        %run_scoped3A = tpu.sem_alloc : memref<!tpu.dma_semaphore, #tpu.memory_space<semaphore_mem>>
        %dma_start3A = arith.constant 0 : i32
        %dma_start3A_54 = arith.constant 0 : i32
        %dma_start3A_55 = tpu.memref_slice %arg8[%arg0, %dma_start3A, %dma_start3A_54] : memref<2x80x128xf32, #tpu.memory_space<hbm>> -> memref<1x80x128xf32, #tpu.memory_space<hbm>>
        %dma_start3A_56 = tpu.memref_squeeze %dma_start3A_55 : memref<1x80x128xf32, #tpu.memory_space<hbm>> -> memref<80x128xf32, #tpu.memory_space<hbm>>
        tpu.enqueue_dma source(%arg10 : memref<80x128xf32, #tpu.memory_space<vmem_shared>>) target(%dma_start3A_56 : memref<80x128xf32, #tpu.memory_space<hbm>>) target_semaphore(%run_scoped3A : memref<!tpu.dma_semaphore, #tpu.memory_space<semaphore_mem>>)
        %dma_wait3A = arith.constant 0 : i32
        %dma_wait3A_57 = arith.constant 0 : i32
        %dma_wait3A_58 = tpu.memref_slice %arg8[%arg0, %dma_wait3A, %dma_wait3A_57] : memref<2x80x128xf32, #tpu.memory_space<hbm>> -> memref<1x80x128xf32, #tpu.memory_space<hbm>>
        %dma_wait3A_59 = tpu.memref_squeeze %dma_wait3A_58 : memref<1x80x128xf32, #tpu.memory_space<hbm>> -> memref<80x128xf32, #tpu.memory_space<hbm>>
        tpu.wait_dma2 semaphore(%run_scoped3A : memref<!tpu.dma_semaphore, #tpu.memory_space<semaphore_mem>>) src(%arg10 : memref<80x128xf32, #tpu.memory_space<vmem_shared>>) dst(%dma_wait3A_59 : memref<80x128xf32, #tpu.memory_space<hbm>>)
        tpu.yield
      }) : () -> ()
    } else {
    }
    return
  }
}

module attributes {stable_mosaic.version = 14 : i64} {
  func.func @_gru_body(%arg0: i32, %arg1: memref<4x1024x12xf32, #tpu.memory_space<vmem>>, %arg2: memref<1024x32xf32, #tpu.memory_space<vmem>>, %arg3: memref<1x32xf32, #tpu.memory_space<vmem>>, %arg4: memref<1x32xf32, #tpu.memory_space<vmem>>, %arg5: memref<32x96xf32, #tpu.memory_space<vmem>>, %arg6: memref<32x96xf32, #tpu.memory_space<vmem>>, %arg7: memref<1x96xf32, #tpu.memory_space<vmem>>, %arg8: memref<1x96xf32, #tpu.memory_space<vmem>>, %arg9: memref<32x32xf32, #tpu.memory_space<vmem>>, %arg10: memref<32x32xf32, #tpu.memory_space<vmem>>, %arg11: memref<1x32xf32, #tpu.memory_space<vmem>>, %arg12: memref<1024x128xf32, #tpu.memory_space<vmem>>, %arg13: memref<4x1024x32xf32, #tpu.memory_space<vmem>>) attributes {dimension_semantics = [#tpu.dimension_semantics<arbitrary>], iteration_bounds = array<i64: 10>, scalar_prefetch = 0 : i64, scratch_operands = 0 : i64, tpu.core_type = #tpu.core_type<tc>, window_params = [{transform_indices = @transform_0, window_bounds = array<i64: 4, 1024, 12>}, {transform_indices = @transform_1, window_bounds = array<i64: 1024, 32>}, {pipeline_mode = #tpu.pipeline_mode<synchronous>, transform_indices = @transform_2, window_bounds = array<i64: 1, 32>}, {pipeline_mode = #tpu.pipeline_mode<synchronous>, transform_indices = @transform_3, window_bounds = array<i64: 1, 32>}, {pipeline_mode = #tpu.pipeline_mode<synchronous>, transform_indices = @transform_4, window_bounds = array<i64: 32, 96>}, {pipeline_mode = #tpu.pipeline_mode<synchronous>, transform_indices = @transform_5, window_bounds = array<i64: 32, 96>}, {pipeline_mode = #tpu.pipeline_mode<synchronous>, transform_indices = @transform_6, window_bounds = array<i64: 1, 96>}, {pipeline_mode = #tpu.pipeline_mode<synchronous>, transform_indices = @transform_7, window_bounds = array<i64: 1, 96>}, {pipeline_mode = #tpu.pipeline_mode<synchronous>, transform_indices = @transform_8, window_bounds = array<i64: 32, 32>}, {pipeline_mode = #tpu.pipeline_mode<synchronous>, transform_indices = @transform_9, window_bounds = array<i64: 32, 32>}, {pipeline_mode = #tpu.pipeline_mode<synchronous>, transform_indices = @transform_10, window_bounds = array<i64: 1, 32>}, {transform_indices = @transform_11, window_bounds = array<i64: 1024, 128>}, {transform_indices = @transform_12, window_bounds = array<i64: 4, 1024, 32>}]} {
    %get3A = arith.constant 0 : index
    %get3A_0 = arith.constant 0 : index
    %get3A_1 = vector.load %arg2[%get3A, %get3A_0] : memref<1024x32xf32, #tpu.memory_space<vmem>>, vector<1024x32xf32>
    %get3A_2 = arith.constant 0 : index
    %get3A_3 = arith.constant 0 : index
    %get3A_4 = vector.load %arg4[%get3A_2, %get3A_3] : memref<1x32xf32, #tpu.memory_space<vmem>>, vector<1x32xf32>
    %add3A = vector.broadcast %get3A_4 : vector<1x32xf32> to vector<1024x32xf32>
    %add3A_5 = arith.addf %get3A_1, %add3A : vector<1024x32xf32>
    %get3A_6 = arith.constant 0 : index
    %get3A_7 = arith.constant 0 : index
    %get3A_8 = vector.load %arg5[%get3A_6, %get3A_7] : memref<32x96xf32, #tpu.memory_space<vmem>>, vector<32x96xf32>
    %dot_general3A = arith.constant dense<0.000000e+00> : vector<1024x96xf32>
    %dot_general3A_9 = tpu.matmul %add3A_5, %get3A_8, %dot_general3A {dimension_numbers = #tpu.dot_dimension_numbers<[1], [0], [0], [1], [0, 0, 1, 1], [], []>, transpose_lhs_hint = false} : vector<1024x32xf32>, vector<32x96xf32>, vector<1024x96xf32> -> vector<1024x96xf32>
    %get3A_10 = arith.constant 0 : index
    %get3A_11 = arith.constant 0 : index
    %get3A_12 = vector.load %arg7[%get3A_10, %get3A_11] : memref<1x96xf32, #tpu.memory_space<vmem>>, vector<1x96xf32>
    %add3A_13 = vector.broadcast %get3A_12 : vector<1x96xf32> to vector<1024x96xf32>
    %add3A_14 = arith.addf %dot_general3A_9, %add3A_13 : vector<1024x96xf32>
    %get3A_15 = arith.constant 0 : index
    %get3A_16 = arith.constant 0 : index
    %get3A_17 = vector.load %arg3[%get3A_15, %get3A_16] : memref<1x32xf32, #tpu.memory_space<vmem>>, vector<1x32xf32>
    %get3A_18 = arith.constant 0 : index
    %get3A_19 = arith.constant 0 : index
    %get3A_20 = vector.load %arg5[%get3A_18, %get3A_19] : memref<32x96xf32, #tpu.memory_space<vmem>>, vector<32x96xf32>
    %dot_general3A_21 = arith.constant dense<0.000000e+00> : vector<1x96xf32>
    %dot_general3A_22 = tpu.matmul %get3A_17, %get3A_20, %dot_general3A_21 {dimension_numbers = #tpu.dot_dimension_numbers<[1], [0], [0], [1], [0, 0, 1, 1], [], []>, transpose_lhs_hint = false} : vector<1x32xf32>, vector<32x96xf32>, vector<1x96xf32> -> vector<1x96xf32>
    %get3A_23 = arith.constant 0 : index
    %get3A_24 = arith.constant 0 : index
    %get3A_25 = vector.load %arg6[%get3A_23, %get3A_24] : memref<32x96xf32, #tpu.memory_space<vmem>>, vector<32x96xf32>
    %get3A_26 = arith.constant 0 : index
    %get3A_27 = arith.constant 0 : index
    %get3A_28 = vector.load %arg8[%get3A_26, %get3A_27] : memref<1x96xf32, #tpu.memory_space<vmem>>, vector<1x96xf32>
    %get3A_29 = arith.constant 0 : index
    %get3A_30 = arith.constant 0 : index
    %get3A_31 = arith.constant 0 : index
    %get3A_32 = vector.load %arg1[%get3A_29, %get3A_30, %get3A_31] : memref<4x1024x12xf32, #tpu.memory_space<vmem>>, vector<1x1024x12xf32>
    %get3A_33 = vector.shape_cast %get3A_32 : vector<1x1024x12xf32> to vector<1024x12xf32>
    %broadcast_in_dim3A = arith.constant 0.000000e+00 : f32
    %broadcast_in_dim3A_34 = vector.broadcast %broadcast_in_dim3A : f32 to vector<1024x32xf32>
    %slice3A = vector.extract_strided_slice %get3A_33 {offsets = [0, 0], sizes = [1024, 1], strides = [1, 1]} : vector<1024x12xf32> to vector<1024x1xf32>
    %mul3A = vector.broadcast %slice3A : vector<1024x1xf32> to vector<1024x96xf32>
    %mul3A_35 = vector.broadcast %dot_general3A_22 : vector<1x96xf32> to vector<1024x96xf32>
    %mul3A_36 = arith.mulf %mul3A, %mul3A_35 : vector<1024x96xf32>
    %add3A_37 = arith.addf %mul3A_36, %add3A_14 : vector<1024x96xf32>
    %dot_general3A_38 = arith.constant dense<0.000000e+00> : vector<1024x96xf32>
    %dot_general3A_39 = tpu.matmul %broadcast_in_dim3A_34, %get3A_25, %dot_general3A_38 {dimension_numbers = #tpu.dot_dimension_numbers<[1], [0], [0], [1], [0, 0, 1, 1], [], []>, transpose_lhs_hint = false} : vector<1024x32xf32>, vector<32x96xf32>, vector<1024x96xf32> -> vector<1024x96xf32>
    %add3A_40 = vector.broadcast %get3A_28 : vector<1x96xf32> to vector<1024x96xf32>
    %add3A_41 = arith.addf %dot_general3A_39, %add3A_40 : vector<1024x96xf32>
    %slice3A_42 = vector.extract_strided_slice %add3A_37 {offsets = [0, 0], sizes = [1024, 32], strides = [1, 1]} : vector<1024x96xf32> to vector<1024x32xf32>
    %slice3A_43 = vector.extract_strided_slice %add3A_41 {offsets = [0, 0], sizes = [1024, 32], strides = [1, 1]} : vector<1024x96xf32> to vector<1024x32xf32>
    %add3A_44 = arith.addf %slice3A_42, %slice3A_43 : vector<1024x32xf32>
    %logistic3A = arith.negf %add3A_44 : vector<1024x32xf32>
    %logistic3A_45 = math.exp %logistic3A : vector<1024x32xf32>
    %logistic3A_46 = arith.constant 1.000000e+00 : f32
    %logistic3A_47 = vector.broadcast %logistic3A_46 : f32 to vector<1024x32xf32>
    %logistic3A_48 = arith.addf %logistic3A_47, %logistic3A_45 : vector<1024x32xf32>
    %logistic3A_49 = arith.divf %logistic3A_47, %logistic3A_48 : vector<1024x32xf32>
    %slice3A_50 = vector.extract_strided_slice %add3A_37 {offsets = [0, 32], sizes = [1024, 32], strides = [1, 1]} : vector<1024x96xf32> to vector<1024x32xf32>
    %slice3A_51 = vector.extract_strided_slice %add3A_41 {offsets = [0, 32], sizes = [1024, 32], strides = [1, 1]} : vector<1024x96xf32> to vector<1024x32xf32>
    %add3A_52 = arith.addf %slice3A_50, %slice3A_51 : vector<1024x32xf32>
    %logistic3A_53 = arith.negf %add3A_52 : vector<1024x32xf32>
    %logistic3A_54 = math.exp %logistic3A_53 : vector<1024x32xf32>
    %logistic3A_55 = arith.constant 1.000000e+00 : f32
    %logistic3A_56 = vector.broadcast %logistic3A_55 : f32 to vector<1024x32xf32>
    %logistic3A_57 = arith.addf %logistic3A_56, %logistic3A_54 : vector<1024x32xf32>
    %logistic3A_58 = arith.divf %logistic3A_56, %logistic3A_57 : vector<1024x32xf32>
    %slice3A_59 = vector.extract_strided_slice %add3A_37 {offsets = [0, 64], sizes = [1024, 32], strides = [1, 1]} : vector<1024x96xf32> to vector<1024x32xf32>
    %slice3A_60 = vector.extract_strided_slice %add3A_41 {offsets = [0, 64], sizes = [1024, 32], strides = [1, 1]} : vector<1024x96xf32> to vector<1024x32xf32>
    %mul3A_61 = arith.mulf %logistic3A_49, %slice3A_60 : vector<1024x32xf32>
    %add3A_62 = arith.addf %slice3A_59, %mul3A_61 : vector<1024x32xf32>
    %tanh3A = math.tanh %add3A_62 : vector<1024x32xf32>
    %sub3A = arith.constant 1.000000e+00 : f32
    %sub3A_63 = vector.broadcast %sub3A : f32 to vector<1024x32xf32>
    %sub3A_64 = arith.subf %sub3A_63, %logistic3A_58 : vector<1024x32xf32>
    %mul3A_65 = arith.mulf %sub3A_64, %tanh3A : vector<1024x32xf32>
    %mul3A_66 = arith.mulf %logistic3A_58, %broadcast_in_dim3A_34 : vector<1024x32xf32>
    %add3A_67 = arith.addf %mul3A_65, %mul3A_66 : vector<1024x32xf32>
    %slice3A_68 = vector.extract_strided_slice %get3A_33 {offsets = [0, 1], sizes = [1024, 1], strides = [1, 1]} : vector<1024x12xf32> to vector<1024x1xf32>
    %mul3A_69 = vector.broadcast %slice3A_68 : vector<1024x1xf32> to vector<1024x96xf32>
    %mul3A_70 = vector.broadcast %dot_general3A_22 : vector<1x96xf32> to vector<1024x96xf32>
    %mul3A_71 = arith.mulf %mul3A_69, %mul3A_70 : vector<1024x96xf32>
    %add3A_72 = arith.addf %mul3A_71, %add3A_14 : vector<1024x96xf32>
    %dot_general3A_73 = arith.constant dense<0.000000e+00> : vector<1024x96xf32>
    %dot_general3A_74 = tpu.matmul %add3A_67, %get3A_25, %dot_general3A_73 {dimension_numbers = #tpu.dot_dimension_numbers<[1], [0], [0], [1], [0, 0, 1, 1], [], []>, transpose_lhs_hint = false} : vector<1024x32xf32>, vector<32x96xf32>, vector<1024x96xf32> -> vector<1024x96xf32>
    %add3A_75 = vector.broadcast %get3A_28 : vector<1x96xf32> to vector<1024x96xf32>
    %add3A_76 = arith.addf %dot_general3A_74, %add3A_75 : vector<1024x96xf32>
    %slice3A_77 = vector.extract_strided_slice %add3A_72 {offsets = [0, 0], sizes = [1024, 32], strides = [1, 1]} : vector<1024x96xf32> to vector<1024x32xf32>
    %slice3A_78 = vector.extract_strided_slice %add3A_76 {offsets = [0, 0], sizes = [1024, 32], strides = [1, 1]} : vector<1024x96xf32> to vector<1024x32xf32>
    %add3A_79 = arith.addf %slice3A_77, %slice3A_78 : vector<1024x32xf32>
    %logistic3A_80 = arith.negf %add3A_79 : vector<1024x32xf32>
    %logistic3A_81 = math.exp %logistic3A_80 : vector<1024x32xf32>
    %logistic3A_82 = arith.constant 1.000000e+00 : f32
    %logistic3A_83 = vector.broadcast %logistic3A_82 : f32 to vector<1024x32xf32>
    %logistic3A_84 = arith.addf %logistic3A_83, %logistic3A_81 : vector<1024x32xf32>
    %logistic3A_85 = arith.divf %logistic3A_83, %logistic3A_84 : vector<1024x32xf32>
    %slice3A_86 = vector.extract_strided_slice %add3A_72 {offsets = [0, 32], sizes = [1024, 32], strides = [1, 1]} : vector<1024x96xf32> to vector<1024x32xf32>
    %slice3A_87 = vector.extract_strided_slice %add3A_76 {offsets = [0, 32], sizes = [1024, 32], strides = [1, 1]} : vector<1024x96xf32> to vector<1024x32xf32>
    %add3A_88 = arith.addf %slice3A_86, %slice3A_87 : vector<1024x32xf32>
    %logistic3A_89 = arith.negf %add3A_88 : vector<1024x32xf32>
    %logistic3A_90 = math.exp %logistic3A_89 : vector<1024x32xf32>
    %logistic3A_91 = arith.constant 1.000000e+00 : f32
    %logistic3A_92 = vector.broadcast %logistic3A_91 : f32 to vector<1024x32xf32>
    %logistic3A_93 = arith.addf %logistic3A_92, %logistic3A_90 : vector<1024x32xf32>
    %logistic3A_94 = arith.divf %logistic3A_92, %logistic3A_93 : vector<1024x32xf32>
    %slice3A_95 = vector.extract_strided_slice %add3A_72 {offsets = [0, 64], sizes = [1024, 32], strides = [1, 1]} : vector<1024x96xf32> to vector<1024x32xf32>
    %slice3A_96 = vector.extract_strided_slice %add3A_76 {offsets = [0, 64], sizes = [1024, 32], strides = [1, 1]} : vector<1024x96xf32> to vector<1024x32xf32>
    %mul3A_97 = arith.mulf %logistic3A_85, %slice3A_96 : vector<1024x32xf32>
    %add3A_98 = arith.addf %slice3A_95, %mul3A_97 : vector<1024x32xf32>
    %tanh3A_99 = math.tanh %add3A_98 : vector<1024x32xf32>
    %sub3A_100 = arith.constant 1.000000e+00 : f32
    %sub3A_101 = vector.broadcast %sub3A_100 : f32 to vector<1024x32xf32>
    %sub3A_102 = arith.subf %sub3A_101, %logistic3A_94 : vector<1024x32xf32>
    %mul3A_103 = arith.mulf %sub3A_102, %tanh3A_99 : vector<1024x32xf32>
    %mul3A_104 = arith.mulf %logistic3A_94, %add3A_67 : vector<1024x32xf32>
    %add3A_105 = arith.addf %mul3A_103, %mul3A_104 : vector<1024x32xf32>
    %slice3A_106 = vector.extract_strided_slice %get3A_33 {offsets = [0, 2], sizes = [1024, 1], strides = [1, 1]} : vector<1024x12xf32> to vector<1024x1xf32>
    %mul3A_107 = vector.broadcast %slice3A_106 : vector<1024x1xf32> to vector<1024x96xf32>
    %mul3A_108 = vector.broadcast %dot_general3A_22 : vector<1x96xf32> to vector<1024x96xf32>
    %mul3A_109 = arith.mulf %mul3A_107, %mul3A_108 : vector<1024x96xf32>
    %add3A_110 = arith.addf %mul3A_109, %add3A_14 : vector<1024x96xf32>
    %dot_general3A_111 = arith.constant dense<0.000000e+00> : vector<1024x96xf32>
    %dot_general3A_112 = tpu.matmul %add3A_105, %get3A_25, %dot_general3A_111 {dimension_numbers = #tpu.dot_dimension_numbers<[1], [0], [0], [1], [0, 0, 1, 1], [], []>, transpose_lhs_hint = false} : vector<1024x32xf32>, vector<32x96xf32>, vector<1024x96xf32> -> vector<1024x96xf32>
    %add3A_113 = vector.broadcast %get3A_28 : vector<1x96xf32> to vector<1024x96xf32>
    %add3A_114 = arith.addf %dot_general3A_112, %add3A_113 : vector<1024x96xf32>
    %slice3A_115 = vector.extract_strided_slice %add3A_110 {offsets = [0, 0], sizes = [1024, 32], strides = [1, 1]} : vector<1024x96xf32> to vector<1024x32xf32>
    %slice3A_116 = vector.extract_strided_slice %add3A_114 {offsets = [0, 0], sizes = [1024, 32], strides = [1, 1]} : vector<1024x96xf32> to vector<1024x32xf32>
    %add3A_117 = arith.addf %slice3A_115, %slice3A_116 : vector<1024x32xf32>
    %logistic3A_118 = arith.negf %add3A_117 : vector<1024x32xf32>
    %logistic3A_119 = math.exp %logistic3A_118 : vector<1024x32xf32>
    %logistic3A_120 = arith.constant 1.000000e+00 : f32
    %logistic3A_121 = vector.broadcast %logistic3A_120 : f32 to vector<1024x32xf32>
    %logistic3A_122 = arith.addf %logistic3A_121, %logistic3A_119 : vector<1024x32xf32>
    %logistic3A_123 = arith.divf %logistic3A_121, %logistic3A_122 : vector<1024x32xf32>
    %slice3A_124 = vector.extract_strided_slice %add3A_110 {offsets = [0, 32], sizes = [1024, 32], strides = [1, 1]} : vector<1024x96xf32> to vector<1024x32xf32>
    %slice3A_125 = vector.extract_strided_slice %add3A_114 {offsets = [0, 32], sizes = [1024, 32], strides = [1, 1]} : vector<1024x96xf32> to vector<1024x32xf32>
    %add3A_126 = arith.addf %slice3A_124, %slice3A_125 : vector<1024x32xf32>
    %logistic3A_127 = arith.negf %add3A_126 : vector<1024x32xf32>
    %logistic3A_128 = math.exp %logistic3A_127 : vector<1024x32xf32>
    %logistic3A_129 = arith.constant 1.000000e+00 : f32
    %logistic3A_130 = vector.broadcast %logistic3A_129 : f32 to vector<1024x32xf32>
    %logistic3A_131 = arith.addf %logistic3A_130, %logistic3A_128 : vector<1024x32xf32>
    %logistic3A_132 = arith.divf %logistic3A_130, %logistic3A_131 : vector<1024x32xf32>
    %slice3A_133 = vector.extract_strided_slice %add3A_110 {offsets = [0, 64], sizes = [1024, 32], strides = [1, 1]} : vector<1024x96xf32> to vector<1024x32xf32>
    %slice3A_134 = vector.extract_strided_slice %add3A_114 {offsets = [0, 64], sizes = [1024, 32], strides = [1, 1]} : vector<1024x96xf32> to vector<1024x32xf32>
    %mul3A_135 = arith.mulf %logistic3A_123, %slice3A_134 : vector<1024x32xf32>
    %add3A_136 = arith.addf %slice3A_133, %mul3A_135 : vector<1024x32xf32>
    %tanh3A_137 = math.tanh %add3A_136 : vector<1024x32xf32>
    %sub3A_138 = arith.constant 1.000000e+00 : f32
    %sub3A_139 = vector.broadcast %sub3A_138 : f32 to vector<1024x32xf32>
    %sub3A_140 = arith.subf %sub3A_139, %logistic3A_132 : vector<1024x32xf32>
    %mul3A_141 = arith.mulf %sub3A_140, %tanh3A_137 : vector<1024x32xf32>
    %mul3A_142 = arith.mulf %logistic3A_132, %add3A_105 : vector<1024x32xf32>
    %add3A_143 = arith.addf %mul3A_141, %mul3A_142 : vector<1024x32xf32>
    %slice3A_144 = vector.extract_strided_slice %get3A_33 {offsets = [0, 3], sizes = [1024, 1], strides = [1, 1]} : vector<1024x12xf32> to vector<1024x1xf32>
    %mul3A_145 = vector.broadcast %slice3A_144 : vector<1024x1xf32> to vector<1024x96xf32>
    %mul3A_146 = vector.broadcast %dot_general3A_22 : vector<1x96xf32> to vector<1024x96xf32>
    %mul3A_147 = arith.mulf %mul3A_145, %mul3A_146 : vector<1024x96xf32>
    %add3A_148 = arith.addf %mul3A_147, %add3A_14 : vector<1024x96xf32>
    %dot_general3A_149 = arith.constant dense<0.000000e+00> : vector<1024x96xf32>
    %dot_general3A_150 = tpu.matmul %add3A_143, %get3A_25, %dot_general3A_149 {dimension_numbers = #tpu.dot_dimension_numbers<[1], [0], [0], [1], [0, 0, 1, 1], [], []>, transpose_lhs_hint = false} : vector<1024x32xf32>, vector<32x96xf32>, vector<1024x96xf32> -> vector<1024x96xf32>
    %add3A_151 = vector.broadcast %get3A_28 : vector<1x96xf32> to vector<1024x96xf32>
    %add3A_152 = arith.addf %dot_general3A_150, %add3A_151 : vector<1024x96xf32>
    %slice3A_153 = vector.extract_strided_slice %add3A_148 {offsets = [0, 0], sizes = [1024, 32], strides = [1, 1]} : vector<1024x96xf32> to vector<1024x32xf32>
    %slice3A_154 = vector.extract_strided_slice %add3A_152 {offsets = [0, 0], sizes = [1024, 32], strides = [1, 1]} : vector<1024x96xf32> to vector<1024x32xf32>
    %add3A_155 = arith.addf %slice3A_153, %slice3A_154 : vector<1024x32xf32>
    %logistic3A_156 = arith.negf %add3A_155 : vector<1024x32xf32>
    %logistic3A_157 = math.exp %logistic3A_156 : vector<1024x32xf32>
    %logistic3A_158 = arith.constant 1.000000e+00 : f32
    %logistic3A_159 = vector.broadcast %logistic3A_158 : f32 to vector<1024x32xf32>
    %logistic3A_160 = arith.addf %logistic3A_159, %logistic3A_157 : vector<1024x32xf32>
    %logistic3A_161 = arith.divf %logistic3A_159, %logistic3A_160 : vector<1024x32xf32>
    %slice3A_162 = vector.extract_strided_slice %add3A_148 {offsets = [0, 32], sizes = [1024, 32], strides = [1, 1]} : vector<1024x96xf32> to vector<1024x32xf32>
    %slice3A_163 = vector.extract_strided_slice %add3A_152 {offsets = [0, 32], sizes = [1024, 32], strides = [1, 1]} : vector<1024x96xf32> to vector<1024x32xf32>
    %add3A_164 = arith.addf %slice3A_162, %slice3A_163 : vector<1024x32xf32>
    %logistic3A_165 = arith.negf %add3A_164 : vector<1024x32xf32>
    %logistic3A_166 = math.exp %logistic3A_165 : vector<1024x32xf32>
    %logistic3A_167 = arith.constant 1.000000e+00 : f32
    %logistic3A_168 = vector.broadcast %logistic3A_167 : f32 to vector<1024x32xf32>
    %logistic3A_169 = arith.addf %logistic3A_168, %logistic3A_166 : vector<1024x32xf32>
    %logistic3A_170 = arith.divf %logistic3A_168, %logistic3A_169 : vector<1024x32xf32>
    %slice3A_171 = vector.extract_strided_slice %add3A_148 {offsets = [0, 64], sizes = [1024, 32], strides = [1, 1]} : vector<1024x96xf32> to vector<1024x32xf32>
    %slice3A_172 = vector.extract_strided_slice %add3A_152 {offsets = [0, 64], sizes = [1024, 32], strides = [1, 1]} : vector<1024x96xf32> to vector<1024x32xf32>
    %mul3A_173 = arith.mulf %logistic3A_161, %slice3A_172 : vector<1024x32xf32>
    %add3A_174 = arith.addf %slice3A_171, %mul3A_173 : vector<1024x32xf32>
    %tanh3A_175 = math.tanh %add3A_174 : vector<1024x32xf32>
    %sub3A_176 = arith.constant 1.000000e+00 : f32
    %sub3A_177 = vector.broadcast %sub3A_176 : f32 to vector<1024x32xf32>
    %sub3A_178 = arith.subf %sub3A_177, %logistic3A_170 : vector<1024x32xf32>
    %mul3A_179 = arith.mulf %sub3A_178, %tanh3A_175 : vector<1024x32xf32>
    %mul3A_180 = arith.mulf %logistic3A_170, %add3A_143 : vector<1024x32xf32>
    %add3A_181 = arith.addf %mul3A_179, %mul3A_180 : vector<1024x32xf32>
    %slice3A_182 = vector.extract_strided_slice %get3A_33 {offsets = [0, 4], sizes = [1024, 1], strides = [1, 1]} : vector<1024x12xf32> to vector<1024x1xf32>
    %mul3A_183 = vector.broadcast %slice3A_182 : vector<1024x1xf32> to vector<1024x96xf32>
    %mul3A_184 = vector.broadcast %dot_general3A_22 : vector<1x96xf32> to vector<1024x96xf32>
    %mul3A_185 = arith.mulf %mul3A_183, %mul3A_184 : vector<1024x96xf32>
    %add3A_186 = arith.addf %mul3A_185, %add3A_14 : vector<1024x96xf32>
    %dot_general3A_187 = arith.constant dense<0.000000e+00> : vector<1024x96xf32>
    %dot_general3A_188 = tpu.matmul %add3A_181, %get3A_25, %dot_general3A_187 {dimension_numbers = #tpu.dot_dimension_numbers<[1], [0], [0], [1], [0, 0, 1, 1], [], []>, transpose_lhs_hint = false} : vector<1024x32xf32>, vector<32x96xf32>, vector<1024x96xf32> -> vector<1024x96xf32>
    %add3A_189 = vector.broadcast %get3A_28 : vector<1x96xf32> to vector<1024x96xf32>
    %add3A_190 = arith.addf %dot_general3A_188, %add3A_189 : vector<1024x96xf32>
    %slice3A_191 = vector.extract_strided_slice %add3A_186 {offsets = [0, 0], sizes = [1024, 32], strides = [1, 1]} : vector<1024x96xf32> to vector<1024x32xf32>
    %slice3A_192 = vector.extract_strided_slice %add3A_190 {offsets = [0, 0], sizes = [1024, 32], strides = [1, 1]} : vector<1024x96xf32> to vector<1024x32xf32>
    %add3A_193 = arith.addf %slice3A_191, %slice3A_192 : vector<1024x32xf32>
    %logistic3A_194 = arith.negf %add3A_193 : vector<1024x32xf32>
    %logistic3A_195 = math.exp %logistic3A_194 : vector<1024x32xf32>
    %logistic3A_196 = arith.constant 1.000000e+00 : f32
    %logistic3A_197 = vector.broadcast %logistic3A_196 : f32 to vector<1024x32xf32>
    %logistic3A_198 = arith.addf %logistic3A_197, %logistic3A_195 : vector<1024x32xf32>
    %logistic3A_199 = arith.divf %logistic3A_197, %logistic3A_198 : vector<1024x32xf32>
    %slice3A_200 = vector.extract_strided_slice %add3A_186 {offsets = [0, 32], sizes = [1024, 32], strides = [1, 1]} : vector<1024x96xf32> to vector<1024x32xf32>
    %slice3A_201 = vector.extract_strided_slice %add3A_190 {offsets = [0, 32], sizes = [1024, 32], strides = [1, 1]} : vector<1024x96xf32> to vector<1024x32xf32>
    %add3A_202 = arith.addf %slice3A_200, %slice3A_201 : vector<1024x32xf32>
    %logistic3A_203 = arith.negf %add3A_202 : vector<1024x32xf32>
    %logistic3A_204 = math.exp %logistic3A_203 : vector<1024x32xf32>
    %logistic3A_205 = arith.constant 1.000000e+00 : f32
    %logistic3A_206 = vector.broadcast %logistic3A_205 : f32 to vector<1024x32xf32>
    %logistic3A_207 = arith.addf %logistic3A_206, %logistic3A_204 : vector<1024x32xf32>
    %logistic3A_208 = arith.divf %logistic3A_206, %logistic3A_207 : vector<1024x32xf32>
    %slice3A_209 = vector.extract_strided_slice %add3A_186 {offsets = [0, 64], sizes = [1024, 32], strides = [1, 1]} : vector<1024x96xf32> to vector<1024x32xf32>
    %slice3A_210 = vector.extract_strided_slice %add3A_190 {offsets = [0, 64], sizes = [1024, 32], strides = [1, 1]} : vector<1024x96xf32> to vector<1024x32xf32>
    %mul3A_211 = arith.mulf %logistic3A_199, %slice3A_210 : vector<1024x32xf32>
    %add3A_212 = arith.addf %slice3A_209, %mul3A_211 : vector<1024x32xf32>
    %tanh3A_213 = math.tanh %add3A_212 : vector<1024x32xf32>
    %sub3A_214 = arith.constant 1.000000e+00 : f32
    %sub3A_215 = vector.broadcast %sub3A_214 : f32 to vector<1024x32xf32>
    %sub3A_216 = arith.subf %sub3A_215, %logistic3A_208 : vector<1024x32xf32>
    %mul3A_217 = arith.mulf %sub3A_216, %tanh3A_213 : vector<1024x32xf32>
    %mul3A_218 = arith.mulf %logistic3A_208, %add3A_181 : vector<1024x32xf32>
    %add3A_219 = arith.addf %mul3A_217, %mul3A_218 : vector<1024x32xf32>
    %slice3A_220 = vector.extract_strided_slice %get3A_33 {offsets = [0, 5], sizes = [1024, 1], strides = [1, 1]} : vector<1024x12xf32> to vector<1024x1xf32>
    %mul3A_221 = vector.broadcast %slice3A_220 : vector<1024x1xf32> to vector<1024x96xf32>
    %mul3A_222 = vector.broadcast %dot_general3A_22 : vector<1x96xf32> to vector<1024x96xf32>
    %mul3A_223 = arith.mulf %mul3A_221, %mul3A_222 : vector<1024x96xf32>
    %add3A_224 = arith.addf %mul3A_223, %add3A_14 : vector<1024x96xf32>
    %dot_general3A_225 = arith.constant dense<0.000000e+00> : vector<1024x96xf32>
    %dot_general3A_226 = tpu.matmul %add3A_219, %get3A_25, %dot_general3A_225 {dimension_numbers = #tpu.dot_dimension_numbers<[1], [0], [0], [1], [0, 0, 1, 1], [], []>, transpose_lhs_hint = false} : vector<1024x32xf32>, vector<32x96xf32>, vector<1024x96xf32> -> vector<1024x96xf32>
    %add3A_227 = vector.broadcast %get3A_28 : vector<1x96xf32> to vector<1024x96xf32>
    %add3A_228 = arith.addf %dot_general3A_226, %add3A_227 : vector<1024x96xf32>
    %slice3A_229 = vector.extract_strided_slice %add3A_224 {offsets = [0, 0], sizes = [1024, 32], strides = [1, 1]} : vector<1024x96xf32> to vector<1024x32xf32>
    %slice3A_230 = vector.extract_strided_slice %add3A_228 {offsets = [0, 0], sizes = [1024, 32], strides = [1, 1]} : vector<1024x96xf32> to vector<1024x32xf32>
    %add3A_231 = arith.addf %slice3A_229, %slice3A_230 : vector<1024x32xf32>
    %logistic3A_232 = arith.negf %add3A_231 : vector<1024x32xf32>
    %logistic3A_233 = math.exp %logistic3A_232 : vector<1024x32xf32>
    %logistic3A_234 = arith.constant 1.000000e+00 : f32
    %logistic3A_235 = vector.broadcast %logistic3A_234 : f32 to vector<1024x32xf32>
    %logistic3A_236 = arith.addf %logistic3A_235, %logistic3A_233 : vector<1024x32xf32>
    %logistic3A_237 = arith.divf %logistic3A_235, %logistic3A_236 : vector<1024x32xf32>
    %slice3A_238 = vector.extract_strided_slice %add3A_224 {offsets = [0, 32], sizes = [1024, 32], strides = [1, 1]} : vector<1024x96xf32> to vector<1024x32xf32>
    %slice3A_239 = vector.extract_strided_slice %add3A_228 {offsets = [0, 32], sizes = [1024, 32], strides = [1, 1]} : vector<1024x96xf32> to vector<1024x32xf32>
    %add3A_240 = arith.addf %slice3A_238, %slice3A_239 : vector<1024x32xf32>
    %logistic3A_241 = arith.negf %add3A_240 : vector<1024x32xf32>
    %logistic3A_242 = math.exp %logistic3A_241 : vector<1024x32xf32>
    %logistic3A_243 = arith.constant 1.000000e+00 : f32
    %logistic3A_244 = vector.broadcast %logistic3A_243 : f32 to vector<1024x32xf32>
    %logistic3A_245 = arith.addf %logistic3A_244, %logistic3A_242 : vector<1024x32xf32>
    %logistic3A_246 = arith.divf %logistic3A_244, %logistic3A_245 : vector<1024x32xf32>
    %slice3A_247 = vector.extract_strided_slice %add3A_224 {offsets = [0, 64], sizes = [1024, 32], strides = [1, 1]} : vector<1024x96xf32> to vector<1024x32xf32>
    %slice3A_248 = vector.extract_strided_slice %add3A_228 {offsets = [0, 64], sizes = [1024, 32], strides = [1, 1]} : vector<1024x96xf32> to vector<1024x32xf32>
    %mul3A_249 = arith.mulf %logistic3A_237, %slice3A_248 : vector<1024x32xf32>
    %add3A_250 = arith.addf %slice3A_247, %mul3A_249 : vector<1024x32xf32>
    %tanh3A_251 = math.tanh %add3A_250 : vector<1024x32xf32>
    %sub3A_252 = arith.constant 1.000000e+00 : f32
    %sub3A_253 = vector.broadcast %sub3A_252 : f32 to vector<1024x32xf32>
    %sub3A_254 = arith.subf %sub3A_253, %logistic3A_246 : vector<1024x32xf32>
    %mul3A_255 = arith.mulf %sub3A_254, %tanh3A_251 : vector<1024x32xf32>
    %mul3A_256 = arith.mulf %logistic3A_246, %add3A_219 : vector<1024x32xf32>
    %add3A_257 = arith.addf %mul3A_255, %mul3A_256 : vector<1024x32xf32>
    %slice3A_258 = vector.extract_strided_slice %get3A_33 {offsets = [0, 6], sizes = [1024, 1], strides = [1, 1]} : vector<1024x12xf32> to vector<1024x1xf32>
    %mul3A_259 = vector.broadcast %slice3A_258 : vector<1024x1xf32> to vector<1024x96xf32>
    %mul3A_260 = vector.broadcast %dot_general3A_22 : vector<1x96xf32> to vector<1024x96xf32>
    %mul3A_261 = arith.mulf %mul3A_259, %mul3A_260 : vector<1024x96xf32>
    %add3A_262 = arith.addf %mul3A_261, %add3A_14 : vector<1024x96xf32>
    %dot_general3A_263 = arith.constant dense<0.000000e+00> : vector<1024x96xf32>
    %dot_general3A_264 = tpu.matmul %add3A_257, %get3A_25, %dot_general3A_263 {dimension_numbers = #tpu.dot_dimension_numbers<[1], [0], [0], [1], [0, 0, 1, 1], [], []>, transpose_lhs_hint = false} : vector<1024x32xf32>, vector<32x96xf32>, vector<1024x96xf32> -> vector<1024x96xf32>
    %add3A_265 = vector.broadcast %get3A_28 : vector<1x96xf32> to vector<1024x96xf32>
    %add3A_266 = arith.addf %dot_general3A_264, %add3A_265 : vector<1024x96xf32>
    %slice3A_267 = vector.extract_strided_slice %add3A_262 {offsets = [0, 0], sizes = [1024, 32], strides = [1, 1]} : vector<1024x96xf32> to vector<1024x32xf32>
    %slice3A_268 = vector.extract_strided_slice %add3A_266 {offsets = [0, 0], sizes = [1024, 32], strides = [1, 1]} : vector<1024x96xf32> to vector<1024x32xf32>
    %add3A_269 = arith.addf %slice3A_267, %slice3A_268 : vector<1024x32xf32>
    %logistic3A_270 = arith.negf %add3A_269 : vector<1024x32xf32>
    %logistic3A_271 = math.exp %logistic3A_270 : vector<1024x32xf32>
    %logistic3A_272 = arith.constant 1.000000e+00 : f32
    %logistic3A_273 = vector.broadcast %logistic3A_272 : f32 to vector<1024x32xf32>
    %logistic3A_274 = arith.addf %logistic3A_273, %logistic3A_271 : vector<1024x32xf32>
    %logistic3A_275 = arith.divf %logistic3A_273, %logistic3A_274 : vector<1024x32xf32>
    %slice3A_276 = vector.extract_strided_slice %add3A_262 {offsets = [0, 32], sizes = [1024, 32], strides = [1, 1]} : vector<1024x96xf32> to vector<1024x32xf32>
    %slice3A_277 = vector.extract_strided_slice %add3A_266 {offsets = [0, 32], sizes = [1024, 32], strides = [1, 1]} : vector<1024x96xf32> to vector<1024x32xf32>
    %add3A_278 = arith.addf %slice3A_276, %slice3A_277 : vector<1024x32xf32>
    %logistic3A_279 = arith.negf %add3A_278 : vector<1024x32xf32>
    %logistic3A_280 = math.exp %logistic3A_279 : vector<1024x32xf32>
    %logistic3A_281 = arith.constant 1.000000e+00 : f32
    %logistic3A_282 = vector.broadcast %logistic3A_281 : f32 to vector<1024x32xf32>
    %logistic3A_283 = arith.addf %logistic3A_282, %logistic3A_280 : vector<1024x32xf32>
    %logistic3A_284 = arith.divf %logistic3A_282, %logistic3A_283 : vector<1024x32xf32>
    %slice3A_285 = vector.extract_strided_slice %add3A_262 {offsets = [0, 64], sizes = [1024, 32], strides = [1, 1]} : vector<1024x96xf32> to vector<1024x32xf32>
    %slice3A_286 = vector.extract_strided_slice %add3A_266 {offsets = [0, 64], sizes = [1024, 32], strides = [1, 1]} : vector<1024x96xf32> to vector<1024x32xf32>
    %mul3A_287 = arith.mulf %logistic3A_275, %slice3A_286 : vector<1024x32xf32>
    %add3A_288 = arith.addf %slice3A_285, %mul3A_287 : vector<1024x32xf32>
    %tanh3A_289 = math.tanh %add3A_288 : vector<1024x32xf32>
    %sub3A_290 = arith.constant 1.000000e+00 : f32
    %sub3A_291 = vector.broadcast %sub3A_290 : f32 to vector<1024x32xf32>
    %sub3A_292 = arith.subf %sub3A_291, %logistic3A_284 : vector<1024x32xf32>
    %mul3A_293 = arith.mulf %sub3A_292, %tanh3A_289 : vector<1024x32xf32>
    %mul3A_294 = arith.mulf %logistic3A_284, %add3A_257 : vector<1024x32xf32>
    %add3A_295 = arith.addf %mul3A_293, %mul3A_294 : vector<1024x32xf32>
    %slice3A_296 = vector.extract_strided_slice %get3A_33 {offsets = [0, 7], sizes = [1024, 1], strides = [1, 1]} : vector<1024x12xf32> to vector<1024x1xf32>
    %mul3A_297 = vector.broadcast %slice3A_296 : vector<1024x1xf32> to vector<1024x96xf32>
    %mul3A_298 = vector.broadcast %dot_general3A_22 : vector<1x96xf32> to vector<1024x96xf32>
    %mul3A_299 = arith.mulf %mul3A_297, %mul3A_298 : vector<1024x96xf32>
    %add3A_300 = arith.addf %mul3A_299, %add3A_14 : vector<1024x96xf32>
    %dot_general3A_301 = arith.constant dense<0.000000e+00> : vector<1024x96xf32>
    %dot_general3A_302 = tpu.matmul %add3A_295, %get3A_25, %dot_general3A_301 {dimension_numbers = #tpu.dot_dimension_numbers<[1], [0], [0], [1], [0, 0, 1, 1], [], []>, transpose_lhs_hint = false} : vector<1024x32xf32>, vector<32x96xf32>, vector<1024x96xf32> -> vector<1024x96xf32>
    %add3A_303 = vector.broadcast %get3A_28 : vector<1x96xf32> to vector<1024x96xf32>
    %add3A_304 = arith.addf %dot_general3A_302, %add3A_303 : vector<1024x96xf32>
    %slice3A_305 = vector.extract_strided_slice %add3A_300 {offsets = [0, 0], sizes = [1024, 32], strides = [1, 1]} : vector<1024x96xf32> to vector<1024x32xf32>
    %slice3A_306 = vector.extract_strided_slice %add3A_304 {offsets = [0, 0], sizes = [1024, 32], strides = [1, 1]} : vector<1024x96xf32> to vector<1024x32xf32>
    %add3A_307 = arith.addf %slice3A_305, %slice3A_306 : vector<1024x32xf32>
    %logistic3A_308 = arith.negf %add3A_307 : vector<1024x32xf32>
    %logistic3A_309 = math.exp %logistic3A_308 : vector<1024x32xf32>
    %logistic3A_310 = arith.constant 1.000000e+00 : f32
    %logistic3A_311 = vector.broadcast %logistic3A_310 : f32 to vector<1024x32xf32>
    %logistic3A_312 = arith.addf %logistic3A_311, %logistic3A_309 : vector<1024x32xf32>
    %logistic3A_313 = arith.divf %logistic3A_311, %logistic3A_312 : vector<1024x32xf32>
    %slice3A_314 = vector.extract_strided_slice %add3A_300 {offsets = [0, 32], sizes = [1024, 32], strides = [1, 1]} : vector<1024x96xf32> to vector<1024x32xf32>
    %slice3A_315 = vector.extract_strided_slice %add3A_304 {offsets = [0, 32], sizes = [1024, 32], strides = [1, 1]} : vector<1024x96xf32> to vector<1024x32xf32>
    %add3A_316 = arith.addf %slice3A_314, %slice3A_315 : vector<1024x32xf32>
    %logistic3A_317 = arith.negf %add3A_316 : vector<1024x32xf32>
    %logistic3A_318 = math.exp %logistic3A_317 : vector<1024x32xf32>
    %logistic3A_319 = arith.constant 1.000000e+00 : f32
    %logistic3A_320 = vector.broadcast %logistic3A_319 : f32 to vector<1024x32xf32>
    %logistic3A_321 = arith.addf %logistic3A_320, %logistic3A_318 : vector<1024x32xf32>
    %logistic3A_322 = arith.divf %logistic3A_320, %logistic3A_321 : vector<1024x32xf32>
    %slice3A_323 = vector.extract_strided_slice %add3A_300 {offsets = [0, 64], sizes = [1024, 32], strides = [1, 1]} : vector<1024x96xf32> to vector<1024x32xf32>
    %slice3A_324 = vector.extract_strided_slice %add3A_304 {offsets = [0, 64], sizes = [1024, 32], strides = [1, 1]} : vector<1024x96xf32> to vector<1024x32xf32>
    %mul3A_325 = arith.mulf %logistic3A_313, %slice3A_324 : vector<1024x32xf32>
    %add3A_326 = arith.addf %slice3A_323, %mul3A_325 : vector<1024x32xf32>
    %tanh3A_327 = math.tanh %add3A_326 : vector<1024x32xf32>
    %sub3A_328 = arith.constant 1.000000e+00 : f32
    %sub3A_329 = vector.broadcast %sub3A_328 : f32 to vector<1024x32xf32>
    %sub3A_330 = arith.subf %sub3A_329, %logistic3A_322 : vector<1024x32xf32>
    %mul3A_331 = arith.mulf %sub3A_330, %tanh3A_327 : vector<1024x32xf32>
    %mul3A_332 = arith.mulf %logistic3A_322, %add3A_295 : vector<1024x32xf32>
    %add3A_333 = arith.addf %mul3A_331, %mul3A_332 : vector<1024x32xf32>
    %slice3A_334 = vector.extract_strided_slice %get3A_33 {offsets = [0, 8], sizes = [1024, 1], strides = [1, 1]} : vector<1024x12xf32> to vector<1024x1xf32>
    %mul3A_335 = vector.broadcast %slice3A_334 : vector<1024x1xf32> to vector<1024x96xf32>
    %mul3A_336 = vector.broadcast %dot_general3A_22 : vector<1x96xf32> to vector<1024x96xf32>
    %mul3A_337 = arith.mulf %mul3A_335, %mul3A_336 : vector<1024x96xf32>
    %add3A_338 = arith.addf %mul3A_337, %add3A_14 : vector<1024x96xf32>
    %dot_general3A_339 = arith.constant dense<0.000000e+00> : vector<1024x96xf32>
    %dot_general3A_340 = tpu.matmul %add3A_333, %get3A_25, %dot_general3A_339 {dimension_numbers = #tpu.dot_dimension_numbers<[1], [0], [0], [1], [0, 0, 1, 1], [], []>, transpose_lhs_hint = false} : vector<1024x32xf32>, vector<32x96xf32>, vector<1024x96xf32> -> vector<1024x96xf32>
    %add3A_341 = vector.broadcast %get3A_28 : vector<1x96xf32> to vector<1024x96xf32>
    %add3A_342 = arith.addf %dot_general3A_340, %add3A_341 : vector<1024x96xf32>
    %slice3A_343 = vector.extract_strided_slice %add3A_338 {offsets = [0, 0], sizes = [1024, 32], strides = [1, 1]} : vector<1024x96xf32> to vector<1024x32xf32>
    %slice3A_344 = vector.extract_strided_slice %add3A_342 {offsets = [0, 0], sizes = [1024, 32], strides = [1, 1]} : vector<1024x96xf32> to vector<1024x32xf32>
    %add3A_345 = arith.addf %slice3A_343, %slice3A_344 : vector<1024x32xf32>
    %logistic3A_346 = arith.negf %add3A_345 : vector<1024x32xf32>
    %logistic3A_347 = math.exp %logistic3A_346 : vector<1024x32xf32>
    %logistic3A_348 = arith.constant 1.000000e+00 : f32
    %logistic3A_349 = vector.broadcast %logistic3A_348 : f32 to vector<1024x32xf32>
    %logistic3A_350 = arith.addf %logistic3A_349, %logistic3A_347 : vector<1024x32xf32>
    %logistic3A_351 = arith.divf %logistic3A_349, %logistic3A_350 : vector<1024x32xf32>
    %slice3A_352 = vector.extract_strided_slice %add3A_338 {offsets = [0, 32], sizes = [1024, 32], strides = [1, 1]} : vector<1024x96xf32> to vector<1024x32xf32>
    %slice3A_353 = vector.extract_strided_slice %add3A_342 {offsets = [0, 32], sizes = [1024, 32], strides = [1, 1]} : vector<1024x96xf32> to vector<1024x32xf32>
    %add3A_354 = arith.addf %slice3A_352, %slice3A_353 : vector<1024x32xf32>
    %logistic3A_355 = arith.negf %add3A_354 : vector<1024x32xf32>
    %logistic3A_356 = math.exp %logistic3A_355 : vector<1024x32xf32>
    %logistic3A_357 = arith.constant 1.000000e+00 : f32
    %logistic3A_358 = vector.broadcast %logistic3A_357 : f32 to vector<1024x32xf32>
    %logistic3A_359 = arith.addf %logistic3A_358, %logistic3A_356 : vector<1024x32xf32>
    %logistic3A_360 = arith.divf %logistic3A_358, %logistic3A_359 : vector<1024x32xf32>
    %slice3A_361 = vector.extract_strided_slice %add3A_338 {offsets = [0, 64], sizes = [1024, 32], strides = [1, 1]} : vector<1024x96xf32> to vector<1024x32xf32>
    %slice3A_362 = vector.extract_strided_slice %add3A_342 {offsets = [0, 64], sizes = [1024, 32], strides = [1, 1]} : vector<1024x96xf32> to vector<1024x32xf32>
    %mul3A_363 = arith.mulf %logistic3A_351, %slice3A_362 : vector<1024x32xf32>
    %add3A_364 = arith.addf %slice3A_361, %mul3A_363 : vector<1024x32xf32>
    %tanh3A_365 = math.tanh %add3A_364 : vector<1024x32xf32>
    %sub3A_366 = arith.constant 1.000000e+00 : f32
    %sub3A_367 = vector.broadcast %sub3A_366 : f32 to vector<1024x32xf32>
    %sub3A_368 = arith.subf %sub3A_367, %logistic3A_360 : vector<1024x32xf32>
    %mul3A_369 = arith.mulf %sub3A_368, %tanh3A_365 : vector<1024x32xf32>
    %mul3A_370 = arith.mulf %logistic3A_360, %add3A_333 : vector<1024x32xf32>
    %add3A_371 = arith.addf %mul3A_369, %mul3A_370 : vector<1024x32xf32>
    %slice3A_372 = vector.extract_strided_slice %get3A_33 {offsets = [0, 9], sizes = [1024, 1], strides = [1, 1]} : vector<1024x12xf32> to vector<1024x1xf32>
    %mul3A_373 = vector.broadcast %slice3A_372 : vector<1024x1xf32> to vector<1024x96xf32>
    %mul3A_374 = vector.broadcast %dot_general3A_22 : vector<1x96xf32> to vector<1024x96xf32>
    %mul3A_375 = arith.mulf %mul3A_373, %mul3A_374 : vector<1024x96xf32>
    %add3A_376 = arith.addf %mul3A_375, %add3A_14 : vector<1024x96xf32>
    %dot_general3A_377 = arith.constant dense<0.000000e+00> : vector<1024x96xf32>
    %dot_general3A_378 = tpu.matmul %add3A_371, %get3A_25, %dot_general3A_377 {dimension_numbers = #tpu.dot_dimension_numbers<[1], [0], [0], [1], [0, 0, 1, 1], [], []>, transpose_lhs_hint = false} : vector<1024x32xf32>, vector<32x96xf32>, vector<1024x96xf32> -> vector<1024x96xf32>
    %add3A_379 = vector.broadcast %get3A_28 : vector<1x96xf32> to vector<1024x96xf32>
    %add3A_380 = arith.addf %dot_general3A_378, %add3A_379 : vector<1024x96xf32>
    %slice3A_381 = vector.extract_strided_slice %add3A_376 {offsets = [0, 0], sizes = [1024, 32], strides = [1, 1]} : vector<1024x96xf32> to vector<1024x32xf32>
    %slice3A_382 = vector.extract_strided_slice %add3A_380 {offsets = [0, 0], sizes = [1024, 32], strides = [1, 1]} : vector<1024x96xf32> to vector<1024x32xf32>
    %add3A_383 = arith.addf %slice3A_381, %slice3A_382 : vector<1024x32xf32>
    %logistic3A_384 = arith.negf %add3A_383 : vector<1024x32xf32>
    %logistic3A_385 = math.exp %logistic3A_384 : vector<1024x32xf32>
    %logistic3A_386 = arith.constant 1.000000e+00 : f32
    %logistic3A_387 = vector.broadcast %logistic3A_386 : f32 to vector<1024x32xf32>
    %logistic3A_388 = arith.addf %logistic3A_387, %logistic3A_385 : vector<1024x32xf32>
    %logistic3A_389 = arith.divf %logistic3A_387, %logistic3A_388 : vector<1024x32xf32>
    %slice3A_390 = vector.extract_strided_slice %add3A_376 {offsets = [0, 32], sizes = [1024, 32], strides = [1, 1]} : vector<1024x96xf32> to vector<1024x32xf32>
    %slice3A_391 = vector.extract_strided_slice %add3A_380 {offsets = [0, 32], sizes = [1024, 32], strides = [1, 1]} : vector<1024x96xf32> to vector<1024x32xf32>
    %add3A_392 = arith.addf %slice3A_390, %slice3A_391 : vector<1024x32xf32>
    %logistic3A_393 = arith.negf %add3A_392 : vector<1024x32xf32>
    %logistic3A_394 = math.exp %logistic3A_393 : vector<1024x32xf32>
    %logistic3A_395 = arith.constant 1.000000e+00 : f32
    %logistic3A_396 = vector.broadcast %logistic3A_395 : f32 to vector<1024x32xf32>
    %logistic3A_397 = arith.addf %logistic3A_396, %logistic3A_394 : vector<1024x32xf32>
    %logistic3A_398 = arith.divf %logistic3A_396, %logistic3A_397 : vector<1024x32xf32>
    %slice3A_399 = vector.extract_strided_slice %add3A_376 {offsets = [0, 64], sizes = [1024, 32], strides = [1, 1]} : vector<1024x96xf32> to vector<1024x32xf32>
    %slice3A_400 = vector.extract_strided_slice %add3A_380 {offsets = [0, 64], sizes = [1024, 32], strides = [1, 1]} : vector<1024x96xf32> to vector<1024x32xf32>
    %mul3A_401 = arith.mulf %logistic3A_389, %slice3A_400 : vector<1024x32xf32>
    %add3A_402 = arith.addf %slice3A_399, %mul3A_401 : vector<1024x32xf32>
    %tanh3A_403 = math.tanh %add3A_402 : vector<1024x32xf32>
    %sub3A_404 = arith.constant 1.000000e+00 : f32
    %sub3A_405 = vector.broadcast %sub3A_404 : f32 to vector<1024x32xf32>
    %sub3A_406 = arith.subf %sub3A_405, %logistic3A_398 : vector<1024x32xf32>
    %mul3A_407 = arith.mulf %sub3A_406, %tanh3A_403 : vector<1024x32xf32>
    %mul3A_408 = arith.mulf %logistic3A_398, %add3A_371 : vector<1024x32xf32>
    %add3A_409 = arith.addf %mul3A_407, %mul3A_408 : vector<1024x32xf32>
    %slice3A_410 = vector.extract_strided_slice %get3A_33 {offsets = [0, 10], sizes = [1024, 1], strides = [1, 1]} : vector<1024x12xf32> to vector<1024x1xf32>
    %mul3A_411 = vector.broadcast %slice3A_410 : vector<1024x1xf32> to vector<1024x96xf32>
    %mul3A_412 = vector.broadcast %dot_general3A_22 : vector<1x96xf32> to vector<1024x96xf32>
    %mul3A_413 = arith.mulf %mul3A_411, %mul3A_412 : vector<1024x96xf32>
    %add3A_414 = arith.addf %mul3A_413, %add3A_14 : vector<1024x96xf32>
    %dot_general3A_415 = arith.constant dense<0.000000e+00> : vector<1024x96xf32>
    %dot_general3A_416 = tpu.matmul %add3A_409, %get3A_25, %dot_general3A_415 {dimension_numbers = #tpu.dot_dimension_numbers<[1], [0], [0], [1], [0, 0, 1, 1], [], []>, transpose_lhs_hint = false} : vector<1024x32xf32>, vector<32x96xf32>, vector<1024x96xf32> -> vector<1024x96xf32>
    %add3A_417 = vector.broadcast %get3A_28 : vector<1x96xf32> to vector<1024x96xf32>
    %add3A_418 = arith.addf %dot_general3A_416, %add3A_417 : vector<1024x96xf32>
    %slice3A_419 = vector.extract_strided_slice %add3A_414 {offsets = [0, 0], sizes = [1024, 32], strides = [1, 1]} : vector<1024x96xf32> to vector<1024x32xf32>
    %slice3A_420 = vector.extract_strided_slice %add3A_418 {offsets = [0, 0], sizes = [1024, 32], strides = [1, 1]} : vector<1024x96xf32> to vector<1024x32xf32>
    %add3A_421 = arith.addf %slice3A_419, %slice3A_420 : vector<1024x32xf32>
    %logistic3A_422 = arith.negf %add3A_421 : vector<1024x32xf32>
    %logistic3A_423 = math.exp %logistic3A_422 : vector<1024x32xf32>
    %logistic3A_424 = arith.constant 1.000000e+00 : f32
    %logistic3A_425 = vector.broadcast %logistic3A_424 : f32 to vector<1024x32xf32>
    %logistic3A_426 = arith.addf %logistic3A_425, %logistic3A_423 : vector<1024x32xf32>
    %logistic3A_427 = arith.divf %logistic3A_425, %logistic3A_426 : vector<1024x32xf32>
    %slice3A_428 = vector.extract_strided_slice %add3A_414 {offsets = [0, 32], sizes = [1024, 32], strides = [1, 1]} : vector<1024x96xf32> to vector<1024x32xf32>
    %slice3A_429 = vector.extract_strided_slice %add3A_418 {offsets = [0, 32], sizes = [1024, 32], strides = [1, 1]} : vector<1024x96xf32> to vector<1024x32xf32>
    %add3A_430 = arith.addf %slice3A_428, %slice3A_429 : vector<1024x32xf32>
    %logistic3A_431 = arith.negf %add3A_430 : vector<1024x32xf32>
    %logistic3A_432 = math.exp %logistic3A_431 : vector<1024x32xf32>
    %logistic3A_433 = arith.constant 1.000000e+00 : f32
    %logistic3A_434 = vector.broadcast %logistic3A_433 : f32 to vector<1024x32xf32>
    %logistic3A_435 = arith.addf %logistic3A_434, %logistic3A_432 : vector<1024x32xf32>
    %logistic3A_436 = arith.divf %logistic3A_434, %logistic3A_435 : vector<1024x32xf32>
    %slice3A_437 = vector.extract_strided_slice %add3A_414 {offsets = [0, 64], sizes = [1024, 32], strides = [1, 1]} : vector<1024x96xf32> to vector<1024x32xf32>
    %slice3A_438 = vector.extract_strided_slice %add3A_418 {offsets = [0, 64], sizes = [1024, 32], strides = [1, 1]} : vector<1024x96xf32> to vector<1024x32xf32>
    %mul3A_439 = arith.mulf %logistic3A_427, %slice3A_438 : vector<1024x32xf32>
    %add3A_440 = arith.addf %slice3A_437, %mul3A_439 : vector<1024x32xf32>
    %tanh3A_441 = math.tanh %add3A_440 : vector<1024x32xf32>
    %sub3A_442 = arith.constant 1.000000e+00 : f32
    %sub3A_443 = vector.broadcast %sub3A_442 : f32 to vector<1024x32xf32>
    %sub3A_444 = arith.subf %sub3A_443, %logistic3A_436 : vector<1024x32xf32>
    %mul3A_445 = arith.mulf %sub3A_444, %tanh3A_441 : vector<1024x32xf32>
    %mul3A_446 = arith.mulf %logistic3A_436, %add3A_409 : vector<1024x32xf32>
    %add3A_447 = arith.addf %mul3A_445, %mul3A_446 : vector<1024x32xf32>
    %slice3A_448 = vector.extract_strided_slice %get3A_33 {offsets = [0, 11], sizes = [1024, 1], strides = [1, 1]} : vector<1024x12xf32> to vector<1024x1xf32>
    %mul3A_449 = vector.broadcast %slice3A_448 : vector<1024x1xf32> to vector<1024x96xf32>
    %mul3A_450 = vector.broadcast %dot_general3A_22 : vector<1x96xf32> to vector<1024x96xf32>
    %mul3A_451 = arith.mulf %mul3A_449, %mul3A_450 : vector<1024x96xf32>
    %add3A_452 = arith.addf %mul3A_451, %add3A_14 : vector<1024x96xf32>
    %dot_general3A_453 = arith.constant dense<0.000000e+00> : vector<1024x96xf32>
    %dot_general3A_454 = tpu.matmul %add3A_447, %get3A_25, %dot_general3A_453 {dimension_numbers = #tpu.dot_dimension_numbers<[1], [0], [0], [1], [0, 0, 1, 1], [], []>, transpose_lhs_hint = false} : vector<1024x32xf32>, vector<32x96xf32>, vector<1024x96xf32> -> vector<1024x96xf32>
    %add3A_455 = vector.broadcast %get3A_28 : vector<1x96xf32> to vector<1024x96xf32>
    %add3A_456 = arith.addf %dot_general3A_454, %add3A_455 : vector<1024x96xf32>
    %slice3A_457 = vector.extract_strided_slice %add3A_452 {offsets = [0, 0], sizes = [1024, 32], strides = [1, 1]} : vector<1024x96xf32> to vector<1024x32xf32>
    %slice3A_458 = vector.extract_strided_slice %add3A_456 {offsets = [0, 0], sizes = [1024, 32], strides = [1, 1]} : vector<1024x96xf32> to vector<1024x32xf32>
    %add3A_459 = arith.addf %slice3A_457, %slice3A_458 : vector<1024x32xf32>
    %logistic3A_460 = arith.negf %add3A_459 : vector<1024x32xf32>
    %logistic3A_461 = math.exp %logistic3A_460 : vector<1024x32xf32>
    %logistic3A_462 = arith.constant 1.000000e+00 : f32
    %logistic3A_463 = vector.broadcast %logistic3A_462 : f32 to vector<1024x32xf32>
    %logistic3A_464 = arith.addf %logistic3A_463, %logistic3A_461 : vector<1024x32xf32>
    %logistic3A_465 = arith.divf %logistic3A_463, %logistic3A_464 : vector<1024x32xf32>
    %slice3A_466 = vector.extract_strided_slice %add3A_452 {offsets = [0, 32], sizes = [1024, 32], strides = [1, 1]} : vector<1024x96xf32> to vector<1024x32xf32>
    %slice3A_467 = vector.extract_strided_slice %add3A_456 {offsets = [0, 32], sizes = [1024, 32], strides = [1, 1]} : vector<1024x96xf32> to vector<1024x32xf32>
    %add3A_468 = arith.addf %slice3A_466, %slice3A_467 : vector<1024x32xf32>
    %logistic3A_469 = arith.negf %add3A_468 : vector<1024x32xf32>
    %logistic3A_470 = math.exp %logistic3A_469 : vector<1024x32xf32>
    %logistic3A_471 = arith.constant 1.000000e+00 : f32
    %logistic3A_472 = vector.broadcast %logistic3A_471 : f32 to vector<1024x32xf32>
    %logistic3A_473 = arith.addf %logistic3A_472, %logistic3A_470 : vector<1024x32xf32>
    %logistic3A_474 = arith.divf %logistic3A_472, %logistic3A_473 : vector<1024x32xf32>
    %slice3A_475 = vector.extract_strided_slice %add3A_452 {offsets = [0, 64], sizes = [1024, 32], strides = [1, 1]} : vector<1024x96xf32> to vector<1024x32xf32>
    %slice3A_476 = vector.extract_strided_slice %add3A_456 {offsets = [0, 64], sizes = [1024, 32], strides = [1, 1]} : vector<1024x96xf32> to vector<1024x32xf32>
    %mul3A_477 = arith.mulf %logistic3A_465, %slice3A_476 : vector<1024x32xf32>
    %add3A_478 = arith.addf %slice3A_475, %mul3A_477 : vector<1024x32xf32>
    %tanh3A_479 = math.tanh %add3A_478 : vector<1024x32xf32>
    %sub3A_480 = arith.constant 1.000000e+00 : f32
    %sub3A_481 = vector.broadcast %sub3A_480 : f32 to vector<1024x32xf32>
    %sub3A_482 = arith.subf %sub3A_481, %logistic3A_474 : vector<1024x32xf32>
    %mul3A_483 = arith.mulf %sub3A_482, %tanh3A_479 : vector<1024x32xf32>
    %mul3A_484 = arith.mulf %logistic3A_474, %add3A_447 : vector<1024x32xf32>
    %add3A_485 = arith.addf %mul3A_483, %mul3A_484 : vector<1024x32xf32>
    %get3A_486 = arith.constant 0 : index
    %get3A_487 = arith.constant 0 : index
    %get3A_488 = vector.load %arg9[%get3A_486, %get3A_487] : memref<32x32xf32, #tpu.memory_space<vmem>>, vector<32x32xf32>
    %dot_general3A_489 = arith.constant dense<0.000000e+00> : vector<1024x32xf32>
    %dot_general3A_490 = tpu.matmul %add3A_485, %get3A_488, %dot_general3A_489 {dimension_numbers = #tpu.dot_dimension_numbers<[1], [0], [0], [1], [0, 0, 1, 1], [], []>, transpose_lhs_hint = false} : vector<1024x32xf32>, vector<32x32xf32>, vector<1024x32xf32> -> vector<1024x32xf32>
    %get3A_491 = arith.constant 0 : index
    %get3A_492 = arith.constant 0 : index
    %get3A_493 = vector.load %arg10[%get3A_491, %get3A_492] : memref<32x32xf32, #tpu.memory_space<vmem>>, vector<32x32xf32>
    %dot_general3A_494 = arith.constant dense<0.000000e+00> : vector<1024x32xf32>
    %dot_general3A_495 = tpu.matmul %add3A_485, %get3A_493, %dot_general3A_494 {dimension_numbers = #tpu.dot_dimension_numbers<[1], [0], [0], [1], [0, 0, 1, 1], [], []>, transpose_lhs_hint = false} : vector<1024x32xf32>, vector<32x32xf32>, vector<1024x32xf32> -> vector<1024x32xf32>
    %get3A_496 = arith.constant 0 : index
    %get3A_497 = arith.constant 0 : index
    %get3A_498 = vector.load %arg11[%get3A_496, %get3A_497] : memref<1x32xf32, #tpu.memory_space<vmem>>, vector<1x32xf32>
    %add3A_499 = vector.broadcast %get3A_498 : vector<1x32xf32> to vector<1024x32xf32>
    %add3A_500 = arith.addf %dot_general3A_495, %add3A_499 : vector<1024x32xf32>
    %swap3A = arith.constant 0 : index
    %swap3A_501 = arith.constant 0 : index
    %swap3A_502 = arith.constant 0 : index
    %swap3A_503 = vector.load %arg13[%swap3A, %swap3A_501, %swap3A_502] : memref<4x1024x32xf32, #tpu.memory_space<vmem>>, vector<1x1024x32xf32>
    %swap3A_504 = vector.shape_cast %swap3A_503 : vector<1x1024x32xf32> to vector<1024x32xf32>
    %swap3A_505 = vector.shape_cast %add3A_500 : vector<1024x32xf32> to vector<1x1024x32xf32>
    tpu.vector_store %arg13[%swap3A, %swap3A_501, %swap3A_502], %swap3A_505 {strides = array<i32>} : memref<4x1024x32xf32, #tpu.memory_space<vmem>>, vector<1x1024x32xf32>,
    %get3A_506 = arith.constant 1 : index
    %get3A_507 = arith.constant 0 : index
    %get3A_508 = arith.constant 0 : index
    %get3A_509 = vector.load %arg1[%get3A_506, %get3A_507, %get3A_508] : memref<4x1024x12xf32, #tpu.memory_space<vmem>>, vector<1x1024x12xf32>
    %get3A_510 = vector.shape_cast %get3A_509 : vector<1x1024x12xf32> to vector<1024x12xf32>
    %broadcast_in_dim3A_511 = arith.constant 0.000000e+00 : f32
    %broadcast_in_dim3A_512 = vector.broadcast %broadcast_in_dim3A_511 : f32 to vector<1024x32xf32>
    %slice3A_513 = vector.extract_strided_slice %get3A_510 {offsets = [0, 0], sizes = [1024, 1], strides = [1, 1]} : vector<1024x12xf32> to vector<1024x1xf32>
    %mul3A_514 = vector.broadcast %slice3A_513 : vector<1024x1xf32> to vector<1024x96xf32>
    %mul3A_515 = vector.broadcast %dot_general3A_22 : vector<1x96xf32> to vector<1024x96xf32>
    %mul3A_516 = arith.mulf %mul3A_514, %mul3A_515 : vector<1024x96xf32>
    %add3A_517 = arith.addf %mul3A_516, %add3A_14 : vector<1024x96xf32>
    %dot_general3A_518 = arith.constant dense<0.000000e+00> : vector<1024x96xf32>
    %dot_general3A_519 = tpu.matmul %broadcast_in_dim3A_512, %get3A_25, %dot_general3A_518 {dimension_numbers = #tpu.dot_dimension_numbers<[1], [0], [0], [1], [0, 0, 1, 1], [], []>, transpose_lhs_hint = false} : vector<1024x32xf32>, vector<32x96xf32>, vector<1024x96xf32> -> vector<1024x96xf32>
    %add3A_520 = vector.broadcast %get3A_28 : vector<1x96xf32> to vector<1024x96xf32>
    %add3A_521 = arith.addf %dot_general3A_519, %add3A_520 : vector<1024x96xf32>
    %slice3A_522 = vector.extract_strided_slice %add3A_517 {offsets = [0, 0], sizes = [1024, 32], strides = [1, 1]} : vector<1024x96xf32> to vector<1024x32xf32>
    %slice3A_523 = vector.extract_strided_slice %add3A_521 {offsets = [0, 0], sizes = [1024, 32], strides = [1, 1]} : vector<1024x96xf32> to vector<1024x32xf32>
    %add3A_524 = arith.addf %slice3A_522, %slice3A_523 : vector<1024x32xf32>
    %logistic3A_525 = arith.negf %add3A_524 : vector<1024x32xf32>
    %logistic3A_526 = math.exp %logistic3A_525 : vector<1024x32xf32>
    %logistic3A_527 = arith.constant 1.000000e+00 : f32
    %logistic3A_528 = vector.broadcast %logistic3A_527 : f32 to vector<1024x32xf32>
    %logistic3A_529 = arith.addf %logistic3A_528, %logistic3A_526 : vector<1024x32xf32>
    %logistic3A_530 = arith.divf %logistic3A_528, %logistic3A_529 : vector<1024x32xf32>
    %slice3A_531 = vector.extract_strided_slice %add3A_517 {offsets = [0, 32], sizes = [1024, 32], strides = [1, 1]} : vector<1024x96xf32> to vector<1024x32xf32>
    %slice3A_532 = vector.extract_strided_slice %add3A_521 {offsets = [0, 32], sizes = [1024, 32], strides = [1, 1]} : vector<1024x96xf32> to vector<1024x32xf32>
    %add3A_533 = arith.addf %slice3A_531, %slice3A_532 : vector<1024x32xf32>
    %logistic3A_534 = arith.negf %add3A_533 : vector<1024x32xf32>
    %logistic3A_535 = math.exp %logistic3A_534 : vector<1024x32xf32>
    %logistic3A_536 = arith.constant 1.000000e+00 : f32
    %logistic3A_537 = vector.broadcast %logistic3A_536 : f32 to vector<1024x32xf32>
    %logistic3A_538 = arith.addf %logistic3A_537, %logistic3A_535 : vector<1024x32xf32>
    %logistic3A_539 = arith.divf %logistic3A_537, %logistic3A_538 : vector<1024x32xf32>
    %slice3A_540 = vector.extract_strided_slice %add3A_517 {offsets = [0, 64], sizes = [1024, 32], strides = [1, 1]} : vector<1024x96xf32> to vector<1024x32xf32>
    %slice3A_541 = vector.extract_strided_slice %add3A_521 {offsets = [0, 64], sizes = [1024, 32], strides = [1, 1]} : vector<1024x96xf32> to vector<1024x32xf32>
    %mul3A_542 = arith.mulf %logistic3A_530, %slice3A_541 : vector<1024x32xf32>
    %add3A_543 = arith.addf %slice3A_540, %mul3A_542 : vector<1024x32xf32>
    %tanh3A_544 = math.tanh %add3A_543 : vector<1024x32xf32>
    %sub3A_545 = arith.constant 1.000000e+00 : f32
    %sub3A_546 = vector.broadcast %sub3A_545 : f32 to vector<1024x32xf32>
    %sub3A_547 = arith.subf %sub3A_546, %logistic3A_539 : vector<1024x32xf32>
    %mul3A_548 = arith.mulf %sub3A_547, %tanh3A_544 : vector<1024x32xf32>
    %mul3A_549 = arith.mulf %logistic3A_539, %broadcast_in_dim3A_512 : vector<1024x32xf32>
    %add3A_550 = arith.addf %mul3A_548, %mul3A_549 : vector<1024x32xf32>
    %slice3A_551 = vector.extract_strided_slice %get3A_510 {offsets = [0, 1], sizes = [1024, 1], strides = [1, 1]} : vector<1024x12xf32> to vector<1024x1xf32>
    %mul3A_552 = vector.broadcast %slice3A_551 : vector<1024x1xf32> to vector<1024x96xf32>
    %mul3A_553 = vector.broadcast %dot_general3A_22 : vector<1x96xf32> to vector<1024x96xf32>
    %mul3A_554 = arith.mulf %mul3A_552, %mul3A_553 : vector<1024x96xf32>
    %add3A_555 = arith.addf %mul3A_554, %add3A_14 : vector<1024x96xf32>
    %dot_general3A_556 = arith.constant dense<0.000000e+00> : vector<1024x96xf32>
    %dot_general3A_557 = tpu.matmul %add3A_550, %get3A_25, %dot_general3A_556 {dimension_numbers = #tpu.dot_dimension_numbers<[1], [0], [0], [1], [0, 0, 1, 1], [], []>, transpose_lhs_hint = false} : vector<1024x32xf32>, vector<32x96xf32>, vector<1024x96xf32> -> vector<1024x96xf32>
    %add3A_558 = vector.broadcast %get3A_28 : vector<1x96xf32> to vector<1024x96xf32>
    %add3A_559 = arith.addf %dot_general3A_557, %add3A_558 : vector<1024x96xf32>
    %slice3A_560 = vector.extract_strided_slice %add3A_555 {offsets = [0, 0], sizes = [1024, 32], strides = [1, 1]} : vector<1024x96xf32> to vector<1024x32xf32>
    %slice3A_561 = vector.extract_strided_slice %add3A_559 {offsets = [0, 0], sizes = [1024, 32], strides = [1, 1]} : vector<1024x96xf32> to vector<1024x32xf32>
    %add3A_562 = arith.addf %slice3A_560, %slice3A_561 : vector<1024x32xf32>
    %logistic3A_563 = arith.negf %add3A_562 : vector<1024x32xf32>
    %logistic3A_564 = math.exp %logistic3A_563 : vector<1024x32xf32>
    %logistic3A_565 = arith.constant 1.000000e+00 : f32
    %logistic3A_566 = vector.broadcast %logistic3A_565 : f32 to vector<1024x32xf32>
    %logistic3A_567 = arith.addf %logistic3A_566, %logistic3A_564 : vector<1024x32xf32>
    %logistic3A_568 = arith.divf %logistic3A_566, %logistic3A_567 : vector<1024x32xf32>
    %slice3A_569 = vector.extract_strided_slice %add3A_555 {offsets = [0, 32], sizes = [1024, 32], strides = [1, 1]} : vector<1024x96xf32> to vector<1024x32xf32>
    %slice3A_570 = vector.extract_strided_slice %add3A_559 {offsets = [0, 32], sizes = [1024, 32], strides = [1, 1]} : vector<1024x96xf32> to vector<1024x32xf32>
    %add3A_571 = arith.addf %slice3A_569, %slice3A_570 : vector<1024x32xf32>
    %logistic3A_572 = arith.negf %add3A_571 : vector<1024x32xf32>
    %logistic3A_573 = math.exp %logistic3A_572 : vector<1024x32xf32>
    %logistic3A_574 = arith.constant 1.000000e+00 : f32
    %logistic3A_575 = vector.broadcast %logistic3A_574 : f32 to vector<1024x32xf32>
    %logistic3A_576 = arith.addf %logistic3A_575, %logistic3A_573 : vector<1024x32xf32>
    %logistic3A_577 = arith.divf %logistic3A_575, %logistic3A_576 : vector<1024x32xf32>
    %slice3A_578 = vector.extract_strided_slice %add3A_555 {offsets = [0, 64], sizes = [1024, 32], strides = [1, 1]} : vector<1024x96xf32> to vector<1024x32xf32>
    %slice3A_579 = vector.extract_strided_slice %add3A_559 {offsets = [0, 64], sizes = [1024, 32], strides = [1, 1]} : vector<1024x96xf32> to vector<1024x32xf32>
    %mul3A_580 = arith.mulf %logistic3A_568, %slice3A_579 : vector<1024x32xf32>
    %add3A_581 = arith.addf %slice3A_578, %mul3A_580 : vector<1024x32xf32>
    %tanh3A_582 = math.tanh %add3A_581 : vector<1024x32xf32>
    %sub3A_583 = arith.constant 1.000000e+00 : f32
    %sub3A_584 = vector.broadcast %sub3A_583 : f32 to vector<1024x32xf32>
    %sub3A_585 = arith.subf %sub3A_584, %logistic3A_577 : vector<1024x32xf32>
    %mul3A_586 = arith.mulf %sub3A_585, %tanh3A_582 : vector<1024x32xf32>
    %mul3A_587 = arith.mulf %logistic3A_577, %add3A_550 : vector<1024x32xf32>
    %add3A_588 = arith.addf %mul3A_586, %mul3A_587 : vector<1024x32xf32>
    %slice3A_589 = vector.extract_strided_slice %get3A_510 {offsets = [0, 2], sizes = [1024, 1], strides = [1, 1]} : vector<1024x12xf32> to vector<1024x1xf32>
    %mul3A_590 = vector.broadcast %slice3A_589 : vector<1024x1xf32> to vector<1024x96xf32>
    %mul3A_591 = vector.broadcast %dot_general3A_22 : vector<1x96xf32> to vector<1024x96xf32>
    %mul3A_592 = arith.mulf %mul3A_590, %mul3A_591 : vector<1024x96xf32>
    %add3A_593 = arith.addf %mul3A_592, %add3A_14 : vector<1024x96xf32>
    %dot_general3A_594 = arith.constant dense<0.000000e+00> : vector<1024x96xf32>
    %dot_general3A_595 = tpu.matmul %add3A_588, %get3A_25, %dot_general3A_594 {dimension_numbers = #tpu.dot_dimension_numbers<[1], [0], [0], [1], [0, 0, 1, 1], [], []>, transpose_lhs_hint = false} : vector<1024x32xf32>, vector<32x96xf32>, vector<1024x96xf32> -> vector<1024x96xf32>
    %add3A_596 = vector.broadcast %get3A_28 : vector<1x96xf32> to vector<1024x96xf32>
    %add3A_597 = arith.addf %dot_general3A_595, %add3A_596 : vector<1024x96xf32>
    %slice3A_598 = vector.extract_strided_slice %add3A_593 {offsets = [0, 0], sizes = [1024, 32], strides = [1, 1]} : vector<1024x96xf32> to vector<1024x32xf32>
    %slice3A_599 = vector.extract_strided_slice %add3A_597 {offsets = [0, 0], sizes = [1024, 32], strides = [1, 1]} : vector<1024x96xf32> to vector<1024x32xf32>
    %add3A_600 = arith.addf %slice3A_598, %slice3A_599 : vector<1024x32xf32>
    %logistic3A_601 = arith.negf %add3A_600 : vector<1024x32xf32>
    %logistic3A_602 = math.exp %logistic3A_601 : vector<1024x32xf32>
    %logistic3A_603 = arith.constant 1.000000e+00 : f32
    %logistic3A_604 = vector.broadcast %logistic3A_603 : f32 to vector<1024x32xf32>
    %logistic3A_605 = arith.addf %logistic3A_604, %logistic3A_602 : vector<1024x32xf32>
    %logistic3A_606 = arith.divf %logistic3A_604, %logistic3A_605 : vector<1024x32xf32>
    %slice3A_607 = vector.extract_strided_slice %add3A_593 {offsets = [0, 32], sizes = [1024, 32], strides = [1, 1]} : vector<1024x96xf32> to vector<1024x32xf32>
    %slice3A_608 = vector.extract_strided_slice %add3A_597 {offsets = [0, 32], sizes = [1024, 32], strides = [1, 1]} : vector<1024x96xf32> to vector<1024x32xf32>
    %add3A_609 = arith.addf %slice3A_607, %slice3A_608 : vector<1024x32xf32>
    %logistic3A_610 = arith.negf %add3A_609 : vector<1024x32xf32>
    %logistic3A_611 = math.exp %logistic3A_610 : vector<1024x32xf32>
    %logistic3A_612 = arith.constant 1.000000e+00 : f32
    %logistic3A_613 = vector.broadcast %logistic3A_612 : f32 to vector<1024x32xf32>
    %logistic3A_614 = arith.addf %logistic3A_613, %logistic3A_611 : vector<1024x32xf32>
    %logistic3A_615 = arith.divf %logistic3A_613, %logistic3A_614 : vector<1024x32xf32>
    %slice3A_616 = vector.extract_strided_slice %add3A_593 {offsets = [0, 64], sizes = [1024, 32], strides = [1, 1]} : vector<1024x96xf32> to vector<1024x32xf32>
    %slice3A_617 = vector.extract_strided_slice %add3A_597 {offsets = [0, 64], sizes = [1024, 32], strides = [1, 1]} : vector<1024x96xf32> to vector<1024x32xf32>
    %mul3A_618 = arith.mulf %logistic3A_606, %slice3A_617 : vector<1024x32xf32>
    %add3A_619 = arith.addf %slice3A_616, %mul3A_618 : vector<1024x32xf32>
    %tanh3A_620 = math.tanh %add3A_619 : vector<1024x32xf32>
    %sub3A_621 = arith.constant 1.000000e+00 : f32
    %sub3A_622 = vector.broadcast %sub3A_621 : f32 to vector<1024x32xf32>
    %sub3A_623 = arith.subf %sub3A_622, %logistic3A_615 : vector<1024x32xf32>
    %mul3A_624 = arith.mulf %sub3A_623, %tanh3A_620 : vector<1024x32xf32>
    %mul3A_625 = arith.mulf %logistic3A_615, %add3A_588 : vector<1024x32xf32>
    %add3A_626 = arith.addf %mul3A_624, %mul3A_625 : vector<1024x32xf32>
    %slice3A_627 = vector.extract_strided_slice %get3A_510 {offsets = [0, 3], sizes = [1024, 1], strides = [1, 1]} : vector<1024x12xf32> to vector<1024x1xf32>
    %mul3A_628 = vector.broadcast %slice3A_627 : vector<1024x1xf32> to vector<1024x96xf32>
    %mul3A_629 = vector.broadcast %dot_general3A_22 : vector<1x96xf32> to vector<1024x96xf32>
    %mul3A_630 = arith.mulf %mul3A_628, %mul3A_629 : vector<1024x96xf32>
    %add3A_631 = arith.addf %mul3A_630, %add3A_14 : vector<1024x96xf32>
    %dot_general3A_632 = arith.constant dense<0.000000e+00> : vector<1024x96xf32>
    %dot_general3A_633 = tpu.matmul %add3A_626, %get3A_25, %dot_general3A_632 {dimension_numbers = #tpu.dot_dimension_numbers<[1], [0], [0], [1], [0, 0, 1, 1], [], []>, transpose_lhs_hint = false} : vector<1024x32xf32>, vector<32x96xf32>, vector<1024x96xf32> -> vector<1024x96xf32>
    %add3A_634 = vector.broadcast %get3A_28 : vector<1x96xf32> to vector<1024x96xf32>
    %add3A_635 = arith.addf %dot_general3A_633, %add3A_634 : vector<1024x96xf32>
    %slice3A_636 = vector.extract_strided_slice %add3A_631 {offsets = [0, 0], sizes = [1024, 32], strides = [1, 1]} : vector<1024x96xf32> to vector<1024x32xf32>
    %slice3A_637 = vector.extract_strided_slice %add3A_635 {offsets = [0, 0], sizes = [1024, 32], strides = [1, 1]} : vector<1024x96xf32> to vector<1024x32xf32>
    %add3A_638 = arith.addf %slice3A_636, %slice3A_637 : vector<1024x32xf32>
    %logistic3A_639 = arith.negf %add3A_638 : vector<1024x32xf32>
    %logistic3A_640 = math.exp %logistic3A_639 : vector<1024x32xf32>
    %logistic3A_641 = arith.constant 1.000000e+00 : f32
    %logistic3A_642 = vector.broadcast %logistic3A_641 : f32 to vector<1024x32xf32>
    %logistic3A_643 = arith.addf %logistic3A_642, %logistic3A_640 : vector<1024x32xf32>
    %logistic3A_644 = arith.divf %logistic3A_642, %logistic3A_643 : vector<1024x32xf32>
    %slice3A_645 = vector.extract_strided_slice %add3A_631 {offsets = [0, 32], sizes = [1024, 32], strides = [1, 1]} : vector<1024x96xf32> to vector<1024x32xf32>
    %slice3A_646 = vector.extract_strided_slice %add3A_635 {offsets = [0, 32], sizes = [1024, 32], strides = [1, 1]} : vector<1024x96xf32> to vector<1024x32xf32>
    %add3A_647 = arith.addf %slice3A_645, %slice3A_646 : vector<1024x32xf32>
    %logistic3A_648 = arith.negf %add3A_647 : vector<1024x32xf32>
    %logistic3A_649 = math.exp %logistic3A_648 : vector<1024x32xf32>
    %logistic3A_650 = arith.constant 1.000000e+00 : f32
    %logistic3A_651 = vector.broadcast %logistic3A_650 : f32 to vector<1024x32xf32>
    %logistic3A_652 = arith.addf %logistic3A_651, %logistic3A_649 : vector<1024x32xf32>
    %logistic3A_653 = arith.divf %logistic3A_651, %logistic3A_652 : vector<1024x32xf32>
    %slice3A_654 = vector.extract_strided_slice %add3A_631 {offsets = [0, 64], sizes = [1024, 32], strides = [1, 1]} : vector<1024x96xf32> to vector<1024x32xf32>
    %slice3A_655 = vector.extract_strided_slice %add3A_635 {offsets = [0, 64], sizes = [1024, 32], strides = [1, 1]} : vector<1024x96xf32> to vector<1024x32xf32>
    %mul3A_656 = arith.mulf %logistic3A_644, %slice3A_655 : vector<1024x32xf32>
    %add3A_657 = arith.addf %slice3A_654, %mul3A_656 : vector<1024x32xf32>
    %tanh3A_658 = math.tanh %add3A_657 : vector<1024x32xf32>
    %sub3A_659 = arith.constant 1.000000e+00 : f32
    %sub3A_660 = vector.broadcast %sub3A_659 : f32 to vector<1024x32xf32>
    %sub3A_661 = arith.subf %sub3A_660, %logistic3A_653 : vector<1024x32xf32>
    %mul3A_662 = arith.mulf %sub3A_661, %tanh3A_658 : vector<1024x32xf32>
    %mul3A_663 = arith.mulf %logistic3A_653, %add3A_626 : vector<1024x32xf32>
    %add3A_664 = arith.addf %mul3A_662, %mul3A_663 : vector<1024x32xf32>
    %slice3A_665 = vector.extract_strided_slice %get3A_510 {offsets = [0, 4], sizes = [1024, 1], strides = [1, 1]} : vector<1024x12xf32> to vector<1024x1xf32>
    %mul3A_666 = vector.broadcast %slice3A_665 : vector<1024x1xf32> to vector<1024x96xf32>
    %mul3A_667 = vector.broadcast %dot_general3A_22 : vector<1x96xf32> to vector<1024x96xf32>
    %mul3A_668 = arith.mulf %mul3A_666, %mul3A_667 : vector<1024x96xf32>
    %add3A_669 = arith.addf %mul3A_668, %add3A_14 : vector<1024x96xf32>
    %dot_general3A_670 = arith.constant dense<0.000000e+00> : vector<1024x96xf32>
    %dot_general3A_671 = tpu.matmul %add3A_664, %get3A_25, %dot_general3A_670 {dimension_numbers = #tpu.dot_dimension_numbers<[1], [0], [0], [1], [0, 0, 1, 1], [], []>, transpose_lhs_hint = false} : vector<1024x32xf32>, vector<32x96xf32>, vector<1024x96xf32> -> vector<1024x96xf32>
    %add3A_672 = vector.broadcast %get3A_28 : vector<1x96xf32> to vector<1024x96xf32>
    %add3A_673 = arith.addf %dot_general3A_671, %add3A_672 : vector<1024x96xf32>
    %slice3A_674 = vector.extract_strided_slice %add3A_669 {offsets = [0, 0], sizes = [1024, 32], strides = [1, 1]} : vector<1024x96xf32> to vector<1024x32xf32>
    %slice3A_675 = vector.extract_strided_slice %add3A_673 {offsets = [0, 0], sizes = [1024, 32], strides = [1, 1]} : vector<1024x96xf32> to vector<1024x32xf32>
    %add3A_676 = arith.addf %slice3A_674, %slice3A_675 : vector<1024x32xf32>
    %logistic3A_677 = arith.negf %add3A_676 : vector<1024x32xf32>
    %logistic3A_678 = math.exp %logistic3A_677 : vector<1024x32xf32>
    %logistic3A_679 = arith.constant 1.000000e+00 : f32
    %logistic3A_680 = vector.broadcast %logistic3A_679 : f32 to vector<1024x32xf32>
    %logistic3A_681 = arith.addf %logistic3A_680, %logistic3A_678 : vector<1024x32xf32>
    %logistic3A_682 = arith.divf %logistic3A_680, %logistic3A_681 : vector<1024x32xf32>
    %slice3A_683 = vector.extract_strided_slice %add3A_669 {offsets = [0, 32], sizes = [1024, 32], strides = [1, 1]} : vector<1024x96xf32> to vector<1024x32xf32>
    %slice3A_684 = vector.extract_strided_slice %add3A_673 {offsets = [0, 32], sizes = [1024, 32], strides = [1, 1]} : vector<1024x96xf32> to vector<1024x32xf32>
    %add3A_685 = arith.addf %slice3A_683, %slice3A_684 : vector<1024x32xf32>
    %logistic3A_686 = arith.negf %add3A_685 : vector<1024x32xf32>
    %logistic3A_687 = math.exp %logistic3A_686 : vector<1024x32xf32>
    %logistic3A_688 = arith.constant 1.000000e+00 : f32
    %logistic3A_689 = vector.broadcast %logistic3A_688 : f32 to vector<1024x32xf32>
    %logistic3A_690 = arith.addf %logistic3A_689, %logistic3A_687 : vector<1024x32xf32>
    %logistic3A_691 = arith.divf %logistic3A_689, %logistic3A_690 : vector<1024x32xf32>
    %slice3A_692 = vector.extract_strided_slice %add3A_669 {offsets = [0, 64], sizes = [1024, 32], strides = [1, 1]} : vector<1024x96xf32> to vector<1024x32xf32>
    %slice3A_693 = vector.extract_strided_slice %add3A_673 {offsets = [0, 64], sizes = [1024, 32], strides = [1, 1]} : vector<1024x96xf32> to vector<1024x32xf32>
    %mul3A_694 = arith.mulf %logistic3A_682, %slice3A_693 : vector<1024x32xf32>
    %add3A_695 = arith.addf %slice3A_692, %mul3A_694 : vector<1024x32xf32>
    %tanh3A_696 = math.tanh %add3A_695 : vector<1024x32xf32>
    %sub3A_697 = arith.constant 1.000000e+00 : f32
    %sub3A_698 = vector.broadcast %sub3A_697 : f32 to vector<1024x32xf32>
    %sub3A_699 = arith.subf %sub3A_698, %logistic3A_691 : vector<1024x32xf32>
    %mul3A_700 = arith.mulf %sub3A_699, %tanh3A_696 : vector<1024x32xf32>
    %mul3A_701 = arith.mulf %logistic3A_691, %add3A_664 : vector<1024x32xf32>
    %add3A_702 = arith.addf %mul3A_700, %mul3A_701 : vector<1024x32xf32>
    %slice3A_703 = vector.extract_strided_slice %get3A_510 {offsets = [0, 5], sizes = [1024, 1], strides = [1, 1]} : vector<1024x12xf32> to vector<1024x1xf32>
    %mul3A_704 = vector.broadcast %slice3A_703 : vector<1024x1xf32> to vector<1024x96xf32>
    %mul3A_705 = vector.broadcast %dot_general3A_22 : vector<1x96xf32> to vector<1024x96xf32>
    %mul3A_706 = arith.mulf %mul3A_704, %mul3A_705 : vector<1024x96xf32>
    %add3A_707 = arith.addf %mul3A_706, %add3A_14 : vector<1024x96xf32>
    %dot_general3A_708 = arith.constant dense<0.000000e+00> : vector<1024x96xf32>
    %dot_general3A_709 = tpu.matmul %add3A_702, %get3A_25, %dot_general3A_708 {dimension_numbers = #tpu.dot_dimension_numbers<[1], [0], [0], [1], [0, 0, 1, 1], [], []>, transpose_lhs_hint = false} : vector<1024x32xf32>, vector<32x96xf32>, vector<1024x96xf32> -> vector<1024x96xf32>
    %add3A_710 = vector.broadcast %get3A_28 : vector<1x96xf32> to vector<1024x96xf32>
    %add3A_711 = arith.addf %dot_general3A_709, %add3A_710 : vector<1024x96xf32>
    %slice3A_712 = vector.extract_strided_slice %add3A_707 {offsets = [0, 0], sizes = [1024, 32], strides = [1, 1]} : vector<1024x96xf32> to vector<1024x32xf32>
    %slice3A_713 = vector.extract_strided_slice %add3A_711 {offsets = [0, 0], sizes = [1024, 32], strides = [1, 1]} : vector<1024x96xf32> to vector<1024x32xf32>
    %add3A_714 = arith.addf %slice3A_712, %slice3A_713 : vector<1024x32xf32>
    %logistic3A_715 = arith.negf %add3A_714 : vector<1024x32xf32>
    %logistic3A_716 = math.exp %logistic3A_715 : vector<1024x32xf32>
    %logistic3A_717 = arith.constant 1.000000e+00 : f32
    %logistic3A_718 = vector.broadcast %logistic3A_717 : f32 to vector<1024x32xf32>
    %logistic3A_719 = arith.addf %logistic3A_718, %logistic3A_716 : vector<1024x32xf32>
    %logistic3A_720 = arith.divf %logistic3A_718, %logistic3A_719 : vector<1024x32xf32>
    %slice3A_721 = vector.extract_strided_slice %add3A_707 {offsets = [0, 32], sizes = [1024, 32], strides = [1, 1]} : vector<1024x96xf32> to vector<1024x32xf32>
    %slice3A_722 = vector.extract_strided_slice %add3A_711 {offsets = [0, 32], sizes = [1024, 32], strides = [1, 1]} : vector<1024x96xf32> to vector<1024x32xf32>
    %add3A_723 = arith.addf %slice3A_721, %slice3A_722 : vector<1024x32xf32>
    %logistic3A_724 = arith.negf %add3A_723 : vector<1024x32xf32>
    %logistic3A_725 = math.exp %logistic3A_724 : vector<1024x32xf32>
    %logistic3A_726 = arith.constant 1.000000e+00 : f32
    %logistic3A_727 = vector.broadcast %logistic3A_726 : f32 to vector<1024x32xf32>
    %logistic3A_728 = arith.addf %logistic3A_727, %logistic3A_725 : vector<1024x32xf32>
    %logistic3A_729 = arith.divf %logistic3A_727, %logistic3A_728 : vector<1024x32xf32>
    %slice3A_730 = vector.extract_strided_slice %add3A_707 {offsets = [0, 64], sizes = [1024, 32], strides = [1, 1]} : vector<1024x96xf32> to vector<1024x32xf32>
    %slice3A_731 = vector.extract_strided_slice %add3A_711 {offsets = [0, 64], sizes = [1024, 32], strides = [1, 1]} : vector<1024x96xf32> to vector<1024x32xf32>
    %mul3A_732 = arith.mulf %logistic3A_720, %slice3A_731 : vector<1024x32xf32>
    %add3A_733 = arith.addf %slice3A_730, %mul3A_732 : vector<1024x32xf32>
    %tanh3A_734 = math.tanh %add3A_733 : vector<1024x32xf32>
    %sub3A_735 = arith.constant 1.000000e+00 : f32
    %sub3A_736 = vector.broadcast %sub3A_735 : f32 to vector<1024x32xf32>
    %sub3A_737 = arith.subf %sub3A_736, %logistic3A_729 : vector<1024x32xf32>
    %mul3A_738 = arith.mulf %sub3A_737, %tanh3A_734 : vector<1024x32xf32>
    %mul3A_739 = arith.mulf %logistic3A_729, %add3A_702 : vector<1024x32xf32>
    %add3A_740 = arith.addf %mul3A_738, %mul3A_739 : vector<1024x32xf32>
    %slice3A_741 = vector.extract_strided_slice %get3A_510 {offsets = [0, 6], sizes = [1024, 1], strides = [1, 1]} : vector<1024x12xf32> to vector<1024x1xf32>
    %mul3A_742 = vector.broadcast %slice3A_741 : vector<1024x1xf32> to vector<1024x96xf32>
    %mul3A_743 = vector.broadcast %dot_general3A_22 : vector<1x96xf32> to vector<1024x96xf32>
    %mul3A_744 = arith.mulf %mul3A_742, %mul3A_743 : vector<1024x96xf32>
    %add3A_745 = arith.addf %mul3A_744, %add3A_14 : vector<1024x96xf32>
    %dot_general3A_746 = arith.constant dense<0.000000e+00> : vector<1024x96xf32>
    %dot_general3A_747 = tpu.matmul %add3A_740, %get3A_25, %dot_general3A_746 {dimension_numbers = #tpu.dot_dimension_numbers<[1], [0], [0], [1], [0, 0, 1, 1], [], []>, transpose_lhs_hint = false} : vector<1024x32xf32>, vector<32x96xf32>, vector<1024x96xf32> -> vector<1024x96xf32>
    %add3A_748 = vector.broadcast %get3A_28 : vector<1x96xf32> to vector<1024x96xf32>
    %add3A_749 = arith.addf %dot_general3A_747, %add3A_748 : vector<1024x96xf32>
    %slice3A_750 = vector.extract_strided_slice %add3A_745 {offsets = [0, 0], sizes = [1024, 32], strides = [1, 1]} : vector<1024x96xf32> to vector<1024x32xf32>
    %slice3A_751 = vector.extract_strided_slice %add3A_749 {offsets = [0, 0], sizes = [1024, 32], strides = [1, 1]} : vector<1024x96xf32> to vector<1024x32xf32>
    %add3A_752 = arith.addf %slice3A_750, %slice3A_751 : vector<1024x32xf32>
    %logistic3A_753 = arith.negf %add3A_752 : vector<1024x32xf32>
    %logistic3A_754 = math.exp %logistic3A_753 : vector<1024x32xf32>
    %logistic3A_755 = arith.constant 1.000000e+00 : f32
    %logistic3A_756 = vector.broadcast %logistic3A_755 : f32 to vector<1024x32xf32>
    %logistic3A_757 = arith.addf %logistic3A_756, %logistic3A_754 : vector<1024x32xf32>
    %logistic3A_758 = arith.divf %logistic3A_756, %logistic3A_757 : vector<1024x32xf32>
    %slice3A_759 = vector.extract_strided_slice %add3A_745 {offsets = [0, 32], sizes = [1024, 32], strides = [1, 1]} : vector<1024x96xf32> to vector<1024x32xf32>
    %slice3A_760 = vector.extract_strided_slice %add3A_749 {offsets = [0, 32], sizes = [1024, 32], strides = [1, 1]} : vector<1024x96xf32> to vector<1024x32xf32>
    %add3A_761 = arith.addf %slice3A_759, %slice3A_760 : vector<1024x32xf32>
    %logistic3A_762 = arith.negf %add3A_761 : vector<1024x32xf32>
    %logistic3A_763 = math.exp %logistic3A_762 : vector<1024x32xf32>
    %logistic3A_764 = arith.constant 1.000000e+00 : f32
    %logistic3A_765 = vector.broadcast %logistic3A_764 : f32 to vector<1024x32xf32>
    %logistic3A_766 = arith.addf %logistic3A_765, %logistic3A_763 : vector<1024x32xf32>
    %logistic3A_767 = arith.divf %logistic3A_765, %logistic3A_766 : vector<1024x32xf32>
    %slice3A_768 = vector.extract_strided_slice %add3A_745 {offsets = [0, 64], sizes = [1024, 32], strides = [1, 1]} : vector<1024x96xf32> to vector<1024x32xf32>
    %slice3A_769 = vector.extract_strided_slice %add3A_749 {offsets = [0, 64], sizes = [1024, 32], strides = [1, 1]} : vector<1024x96xf32> to vector<1024x32xf32>
    %mul3A_770 = arith.mulf %logistic3A_758, %slice3A_769 : vector<1024x32xf32>
    %add3A_771 = arith.addf %slice3A_768, %mul3A_770 : vector<1024x32xf32>
    %tanh3A_772 = math.tanh %add3A_771 : vector<1024x32xf32>
    %sub3A_773 = arith.constant 1.000000e+00 : f32
    %sub3A_774 = vector.broadcast %sub3A_773 : f32 to vector<1024x32xf32>
    %sub3A_775 = arith.subf %sub3A_774, %logistic3A_767 : vector<1024x32xf32>
    %mul3A_776 = arith.mulf %sub3A_775, %tanh3A_772 : vector<1024x32xf32>
    %mul3A_777 = arith.mulf %logistic3A_767, %add3A_740 : vector<1024x32xf32>
    %add3A_778 = arith.addf %mul3A_776, %mul3A_777 : vector<1024x32xf32>
    %slice3A_779 = vector.extract_strided_slice %get3A_510 {offsets = [0, 7], sizes = [1024, 1], strides = [1, 1]} : vector<1024x12xf32> to vector<1024x1xf32>
    %mul3A_780 = vector.broadcast %slice3A_779 : vector<1024x1xf32> to vector<1024x96xf32>
    %mul3A_781 = vector.broadcast %dot_general3A_22 : vector<1x96xf32> to vector<1024x96xf32>
    %mul3A_782 = arith.mulf %mul3A_780, %mul3A_781 : vector<1024x96xf32>
    %add3A_783 = arith.addf %mul3A_782, %add3A_14 : vector<1024x96xf32>
    %dot_general3A_784 = arith.constant dense<0.000000e+00> : vector<1024x96xf32>
    %dot_general3A_785 = tpu.matmul %add3A_778, %get3A_25, %dot_general3A_784 {dimension_numbers = #tpu.dot_dimension_numbers<[1], [0], [0], [1], [0, 0, 1, 1], [], []>, transpose_lhs_hint = false} : vector<1024x32xf32>, vector<32x96xf32>, vector<1024x96xf32> -> vector<1024x96xf32>
    %add3A_786 = vector.broadcast %get3A_28 : vector<1x96xf32> to vector<1024x96xf32>
    %add3A_787 = arith.addf %dot_general3A_785, %add3A_786 : vector<1024x96xf32>
    %slice3A_788 = vector.extract_strided_slice %add3A_783 {offsets = [0, 0], sizes = [1024, 32], strides = [1, 1]} : vector<1024x96xf32> to vector<1024x32xf32>
    %slice3A_789 = vector.extract_strided_slice %add3A_787 {offsets = [0, 0], sizes = [1024, 32], strides = [1, 1]} : vector<1024x96xf32> to vector<1024x32xf32>
    %add3A_790 = arith.addf %slice3A_788, %slice3A_789 : vector<1024x32xf32>
    %logistic3A_791 = arith.negf %add3A_790 : vector<1024x32xf32>
    %logistic3A_792 = math.exp %logistic3A_791 : vector<1024x32xf32>
    %logistic3A_793 = arith.constant 1.000000e+00 : f32
    %logistic3A_794 = vector.broadcast %logistic3A_793 : f32 to vector<1024x32xf32>
    %logistic3A_795 = arith.addf %logistic3A_794, %logistic3A_792 : vector<1024x32xf32>
    %logistic3A_796 = arith.divf %logistic3A_794, %logistic3A_795 : vector<1024x32xf32>
    %slice3A_797 = vector.extract_strided_slice %add3A_783 {offsets = [0, 32], sizes = [1024, 32], strides = [1, 1]} : vector<1024x96xf32> to vector<1024x32xf32>
    %slice3A_798 = vector.extract_strided_slice %add3A_787 {offsets = [0, 32], sizes = [1024, 32], strides = [1, 1]} : vector<1024x96xf32> to vector<1024x32xf32>
    %add3A_799 = arith.addf %slice3A_797, %slice3A_798 : vector<1024x32xf32>
    %logistic3A_800 = arith.negf %add3A_799 : vector<1024x32xf32>
    %logistic3A_801 = math.exp %logistic3A_800 : vector<1024x32xf32>
    %logistic3A_802 = arith.constant 1.000000e+00 : f32
    %logistic3A_803 = vector.broadcast %logistic3A_802 : f32 to vector<1024x32xf32>
    %logistic3A_804 = arith.addf %logistic3A_803, %logistic3A_801 : vector<1024x32xf32>
    %logistic3A_805 = arith.divf %logistic3A_803, %logistic3A_804 : vector<1024x32xf32>
    %slice3A_806 = vector.extract_strided_slice %add3A_783 {offsets = [0, 64], sizes = [1024, 32], strides = [1, 1]} : vector<1024x96xf32> to vector<1024x32xf32>
    %slice3A_807 = vector.extract_strided_slice %add3A_787 {offsets = [0, 64], sizes = [1024, 32], strides = [1, 1]} : vector<1024x96xf32> to vector<1024x32xf32>
    %mul3A_808 = arith.mulf %logistic3A_796, %slice3A_807 : vector<1024x32xf32>
    %add3A_809 = arith.addf %slice3A_806, %mul3A_808 : vector<1024x32xf32>
    %tanh3A_810 = math.tanh %add3A_809 : vector<1024x32xf32>
    %sub3A_811 = arith.constant 1.000000e+00 : f32
    %sub3A_812 = vector.broadcast %sub3A_811 : f32 to vector<1024x32xf32>
    %sub3A_813 = arith.subf %sub3A_812, %logistic3A_805 : vector<1024x32xf32>
    %mul3A_814 = arith.mulf %sub3A_813, %tanh3A_810 : vector<1024x32xf32>
    %mul3A_815 = arith.mulf %logistic3A_805, %add3A_778 : vector<1024x32xf32>
    %add3A_816 = arith.addf %mul3A_814, %mul3A_815 : vector<1024x32xf32>
    %slice3A_817 = vector.extract_strided_slice %get3A_510 {offsets = [0, 8], sizes = [1024, 1], strides = [1, 1]} : vector<1024x12xf32> to vector<1024x1xf32>
    %mul3A_818 = vector.broadcast %slice3A_817 : vector<1024x1xf32> to vector<1024x96xf32>
    %mul3A_819 = vector.broadcast %dot_general3A_22 : vector<1x96xf32> to vector<1024x96xf32>
    %mul3A_820 = arith.mulf %mul3A_818, %mul3A_819 : vector<1024x96xf32>
    %add3A_821 = arith.addf %mul3A_820, %add3A_14 : vector<1024x96xf32>
    %dot_general3A_822 = arith.constant dense<0.000000e+00> : vector<1024x96xf32>
    %dot_general3A_823 = tpu.matmul %add3A_816, %get3A_25, %dot_general3A_822 {dimension_numbers = #tpu.dot_dimension_numbers<[1], [0], [0], [1], [0, 0, 1, 1], [], []>, transpose_lhs_hint = false} : vector<1024x32xf32>, vector<32x96xf32>, vector<1024x96xf32> -> vector<1024x96xf32>
    %add3A_824 = vector.broadcast %get3A_28 : vector<1x96xf32> to vector<1024x96xf32>
    %add3A_825 = arith.addf %dot_general3A_823, %add3A_824 : vector<1024x96xf32>
    %slice3A_826 = vector.extract_strided_slice %add3A_821 {offsets = [0, 0], sizes = [1024, 32], strides = [1, 1]} : vector<1024x96xf32> to vector<1024x32xf32>
    %slice3A_827 = vector.extract_strided_slice %add3A_825 {offsets = [0, 0], sizes = [1024, 32], strides = [1, 1]} : vector<1024x96xf32> to vector<1024x32xf32>
    %add3A_828 = arith.addf %slice3A_826, %slice3A_827 : vector<1024x32xf32>
    %logistic3A_829 = arith.negf %add3A_828 : vector<1024x32xf32>
    %logistic3A_830 = math.exp %logistic3A_829 : vector<1024x32xf32>
    %logistic3A_831 = arith.constant 1.000000e+00 : f32
    %logistic3A_832 = vector.broadcast %logistic3A_831 : f32 to vector<1024x32xf32>
    %logistic3A_833 = arith.addf %logistic3A_832, %logistic3A_830 : vector<1024x32xf32>
    %logistic3A_834 = arith.divf %logistic3A_832, %logistic3A_833 : vector<1024x32xf32>
    %slice3A_835 = vector.extract_strided_slice %add3A_821 {offsets = [0, 32], sizes = [1024, 32], strides = [1, 1]} : vector<1024x96xf32> to vector<1024x32xf32>
    %slice3A_836 = vector.extract_strided_slice %add3A_825 {offsets = [0, 32], sizes = [1024, 32], strides = [1, 1]} : vector<1024x96xf32> to vector<1024x32xf32>
    %add3A_837 = arith.addf %slice3A_835, %slice3A_836 : vector<1024x32xf32>
    %logistic3A_838 = arith.negf %add3A_837 : vector<1024x32xf32>
    %logistic3A_839 = math.exp %logistic3A_838 : vector<1024x32xf32>
    %logistic3A_840 = arith.constant 1.000000e+00 : f32
    %logistic3A_841 = vector.broadcast %logistic3A_840 : f32 to vector<1024x32xf32>
    %logistic3A_842 = arith.addf %logistic3A_841, %logistic3A_839 : vector<1024x32xf32>
    %logistic3A_843 = arith.divf %logistic3A_841, %logistic3A_842 : vector<1024x32xf32>
    %slice3A_844 = vector.extract_strided_slice %add3A_821 {offsets = [0, 64], sizes = [1024, 32], strides = [1, 1]} : vector<1024x96xf32> to vector<1024x32xf32>
    %slice3A_845 = vector.extract_strided_slice %add3A_825 {offsets = [0, 64], sizes = [1024, 32], strides = [1, 1]} : vector<1024x96xf32> to vector<1024x32xf32>
    %mul3A_846 = arith.mulf %logistic3A_834, %slice3A_845 : vector<1024x32xf32>
    %add3A_847 = arith.addf %slice3A_844, %mul3A_846 : vector<1024x32xf32>
    %tanh3A_848 = math.tanh %add3A_847 : vector<1024x32xf32>
    %sub3A_849 = arith.constant 1.000000e+00 : f32
    %sub3A_850 = vector.broadcast %sub3A_849 : f32 to vector<1024x32xf32>
    %sub3A_851 = arith.subf %sub3A_850, %logistic3A_843 : vector<1024x32xf32>
    %mul3A_852 = arith.mulf %sub3A_851, %tanh3A_848 : vector<1024x32xf32>
    %mul3A_853 = arith.mulf %logistic3A_843, %add3A_816 : vector<1024x32xf32>
    %add3A_854 = arith.addf %mul3A_852, %mul3A_853 : vector<1024x32xf32>
    %slice3A_855 = vector.extract_strided_slice %get3A_510 {offsets = [0, 9], sizes = [1024, 1], strides = [1, 1]} : vector<1024x12xf32> to vector<1024x1xf32>
    %mul3A_856 = vector.broadcast %slice3A_855 : vector<1024x1xf32> to vector<1024x96xf32>
    %mul3A_857 = vector.broadcast %dot_general3A_22 : vector<1x96xf32> to vector<1024x96xf32>
    %mul3A_858 = arith.mulf %mul3A_856, %mul3A_857 : vector<1024x96xf32>
    %add3A_859 = arith.addf %mul3A_858, %add3A_14 : vector<1024x96xf32>
    %dot_general3A_860 = arith.constant dense<0.000000e+00> : vector<1024x96xf32>
    %dot_general3A_861 = tpu.matmul %add3A_854, %get3A_25, %dot_general3A_860 {dimension_numbers = #tpu.dot_dimension_numbers<[1], [0], [0], [1], [0, 0, 1, 1], [], []>, transpose_lhs_hint = false} : vector<1024x32xf32>, vector<32x96xf32>, vector<1024x96xf32> -> vector<1024x96xf32>
    %add3A_862 = vector.broadcast %get3A_28 : vector<1x96xf32> to vector<1024x96xf32>
    %add3A_863 = arith.addf %dot_general3A_861, %add3A_862 : vector<1024x96xf32>
    %slice3A_864 = vector.extract_strided_slice %add3A_859 {offsets = [0, 0], sizes = [1024, 32], strides = [1, 1]} : vector<1024x96xf32> to vector<1024x32xf32>
    %slice3A_865 = vector.extract_strided_slice %add3A_863 {offsets = [0, 0], sizes = [1024, 32], strides = [1, 1]} : vector<1024x96xf32> to vector<1024x32xf32>
    %add3A_866 = arith.addf %slice3A_864, %slice3A_865 : vector<1024x32xf32>
    %logistic3A_867 = arith.negf %add3A_866 : vector<1024x32xf32>
    %logistic3A_868 = math.exp %logistic3A_867 : vector<1024x32xf32>
    %logistic3A_869 = arith.constant 1.000000e+00 : f32
    %logistic3A_870 = vector.broadcast %logistic3A_869 : f32 to vector<1024x32xf32>
    %logistic3A_871 = arith.addf %logistic3A_870, %logistic3A_868 : vector<1024x32xf32>
    %logistic3A_872 = arith.divf %logistic3A_870, %logistic3A_871 : vector<1024x32xf32>
    %slice3A_873 = vector.extract_strided_slice %add3A_859 {offsets = [0, 32], sizes = [1024, 32], strides = [1, 1]} : vector<1024x96xf32> to vector<1024x32xf32>
    %slice3A_874 = vector.extract_strided_slice %add3A_863 {offsets = [0, 32], sizes = [1024, 32], strides = [1, 1]} : vector<1024x96xf32> to vector<1024x32xf32>
    %add3A_875 = arith.addf %slice3A_873, %slice3A_874 : vector<1024x32xf32>
    %logistic3A_876 = arith.negf %add3A_875 : vector<1024x32xf32>
    %logistic3A_877 = math.exp %logistic3A_876 : vector<1024x32xf32>
    %logistic3A_878 = arith.constant 1.000000e+00 : f32
    %logistic3A_879 = vector.broadcast %logistic3A_878 : f32 to vector<1024x32xf32>
    %logistic3A_880 = arith.addf %logistic3A_879, %logistic3A_877 : vector<1024x32xf32>
    %logistic3A_881 = arith.divf %logistic3A_879, %logistic3A_880 : vector<1024x32xf32>
    %slice3A_882 = vector.extract_strided_slice %add3A_859 {offsets = [0, 64], sizes = [1024, 32], strides = [1, 1]} : vector<1024x96xf32> to vector<1024x32xf32>
    %slice3A_883 = vector.extract_strided_slice %add3A_863 {offsets = [0, 64], sizes = [1024, 32], strides = [1, 1]} : vector<1024x96xf32> to vector<1024x32xf32>
    %mul3A_884 = arith.mulf %logistic3A_872, %slice3A_883 : vector<1024x32xf32>
    %add3A_885 = arith.addf %slice3A_882, %mul3A_884 : vector<1024x32xf32>
    %tanh3A_886 = math.tanh %add3A_885 : vector<1024x32xf32>
    %sub3A_887 = arith.constant 1.000000e+00 : f32
    %sub3A_888 = vector.broadcast %sub3A_887 : f32 to vector<1024x32xf32>
    %sub3A_889 = arith.subf %sub3A_888, %logistic3A_881 : vector<1024x32xf32>
    %mul3A_890 = arith.mulf %sub3A_889, %tanh3A_886 : vector<1024x32xf32>
    %mul3A_891 = arith.mulf %logistic3A_881, %add3A_854 : vector<1024x32xf32>
    %add3A_892 = arith.addf %mul3A_890, %mul3A_891 : vector<1024x32xf32>
    %slice3A_893 = vector.extract_strided_slice %get3A_510 {offsets = [0, 10], sizes = [1024, 1], strides = [1, 1]} : vector<1024x12xf32> to vector<1024x1xf32>
    %mul3A_894 = vector.broadcast %slice3A_893 : vector<1024x1xf32> to vector<1024x96xf32>
    %mul3A_895 = vector.broadcast %dot_general3A_22 : vector<1x96xf32> to vector<1024x96xf32>
    %mul3A_896 = arith.mulf %mul3A_894, %mul3A_895 : vector<1024x96xf32>
    %add3A_897 = arith.addf %mul3A_896, %add3A_14 : vector<1024x96xf32>
    %dot_general3A_898 = arith.constant dense<0.000000e+00> : vector<1024x96xf32>
    %dot_general3A_899 = tpu.matmul %add3A_892, %get3A_25, %dot_general3A_898 {dimension_numbers = #tpu.dot_dimension_numbers<[1], [0], [0], [1], [0, 0, 1, 1], [], []>, transpose_lhs_hint = false} : vector<1024x32xf32>, vector<32x96xf32>, vector<1024x96xf32> -> vector<1024x96xf32>
    %add3A_900 = vector.broadcast %get3A_28 : vector<1x96xf32> to vector<1024x96xf32>
    %add3A_901 = arith.addf %dot_general3A_899, %add3A_900 : vector<1024x96xf32>
    %slice3A_902 = vector.extract_strided_slice %add3A_897 {offsets = [0, 0], sizes = [1024, 32], strides = [1, 1]} : vector<1024x96xf32> to vector<1024x32xf32>
    %slice3A_903 = vector.extract_strided_slice %add3A_901 {offsets = [0, 0], sizes = [1024, 32], strides = [1, 1]} : vector<1024x96xf32> to vector<1024x32xf32>
    %add3A_904 = arith.addf %slice3A_902, %slice3A_903 : vector<1024x32xf32>
    %logistic3A_905 = arith.negf %add3A_904 : vector<1024x32xf32>
    %logistic3A_906 = math.exp %logistic3A_905 : vector<1024x32xf32>
    %logistic3A_907 = arith.constant 1.000000e+00 : f32
    %logistic3A_908 = vector.broadcast %logistic3A_907 : f32 to vector<1024x32xf32>
    %logistic3A_909 = arith.addf %logistic3A_908, %logistic3A_906 : vector<1024x32xf32>
    %logistic3A_910 = arith.divf %logistic3A_908, %logistic3A_909 : vector<1024x32xf32>
    %slice3A_911 = vector.extract_strided_slice %add3A_897 {offsets = [0, 32], sizes = [1024, 32], strides = [1, 1]} : vector<1024x96xf32> to vector<1024x32xf32>
    %slice3A_912 = vector.extract_strided_slice %add3A_901 {offsets = [0, 32], sizes = [1024, 32], strides = [1, 1]} : vector<1024x96xf32> to vector<1024x32xf32>
    %add3A_913 = arith.addf %slice3A_911, %slice3A_912 : vector<1024x32xf32>
    %logistic3A_914 = arith.negf %add3A_913 : vector<1024x32xf32>
    %logistic3A_915 = math.exp %logistic3A_914 : vector<1024x32xf32>
    %logistic3A_916 = arith.constant 1.000000e+00 : f32
    %logistic3A_917 = vector.broadcast %logistic3A_916 : f32 to vector<1024x32xf32>
    %logistic3A_918 = arith.addf %logistic3A_917, %logistic3A_915 : vector<1024x32xf32>
    %logistic3A_919 = arith.divf %logistic3A_917, %logistic3A_918 : vector<1024x32xf32>
    %slice3A_920 = vector.extract_strided_slice %add3A_897 {offsets = [0, 64], sizes = [1024, 32], strides = [1, 1]} : vector<1024x96xf32> to vector<1024x32xf32>
    %slice3A_921 = vector.extract_strided_slice %add3A_901 {offsets = [0, 64], sizes = [1024, 32], strides = [1, 1]} : vector<1024x96xf32> to vector<1024x32xf32>
    %mul3A_922 = arith.mulf %logistic3A_910, %slice3A_921 : vector<1024x32xf32>
    %add3A_923 = arith.addf %slice3A_920, %mul3A_922 : vector<1024x32xf32>
    %tanh3A_924 = math.tanh %add3A_923 : vector<1024x32xf32>
    %sub3A_925 = arith.constant 1.000000e+00 : f32
    %sub3A_926 = vector.broadcast %sub3A_925 : f32 to vector<1024x32xf32>
    %sub3A_927 = arith.subf %sub3A_926, %logistic3A_919 : vector<1024x32xf32>
    %mul3A_928 = arith.mulf %sub3A_927, %tanh3A_924 : vector<1024x32xf32>
    %mul3A_929 = arith.mulf %logistic3A_919, %add3A_892 : vector<1024x32xf32>
    %add3A_930 = arith.addf %mul3A_928, %mul3A_929 : vector<1024x32xf32>
    %slice3A_931 = vector.extract_strided_slice %get3A_510 {offsets = [0, 11], sizes = [1024, 1], strides = [1, 1]} : vector<1024x12xf32> to vector<1024x1xf32>
    %mul3A_932 = vector.broadcast %slice3A_931 : vector<1024x1xf32> to vector<1024x96xf32>
    %mul3A_933 = vector.broadcast %dot_general3A_22 : vector<1x96xf32> to vector<1024x96xf32>
    %mul3A_934 = arith.mulf %mul3A_932, %mul3A_933 : vector<1024x96xf32>
    %add3A_935 = arith.addf %mul3A_934, %add3A_14 : vector<1024x96xf32>
    %dot_general3A_936 = arith.constant dense<0.000000e+00> : vector<1024x96xf32>
    %dot_general3A_937 = tpu.matmul %add3A_930, %get3A_25, %dot_general3A_936 {dimension_numbers = #tpu.dot_dimension_numbers<[1], [0], [0], [1], [0, 0, 1, 1], [], []>, transpose_lhs_hint = false} : vector<1024x32xf32>, vector<32x96xf32>, vector<1024x96xf32> -> vector<1024x96xf32>
    %add3A_938 = vector.broadcast %get3A_28 : vector<1x96xf32> to vector<1024x96xf32>
    %add3A_939 = arith.addf %dot_general3A_937, %add3A_938 : vector<1024x96xf32>
    %slice3A_940 = vector.extract_strided_slice %add3A_935 {offsets = [0, 0], sizes = [1024, 32], strides = [1, 1]} : vector<1024x96xf32> to vector<1024x32xf32>
    %slice3A_941 = vector.extract_strided_slice %add3A_939 {offsets = [0, 0], sizes = [1024, 32], strides = [1, 1]} : vector<1024x96xf32> to vector<1024x32xf32>
    %add3A_942 = arith.addf %slice3A_940, %slice3A_941 : vector<1024x32xf32>
    %logistic3A_943 = arith.negf %add3A_942 : vector<1024x32xf32>
    %logistic3A_944 = math.exp %logistic3A_943 : vector<1024x32xf32>
    %logistic3A_945 = arith.constant 1.000000e+00 : f32
    %logistic3A_946 = vector.broadcast %logistic3A_945 : f32 to vector<1024x32xf32>
    %logistic3A_947 = arith.addf %logistic3A_946, %logistic3A_944 : vector<1024x32xf32>
    %logistic3A_948 = arith.divf %logistic3A_946, %logistic3A_947 : vector<1024x32xf32>
    %slice3A_949 = vector.extract_strided_slice %add3A_935 {offsets = [0, 32], sizes = [1024, 32], strides = [1, 1]} : vector<1024x96xf32> to vector<1024x32xf32>
    %slice3A_950 = vector.extract_strided_slice %add3A_939 {offsets = [0, 32], sizes = [1024, 32], strides = [1, 1]} : vector<1024x96xf32> to vector<1024x32xf32>
    %add3A_951 = arith.addf %slice3A_949, %slice3A_950 : vector<1024x32xf32>
    %logistic3A_952 = arith.negf %add3A_951 : vector<1024x32xf32>
    %logistic3A_953 = math.exp %logistic3A_952 : vector<1024x32xf32>
    %logistic3A_954 = arith.constant 1.000000e+00 : f32
    %logistic3A_955 = vector.broadcast %logistic3A_954 : f32 to vector<1024x32xf32>
    %logistic3A_956 = arith.addf %logistic3A_955, %logistic3A_953 : vector<1024x32xf32>
    %logistic3A_957 = arith.divf %logistic3A_955, %logistic3A_956 : vector<1024x32xf32>
    %slice3A_958 = vector.extract_strided_slice %add3A_935 {offsets = [0, 64], sizes = [1024, 32], strides = [1, 1]} : vector<1024x96xf32> to vector<1024x32xf32>
    %slice3A_959 = vector.extract_strided_slice %add3A_939 {offsets = [0, 64], sizes = [1024, 32], strides = [1, 1]} : vector<1024x96xf32> to vector<1024x32xf32>
    %mul3A_960 = arith.mulf %logistic3A_948, %slice3A_959 : vector<1024x32xf32>
    %add3A_961 = arith.addf %slice3A_958, %mul3A_960 : vector<1024x32xf32>
    %tanh3A_962 = math.tanh %add3A_961 : vector<1024x32xf32>
    %sub3A_963 = arith.constant 1.000000e+00 : f32
    %sub3A_964 = vector.broadcast %sub3A_963 : f32 to vector<1024x32xf32>
    %sub3A_965 = arith.subf %sub3A_964, %logistic3A_957 : vector<1024x32xf32>
    %mul3A_966 = arith.mulf %sub3A_965, %tanh3A_962 : vector<1024x32xf32>
    %mul3A_967 = arith.mulf %logistic3A_957, %add3A_930 : vector<1024x32xf32>
    %add3A_968 = arith.addf %mul3A_966, %mul3A_967 : vector<1024x32xf32>
    %get3A_969 = arith.constant 0 : index
    %get3A_970 = arith.constant 0 : index
    %get3A_971 = vector.load %arg9[%get3A_969, %get3A_970] : memref<32x32xf32, #tpu.memory_space<vmem>>, vector<32x32xf32>
    %dot_general3A_972 = arith.constant dense<0.000000e+00> : vector<1024x32xf32>
    %dot_general3A_973 = tpu.matmul %add3A_968, %get3A_971, %dot_general3A_972 {dimension_numbers = #tpu.dot_dimension_numbers<[1], [0], [0], [1], [0, 0, 1, 1], [], []>, transpose_lhs_hint = false} : vector<1024x32xf32>, vector<32x32xf32>, vector<1024x32xf32> -> vector<1024x32xf32>
    %get3A_974 = arith.constant 0 : index
    %get3A_975 = arith.constant 0 : index
    %get3A_976 = vector.load %arg10[%get3A_974, %get3A_975] : memref<32x32xf32, #tpu.memory_space<vmem>>, vector<32x32xf32>
    %dot_general3A_977 = arith.constant dense<0.000000e+00> : vector<1024x32xf32>
    %dot_general3A_978 = tpu.matmul %add3A_968, %get3A_976, %dot_general3A_977 {dimension_numbers = #tpu.dot_dimension_numbers<[1], [0], [0], [1], [0, 0, 1, 1], [], []>, transpose_lhs_hint = false} : vector<1024x32xf32>, vector<32x32xf32>, vector<1024x32xf32> -> vector<1024x32xf32>
    %get3A_979 = arith.constant 0 : index
    %get3A_980 = arith.constant 0 : index
    %get3A_981 = vector.load %arg11[%get3A_979, %get3A_980] : memref<1x32xf32, #tpu.memory_space<vmem>>, vector<1x32xf32>
    %add3A_982 = vector.broadcast %get3A_981 : vector<1x32xf32> to vector<1024x32xf32>
    %add3A_983 = arith.addf %dot_general3A_978, %add3A_982 : vector<1024x32xf32>
    %swap3A_984 = arith.constant 1 : index
    %swap3A_985 = arith.constant 0 : index
    %swap3A_986 = arith.constant 0 : index
    %swap3A_987 = vector.load %arg13[%swap3A_984, %swap3A_985, %swap3A_986] : memref<4x1024x32xf32, #tpu.memory_space<vmem>>, vector<1x1024x32xf32>
    %swap3A_988 = vector.shape_cast %swap3A_987 : vector<1x1024x32xf32> to vector<1024x32xf32>
    %swap3A_989 = vector.shape_cast %add3A_983 : vector<1024x32xf32> to vector<1x1024x32xf32>
    tpu.vector_store %arg13[%swap3A_984, %swap3A_985, %swap3A_986], %swap3A_989 {strides = array<i32>} : memref<4x1024x32xf32, #tpu.memory_space<vmem>>, vector<1x1024x32xf32>,
    %get3A_990 = arith.constant 2 : index
    %get3A_991 = arith.constant 0 : index
    %get3A_992 = arith.constant 0 : index
    %get3A_993 = vector.load %arg1[%get3A_990, %get3A_991, %get3A_992] : memref<4x1024x12xf32, #tpu.memory_space<vmem>>, vector<1x1024x12xf32>
    %get3A_994 = vector.shape_cast %get3A_993 : vector<1x1024x12xf32> to vector<1024x12xf32>
    %broadcast_in_dim3A_995 = arith.constant 0.000000e+00 : f32
    %broadcast_in_dim3A_996 = vector.broadcast %broadcast_in_dim3A_995 : f32 to vector<1024x32xf32>
    %slice3A_997 = vector.extract_strided_slice %get3A_994 {offsets = [0, 0], sizes = [1024, 1], strides = [1, 1]} : vector<1024x12xf32> to vector<1024x1xf32>
    %mul3A_998 = vector.broadcast %slice3A_997 : vector<1024x1xf32> to vector<1024x96xf32>
    %mul3A_999 = vector.broadcast %dot_general3A_22 : vector<1x96xf32> to vector<1024x96xf32>
    %mul3A_1000 = arith.mulf %mul3A_998, %mul3A_999 : vector<1024x96xf32>
    %add3A_1001 = arith.addf %mul3A_1000, %add3A_14 : vector<1024x96xf32>
    %dot_general3A_1002 = arith.constant dense<0.000000e+00> : vector<1024x96xf32>
    %dot_general3A_1003 = tpu.matmul %broadcast_in_dim3A_996, %get3A_25, %dot_general3A_1002 {dimension_numbers = #tpu.dot_dimension_numbers<[1], [0], [0], [1], [0, 0, 1, 1], [], []>, transpose_lhs_hint = false} : vector<1024x32xf32>, vector<32x96xf32>, vector<1024x96xf32> -> vector<1024x96xf32>
    %add3A_1004 = vector.broadcast %get3A_28 : vector<1x96xf32> to vector<1024x96xf32>
    %add3A_1005 = arith.addf %dot_general3A_1003, %add3A_1004 : vector<1024x96xf32>
    %slice3A_1006 = vector.extract_strided_slice %add3A_1001 {offsets = [0, 0], sizes = [1024, 32], strides = [1, 1]} : vector<1024x96xf32> to vector<1024x32xf32>
    %slice3A_1007 = vector.extract_strided_slice %add3A_1005 {offsets = [0, 0], sizes = [1024, 32], strides = [1, 1]} : vector<1024x96xf32> to vector<1024x32xf32>
    %add3A_1008 = arith.addf %slice3A_1006, %slice3A_1007 : vector<1024x32xf32>
    %logistic3A_1009 = arith.negf %add3A_1008 : vector<1024x32xf32>
    %logistic3A_1010 = math.exp %logistic3A_1009 : vector<1024x32xf32>
    %logistic3A_1011 = arith.constant 1.000000e+00 : f32
    %logistic3A_1012 = vector.broadcast %logistic3A_1011 : f32 to vector<1024x32xf32>
    %logistic3A_1013 = arith.addf %logistic3A_1012, %logistic3A_1010 : vector<1024x32xf32>
    %logistic3A_1014 = arith.divf %logistic3A_1012, %logistic3A_1013 : vector<1024x32xf32>
    %slice3A_1015 = vector.extract_strided_slice %add3A_1001 {offsets = [0, 32], sizes = [1024, 32], strides = [1, 1]} : vector<1024x96xf32> to vector<1024x32xf32>
    %slice3A_1016 = vector.extract_strided_slice %add3A_1005 {offsets = [0, 32], sizes = [1024, 32], strides = [1, 1]} : vector<1024x96xf32> to vector<1024x32xf32>
    %add3A_1017 = arith.addf %slice3A_1015, %slice3A_1016 : vector<1024x32xf32>
    %logistic3A_1018 = arith.negf %add3A_1017 : vector<1024x32xf32>
    %logistic3A_1019 = math.exp %logistic3A_1018 : vector<1024x32xf32>
    %logistic3A_1020 = arith.constant 1.000000e+00 : f32
    %logistic3A_1021 = vector.broadcast %logistic3A_1020 : f32 to vector<1024x32xf32>
    %logistic3A_1022 = arith.addf %logistic3A_1021, %logistic3A_1019 : vector<1024x32xf32>
    %logistic3A_1023 = arith.divf %logistic3A_1021, %logistic3A_1022 : vector<1024x32xf32>
    %slice3A_1024 = vector.extract_strided_slice %add3A_1001 {offsets = [0, 64], sizes = [1024, 32], strides = [1, 1]} : vector<1024x96xf32> to vector<1024x32xf32>
    %slice3A_1025 = vector.extract_strided_slice %add3A_1005 {offsets = [0, 64], sizes = [1024, 32], strides = [1, 1]} : vector<1024x96xf32> to vector<1024x32xf32>
    %mul3A_1026 = arith.mulf %logistic3A_1014, %slice3A_1025 : vector<1024x32xf32>
    %add3A_1027 = arith.addf %slice3A_1024, %mul3A_1026 : vector<1024x32xf32>
    %tanh3A_1028 = math.tanh %add3A_1027 : vector<1024x32xf32>
    %sub3A_1029 = arith.constant 1.000000e+00 : f32
    %sub3A_1030 = vector.broadcast %sub3A_1029 : f32 to vector<1024x32xf32>
    %sub3A_1031 = arith.subf %sub3A_1030, %logistic3A_1023 : vector<1024x32xf32>
    %mul3A_1032 = arith.mulf %sub3A_1031, %tanh3A_1028 : vector<1024x32xf32>
    %mul3A_1033 = arith.mulf %logistic3A_1023, %broadcast_in_dim3A_996 : vector<1024x32xf32>
    %add3A_1034 = arith.addf %mul3A_1032, %mul3A_1033 : vector<1024x32xf32>
    %slice3A_1035 = vector.extract_strided_slice %get3A_994 {offsets = [0, 1], sizes = [1024, 1], strides = [1, 1]} : vector<1024x12xf32> to vector<1024x1xf32>
    %mul3A_1036 = vector.broadcast %slice3A_1035 : vector<1024x1xf32> to vector<1024x96xf32>
    %mul3A_1037 = vector.broadcast %dot_general3A_22 : vector<1x96xf32> to vector<1024x96xf32>
    %mul3A_1038 = arith.mulf %mul3A_1036, %mul3A_1037 : vector<1024x96xf32>
    %add3A_1039 = arith.addf %mul3A_1038, %add3A_14 : vector<1024x96xf32>
    %dot_general3A_1040 = arith.constant dense<0.000000e+00> : vector<1024x96xf32>
    %dot_general3A_1041 = tpu.matmul %add3A_1034, %get3A_25, %dot_general3A_1040 {dimension_numbers = #tpu.dot_dimension_numbers<[1], [0], [0], [1], [0, 0, 1, 1], [], []>, transpose_lhs_hint = false} : vector<1024x32xf32>, vector<32x96xf32>, vector<1024x96xf32> -> vector<1024x96xf32>
    %add3A_1042 = vector.broadcast %get3A_28 : vector<1x96xf32> to vector<1024x96xf32>
    %add3A_1043 = arith.addf %dot_general3A_1041, %add3A_1042 : vector<1024x96xf32>
    %slice3A_1044 = vector.extract_strided_slice %add3A_1039 {offsets = [0, 0], sizes = [1024, 32], strides = [1, 1]} : vector<1024x96xf32> to vector<1024x32xf32>
    %slice3A_1045 = vector.extract_strided_slice %add3A_1043 {offsets = [0, 0], sizes = [1024, 32], strides = [1, 1]} : vector<1024x96xf32> to vector<1024x32xf32>
    %add3A_1046 = arith.addf %slice3A_1044, %slice3A_1045 : vector<1024x32xf32>
    %logistic3A_1047 = arith.negf %add3A_1046 : vector<1024x32xf32>
    %logistic3A_1048 = math.exp %logistic3A_1047 : vector<1024x32xf32>
    %logistic3A_1049 = arith.constant 1.000000e+00 : f32
    %logistic3A_1050 = vector.broadcast %logistic3A_1049 : f32 to vector<1024x32xf32>
    %logistic3A_1051 = arith.addf %logistic3A_1050, %logistic3A_1048 : vector<1024x32xf32>
    %logistic3A_1052 = arith.divf %logistic3A_1050, %logistic3A_1051 : vector<1024x32xf32>
    %slice3A_1053 = vector.extract_strided_slice %add3A_1039 {offsets = [0, 32], sizes = [1024, 32], strides = [1, 1]} : vector<1024x96xf32> to vector<1024x32xf32>
    %slice3A_1054 = vector.extract_strided_slice %add3A_1043 {offsets = [0, 32], sizes = [1024, 32], strides = [1, 1]} : vector<1024x96xf32> to vector<1024x32xf32>
    %add3A_1055 = arith.addf %slice3A_1053, %slice3A_1054 : vector<1024x32xf32>
    %logistic3A_1056 = arith.negf %add3A_1055 : vector<1024x32xf32>
    %logistic3A_1057 = math.exp %logistic3A_1056 : vector<1024x32xf32>
    %logistic3A_1058 = arith.constant 1.000000e+00 : f32
    %logistic3A_1059 = vector.broadcast %logistic3A_1058 : f32 to vector<1024x32xf32>
    %logistic3A_1060 = arith.addf %logistic3A_1059, %logistic3A_1057 : vector<1024x32xf32>
    %logistic3A_1061 = arith.divf %logistic3A_1059, %logistic3A_1060 : vector<1024x32xf32>
    %slice3A_1062 = vector.extract_strided_slice %add3A_1039 {offsets = [0, 64], sizes = [1024, 32], strides = [1, 1]} : vector<1024x96xf32> to vector<1024x32xf32>
    %slice3A_1063 = vector.extract_strided_slice %add3A_1043 {offsets = [0, 64], sizes = [1024, 32], strides = [1, 1]} : vector<1024x96xf32> to vector<1024x32xf32>
    %mul3A_1064 = arith.mulf %logistic3A_1052, %slice3A_1063 : vector<1024x32xf32>
    %add3A_1065 = arith.addf %slice3A_1062, %mul3A_1064 : vector<1024x32xf32>
    %tanh3A_1066 = math.tanh %add3A_1065 : vector<1024x32xf32>
    %sub3A_1067 = arith.constant 1.000000e+00 : f32
    %sub3A_1068 = vector.broadcast %sub3A_1067 : f32 to vector<1024x32xf32>
    %sub3A_1069 = arith.subf %sub3A_1068, %logistic3A_1061 : vector<1024x32xf32>
    %mul3A_1070 = arith.mulf %sub3A_1069, %tanh3A_1066 : vector<1024x32xf32>
    %mul3A_1071 = arith.mulf %logistic3A_1061, %add3A_1034 : vector<1024x32xf32>
    %add3A_1072 = arith.addf %mul3A_1070, %mul3A_1071 : vector<1024x32xf32>
    %slice3A_1073 = vector.extract_strided_slice %get3A_994 {offsets = [0, 2], sizes = [1024, 1], strides = [1, 1]} : vector<1024x12xf32> to vector<1024x1xf32>
    %mul3A_1074 = vector.broadcast %slice3A_1073 : vector<1024x1xf32> to vector<1024x96xf32>
    %mul3A_1075 = vector.broadcast %dot_general3A_22 : vector<1x96xf32> to vector<1024x96xf32>
    %mul3A_1076 = arith.mulf %mul3A_1074, %mul3A_1075 : vector<1024x96xf32>
    %add3A_1077 = arith.addf %mul3A_1076, %add3A_14 : vector<1024x96xf32>
    %dot_general3A_1078 = arith.constant dense<0.000000e+00> : vector<1024x96xf32>
    %dot_general3A_1079 = tpu.matmul %add3A_1072, %get3A_25, %dot_general3A_1078 {dimension_numbers = #tpu.dot_dimension_numbers<[1], [0], [0], [1], [0, 0, 1, 1], [], []>, transpose_lhs_hint = false} : vector<1024x32xf32>, vector<32x96xf32>, vector<1024x96xf32> -> vector<1024x96xf32>
    %add3A_1080 = vector.broadcast %get3A_28 : vector<1x96xf32> to vector<1024x96xf32>
    %add3A_1081 = arith.addf %dot_general3A_1079, %add3A_1080 : vector<1024x96xf32>
    %slice3A_1082 = vector.extract_strided_slice %add3A_1077 {offsets = [0, 0], sizes = [1024, 32], strides = [1, 1]} : vector<1024x96xf32> to vector<1024x32xf32>
    %slice3A_1083 = vector.extract_strided_slice %add3A_1081 {offsets = [0, 0], sizes = [1024, 32], strides = [1, 1]} : vector<1024x96xf32> to vector<1024x32xf32>
    %add3A_1084 = arith.addf %slice3A_1082, %slice3A_1083 : vector<1024x32xf32>
    %logistic3A_1085 = arith.negf %add3A_1084 : vector<1024x32xf32>
    %logistic3A_1086 = math.exp %logistic3A_1085 : vector<1024x32xf32>
    %logistic3A_1087 = arith.constant 1.000000e+00 : f32
    %logistic3A_1088 = vector.broadcast %logistic3A_1087 : f32 to vector<1024x32xf32>
    %logistic3A_1089 = arith.addf %logistic3A_1088, %logistic3A_1086 : vector<1024x32xf32>
    %logistic3A_1090 = arith.divf %logistic3A_1088, %logistic3A_1089 : vector<1024x32xf32>
    %slice3A_1091 = vector.extract_strided_slice %add3A_1077 {offsets = [0, 32], sizes = [1024, 32], strides = [1, 1]} : vector<1024x96xf32> to vector<1024x32xf32>
    %slice3A_1092 = vector.extract_strided_slice %add3A_1081 {offsets = [0, 32], sizes = [1024, 32], strides = [1, 1]} : vector<1024x96xf32> to vector<1024x32xf32>
    %add3A_1093 = arith.addf %slice3A_1091, %slice3A_1092 : vector<1024x32xf32>
    %logistic3A_1094 = arith.negf %add3A_1093 : vector<1024x32xf32>
    %logistic3A_1095 = math.exp %logistic3A_1094 : vector<1024x32xf32>
    %logistic3A_1096 = arith.constant 1.000000e+00 : f32
    %logistic3A_1097 = vector.broadcast %logistic3A_1096 : f32 to vector<1024x32xf32>
    %logistic3A_1098 = arith.addf %logistic3A_1097, %logistic3A_1095 : vector<1024x32xf32>
    %logistic3A_1099 = arith.divf %logistic3A_1097, %logistic3A_1098 : vector<1024x32xf32>
    %slice3A_1100 = vector.extract_strided_slice %add3A_1077 {offsets = [0, 64], sizes = [1024, 32], strides = [1, 1]} : vector<1024x96xf32> to vector<1024x32xf32>
    %slice3A_1101 = vector.extract_strided_slice %add3A_1081 {offsets = [0, 64], sizes = [1024, 32], strides = [1, 1]} : vector<1024x96xf32> to vector<1024x32xf32>
    %mul3A_1102 = arith.mulf %logistic3A_1090, %slice3A_1101 : vector<1024x32xf32>
    %add3A_1103 = arith.addf %slice3A_1100, %mul3A_1102 : vector<1024x32xf32>
    %tanh3A_1104 = math.tanh %add3A_1103 : vector<1024x32xf32>
    %sub3A_1105 = arith.constant 1.000000e+00 : f32
    %sub3A_1106 = vector.broadcast %sub3A_1105 : f32 to vector<1024x32xf32>
    %sub3A_1107 = arith.subf %sub3A_1106, %logistic3A_1099 : vector<1024x32xf32>
    %mul3A_1108 = arith.mulf %sub3A_1107, %tanh3A_1104 : vector<1024x32xf32>
    %mul3A_1109 = arith.mulf %logistic3A_1099, %add3A_1072 : vector<1024x32xf32>
    %add3A_1110 = arith.addf %mul3A_1108, %mul3A_1109 : vector<1024x32xf32>
    %slice3A_1111 = vector.extract_strided_slice %get3A_994 {offsets = [0, 3], sizes = [1024, 1], strides = [1, 1]} : vector<1024x12xf32> to vector<1024x1xf32>
    %mul3A_1112 = vector.broadcast %slice3A_1111 : vector<1024x1xf32> to vector<1024x96xf32>
    %mul3A_1113 = vector.broadcast %dot_general3A_22 : vector<1x96xf32> to vector<1024x96xf32>
    %mul3A_1114 = arith.mulf %mul3A_1112, %mul3A_1113 : vector<1024x96xf32>
    %add3A_1115 = arith.addf %mul3A_1114, %add3A_14 : vector<1024x96xf32>
    %dot_general3A_1116 = arith.constant dense<0.000000e+00> : vector<1024x96xf32>
    %dot_general3A_1117 = tpu.matmul %add3A_1110, %get3A_25, %dot_general3A_1116 {dimension_numbers = #tpu.dot_dimension_numbers<[1], [0], [0], [1], [0, 0, 1, 1], [], []>, transpose_lhs_hint = false} : vector<1024x32xf32>, vector<32x96xf32>, vector<1024x96xf32> -> vector<1024x96xf32>
    %add3A_1118 = vector.broadcast %get3A_28 : vector<1x96xf32> to vector<1024x96xf32>
    %add3A_1119 = arith.addf %dot_general3A_1117, %add3A_1118 : vector<1024x96xf32>
    %slice3A_1120 = vector.extract_strided_slice %add3A_1115 {offsets = [0, 0], sizes = [1024, 32], strides = [1, 1]} : vector<1024x96xf32> to vector<1024x32xf32>
    %slice3A_1121 = vector.extract_strided_slice %add3A_1119 {offsets = [0, 0], sizes = [1024, 32], strides = [1, 1]} : vector<1024x96xf32> to vector<1024x32xf32>
    %add3A_1122 = arith.addf %slice3A_1120, %slice3A_1121 : vector<1024x32xf32>
    %logistic3A_1123 = arith.negf %add3A_1122 : vector<1024x32xf32>
    %logistic3A_1124 = math.exp %logistic3A_1123 : vector<1024x32xf32>
    %logistic3A_1125 = arith.constant 1.000000e+00 : f32
    %logistic3A_1126 = vector.broadcast %logistic3A_1125 : f32 to vector<1024x32xf32>
    %logistic3A_1127 = arith.addf %logistic3A_1126, %logistic3A_1124 : vector<1024x32xf32>
    %logistic3A_1128 = arith.divf %logistic3A_1126, %logistic3A_1127 : vector<1024x32xf32>
    %slice3A_1129 = vector.extract_strided_slice %add3A_1115 {offsets = [0, 32], sizes = [1024, 32], strides = [1, 1]} : vector<1024x96xf32> to vector<1024x32xf32>
    %slice3A_1130 = vector.extract_strided_slice %add3A_1119 {offsets = [0, 32], sizes = [1024, 32], strides = [1, 1]} : vector<1024x96xf32> to vector<1024x32xf32>
    %add3A_1131 = arith.addf %slice3A_1129, %slice3A_1130 : vector<1024x32xf32>
    %logistic3A_1132 = arith.negf %add3A_1131 : vector<1024x32xf32>
    %logistic3A_1133 = math.exp %logistic3A_1132 : vector<1024x32xf32>
    %logistic3A_1134 = arith.constant 1.000000e+00 : f32
    %logistic3A_1135 = vector.broadcast %logistic3A_1134 : f32 to vector<1024x32xf32>
    %logistic3A_1136 = arith.addf %logistic3A_1135, %logistic3A_1133 : vector<1024x32xf32>
    %logistic3A_1137 = arith.divf %logistic3A_1135, %logistic3A_1136 : vector<1024x32xf32>
    %slice3A_1138 = vector.extract_strided_slice %add3A_1115 {offsets = [0, 64], sizes = [1024, 32], strides = [1, 1]} : vector<1024x96xf32> to vector<1024x32xf32>
    %slice3A_1139 = vector.extract_strided_slice %add3A_1119 {offsets = [0, 64], sizes = [1024, 32], strides = [1, 1]} : vector<1024x96xf32> to vector<1024x32xf32>
    %mul3A_1140 = arith.mulf %logistic3A_1128, %slice3A_1139 : vector<1024x32xf32>
    %add3A_1141 = arith.addf %slice3A_1138, %mul3A_1140 : vector<1024x32xf32>
    %tanh3A_1142 = math.tanh %add3A_1141 : vector<1024x32xf32>
    %sub3A_1143 = arith.constant 1.000000e+00 : f32
    %sub3A_1144 = vector.broadcast %sub3A_1143 : f32 to vector<1024x32xf32>
    %sub3A_1145 = arith.subf %sub3A_1144, %logistic3A_1137 : vector<1024x32xf32>
    %mul3A_1146 = arith.mulf %sub3A_1145, %tanh3A_1142 : vector<1024x32xf32>
    %mul3A_1147 = arith.mulf %logistic3A_1137, %add3A_1110 : vector<1024x32xf32>
    %add3A_1148 = arith.addf %mul3A_1146, %mul3A_1147 : vector<1024x32xf32>
    %slice3A_1149 = vector.extract_strided_slice %get3A_994 {offsets = [0, 4], sizes = [1024, 1], strides = [1, 1]} : vector<1024x12xf32> to vector<1024x1xf32>
    %mul3A_1150 = vector.broadcast %slice3A_1149 : vector<1024x1xf32> to vector<1024x96xf32>
    %mul3A_1151 = vector.broadcast %dot_general3A_22 : vector<1x96xf32> to vector<1024x96xf32>
    %mul3A_1152 = arith.mulf %mul3A_1150, %mul3A_1151 : vector<1024x96xf32>
    %add3A_1153 = arith.addf %mul3A_1152, %add3A_14 : vector<1024x96xf32>
    %dot_general3A_1154 = arith.constant dense<0.000000e+00> : vector<1024x96xf32>
    %dot_general3A_1155 = tpu.matmul %add3A_1148, %get3A_25, %dot_general3A_1154 {dimension_numbers = #tpu.dot_dimension_numbers<[1], [0], [0], [1], [0, 0, 1, 1], [], []>, transpose_lhs_hint = false} : vector<1024x32xf32>, vector<32x96xf32>, vector<1024x96xf32> -> vector<1024x96xf32>
    %add3A_1156 = vector.broadcast %get3A_28 : vector<1x96xf32> to vector<1024x96xf32>
    %add3A_1157 = arith.addf %dot_general3A_1155, %add3A_1156 : vector<1024x96xf32>
    %slice3A_1158 = vector.extract_strided_slice %add3A_1153 {offsets = [0, 0], sizes = [1024, 32], strides = [1, 1]} : vector<1024x96xf32> to vector<1024x32xf32>
    %slice3A_1159 = vector.extract_strided_slice %add3A_1157 {offsets = [0, 0], sizes = [1024, 32], strides = [1, 1]} : vector<1024x96xf32> to vector<1024x32xf32>
    %add3A_1160 = arith.addf %slice3A_1158, %slice3A_1159 : vector<1024x32xf32>
    %logistic3A_1161 = arith.negf %add3A_1160 : vector<1024x32xf32>
    %logistic3A_1162 = math.exp %logistic3A_1161 : vector<1024x32xf32>
    %logistic3A_1163 = arith.constant 1.000000e+00 : f32
    %logistic3A_1164 = vector.broadcast %logistic3A_1163 : f32 to vector<1024x32xf32>
    %logistic3A_1165 = arith.addf %logistic3A_1164, %logistic3A_1162 : vector<1024x32xf32>
    %logistic3A_1166 = arith.divf %logistic3A_1164, %logistic3A_1165 : vector<1024x32xf32>
    %slice3A_1167 = vector.extract_strided_slice %add3A_1153 {offsets = [0, 32], sizes = [1024, 32], strides = [1, 1]} : vector<1024x96xf32> to vector<1024x32xf32>
    %slice3A_1168 = vector.extract_strided_slice %add3A_1157 {offsets = [0, 32], sizes = [1024, 32], strides = [1, 1]} : vector<1024x96xf32> to vector<1024x32xf32>
    %add3A_1169 = arith.addf %slice3A_1167, %slice3A_1168 : vector<1024x32xf32>
    %logistic3A_1170 = arith.negf %add3A_1169 : vector<1024x32xf32>
    %logistic3A_1171 = math.exp %logistic3A_1170 : vector<1024x32xf32>
    %logistic3A_1172 = arith.constant 1.000000e+00 : f32
    %logistic3A_1173 = vector.broadcast %logistic3A_1172 : f32 to vector<1024x32xf32>
    %logistic3A_1174 = arith.addf %logistic3A_1173, %logistic3A_1171 : vector<1024x32xf32>
    %logistic3A_1175 = arith.divf %logistic3A_1173, %logistic3A_1174 : vector<1024x32xf32>
    %slice3A_1176 = vector.extract_strided_slice %add3A_1153 {offsets = [0, 64], sizes = [1024, 32], strides = [1, 1]} : vector<1024x96xf32> to vector<1024x32xf32>
    %slice3A_1177 = vector.extract_strided_slice %add3A_1157 {offsets = [0, 64], sizes = [1024, 32], strides = [1, 1]} : vector<1024x96xf32> to vector<1024x32xf32>
    %mul3A_1178 = arith.mulf %logistic3A_1166, %slice3A_1177 : vector<1024x32xf32>
    %add3A_1179 = arith.addf %slice3A_1176, %mul3A_1178 : vector<1024x32xf32>
    %tanh3A_1180 = math.tanh %add3A_1179 : vector<1024x32xf32>
    %sub3A_1181 = arith.constant 1.000000e+00 : f32
    %sub3A_1182 = vector.broadcast %sub3A_1181 : f32 to vector<1024x32xf32>
    %sub3A_1183 = arith.subf %sub3A_1182, %logistic3A_1175 : vector<1024x32xf32>
    %mul3A_1184 = arith.mulf %sub3A_1183, %tanh3A_1180 : vector<1024x32xf32>
    %mul3A_1185 = arith.mulf %logistic3A_1175, %add3A_1148 : vector<1024x32xf32>
    %add3A_1186 = arith.addf %mul3A_1184, %mul3A_1185 : vector<1024x32xf32>
    %slice3A_1187 = vector.extract_strided_slice %get3A_994 {offsets = [0, 5], sizes = [1024, 1], strides = [1, 1]} : vector<1024x12xf32> to vector<1024x1xf32>
    %mul3A_1188 = vector.broadcast %slice3A_1187 : vector<1024x1xf32> to vector<1024x96xf32>
    %mul3A_1189 = vector.broadcast %dot_general3A_22 : vector<1x96xf32> to vector<1024x96xf32>
    %mul3A_1190 = arith.mulf %mul3A_1188, %mul3A_1189 : vector<1024x96xf32>
    %add3A_1191 = arith.addf %mul3A_1190, %add3A_14 : vector<1024x96xf32>
    %dot_general3A_1192 = arith.constant dense<0.000000e+00> : vector<1024x96xf32>
    %dot_general3A_1193 = tpu.matmul %add3A_1186, %get3A_25, %dot_general3A_1192 {dimension_numbers = #tpu.dot_dimension_numbers<[1], [0], [0], [1], [0, 0, 1, 1], [], []>, transpose_lhs_hint = false} : vector<1024x32xf32>, vector<32x96xf32>, vector<1024x96xf32> -> vector<1024x96xf32>
    %add3A_1194 = vector.broadcast %get3A_28 : vector<1x96xf32> to vector<1024x96xf32>
    %add3A_1195 = arith.addf %dot_general3A_1193, %add3A_1194 : vector<1024x96xf32>
    %slice3A_1196 = vector.extract_strided_slice %add3A_1191 {offsets = [0, 0], sizes = [1024, 32], strides = [1, 1]} : vector<1024x96xf32> to vector<1024x32xf32>
    %slice3A_1197 = vector.extract_strided_slice %add3A_1195 {offsets = [0, 0], sizes = [1024, 32], strides = [1, 1]} : vector<1024x96xf32> to vector<1024x32xf32>
    %add3A_1198 = arith.addf %slice3A_1196, %slice3A_1197 : vector<1024x32xf32>
    %logistic3A_1199 = arith.negf %add3A_1198 : vector<1024x32xf32>
    %logistic3A_1200 = math.exp %logistic3A_1199 : vector<1024x32xf32>
    %logistic3A_1201 = arith.constant 1.000000e+00 : f32
    %logistic3A_1202 = vector.broadcast %logistic3A_1201 : f32 to vector<1024x32xf32>
    %logistic3A_1203 = arith.addf %logistic3A_1202, %logistic3A_1200 : vector<1024x32xf32>
    %logistic3A_1204 = arith.divf %logistic3A_1202, %logistic3A_1203 : vector<1024x32xf32>
    %slice3A_1205 = vector.extract_strided_slice %add3A_1191 {offsets = [0, 32], sizes = [1024, 32], strides = [1, 1]} : vector<1024x96xf32> to vector<1024x32xf32>
    %slice3A_1206 = vector.extract_strided_slice %add3A_1195 {offsets = [0, 32], sizes = [1024, 32], strides = [1, 1]} : vector<1024x96xf32> to vector<1024x32xf32>
    %add3A_1207 = arith.addf %slice3A_1205, %slice3A_1206 : vector<1024x32xf32>
    %logistic3A_1208 = arith.negf %add3A_1207 : vector<1024x32xf32>
    %logistic3A_1209 = math.exp %logistic3A_1208 : vector<1024x32xf32>
    %logistic3A_1210 = arith.constant 1.000000e+00 : f32
    %logistic3A_1211 = vector.broadcast %logistic3A_1210 : f32 to vector<1024x32xf32>
    %logistic3A_1212 = arith.addf %logistic3A_1211, %logistic3A_1209 : vector<1024x32xf32>
    %logistic3A_1213 = arith.divf %logistic3A_1211, %logistic3A_1212 : vector<1024x32xf32>
    %slice3A_1214 = vector.extract_strided_slice %add3A_1191 {offsets = [0, 64], sizes = [1024, 32], strides = [1, 1]} : vector<1024x96xf32> to vector<1024x32xf32>
    %slice3A_1215 = vector.extract_strided_slice %add3A_1195 {offsets = [0, 64], sizes = [1024, 32], strides = [1, 1]} : vector<1024x96xf32> to vector<1024x32xf32>
    %mul3A_1216 = arith.mulf %logistic3A_1204, %slice3A_1215 : vector<1024x32xf32>
    %add3A_1217 = arith.addf %slice3A_1214, %mul3A_1216 : vector<1024x32xf32>
    %tanh3A_1218 = math.tanh %add3A_1217 : vector<1024x32xf32>
    %sub3A_1219 = arith.constant 1.000000e+00 : f32
    %sub3A_1220 = vector.broadcast %sub3A_1219 : f32 to vector<1024x32xf32>
    %sub3A_1221 = arith.subf %sub3A_1220, %logistic3A_1213 : vector<1024x32xf32>
    %mul3A_1222 = arith.mulf %sub3A_1221, %tanh3A_1218 : vector<1024x32xf32>
    %mul3A_1223 = arith.mulf %logistic3A_1213, %add3A_1186 : vector<1024x32xf32>
    %add3A_1224 = arith.addf %mul3A_1222, %mul3A_1223 : vector<1024x32xf32>
    %slice3A_1225 = vector.extract_strided_slice %get3A_994 {offsets = [0, 6], sizes = [1024, 1], strides = [1, 1]} : vector<1024x12xf32> to vector<1024x1xf32>
    %mul3A_1226 = vector.broadcast %slice3A_1225 : vector<1024x1xf32> to vector<1024x96xf32>
    %mul3A_1227 = vector.broadcast %dot_general3A_22 : vector<1x96xf32> to vector<1024x96xf32>
    %mul3A_1228 = arith.mulf %mul3A_1226, %mul3A_1227 : vector<1024x96xf32>
    %add3A_1229 = arith.addf %mul3A_1228, %add3A_14 : vector<1024x96xf32>
    %dot_general3A_1230 = arith.constant dense<0.000000e+00> : vector<1024x96xf32>
    %dot_general3A_1231 = tpu.matmul %add3A_1224, %get3A_25, %dot_general3A_1230 {dimension_numbers = #tpu.dot_dimension_numbers<[1], [0], [0], [1], [0, 0, 1, 1], [], []>, transpose_lhs_hint = false} : vector<1024x32xf32>, vector<32x96xf32>, vector<1024x96xf32> -> vector<1024x96xf32>
    %add3A_1232 = vector.broadcast %get3A_28 : vector<1x96xf32> to vector<1024x96xf32>
    %add3A_1233 = arith.addf %dot_general3A_1231, %add3A_1232 : vector<1024x96xf32>
    %slice3A_1234 = vector.extract_strided_slice %add3A_1229 {offsets = [0, 0], sizes = [1024, 32], strides = [1, 1]} : vector<1024x96xf32> to vector<1024x32xf32>
    %slice3A_1235 = vector.extract_strided_slice %add3A_1233 {offsets = [0, 0], sizes = [1024, 32], strides = [1, 1]} : vector<1024x96xf32> to vector<1024x32xf32>
    %add3A_1236 = arith.addf %slice3A_1234, %slice3A_1235 : vector<1024x32xf32>
    %logistic3A_1237 = arith.negf %add3A_1236 : vector<1024x32xf32>
    %logistic3A_1238 = math.exp %logistic3A_1237 : vector<1024x32xf32>
    %logistic3A_1239 = arith.constant 1.000000e+00 : f32
    %logistic3A_1240 = vector.broadcast %logistic3A_1239 : f32 to vector<1024x32xf32>
    %logistic3A_1241 = arith.addf %logistic3A_1240, %logistic3A_1238 : vector<1024x32xf32>
    %logistic3A_1242 = arith.divf %logistic3A_1240, %logistic3A_1241 : vector<1024x32xf32>
    %slice3A_1243 = vector.extract_strided_slice %add3A_1229 {offsets = [0, 32], sizes = [1024, 32], strides = [1, 1]} : vector<1024x96xf32> to vector<1024x32xf32>
    %slice3A_1244 = vector.extract_strided_slice %add3A_1233 {offsets = [0, 32], sizes = [1024, 32], strides = [1, 1]} : vector<1024x96xf32> to vector<1024x32xf32>
    %add3A_1245 = arith.addf %slice3A_1243, %slice3A_1244 : vector<1024x32xf32>
    %logistic3A_1246 = arith.negf %add3A_1245 : vector<1024x32xf32>
    %logistic3A_1247 = math.exp %logistic3A_1246 : vector<1024x32xf32>
    %logistic3A_1248 = arith.constant 1.000000e+00 : f32
    %logistic3A_1249 = vector.broadcast %logistic3A_1248 : f32 to vector<1024x32xf32>
    %logistic3A_1250 = arith.addf %logistic3A_1249, %logistic3A_1247 : vector<1024x32xf32>
    %logistic3A_1251 = arith.divf %logistic3A_1249, %logistic3A_1250 : vector<1024x32xf32>
    %slice3A_1252 = vector.extract_strided_slice %add3A_1229 {offsets = [0, 64], sizes = [1024, 32], strides = [1, 1]} : vector<1024x96xf32> to vector<1024x32xf32>
    %slice3A_1253 = vector.extract_strided_slice %add3A_1233 {offsets = [0, 64], sizes = [1024, 32], strides = [1, 1]} : vector<1024x96xf32> to vector<1024x32xf32>
    %mul3A_1254 = arith.mulf %logistic3A_1242, %slice3A_1253 : vector<1024x32xf32>
    %add3A_1255 = arith.addf %slice3A_1252, %mul3A_1254 : vector<1024x32xf32>
    %tanh3A_1256 = math.tanh %add3A_1255 : vector<1024x32xf32>
    %sub3A_1257 = arith.constant 1.000000e+00 : f32
    %sub3A_1258 = vector.broadcast %sub3A_1257 : f32 to vector<1024x32xf32>
    %sub3A_1259 = arith.subf %sub3A_1258, %logistic3A_1251 : vector<1024x32xf32>
    %mul3A_1260 = arith.mulf %sub3A_1259, %tanh3A_1256 : vector<1024x32xf32>
    %mul3A_1261 = arith.mulf %logistic3A_1251, %add3A_1224 : vector<1024x32xf32>
    %add3A_1262 = arith.addf %mul3A_1260, %mul3A_1261 : vector<1024x32xf32>
    %slice3A_1263 = vector.extract_strided_slice %get3A_994 {offsets = [0, 7], sizes = [1024, 1], strides = [1, 1]} : vector<1024x12xf32> to vector<1024x1xf32>
    %mul3A_1264 = vector.broadcast %slice3A_1263 : vector<1024x1xf32> to vector<1024x96xf32>
    %mul3A_1265 = vector.broadcast %dot_general3A_22 : vector<1x96xf32> to vector<1024x96xf32>
    %mul3A_1266 = arith.mulf %mul3A_1264, %mul3A_1265 : vector<1024x96xf32>
    %add3A_1267 = arith.addf %mul3A_1266, %add3A_14 : vector<1024x96xf32>
    %dot_general3A_1268 = arith.constant dense<0.000000e+00> : vector<1024x96xf32>
    %dot_general3A_1269 = tpu.matmul %add3A_1262, %get3A_25, %dot_general3A_1268 {dimension_numbers = #tpu.dot_dimension_numbers<[1], [0], [0], [1], [0, 0, 1, 1], [], []>, transpose_lhs_hint = false} : vector<1024x32xf32>, vector<32x96xf32>, vector<1024x96xf32> -> vector<1024x96xf32>
    %add3A_1270 = vector.broadcast %get3A_28 : vector<1x96xf32> to vector<1024x96xf32>
    %add3A_1271 = arith.addf %dot_general3A_1269, %add3A_1270 : vector<1024x96xf32>
    %slice3A_1272 = vector.extract_strided_slice %add3A_1267 {offsets = [0, 0], sizes = [1024, 32], strides = [1, 1]} : vector<1024x96xf32> to vector<1024x32xf32>
    %slice3A_1273 = vector.extract_strided_slice %add3A_1271 {offsets = [0, 0], sizes = [1024, 32], strides = [1, 1]} : vector<1024x96xf32> to vector<1024x32xf32>
    %add3A_1274 = arith.addf %slice3A_1272, %slice3A_1273 : vector<1024x32xf32>
    %logistic3A_1275 = arith.negf %add3A_1274 : vector<1024x32xf32>
    %logistic3A_1276 = math.exp %logistic3A_1275 : vector<1024x32xf32>
    %logistic3A_1277 = arith.constant 1.000000e+00 : f32
    %logistic3A_1278 = vector.broadcast %logistic3A_1277 : f32 to vector<1024x32xf32>
    %logistic3A_1279 = arith.addf %logistic3A_1278, %logistic3A_1276 : vector<1024x32xf32>
    %logistic3A_1280 = arith.divf %logistic3A_1278, %logistic3A_1279 : vector<1024x32xf32>
    %slice3A_1281 = vector.extract_strided_slice %add3A_1267 {offsets = [0, 32], sizes = [1024, 32], strides = [1, 1]} : vector<1024x96xf32> to vector<1024x32xf32>
    %slice3A_1282 = vector.extract_strided_slice %add3A_1271 {offsets = [0, 32], sizes = [1024, 32], strides = [1, 1]} : vector<1024x96xf32> to vector<1024x32xf32>
    %add3A_1283 = arith.addf %slice3A_1281, %slice3A_1282 : vector<1024x32xf32>
    %logistic3A_1284 = arith.negf %add3A_1283 : vector<1024x32xf32>
    %logistic3A_1285 = math.exp %logistic3A_1284 : vector<1024x32xf32>
    %logistic3A_1286 = arith.constant 1.000000e+00 : f32
    %logistic3A_1287 = vector.broadcast %logistic3A_1286 : f32 to vector<1024x32xf32>
    %logistic3A_1288 = arith.addf %logistic3A_1287, %logistic3A_1285 : vector<1024x32xf32>
    %logistic3A_1289 = arith.divf %logistic3A_1287, %logistic3A_1288 : vector<1024x32xf32>
    %slice3A_1290 = vector.extract_strided_slice %add3A_1267 {offsets = [0, 64], sizes = [1024, 32], strides = [1, 1]} : vector<1024x96xf32> to vector<1024x32xf32>
    %slice3A_1291 = vector.extract_strided_slice %add3A_1271 {offsets = [0, 64], sizes = [1024, 32], strides = [1, 1]} : vector<1024x96xf32> to vector<1024x32xf32>
    %mul3A_1292 = arith.mulf %logistic3A_1280, %slice3A_1291 : vector<1024x32xf32>
    %add3A_1293 = arith.addf %slice3A_1290, %mul3A_1292 : vector<1024x32xf32>
    %tanh3A_1294 = math.tanh %add3A_1293 : vector<1024x32xf32>
    %sub3A_1295 = arith.constant 1.000000e+00 : f32
    %sub3A_1296 = vector.broadcast %sub3A_1295 : f32 to vector<1024x32xf32>
    %sub3A_1297 = arith.subf %sub3A_1296, %logistic3A_1289 : vector<1024x32xf32>
    %mul3A_1298 = arith.mulf %sub3A_1297, %tanh3A_1294 : vector<1024x32xf32>
    %mul3A_1299 = arith.mulf %logistic3A_1289, %add3A_1262 : vector<1024x32xf32>
    %add3A_1300 = arith.addf %mul3A_1298, %mul3A_1299 : vector<1024x32xf32>
    %slice3A_1301 = vector.extract_strided_slice %get3A_994 {offsets = [0, 8], sizes = [1024, 1], strides = [1, 1]} : vector<1024x12xf32> to vector<1024x1xf32>
    %mul3A_1302 = vector.broadcast %slice3A_1301 : vector<1024x1xf32> to vector<1024x96xf32>
    %mul3A_1303 = vector.broadcast %dot_general3A_22 : vector<1x96xf32> to vector<1024x96xf32>
    %mul3A_1304 = arith.mulf %mul3A_1302, %mul3A_1303 : vector<1024x96xf32>
    %add3A_1305 = arith.addf %mul3A_1304, %add3A_14 : vector<1024x96xf32>
    %dot_general3A_1306 = arith.constant dense<0.000000e+00> : vector<1024x96xf32>
    %dot_general3A_1307 = tpu.matmul %add3A_1300, %get3A_25, %dot_general3A_1306 {dimension_numbers = #tpu.dot_dimension_numbers<[1], [0], [0], [1], [0, 0, 1, 1], [], []>, transpose_lhs_hint = false} : vector<1024x32xf32>, vector<32x96xf32>, vector<1024x96xf32> -> vector<1024x96xf32>
    %add3A_1308 = vector.broadcast %get3A_28 : vector<1x96xf32> to vector<1024x96xf32>
    %add3A_1309 = arith.addf %dot_general3A_1307, %add3A_1308 : vector<1024x96xf32>
    %slice3A_1310 = vector.extract_strided_slice %add3A_1305 {offsets = [0, 0], sizes = [1024, 32], strides = [1, 1]} : vector<1024x96xf32> to vector<1024x32xf32>
    %slice3A_1311 = vector.extract_strided_slice %add3A_1309 {offsets = [0, 0], sizes = [1024, 32], strides = [1, 1]} : vector<1024x96xf32> to vector<1024x32xf32>
    %add3A_1312 = arith.addf %slice3A_1310, %slice3A_1311 : vector<1024x32xf32>
    %logistic3A_1313 = arith.negf %add3A_1312 : vector<1024x32xf32>
    %logistic3A_1314 = math.exp %logistic3A_1313 : vector<1024x32xf32>
    %logistic3A_1315 = arith.constant 1.000000e+00 : f32
    %logistic3A_1316 = vector.broadcast %logistic3A_1315 : f32 to vector<1024x32xf32>
    %logistic3A_1317 = arith.addf %logistic3A_1316, %logistic3A_1314 : vector<1024x32xf32>
    %logistic3A_1318 = arith.divf %logistic3A_1316, %logistic3A_1317 : vector<1024x32xf32>
    %slice3A_1319 = vector.extract_strided_slice %add3A_1305 {offsets = [0, 32], sizes = [1024, 32], strides = [1, 1]} : vector<1024x96xf32> to vector<1024x32xf32>
    %slice3A_1320 = vector.extract_strided_slice %add3A_1309 {offsets = [0, 32], sizes = [1024, 32], strides = [1, 1]} : vector<1024x96xf32> to vector<1024x32xf32>
    %add3A_1321 = arith.addf %slice3A_1319, %slice3A_1320 : vector<1024x32xf32>
    %logistic3A_1322 = arith.negf %add3A_1321 : vector<1024x32xf32>
    %logistic3A_1323 = math.exp %logistic3A_1322 : vector<1024x32xf32>
    %logistic3A_1324 = arith.constant 1.000000e+00 : f32
    %logistic3A_1325 = vector.broadcast %logistic3A_1324 : f32 to vector<1024x32xf32>
    %logistic3A_1326 = arith.addf %logistic3A_1325, %logistic3A_1323 : vector<1024x32xf32>
    %logistic3A_1327 = arith.divf %logistic3A_1325, %logistic3A_1326 : vector<1024x32xf32>
    %slice3A_1328 = vector.extract_strided_slice %add3A_1305 {offsets = [0, 64], sizes = [1024, 32], strides = [1, 1]} : vector<1024x96xf32> to vector<1024x32xf32>
    %slice3A_1329 = vector.extract_strided_slice %add3A_1309 {offsets = [0, 64], sizes = [1024, 32], strides = [1, 1]} : vector<1024x96xf32> to vector<1024x32xf32>
    %mul3A_1330 = arith.mulf %logistic3A_1318, %slice3A_1329 : vector<1024x32xf32>
    %add3A_1331 = arith.addf %slice3A_1328, %mul3A_1330 : vector<1024x32xf32>
    %tanh3A_1332 = math.tanh %add3A_1331 : vector<1024x32xf32>
    %sub3A_1333 = arith.constant 1.000000e+00 : f32
    %sub3A_1334 = vector.broadcast %sub3A_1333 : f32 to vector<1024x32xf32>
    %sub3A_1335 = arith.subf %sub3A_1334, %logistic3A_1327 : vector<1024x32xf32>
    %mul3A_1336 = arith.mulf %sub3A_1335, %tanh3A_1332 : vector<1024x32xf32>
    %mul3A_1337 = arith.mulf %logistic3A_1327, %add3A_1300 : vector<1024x32xf32>
    %add3A_1338 = arith.addf %mul3A_1336, %mul3A_1337 : vector<1024x32xf32>
    %slice3A_1339 = vector.extract_strided_slice %get3A_994 {offsets = [0, 9], sizes = [1024, 1], strides = [1, 1]} : vector<1024x12xf32> to vector<1024x1xf32>
    %mul3A_1340 = vector.broadcast %slice3A_1339 : vector<1024x1xf32> to vector<1024x96xf32>
    %mul3A_1341 = vector.broadcast %dot_general3A_22 : vector<1x96xf32> to vector<1024x96xf32>
    %mul3A_1342 = arith.mulf %mul3A_1340, %mul3A_1341 : vector<1024x96xf32>
    %add3A_1343 = arith.addf %mul3A_1342, %add3A_14 : vector<1024x96xf32>
    %dot_general3A_1344 = arith.constant dense<0.000000e+00> : vector<1024x96xf32>
    %dot_general3A_1345 = tpu.matmul %add3A_1338, %get3A_25, %dot_general3A_1344 {dimension_numbers = #tpu.dot_dimension_numbers<[1], [0], [0], [1], [0, 0, 1, 1], [], []>, transpose_lhs_hint = false} : vector<1024x32xf32>, vector<32x96xf32>, vector<1024x96xf32> -> vector<1024x96xf32>
    %add3A_1346 = vector.broadcast %get3A_28 : vector<1x96xf32> to vector<1024x96xf32>
    %add3A_1347 = arith.addf %dot_general3A_1345, %add3A_1346 : vector<1024x96xf32>
    %slice3A_1348 = vector.extract_strided_slice %add3A_1343 {offsets = [0, 0], sizes = [1024, 32], strides = [1, 1]} : vector<1024x96xf32> to vector<1024x32xf32>
    %slice3A_1349 = vector.extract_strided_slice %add3A_1347 {offsets = [0, 0], sizes = [1024, 32], strides = [1, 1]} : vector<1024x96xf32> to vector<1024x32xf32>
    %add3A_1350 = arith.addf %slice3A_1348, %slice3A_1349 : vector<1024x32xf32>
    %logistic3A_1351 = arith.negf %add3A_1350 : vector<1024x32xf32>
    %logistic3A_1352 = math.exp %logistic3A_1351 : vector<1024x32xf32>
    %logistic3A_1353 = arith.constant 1.000000e+00 : f32
    %logistic3A_1354 = vector.broadcast %logistic3A_1353 : f32 to vector<1024x32xf32>
    %logistic3A_1355 = arith.addf %logistic3A_1354, %logistic3A_1352 : vector<1024x32xf32>
    %logistic3A_1356 = arith.divf %logistic3A_1354, %logistic3A_1355 : vector<1024x32xf32>
    %slice3A_1357 = vector.extract_strided_slice %add3A_1343 {offsets = [0, 32], sizes = [1024, 32], strides = [1, 1]} : vector<1024x96xf32> to vector<1024x32xf32>
    %slice3A_1358 = vector.extract_strided_slice %add3A_1347 {offsets = [0, 32], sizes = [1024, 32], strides = [1, 1]} : vector<1024x96xf32> to vector<1024x32xf32>
    %add3A_1359 = arith.addf %slice3A_1357, %slice3A_1358 : vector<1024x32xf32>
    %logistic3A_1360 = arith.negf %add3A_1359 : vector<1024x32xf32>
    %logistic3A_1361 = math.exp %logistic3A_1360 : vector<1024x32xf32>
    %logistic3A_1362 = arith.constant 1.000000e+00 : f32
    %logistic3A_1363 = vector.broadcast %logistic3A_1362 : f32 to vector<1024x32xf32>
    %logistic3A_1364 = arith.addf %logistic3A_1363, %logistic3A_1361 : vector<1024x32xf32>
    %logistic3A_1365 = arith.divf %logistic3A_1363, %logistic3A_1364 : vector<1024x32xf32>
    %slice3A_1366 = vector.extract_strided_slice %add3A_1343 {offsets = [0, 64], sizes = [1024, 32], strides = [1, 1]} : vector<1024x96xf32> to vector<1024x32xf32>
    %slice3A_1367 = vector.extract_strided_slice %add3A_1347 {offsets = [0, 64], sizes = [1024, 32], strides = [1, 1]} : vector<1024x96xf32> to vector<1024x32xf32>
    %mul3A_1368 = arith.mulf %logistic3A_1356, %slice3A_1367 : vector<1024x32xf32>
    %add3A_1369 = arith.addf %slice3A_1366, %mul3A_1368 : vector<1024x32xf32>
    %tanh3A_1370 = math.tanh %add3A_1369 : vector<1024x32xf32>
    %sub3A_1371 = arith.constant 1.000000e+00 : f32
    %sub3A_1372 = vector.broadcast %sub3A_1371 : f32 to vector<1024x32xf32>
    %sub3A_1373 = arith.subf %sub3A_1372, %logistic3A_1365 : vector<1024x32xf32>
    %mul3A_1374 = arith.mulf %sub3A_1373, %tanh3A_1370 : vector<1024x32xf32>
    %mul3A_1375 = arith.mulf %logistic3A_1365, %add3A_1338 : vector<1024x32xf32>
    %add3A_1376 = arith.addf %mul3A_1374, %mul3A_1375 : vector<1024x32xf32>
    %slice3A_1377 = vector.extract_strided_slice %get3A_994 {offsets = [0, 10], sizes = [1024, 1], strides = [1, 1]} : vector<1024x12xf32> to vector<1024x1xf32>
    %mul3A_1378 = vector.broadcast %slice3A_1377 : vector<1024x1xf32> to vector<1024x96xf32>
    %mul3A_1379 = vector.broadcast %dot_general3A_22 : vector<1x96xf32> to vector<1024x96xf32>
    %mul3A_1380 = arith.mulf %mul3A_1378, %mul3A_1379 : vector<1024x96xf32>
    %add3A_1381 = arith.addf %mul3A_1380, %add3A_14 : vector<1024x96xf32>
    %dot_general3A_1382 = arith.constant dense<0.000000e+00> : vector<1024x96xf32>
    %dot_general3A_1383 = tpu.matmul %add3A_1376, %get3A_25, %dot_general3A_1382 {dimension_numbers = #tpu.dot_dimension_numbers<[1], [0], [0], [1], [0, 0, 1, 1], [], []>, transpose_lhs_hint = false} : vector<1024x32xf32>, vector<32x96xf32>, vector<1024x96xf32> -> vector<1024x96xf32>
    %add3A_1384 = vector.broadcast %get3A_28 : vector<1x96xf32> to vector<1024x96xf32>
    %add3A_1385 = arith.addf %dot_general3A_1383, %add3A_1384 : vector<1024x96xf32>
    %slice3A_1386 = vector.extract_strided_slice %add3A_1381 {offsets = [0, 0], sizes = [1024, 32], strides = [1, 1]} : vector<1024x96xf32> to vector<1024x32xf32>
    %slice3A_1387 = vector.extract_strided_slice %add3A_1385 {offsets = [0, 0], sizes = [1024, 32], strides = [1, 1]} : vector<1024x96xf32> to vector<1024x32xf32>
    %add3A_1388 = arith.addf %slice3A_1386, %slice3A_1387 : vector<1024x32xf32>
    %logistic3A_1389 = arith.negf %add3A_1388 : vector<1024x32xf32>
    %logistic3A_1390 = math.exp %logistic3A_1389 : vector<1024x32xf32>
    %logistic3A_1391 = arith.constant 1.000000e+00 : f32
    %logistic3A_1392 = vector.broadcast %logistic3A_1391 : f32 to vector<1024x32xf32>
    %logistic3A_1393 = arith.addf %logistic3A_1392, %logistic3A_1390 : vector<1024x32xf32>
    %logistic3A_1394 = arith.divf %logistic3A_1392, %logistic3A_1393 : vector<1024x32xf32>
    %slice3A_1395 = vector.extract_strided_slice %add3A_1381 {offsets = [0, 32], sizes = [1024, 32], strides = [1, 1]} : vector<1024x96xf32> to vector<1024x32xf32>
    %slice3A_1396 = vector.extract_strided_slice %add3A_1385 {offsets = [0, 32], sizes = [1024, 32], strides = [1, 1]} : vector<1024x96xf32> to vector<1024x32xf32>
    %add3A_1397 = arith.addf %slice3A_1395, %slice3A_1396 : vector<1024x32xf32>
    %logistic3A_1398 = arith.negf %add3A_1397 : vector<1024x32xf32>
    %logistic3A_1399 = math.exp %logistic3A_1398 : vector<1024x32xf32>
    %logistic3A_1400 = arith.constant 1.000000e+00 : f32
    %logistic3A_1401 = vector.broadcast %logistic3A_1400 : f32 to vector<1024x32xf32>
    %logistic3A_1402 = arith.addf %logistic3A_1401, %logistic3A_1399 : vector<1024x32xf32>
    %logistic3A_1403 = arith.divf %logistic3A_1401, %logistic3A_1402 : vector<1024x32xf32>
    %slice3A_1404 = vector.extract_strided_slice %add3A_1381 {offsets = [0, 64], sizes = [1024, 32], strides = [1, 1]} : vector<1024x96xf32> to vector<1024x32xf32>
    %slice3A_1405 = vector.extract_strided_slice %add3A_1385 {offsets = [0, 64], sizes = [1024, 32], strides = [1, 1]} : vector<1024x96xf32> to vector<1024x32xf32>
    %mul3A_1406 = arith.mulf %logistic3A_1394, %slice3A_1405 : vector<1024x32xf32>
    %add3A_1407 = arith.addf %slice3A_1404, %mul3A_1406 : vector<1024x32xf32>
    %tanh3A_1408 = math.tanh %add3A_1407 : vector<1024x32xf32>
    %sub3A_1409 = arith.constant 1.000000e+00 : f32
    %sub3A_1410 = vector.broadcast %sub3A_1409 : f32 to vector<1024x32xf32>
    %sub3A_1411 = arith.subf %sub3A_1410, %logistic3A_1403 : vector<1024x32xf32>
    %mul3A_1412 = arith.mulf %sub3A_1411, %tanh3A_1408 : vector<1024x32xf32>
    %mul3A_1413 = arith.mulf %logistic3A_1403, %add3A_1376 : vector<1024x32xf32>
    %add3A_1414 = arith.addf %mul3A_1412, %mul3A_1413 : vector<1024x32xf32>
    %slice3A_1415 = vector.extract_strided_slice %get3A_994 {offsets = [0, 11], sizes = [1024, 1], strides = [1, 1]} : vector<1024x12xf32> to vector<1024x1xf32>
    %mul3A_1416 = vector.broadcast %slice3A_1415 : vector<1024x1xf32> to vector<1024x96xf32>
    %mul3A_1417 = vector.broadcast %dot_general3A_22 : vector<1x96xf32> to vector<1024x96xf32>
    %mul3A_1418 = arith.mulf %mul3A_1416, %mul3A_1417 : vector<1024x96xf32>
    %add3A_1419 = arith.addf %mul3A_1418, %add3A_14 : vector<1024x96xf32>
    %dot_general3A_1420 = arith.constant dense<0.000000e+00> : vector<1024x96xf32>
    %dot_general3A_1421 = tpu.matmul %add3A_1414, %get3A_25, %dot_general3A_1420 {dimension_numbers = #tpu.dot_dimension_numbers<[1], [0], [0], [1], [0, 0, 1, 1], [], []>, transpose_lhs_hint = false} : vector<1024x32xf32>, vector<32x96xf32>, vector<1024x96xf32> -> vector<1024x96xf32>
    %add3A_1422 = vector.broadcast %get3A_28 : vector<1x96xf32> to vector<1024x96xf32>
    %add3A_1423 = arith.addf %dot_general3A_1421, %add3A_1422 : vector<1024x96xf32>
    %slice3A_1424 = vector.extract_strided_slice %add3A_1419 {offsets = [0, 0], sizes = [1024, 32], strides = [1, 1]} : vector<1024x96xf32> to vector<1024x32xf32>
    %slice3A_1425 = vector.extract_strided_slice %add3A_1423 {offsets = [0, 0], sizes = [1024, 32], strides = [1, 1]} : vector<1024x96xf32> to vector<1024x32xf32>
    %add3A_1426 = arith.addf %slice3A_1424, %slice3A_1425 : vector<1024x32xf32>
    %logistic3A_1427 = arith.negf %add3A_1426 : vector<1024x32xf32>
    %logistic3A_1428 = math.exp %logistic3A_1427 : vector<1024x32xf32>
    %logistic3A_1429 = arith.constant 1.000000e+00 : f32
    %logistic3A_1430 = vector.broadcast %logistic3A_1429 : f32 to vector<1024x32xf32>
    %logistic3A_1431 = arith.addf %logistic3A_1430, %logistic3A_1428 : vector<1024x32xf32>
    %logistic3A_1432 = arith.divf %logistic3A_1430, %logistic3A_1431 : vector<1024x32xf32>
    %slice3A_1433 = vector.extract_strided_slice %add3A_1419 {offsets = [0, 32], sizes = [1024, 32], strides = [1, 1]} : vector<1024x96xf32> to vector<1024x32xf32>
    %slice3A_1434 = vector.extract_strided_slice %add3A_1423 {offsets = [0, 32], sizes = [1024, 32], strides = [1, 1]} : vector<1024x96xf32> to vector<1024x32xf32>
    %add3A_1435 = arith.addf %slice3A_1433, %slice3A_1434 : vector<1024x32xf32>
    %logistic3A_1436 = arith.negf %add3A_1435 : vector<1024x32xf32>
    %logistic3A_1437 = math.exp %logistic3A_1436 : vector<1024x32xf32>
    %logistic3A_1438 = arith.constant 1.000000e+00 : f32
    %logistic3A_1439 = vector.broadcast %logistic3A_1438 : f32 to vector<1024x32xf32>
    %logistic3A_1440 = arith.addf %logistic3A_1439, %logistic3A_1437 : vector<1024x32xf32>
    %logistic3A_1441 = arith.divf %logistic3A_1439, %logistic3A_1440 : vector<1024x32xf32>
    %slice3A_1442 = vector.extract_strided_slice %add3A_1419 {offsets = [0, 64], sizes = [1024, 32], strides = [1, 1]} : vector<1024x96xf32> to vector<1024x32xf32>
    %slice3A_1443 = vector.extract_strided_slice %add3A_1423 {offsets = [0, 64], sizes = [1024, 32], strides = [1, 1]} : vector<1024x96xf32> to vector<1024x32xf32>
    %mul3A_1444 = arith.mulf %logistic3A_1432, %slice3A_1443 : vector<1024x32xf32>
    %add3A_1445 = arith.addf %slice3A_1442, %mul3A_1444 : vector<1024x32xf32>
    %tanh3A_1446 = math.tanh %add3A_1445 : vector<1024x32xf32>
    %sub3A_1447 = arith.constant 1.000000e+00 : f32
    %sub3A_1448 = vector.broadcast %sub3A_1447 : f32 to vector<1024x32xf32>
    %sub3A_1449 = arith.subf %sub3A_1448, %logistic3A_1441 : vector<1024x32xf32>
    %mul3A_1450 = arith.mulf %sub3A_1449, %tanh3A_1446 : vector<1024x32xf32>
    %mul3A_1451 = arith.mulf %logistic3A_1441, %add3A_1414 : vector<1024x32xf32>
    %add3A_1452 = arith.addf %mul3A_1450, %mul3A_1451 : vector<1024x32xf32>
    %get3A_1453 = arith.constant 0 : index
    %get3A_1454 = arith.constant 0 : index
    %get3A_1455 = vector.load %arg9[%get3A_1453, %get3A_1454] : memref<32x32xf32, #tpu.memory_space<vmem>>, vector<32x32xf32>
    %dot_general3A_1456 = arith.constant dense<0.000000e+00> : vector<1024x32xf32>
    %dot_general3A_1457 = tpu.matmul %add3A_1452, %get3A_1455, %dot_general3A_1456 {dimension_numbers = #tpu.dot_dimension_numbers<[1], [0], [0], [1], [0, 0, 1, 1], [], []>, transpose_lhs_hint = false} : vector<1024x32xf32>, vector<32x32xf32>, vector<1024x32xf32> -> vector<1024x32xf32>
    %get3A_1458 = arith.constant 0 : index
    %get3A_1459 = arith.constant 0 : index
    %get3A_1460 = vector.load %arg10[%get3A_1458, %get3A_1459] : memref<32x32xf32, #tpu.memory_space<vmem>>, vector<32x32xf32>
    %dot_general3A_1461 = arith.constant dense<0.000000e+00> : vector<1024x32xf32>
    %dot_general3A_1462 = tpu.matmul %add3A_1452, %get3A_1460, %dot_general3A_1461 {dimension_numbers = #tpu.dot_dimension_numbers<[1], [0], [0], [1], [0, 0, 1, 1], [], []>, transpose_lhs_hint = false} : vector<1024x32xf32>, vector<32x32xf32>, vector<1024x32xf32> -> vector<1024x32xf32>
    %get3A_1463 = arith.constant 0 : index
    %get3A_1464 = arith.constant 0 : index
    %get3A_1465 = vector.load %arg11[%get3A_1463, %get3A_1464] : memref<1x32xf32, #tpu.memory_space<vmem>>, vector<1x32xf32>
    %add3A_1466 = vector.broadcast %get3A_1465 : vector<1x32xf32> to vector<1024x32xf32>
    %add3A_1467 = arith.addf %dot_general3A_1462, %add3A_1466 : vector<1024x32xf32>
    %swap3A_1468 = arith.constant 2 : index
    %swap3A_1469 = arith.constant 0 : index
    %swap3A_1470 = arith.constant 0 : index
    %swap3A_1471 = vector.load %arg13[%swap3A_1468, %swap3A_1469, %swap3A_1470] : memref<4x1024x32xf32, #tpu.memory_space<vmem>>, vector<1x1024x32xf32>
    %swap3A_1472 = vector.shape_cast %swap3A_1471 : vector<1x1024x32xf32> to vector<1024x32xf32>
    %swap3A_1473 = vector.shape_cast %add3A_1467 : vector<1024x32xf32> to vector<1x1024x32xf32>
    tpu.vector_store %arg13[%swap3A_1468, %swap3A_1469, %swap3A_1470], %swap3A_1473 {strides = array<i32>} : memref<4x1024x32xf32, #tpu.memory_space<vmem>>, vector<1x1024x32xf32>,
    %get3A_1474 = arith.constant 3 : index
    %get3A_1475 = arith.constant 0 : index
    %get3A_1476 = arith.constant 0 : index
    %get3A_1477 = vector.load %arg1[%get3A_1474, %get3A_1475, %get3A_1476] : memref<4x1024x12xf32, #tpu.memory_space<vmem>>, vector<1x1024x12xf32>
    %get3A_1478 = vector.shape_cast %get3A_1477 : vector<1x1024x12xf32> to vector<1024x12xf32>
    %broadcast_in_dim3A_1479 = arith.constant 0.000000e+00 : f32
    %broadcast_in_dim3A_1480 = vector.broadcast %broadcast_in_dim3A_1479 : f32 to vector<1024x32xf32>
    %slice3A_1481 = vector.extract_strided_slice %get3A_1478 {offsets = [0, 0], sizes = [1024, 1], strides = [1, 1]} : vector<1024x12xf32> to vector<1024x1xf32>
    %mul3A_1482 = vector.broadcast %slice3A_1481 : vector<1024x1xf32> to vector<1024x96xf32>
    %mul3A_1483 = vector.broadcast %dot_general3A_22 : vector<1x96xf32> to vector<1024x96xf32>
    %mul3A_1484 = arith.mulf %mul3A_1482, %mul3A_1483 : vector<1024x96xf32>
    %add3A_1485 = arith.addf %mul3A_1484, %add3A_14 : vector<1024x96xf32>
    %dot_general3A_1486 = arith.constant dense<0.000000e+00> : vector<1024x96xf32>
    %dot_general3A_1487 = tpu.matmul %broadcast_in_dim3A_1480, %get3A_25, %dot_general3A_1486 {dimension_numbers = #tpu.dot_dimension_numbers<[1], [0], [0], [1], [0, 0, 1, 1], [], []>, transpose_lhs_hint = false} : vector<1024x32xf32>, vector<32x96xf32>, vector<1024x96xf32> -> vector<1024x96xf32>
    %add3A_1488 = vector.broadcast %get3A_28 : vector<1x96xf32> to vector<1024x96xf32>
    %add3A_1489 = arith.addf %dot_general3A_1487, %add3A_1488 : vector<1024x96xf32>
    %slice3A_1490 = vector.extract_strided_slice %add3A_1485 {offsets = [0, 0], sizes = [1024, 32], strides = [1, 1]} : vector<1024x96xf32> to vector<1024x32xf32>
    %slice3A_1491 = vector.extract_strided_slice %add3A_1489 {offsets = [0, 0], sizes = [1024, 32], strides = [1, 1]} : vector<1024x96xf32> to vector<1024x32xf32>
    %add3A_1492 = arith.addf %slice3A_1490, %slice3A_1491 : vector<1024x32xf32>
    %logistic3A_1493 = arith.negf %add3A_1492 : vector<1024x32xf32>
    %logistic3A_1494 = math.exp %logistic3A_1493 : vector<1024x32xf32>
    %logistic3A_1495 = arith.constant 1.000000e+00 : f32
    %logistic3A_1496 = vector.broadcast %logistic3A_1495 : f32 to vector<1024x32xf32>
    %logistic3A_1497 = arith.addf %logistic3A_1496, %logistic3A_1494 : vector<1024x32xf32>
    %logistic3A_1498 = arith.divf %logistic3A_1496, %logistic3A_1497 : vector<1024x32xf32>
    %slice3A_1499 = vector.extract_strided_slice %add3A_1485 {offsets = [0, 32], sizes = [1024, 32], strides = [1, 1]} : vector<1024x96xf32> to vector<1024x32xf32>
    %slice3A_1500 = vector.extract_strided_slice %add3A_1489 {offsets = [0, 32], sizes = [1024, 32], strides = [1, 1]} : vector<1024x96xf32> to vector<1024x32xf32>
    %add3A_1501 = arith.addf %slice3A_1499, %slice3A_1500 : vector<1024x32xf32>
    %logistic3A_1502 = arith.negf %add3A_1501 : vector<1024x32xf32>
    %logistic3A_1503 = math.exp %logistic3A_1502 : vector<1024x32xf32>
    %logistic3A_1504 = arith.constant 1.000000e+00 : f32
    %logistic3A_1505 = vector.broadcast %logistic3A_1504 : f32 to vector<1024x32xf32>
    %logistic3A_1506 = arith.addf %logistic3A_1505, %logistic3A_1503 : vector<1024x32xf32>
    %logistic3A_1507 = arith.divf %logistic3A_1505, %logistic3A_1506 : vector<1024x32xf32>
    %slice3A_1508 = vector.extract_strided_slice %add3A_1485 {offsets = [0, 64], sizes = [1024, 32], strides = [1, 1]} : vector<1024x96xf32> to vector<1024x32xf32>
    %slice3A_1509 = vector.extract_strided_slice %add3A_1489 {offsets = [0, 64], sizes = [1024, 32], strides = [1, 1]} : vector<1024x96xf32> to vector<1024x32xf32>
    %mul3A_1510 = arith.mulf %logistic3A_1498, %slice3A_1509 : vector<1024x32xf32>
    %add3A_1511 = arith.addf %slice3A_1508, %mul3A_1510 : vector<1024x32xf32>
    %tanh3A_1512 = math.tanh %add3A_1511 : vector<1024x32xf32>
    %sub3A_1513 = arith.constant 1.000000e+00 : f32
    %sub3A_1514 = vector.broadcast %sub3A_1513 : f32 to vector<1024x32xf32>
    %sub3A_1515 = arith.subf %sub3A_1514, %logistic3A_1507 : vector<1024x32xf32>
    %mul3A_1516 = arith.mulf %sub3A_1515, %tanh3A_1512 : vector<1024x32xf32>
    %mul3A_1517 = arith.mulf %logistic3A_1507, %broadcast_in_dim3A_1480 : vector<1024x32xf32>
    %add3A_1518 = arith.addf %mul3A_1516, %mul3A_1517 : vector<1024x32xf32>
    %slice3A_1519 = vector.extract_strided_slice %get3A_1478 {offsets = [0, 1], sizes = [1024, 1], strides = [1, 1]} : vector<1024x12xf32> to vector<1024x1xf32>
    %mul3A_1520 = vector.broadcast %slice3A_1519 : vector<1024x1xf32> to vector<1024x96xf32>
    %mul3A_1521 = vector.broadcast %dot_general3A_22 : vector<1x96xf32> to vector<1024x96xf32>
    %mul3A_1522 = arith.mulf %mul3A_1520, %mul3A_1521 : vector<1024x96xf32>
    %add3A_1523 = arith.addf %mul3A_1522, %add3A_14 : vector<1024x96xf32>
    %dot_general3A_1524 = arith.constant dense<0.000000e+00> : vector<1024x96xf32>
    %dot_general3A_1525 = tpu.matmul %add3A_1518, %get3A_25, %dot_general3A_1524 {dimension_numbers = #tpu.dot_dimension_numbers<[1], [0], [0], [1], [0, 0, 1, 1], [], []>, transpose_lhs_hint = false} : vector<1024x32xf32>, vector<32x96xf32>, vector<1024x96xf32> -> vector<1024x96xf32>
    %add3A_1526 = vector.broadcast %get3A_28 : vector<1x96xf32> to vector<1024x96xf32>
    %add3A_1527 = arith.addf %dot_general3A_1525, %add3A_1526 : vector<1024x96xf32>
    %slice3A_1528 = vector.extract_strided_slice %add3A_1523 {offsets = [0, 0], sizes = [1024, 32], strides = [1, 1]} : vector<1024x96xf32> to vector<1024x32xf32>
    %slice3A_1529 = vector.extract_strided_slice %add3A_1527 {offsets = [0, 0], sizes = [1024, 32], strides = [1, 1]} : vector<1024x96xf32> to vector<1024x32xf32>
    %add3A_1530 = arith.addf %slice3A_1528, %slice3A_1529 : vector<1024x32xf32>
    %logistic3A_1531 = arith.negf %add3A_1530 : vector<1024x32xf32>
    %logistic3A_1532 = math.exp %logistic3A_1531 : vector<1024x32xf32>
    %logistic3A_1533 = arith.constant 1.000000e+00 : f32
    %logistic3A_1534 = vector.broadcast %logistic3A_1533 : f32 to vector<1024x32xf32>
    %logistic3A_1535 = arith.addf %logistic3A_1534, %logistic3A_1532 : vector<1024x32xf32>
    %logistic3A_1536 = arith.divf %logistic3A_1534, %logistic3A_1535 : vector<1024x32xf32>
    %slice3A_1537 = vector.extract_strided_slice %add3A_1523 {offsets = [0, 32], sizes = [1024, 32], strides = [1, 1]} : vector<1024x96xf32> to vector<1024x32xf32>
    %slice3A_1538 = vector.extract_strided_slice %add3A_1527 {offsets = [0, 32], sizes = [1024, 32], strides = [1, 1]} : vector<1024x96xf32> to vector<1024x32xf32>
    %add3A_1539 = arith.addf %slice3A_1537, %slice3A_1538 : vector<1024x32xf32>
    %logistic3A_1540 = arith.negf %add3A_1539 : vector<1024x32xf32>
    %logistic3A_1541 = math.exp %logistic3A_1540 : vector<1024x32xf32>
    %logistic3A_1542 = arith.constant 1.000000e+00 : f32
    %logistic3A_1543 = vector.broadcast %logistic3A_1542 : f32 to vector<1024x32xf32>
    %logistic3A_1544 = arith.addf %logistic3A_1543, %logistic3A_1541 : vector<1024x32xf32>
    %logistic3A_1545 = arith.divf %logistic3A_1543, %logistic3A_1544 : vector<1024x32xf32>
    %slice3A_1546 = vector.extract_strided_slice %add3A_1523 {offsets = [0, 64], sizes = [1024, 32], strides = [1, 1]} : vector<1024x96xf32> to vector<1024x32xf32>
    %slice3A_1547 = vector.extract_strided_slice %add3A_1527 {offsets = [0, 64], sizes = [1024, 32], strides = [1, 1]} : vector<1024x96xf32> to vector<1024x32xf32>
    %mul3A_1548 = arith.mulf %logistic3A_1536, %slice3A_1547 : vector<1024x32xf32>
    %add3A_1549 = arith.addf %slice3A_1546, %mul3A_1548 : vector<1024x32xf32>
    %tanh3A_1550 = math.tanh %add3A_1549 : vector<1024x32xf32>
    %sub3A_1551 = arith.constant 1.000000e+00 : f32
    %sub3A_1552 = vector.broadcast %sub3A_1551 : f32 to vector<1024x32xf32>
    %sub3A_1553 = arith.subf %sub3A_1552, %logistic3A_1545 : vector<1024x32xf32>
    %mul3A_1554 = arith.mulf %sub3A_1553, %tanh3A_1550 : vector<1024x32xf32>
    %mul3A_1555 = arith.mulf %logistic3A_1545, %add3A_1518 : vector<1024x32xf32>
    %add3A_1556 = arith.addf %mul3A_1554, %mul3A_1555 : vector<1024x32xf32>
    %slice3A_1557 = vector.extract_strided_slice %get3A_1478 {offsets = [0, 2], sizes = [1024, 1], strides = [1, 1]} : vector<1024x12xf32> to vector<1024x1xf32>
    %mul3A_1558 = vector.broadcast %slice3A_1557 : vector<1024x1xf32> to vector<1024x96xf32>
    %mul3A_1559 = vector.broadcast %dot_general3A_22 : vector<1x96xf32> to vector<1024x96xf32>
    %mul3A_1560 = arith.mulf %mul3A_1558, %mul3A_1559 : vector<1024x96xf32>
    %add3A_1561 = arith.addf %mul3A_1560, %add3A_14 : vector<1024x96xf32>
    %dot_general3A_1562 = arith.constant dense<0.000000e+00> : vector<1024x96xf32>
    %dot_general3A_1563 = tpu.matmul %add3A_1556, %get3A_25, %dot_general3A_1562 {dimension_numbers = #tpu.dot_dimension_numbers<[1], [0], [0], [1], [0, 0, 1, 1], [], []>, transpose_lhs_hint = false} : vector<1024x32xf32>, vector<32x96xf32>, vector<1024x96xf32> -> vector<1024x96xf32>
    %add3A_1564 = vector.broadcast %get3A_28 : vector<1x96xf32> to vector<1024x96xf32>
    %add3A_1565 = arith.addf %dot_general3A_1563, %add3A_1564 : vector<1024x96xf32>
    %slice3A_1566 = vector.extract_strided_slice %add3A_1561 {offsets = [0, 0], sizes = [1024, 32], strides = [1, 1]} : vector<1024x96xf32> to vector<1024x32xf32>
    %slice3A_1567 = vector.extract_strided_slice %add3A_1565 {offsets = [0, 0], sizes = [1024, 32], strides = [1, 1]} : vector<1024x96xf32> to vector<1024x32xf32>
    %add3A_1568 = arith.addf %slice3A_1566, %slice3A_1567 : vector<1024x32xf32>
    %logistic3A_1569 = arith.negf %add3A_1568 : vector<1024x32xf32>
    %logistic3A_1570 = math.exp %logistic3A_1569 : vector<1024x32xf32>
    %logistic3A_1571 = arith.constant 1.000000e+00 : f32
    %logistic3A_1572 = vector.broadcast %logistic3A_1571 : f32 to vector<1024x32xf32>
    %logistic3A_1573 = arith.addf %logistic3A_1572, %logistic3A_1570 : vector<1024x32xf32>
    %logistic3A_1574 = arith.divf %logistic3A_1572, %logistic3A_1573 : vector<1024x32xf32>
    %slice3A_1575 = vector.extract_strided_slice %add3A_1561 {offsets = [0, 32], sizes = [1024, 32], strides = [1, 1]} : vector<1024x96xf32> to vector<1024x32xf32>
    %slice3A_1576 = vector.extract_strided_slice %add3A_1565 {offsets = [0, 32], sizes = [1024, 32], strides = [1, 1]} : vector<1024x96xf32> to vector<1024x32xf32>
    %add3A_1577 = arith.addf %slice3A_1575, %slice3A_1576 : vector<1024x32xf32>
    %logistic3A_1578 = arith.negf %add3A_1577 : vector<1024x32xf32>
    %logistic3A_1579 = math.exp %logistic3A_1578 : vector<1024x32xf32>
    %logistic3A_1580 = arith.constant 1.000000e+00 : f32
    %logistic3A_1581 = vector.broadcast %logistic3A_1580 : f32 to vector<1024x32xf32>
    %logistic3A_1582 = arith.addf %logistic3A_1581, %logistic3A_1579 : vector<1024x32xf32>
    %logistic3A_1583 = arith.divf %logistic3A_1581, %logistic3A_1582 : vector<1024x32xf32>
    %slice3A_1584 = vector.extract_strided_slice %add3A_1561 {offsets = [0, 64], sizes = [1024, 32], strides = [1, 1]} : vector<1024x96xf32> to vector<1024x32xf32>
    %slice3A_1585 = vector.extract_strided_slice %add3A_1565 {offsets = [0, 64], sizes = [1024, 32], strides = [1, 1]} : vector<1024x96xf32> to vector<1024x32xf32>
    %mul3A_1586 = arith.mulf %logistic3A_1574, %slice3A_1585 : vector<1024x32xf32>
    %add3A_1587 = arith.addf %slice3A_1584, %mul3A_1586 : vector<1024x32xf32>
    %tanh3A_1588 = math.tanh %add3A_1587 : vector<1024x32xf32>
    %sub3A_1589 = arith.constant 1.000000e+00 : f32
    %sub3A_1590 = vector.broadcast %sub3A_1589 : f32 to vector<1024x32xf32>
    %sub3A_1591 = arith.subf %sub3A_1590, %logistic3A_1583 : vector<1024x32xf32>
    %mul3A_1592 = arith.mulf %sub3A_1591, %tanh3A_1588 : vector<1024x32xf32>
    %mul3A_1593 = arith.mulf %logistic3A_1583, %add3A_1556 : vector<1024x32xf32>
    %add3A_1594 = arith.addf %mul3A_1592, %mul3A_1593 : vector<1024x32xf32>
    %slice3A_1595 = vector.extract_strided_slice %get3A_1478 {offsets = [0, 3], sizes = [1024, 1], strides = [1, 1]} : vector<1024x12xf32> to vector<1024x1xf32>
    %mul3A_1596 = vector.broadcast %slice3A_1595 : vector<1024x1xf32> to vector<1024x96xf32>
    %mul3A_1597 = vector.broadcast %dot_general3A_22 : vector<1x96xf32> to vector<1024x96xf32>
    %mul3A_1598 = arith.mulf %mul3A_1596, %mul3A_1597 : vector<1024x96xf32>
    %add3A_1599 = arith.addf %mul3A_1598, %add3A_14 : vector<1024x96xf32>
    %dot_general3A_1600 = arith.constant dense<0.000000e+00> : vector<1024x96xf32>
    %dot_general3A_1601 = tpu.matmul %add3A_1594, %get3A_25, %dot_general3A_1600 {dimension_numbers = #tpu.dot_dimension_numbers<[1], [0], [0], [1], [0, 0, 1, 1], [], []>, transpose_lhs_hint = false} : vector<1024x32xf32>, vector<32x96xf32>, vector<1024x96xf32> -> vector<1024x96xf32>
    %add3A_1602 = vector.broadcast %get3A_28 : vector<1x96xf32> to vector<1024x96xf32>
    %add3A_1603 = arith.addf %dot_general3A_1601, %add3A_1602 : vector<1024x96xf32>
    %slice3A_1604 = vector.extract_strided_slice %add3A_1599 {offsets = [0, 0], sizes = [1024, 32], strides = [1, 1]} : vector<1024x96xf32> to vector<1024x32xf32>
    %slice3A_1605 = vector.extract_strided_slice %add3A_1603 {offsets = [0, 0], sizes = [1024, 32], strides = [1, 1]} : vector<1024x96xf32> to vector<1024x32xf32>
    %add3A_1606 = arith.addf %slice3A_1604, %slice3A_1605 : vector<1024x32xf32>
    %logistic3A_1607 = arith.negf %add3A_1606 : vector<1024x32xf32>
    %logistic3A_1608 = math.exp %logistic3A_1607 : vector<1024x32xf32>
    %logistic3A_1609 = arith.constant 1.000000e+00 : f32
    %logistic3A_1610 = vector.broadcast %logistic3A_1609 : f32 to vector<1024x32xf32>
    %logistic3A_1611 = arith.addf %logistic3A_1610, %logistic3A_1608 : vector<1024x32xf32>
    %logistic3A_1612 = arith.divf %logistic3A_1610, %logistic3A_1611 : vector<1024x32xf32>
    %slice3A_1613 = vector.extract_strided_slice %add3A_1599 {offsets = [0, 32], sizes = [1024, 32], strides = [1, 1]} : vector<1024x96xf32> to vector<1024x32xf32>
    %slice3A_1614 = vector.extract_strided_slice %add3A_1603 {offsets = [0, 32], sizes = [1024, 32], strides = [1, 1]} : vector<1024x96xf32> to vector<1024x32xf32>
    %add3A_1615 = arith.addf %slice3A_1613, %slice3A_1614 : vector<1024x32xf32>
    %logistic3A_1616 = arith.negf %add3A_1615 : vector<1024x32xf32>
    %logistic3A_1617 = math.exp %logistic3A_1616 : vector<1024x32xf32>
    %logistic3A_1618 = arith.constant 1.000000e+00 : f32
    %logistic3A_1619 = vector.broadcast %logistic3A_1618 : f32 to vector<1024x32xf32>
    %logistic3A_1620 = arith.addf %logistic3A_1619, %logistic3A_1617 : vector<1024x32xf32>
    %logistic3A_1621 = arith.divf %logistic3A_1619, %logistic3A_1620 : vector<1024x32xf32>
    %slice3A_1622 = vector.extract_strided_slice %add3A_1599 {offsets = [0, 64], sizes = [1024, 32], strides = [1, 1]} : vector<1024x96xf32> to vector<1024x32xf32>
    %slice3A_1623 = vector.extract_strided_slice %add3A_1603 {offsets = [0, 64], sizes = [1024, 32], strides = [1, 1]} : vector<1024x96xf32> to vector<1024x32xf32>
    %mul3A_1624 = arith.mulf %logistic3A_1612, %slice3A_1623 : vector<1024x32xf32>
    %add3A_1625 = arith.addf %slice3A_1622, %mul3A_1624 : vector<1024x32xf32>
    %tanh3A_1626 = math.tanh %add3A_1625 : vector<1024x32xf32>
    %sub3A_1627 = arith.constant 1.000000e+00 : f32
    %sub3A_1628 = vector.broadcast %sub3A_1627 : f32 to vector<1024x32xf32>
    %sub3A_1629 = arith.subf %sub3A_1628, %logistic3A_1621 : vector<1024x32xf32>
    %mul3A_1630 = arith.mulf %sub3A_1629, %tanh3A_1626 : vector<1024x32xf32>
    %mul3A_1631 = arith.mulf %logistic3A_1621, %add3A_1594 : vector<1024x32xf32>
    %add3A_1632 = arith.addf %mul3A_1630, %mul3A_1631 : vector<1024x32xf32>
    %slice3A_1633 = vector.extract_strided_slice %get3A_1478 {offsets = [0, 4], sizes = [1024, 1], strides = [1, 1]} : vector<1024x12xf32> to vector<1024x1xf32>
    %mul3A_1634 = vector.broadcast %slice3A_1633 : vector<1024x1xf32> to vector<1024x96xf32>
    %mul3A_1635 = vector.broadcast %dot_general3A_22 : vector<1x96xf32> to vector<1024x96xf32>
    %mul3A_1636 = arith.mulf %mul3A_1634, %mul3A_1635 : vector<1024x96xf32>
    %add3A_1637 = arith.addf %mul3A_1636, %add3A_14 : vector<1024x96xf32>
    %dot_general3A_1638 = arith.constant dense<0.000000e+00> : vector<1024x96xf32>
    %dot_general3A_1639 = tpu.matmul %add3A_1632, %get3A_25, %dot_general3A_1638 {dimension_numbers = #tpu.dot_dimension_numbers<[1], [0], [0], [1], [0, 0, 1, 1], [], []>, transpose_lhs_hint = false} : vector<1024x32xf32>, vector<32x96xf32>, vector<1024x96xf32> -> vector<1024x96xf32>
    %add3A_1640 = vector.broadcast %get3A_28 : vector<1x96xf32> to vector<1024x96xf32>
    %add3A_1641 = arith.addf %dot_general3A_1639, %add3A_1640 : vector<1024x96xf32>
    %slice3A_1642 = vector.extract_strided_slice %add3A_1637 {offsets = [0, 0], sizes = [1024, 32], strides = [1, 1]} : vector<1024x96xf32> to vector<1024x32xf32>
    %slice3A_1643 = vector.extract_strided_slice %add3A_1641 {offsets = [0, 0], sizes = [1024, 32], strides = [1, 1]} : vector<1024x96xf32> to vector<1024x32xf32>
    %add3A_1644 = arith.addf %slice3A_1642, %slice3A_1643 : vector<1024x32xf32>
    %logistic3A_1645 = arith.negf %add3A_1644 : vector<1024x32xf32>
    %logistic3A_1646 = math.exp %logistic3A_1645 : vector<1024x32xf32>
    %logistic3A_1647 = arith.constant 1.000000e+00 : f32
    %logistic3A_1648 = vector.broadcast %logistic3A_1647 : f32 to vector<1024x32xf32>
    %logistic3A_1649 = arith.addf %logistic3A_1648, %logistic3A_1646 : vector<1024x32xf32>
    %logistic3A_1650 = arith.divf %logistic3A_1648, %logistic3A_1649 : vector<1024x32xf32>
    %slice3A_1651 = vector.extract_strided_slice %add3A_1637 {offsets = [0, 32], sizes = [1024, 32], strides = [1, 1]} : vector<1024x96xf32> to vector<1024x32xf32>
    %slice3A_1652 = vector.extract_strided_slice %add3A_1641 {offsets = [0, 32], sizes = [1024, 32], strides = [1, 1]} : vector<1024x96xf32> to vector<1024x32xf32>
    %add3A_1653 = arith.addf %slice3A_1651, %slice3A_1652 : vector<1024x32xf32>
    %logistic3A_1654 = arith.negf %add3A_1653 : vector<1024x32xf32>
    %logistic3A_1655 = math.exp %logistic3A_1654 : vector<1024x32xf32>
    %logistic3A_1656 = arith.constant 1.000000e+00 : f32
    %logistic3A_1657 = vector.broadcast %logistic3A_1656 : f32 to vector<1024x32xf32>
    %logistic3A_1658 = arith.addf %logistic3A_1657, %logistic3A_1655 : vector<1024x32xf32>
    %logistic3A_1659 = arith.divf %logistic3A_1657, %logistic3A_1658 : vector<1024x32xf32>
    %slice3A_1660 = vector.extract_strided_slice %add3A_1637 {offsets = [0, 64], sizes = [1024, 32], strides = [1, 1]} : vector<1024x96xf32> to vector<1024x32xf32>
    %slice3A_1661 = vector.extract_strided_slice %add3A_1641 {offsets = [0, 64], sizes = [1024, 32], strides = [1, 1]} : vector<1024x96xf32> to vector<1024x32xf32>
    %mul3A_1662 = arith.mulf %logistic3A_1650, %slice3A_1661 : vector<1024x32xf32>
    %add3A_1663 = arith.addf %slice3A_1660, %mul3A_1662 : vector<1024x32xf32>
    %tanh3A_1664 = math.tanh %add3A_1663 : vector<1024x32xf32>
    %sub3A_1665 = arith.constant 1.000000e+00 : f32
    %sub3A_1666 = vector.broadcast %sub3A_1665 : f32 to vector<1024x32xf32>
    %sub3A_1667 = arith.subf %sub3A_1666, %logistic3A_1659 : vector<1024x32xf32>
    %mul3A_1668 = arith.mulf %sub3A_1667, %tanh3A_1664 : vector<1024x32xf32>
    %mul3A_1669 = arith.mulf %logistic3A_1659, %add3A_1632 : vector<1024x32xf32>
    %add3A_1670 = arith.addf %mul3A_1668, %mul3A_1669 : vector<1024x32xf32>
    %slice3A_1671 = vector.extract_strided_slice %get3A_1478 {offsets = [0, 5], sizes = [1024, 1], strides = [1, 1]} : vector<1024x12xf32> to vector<1024x1xf32>
    %mul3A_1672 = vector.broadcast %slice3A_1671 : vector<1024x1xf32> to vector<1024x96xf32>
    %mul3A_1673 = vector.broadcast %dot_general3A_22 : vector<1x96xf32> to vector<1024x96xf32>
    %mul3A_1674 = arith.mulf %mul3A_1672, %mul3A_1673 : vector<1024x96xf32>
    %add3A_1675 = arith.addf %mul3A_1674, %add3A_14 : vector<1024x96xf32>
    %dot_general3A_1676 = arith.constant dense<0.000000e+00> : vector<1024x96xf32>
    %dot_general3A_1677 = tpu.matmul %add3A_1670, %get3A_25, %dot_general3A_1676 {dimension_numbers = #tpu.dot_dimension_numbers<[1], [0], [0], [1], [0, 0, 1, 1], [], []>, transpose_lhs_hint = false} : vector<1024x32xf32>, vector<32x96xf32>, vector<1024x96xf32> -> vector<1024x96xf32>
    %add3A_1678 = vector.broadcast %get3A_28 : vector<1x96xf32> to vector<1024x96xf32>
    %add3A_1679 = arith.addf %dot_general3A_1677, %add3A_1678 : vector<1024x96xf32>
    %slice3A_1680 = vector.extract_strided_slice %add3A_1675 {offsets = [0, 0], sizes = [1024, 32], strides = [1, 1]} : vector<1024x96xf32> to vector<1024x32xf32>
    %slice3A_1681 = vector.extract_strided_slice %add3A_1679 {offsets = [0, 0], sizes = [1024, 32], strides = [1, 1]} : vector<1024x96xf32> to vector<1024x32xf32>
    %add3A_1682 = arith.addf %slice3A_1680, %slice3A_1681 : vector<1024x32xf32>
    %logistic3A_1683 = arith.negf %add3A_1682 : vector<1024x32xf32>
    %logistic3A_1684 = math.exp %logistic3A_1683 : vector<1024x32xf32>
    %logistic3A_1685 = arith.constant 1.000000e+00 : f32
    %logistic3A_1686 = vector.broadcast %logistic3A_1685 : f32 to vector<1024x32xf32>
    %logistic3A_1687 = arith.addf %logistic3A_1686, %logistic3A_1684 : vector<1024x32xf32>
    %logistic3A_1688 = arith.divf %logistic3A_1686, %logistic3A_1687 : vector<1024x32xf32>
    %slice3A_1689 = vector.extract_strided_slice %add3A_1675 {offsets = [0, 32], sizes = [1024, 32], strides = [1, 1]} : vector<1024x96xf32> to vector<1024x32xf32>
    %slice3A_1690 = vector.extract_strided_slice %add3A_1679 {offsets = [0, 32], sizes = [1024, 32], strides = [1, 1]} : vector<1024x96xf32> to vector<1024x32xf32>
    %add3A_1691 = arith.addf %slice3A_1689, %slice3A_1690 : vector<1024x32xf32>
    %logistic3A_1692 = arith.negf %add3A_1691 : vector<1024x32xf32>
    %logistic3A_1693 = math.exp %logistic3A_1692 : vector<1024x32xf32>
    %logistic3A_1694 = arith.constant 1.000000e+00 : f32
    %logistic3A_1695 = vector.broadcast %logistic3A_1694 : f32 to vector<1024x32xf32>
    %logistic3A_1696 = arith.addf %logistic3A_1695, %logistic3A_1693 : vector<1024x32xf32>
    %logistic3A_1697 = arith.divf %logistic3A_1695, %logistic3A_1696 : vector<1024x32xf32>
    %slice3A_1698 = vector.extract_strided_slice %add3A_1675 {offsets = [0, 64], sizes = [1024, 32], strides = [1, 1]} : vector<1024x96xf32> to vector<1024x32xf32>
    %slice3A_1699 = vector.extract_strided_slice %add3A_1679 {offsets = [0, 64], sizes = [1024, 32], strides = [1, 1]} : vector<1024x96xf32> to vector<1024x32xf32>
    %mul3A_1700 = arith.mulf %logistic3A_1688, %slice3A_1699 : vector<1024x32xf32>
    %add3A_1701 = arith.addf %slice3A_1698, %mul3A_1700 : vector<1024x32xf32>
    %tanh3A_1702 = math.tanh %add3A_1701 : vector<1024x32xf32>
    %sub3A_1703 = arith.constant 1.000000e+00 : f32
    %sub3A_1704 = vector.broadcast %sub3A_1703 : f32 to vector<1024x32xf32>
    %sub3A_1705 = arith.subf %sub3A_1704, %logistic3A_1697 : vector<1024x32xf32>
    %mul3A_1706 = arith.mulf %sub3A_1705, %tanh3A_1702 : vector<1024x32xf32>
    %mul3A_1707 = arith.mulf %logistic3A_1697, %add3A_1670 : vector<1024x32xf32>
    %add3A_1708 = arith.addf %mul3A_1706, %mul3A_1707 : vector<1024x32xf32>
    %slice3A_1709 = vector.extract_strided_slice %get3A_1478 {offsets = [0, 6], sizes = [1024, 1], strides = [1, 1]} : vector<1024x12xf32> to vector<1024x1xf32>
    %mul3A_1710 = vector.broadcast %slice3A_1709 : vector<1024x1xf32> to vector<1024x96xf32>
    %mul3A_1711 = vector.broadcast %dot_general3A_22 : vector<1x96xf32> to vector<1024x96xf32>
    %mul3A_1712 = arith.mulf %mul3A_1710, %mul3A_1711 : vector<1024x96xf32>
    %add3A_1713 = arith.addf %mul3A_1712, %add3A_14 : vector<1024x96xf32>
    %dot_general3A_1714 = arith.constant dense<0.000000e+00> : vector<1024x96xf32>
    %dot_general3A_1715 = tpu.matmul %add3A_1708, %get3A_25, %dot_general3A_1714 {dimension_numbers = #tpu.dot_dimension_numbers<[1], [0], [0], [1], [0, 0, 1, 1], [], []>, transpose_lhs_hint = false} : vector<1024x32xf32>, vector<32x96xf32>, vector<1024x96xf32> -> vector<1024x96xf32>
    %add3A_1716 = vector.broadcast %get3A_28 : vector<1x96xf32> to vector<1024x96xf32>
    %add3A_1717 = arith.addf %dot_general3A_1715, %add3A_1716 : vector<1024x96xf32>
    %slice3A_1718 = vector.extract_strided_slice %add3A_1713 {offsets = [0, 0], sizes = [1024, 32], strides = [1, 1]} : vector<1024x96xf32> to vector<1024x32xf32>
    %slice3A_1719 = vector.extract_strided_slice %add3A_1717 {offsets = [0, 0], sizes = [1024, 32], strides = [1, 1]} : vector<1024x96xf32> to vector<1024x32xf32>
    %add3A_1720 = arith.addf %slice3A_1718, %slice3A_1719 : vector<1024x32xf32>
    %logistic3A_1721 = arith.negf %add3A_1720 : vector<1024x32xf32>
    %logistic3A_1722 = math.exp %logistic3A_1721 : vector<1024x32xf32>
    %logistic3A_1723 = arith.constant 1.000000e+00 : f32
    %logistic3A_1724 = vector.broadcast %logistic3A_1723 : f32 to vector<1024x32xf32>
    %logistic3A_1725 = arith.addf %logistic3A_1724, %logistic3A_1722 : vector<1024x32xf32>
    %logistic3A_1726 = arith.divf %logistic3A_1724, %logistic3A_1725 : vector<1024x32xf32>
    %slice3A_1727 = vector.extract_strided_slice %add3A_1713 {offsets = [0, 32], sizes = [1024, 32], strides = [1, 1]} : vector<1024x96xf32> to vector<1024x32xf32>
    %slice3A_1728 = vector.extract_strided_slice %add3A_1717 {offsets = [0, 32], sizes = [1024, 32], strides = [1, 1]} : vector<1024x96xf32> to vector<1024x32xf32>
    %add3A_1729 = arith.addf %slice3A_1727, %slice3A_1728 : vector<1024x32xf32>
    %logistic3A_1730 = arith.negf %add3A_1729 : vector<1024x32xf32>
    %logistic3A_1731 = math.exp %logistic3A_1730 : vector<1024x32xf32>
    %logistic3A_1732 = arith.constant 1.000000e+00 : f32
    %logistic3A_1733 = vector.broadcast %logistic3A_1732 : f32 to vector<1024x32xf32>
    %logistic3A_1734 = arith.addf %logistic3A_1733, %logistic3A_1731 : vector<1024x32xf32>
    %logistic3A_1735 = arith.divf %logistic3A_1733, %logistic3A_1734 : vector<1024x32xf32>
    %slice3A_1736 = vector.extract_strided_slice %add3A_1713 {offsets = [0, 64], sizes = [1024, 32], strides = [1, 1]} : vector<1024x96xf32> to vector<1024x32xf32>
    %slice3A_1737 = vector.extract_strided_slice %add3A_1717 {offsets = [0, 64], sizes = [1024, 32], strides = [1, 1]} : vector<1024x96xf32> to vector<1024x32xf32>
    %mul3A_1738 = arith.mulf %logistic3A_1726, %slice3A_1737 : vector<1024x32xf32>
    %add3A_1739 = arith.addf %slice3A_1736, %mul3A_1738 : vector<1024x32xf32>
    %tanh3A_1740 = math.tanh %add3A_1739 : vector<1024x32xf32>
    %sub3A_1741 = arith.constant 1.000000e+00 : f32
    %sub3A_1742 = vector.broadcast %sub3A_1741 : f32 to vector<1024x32xf32>
    %sub3A_1743 = arith.subf %sub3A_1742, %logistic3A_1735 : vector<1024x32xf32>
    %mul3A_1744 = arith.mulf %sub3A_1743, %tanh3A_1740 : vector<1024x32xf32>
    %mul3A_1745 = arith.mulf %logistic3A_1735, %add3A_1708 : vector<1024x32xf32>
    %add3A_1746 = arith.addf %mul3A_1744, %mul3A_1745 : vector<1024x32xf32>
    %slice3A_1747 = vector.extract_strided_slice %get3A_1478 {offsets = [0, 7], sizes = [1024, 1], strides = [1, 1]} : vector<1024x12xf32> to vector<1024x1xf32>
    %mul3A_1748 = vector.broadcast %slice3A_1747 : vector<1024x1xf32> to vector<1024x96xf32>
    %mul3A_1749 = vector.broadcast %dot_general3A_22 : vector<1x96xf32> to vector<1024x96xf32>
    %mul3A_1750 = arith.mulf %mul3A_1748, %mul3A_1749 : vector<1024x96xf32>
    %add3A_1751 = arith.addf %mul3A_1750, %add3A_14 : vector<1024x96xf32>
    %dot_general3A_1752 = arith.constant dense<0.000000e+00> : vector<1024x96xf32>
    %dot_general3A_1753 = tpu.matmul %add3A_1746, %get3A_25, %dot_general3A_1752 {dimension_numbers = #tpu.dot_dimension_numbers<[1], [0], [0], [1], [0, 0, 1, 1], [], []>, transpose_lhs_hint = false} : vector<1024x32xf32>, vector<32x96xf32>, vector<1024x96xf32> -> vector<1024x96xf32>
    %add3A_1754 = vector.broadcast %get3A_28 : vector<1x96xf32> to vector<1024x96xf32>
    %add3A_1755 = arith.addf %dot_general3A_1753, %add3A_1754 : vector<1024x96xf32>
    %slice3A_1756 = vector.extract_strided_slice %add3A_1751 {offsets = [0, 0], sizes = [1024, 32], strides = [1, 1]} : vector<1024x96xf32> to vector<1024x32xf32>
    %slice3A_1757 = vector.extract_strided_slice %add3A_1755 {offsets = [0, 0], sizes = [1024, 32], strides = [1, 1]} : vector<1024x96xf32> to vector<1024x32xf32>
    %add3A_1758 = arith.addf %slice3A_1756, %slice3A_1757 : vector<1024x32xf32>
    %logistic3A_1759 = arith.negf %add3A_1758 : vector<1024x32xf32>
    %logistic3A_1760 = math.exp %logistic3A_1759 : vector<1024x32xf32>
    %logistic3A_1761 = arith.constant 1.000000e+00 : f32
    %logistic3A_1762 = vector.broadcast %logistic3A_1761 : f32 to vector<1024x32xf32>
    %logistic3A_1763 = arith.addf %logistic3A_1762, %logistic3A_1760 : vector<1024x32xf32>
    %logistic3A_1764 = arith.divf %logistic3A_1762, %logistic3A_1763 : vector<1024x32xf32>
    %slice3A_1765 = vector.extract_strided_slice %add3A_1751 {offsets = [0, 32], sizes = [1024, 32], strides = [1, 1]} : vector<1024x96xf32> to vector<1024x32xf32>
    %slice3A_1766 = vector.extract_strided_slice %add3A_1755 {offsets = [0, 32], sizes = [1024, 32], strides = [1, 1]} : vector<1024x96xf32> to vector<1024x32xf32>
    %add3A_1767 = arith.addf %slice3A_1765, %slice3A_1766 : vector<1024x32xf32>
    %logistic3A_1768 = arith.negf %add3A_1767 : vector<1024x32xf32>
    %logistic3A_1769 = math.exp %logistic3A_1768 : vector<1024x32xf32>
    %logistic3A_1770 = arith.constant 1.000000e+00 : f32
    %logistic3A_1771 = vector.broadcast %logistic3A_1770 : f32 to vector<1024x32xf32>
    %logistic3A_1772 = arith.addf %logistic3A_1771, %logistic3A_1769 : vector<1024x32xf32>
    %logistic3A_1773 = arith.divf %logistic3A_1771, %logistic3A_1772 : vector<1024x32xf32>
    %slice3A_1774 = vector.extract_strided_slice %add3A_1751 {offsets = [0, 64], sizes = [1024, 32], strides = [1, 1]} : vector<1024x96xf32> to vector<1024x32xf32>
    %slice3A_1775 = vector.extract_strided_slice %add3A_1755 {offsets = [0, 64], sizes = [1024, 32], strides = [1, 1]} : vector<1024x96xf32> to vector<1024x32xf32>
    %mul3A_1776 = arith.mulf %logistic3A_1764, %slice3A_1775 : vector<1024x32xf32>
    %add3A_1777 = arith.addf %slice3A_1774, %mul3A_1776 : vector<1024x32xf32>
    %tanh3A_1778 = math.tanh %add3A_1777 : vector<1024x32xf32>
    %sub3A_1779 = arith.constant 1.000000e+00 : f32
    %sub3A_1780 = vector.broadcast %sub3A_1779 : f32 to vector<1024x32xf32>
    %sub3A_1781 = arith.subf %sub3A_1780, %logistic3A_1773 : vector<1024x32xf32>
    %mul3A_1782 = arith.mulf %sub3A_1781, %tanh3A_1778 : vector<1024x32xf32>
    %mul3A_1783 = arith.mulf %logistic3A_1773, %add3A_1746 : vector<1024x32xf32>
    %add3A_1784 = arith.addf %mul3A_1782, %mul3A_1783 : vector<1024x32xf32>
    %slice3A_1785 = vector.extract_strided_slice %get3A_1478 {offsets = [0, 8], sizes = [1024, 1], strides = [1, 1]} : vector<1024x12xf32> to vector<1024x1xf32>
    %mul3A_1786 = vector.broadcast %slice3A_1785 : vector<1024x1xf32> to vector<1024x96xf32>
    %mul3A_1787 = vector.broadcast %dot_general3A_22 : vector<1x96xf32> to vector<1024x96xf32>
    %mul3A_1788 = arith.mulf %mul3A_1786, %mul3A_1787 : vector<1024x96xf32>
    %add3A_1789 = arith.addf %mul3A_1788, %add3A_14 : vector<1024x96xf32>
    %dot_general3A_1790 = arith.constant dense<0.000000e+00> : vector<1024x96xf32>
    %dot_general3A_1791 = tpu.matmul %add3A_1784, %get3A_25, %dot_general3A_1790 {dimension_numbers = #tpu.dot_dimension_numbers<[1], [0], [0], [1], [0, 0, 1, 1], [], []>, transpose_lhs_hint = false} : vector<1024x32xf32>, vector<32x96xf32>, vector<1024x96xf32> -> vector<1024x96xf32>
    %add3A_1792 = vector.broadcast %get3A_28 : vector<1x96xf32> to vector<1024x96xf32>
    %add3A_1793 = arith.addf %dot_general3A_1791, %add3A_1792 : vector<1024x96xf32>
    %slice3A_1794 = vector.extract_strided_slice %add3A_1789 {offsets = [0, 0], sizes = [1024, 32], strides = [1, 1]} : vector<1024x96xf32> to vector<1024x32xf32>
    %slice3A_1795 = vector.extract_strided_slice %add3A_1793 {offsets = [0, 0], sizes = [1024, 32], strides = [1, 1]} : vector<1024x96xf32> to vector<1024x32xf32>
    %add3A_1796 = arith.addf %slice3A_1794, %slice3A_1795 : vector<1024x32xf32>
    %logistic3A_1797 = arith.negf %add3A_1796 : vector<1024x32xf32>
    %logistic3A_1798 = math.exp %logistic3A_1797 : vector<1024x32xf32>
    %logistic3A_1799 = arith.constant 1.000000e+00 : f32
    %logistic3A_1800 = vector.broadcast %logistic3A_1799 : f32 to vector<1024x32xf32>
    %logistic3A_1801 = arith.addf %logistic3A_1800, %logistic3A_1798 : vector<1024x32xf32>
    %logistic3A_1802 = arith.divf %logistic3A_1800, %logistic3A_1801 : vector<1024x32xf32>
    %slice3A_1803 = vector.extract_strided_slice %add3A_1789 {offsets = [0, 32], sizes = [1024, 32], strides = [1, 1]} : vector<1024x96xf32> to vector<1024x32xf32>
    %slice3A_1804 = vector.extract_strided_slice %add3A_1793 {offsets = [0, 32], sizes = [1024, 32], strides = [1, 1]} : vector<1024x96xf32> to vector<1024x32xf32>
    %add3A_1805 = arith.addf %slice3A_1803, %slice3A_1804 : vector<1024x32xf32>
    %logistic3A_1806 = arith.negf %add3A_1805 : vector<1024x32xf32>
    %logistic3A_1807 = math.exp %logistic3A_1806 : vector<1024x32xf32>
    %logistic3A_1808 = arith.constant 1.000000e+00 : f32
    %logistic3A_1809 = vector.broadcast %logistic3A_1808 : f32 to vector<1024x32xf32>
    %logistic3A_1810 = arith.addf %logistic3A_1809, %logistic3A_1807 : vector<1024x32xf32>
    %logistic3A_1811 = arith.divf %logistic3A_1809, %logistic3A_1810 : vector<1024x32xf32>
    %slice3A_1812 = vector.extract_strided_slice %add3A_1789 {offsets = [0, 64], sizes = [1024, 32], strides = [1, 1]} : vector<1024x96xf32> to vector<1024x32xf32>
    %slice3A_1813 = vector.extract_strided_slice %add3A_1793 {offsets = [0, 64], sizes = [1024, 32], strides = [1, 1]} : vector<1024x96xf32> to vector<1024x32xf32>
    %mul3A_1814 = arith.mulf %logistic3A_1802, %slice3A_1813 : vector<1024x32xf32>
    %add3A_1815 = arith.addf %slice3A_1812, %mul3A_1814 : vector<1024x32xf32>
    %tanh3A_1816 = math.tanh %add3A_1815 : vector<1024x32xf32>
    %sub3A_1817 = arith.constant 1.000000e+00 : f32
    %sub3A_1818 = vector.broadcast %sub3A_1817 : f32 to vector<1024x32xf32>
    %sub3A_1819 = arith.subf %sub3A_1818, %logistic3A_1811 : vector<1024x32xf32>
    %mul3A_1820 = arith.mulf %sub3A_1819, %tanh3A_1816 : vector<1024x32xf32>
    %mul3A_1821 = arith.mulf %logistic3A_1811, %add3A_1784 : vector<1024x32xf32>
    %add3A_1822 = arith.addf %mul3A_1820, %mul3A_1821 : vector<1024x32xf32>
    %slice3A_1823 = vector.extract_strided_slice %get3A_1478 {offsets = [0, 9], sizes = [1024, 1], strides = [1, 1]} : vector<1024x12xf32> to vector<1024x1xf32>
    %mul3A_1824 = vector.broadcast %slice3A_1823 : vector<1024x1xf32> to vector<1024x96xf32>
    %mul3A_1825 = vector.broadcast %dot_general3A_22 : vector<1x96xf32> to vector<1024x96xf32>
    %mul3A_1826 = arith.mulf %mul3A_1824, %mul3A_1825 : vector<1024x96xf32>
    %add3A_1827 = arith.addf %mul3A_1826, %add3A_14 : vector<1024x96xf32>
    %dot_general3A_1828 = arith.constant dense<0.000000e+00> : vector<1024x96xf32>
    %dot_general3A_1829 = tpu.matmul %add3A_1822, %get3A_25, %dot_general3A_1828 {dimension_numbers = #tpu.dot_dimension_numbers<[1], [0], [0], [1], [0, 0, 1, 1], [], []>, transpose_lhs_hint = false} : vector<1024x32xf32>, vector<32x96xf32>, vector<1024x96xf32> -> vector<1024x96xf32>
    %add3A_1830 = vector.broadcast %get3A_28 : vector<1x96xf32> to vector<1024x96xf32>
    %add3A_1831 = arith.addf %dot_general3A_1829, %add3A_1830 : vector<1024x96xf32>
    %slice3A_1832 = vector.extract_strided_slice %add3A_1827 {offsets = [0, 0], sizes = [1024, 32], strides = [1, 1]} : vector<1024x96xf32> to vector<1024x32xf32>
    %slice3A_1833 = vector.extract_strided_slice %add3A_1831 {offsets = [0, 0], sizes = [1024, 32], strides = [1, 1]} : vector<1024x96xf32> to vector<1024x32xf32>
    %add3A_1834 = arith.addf %slice3A_1832, %slice3A_1833 : vector<1024x32xf32>
    %logistic3A_1835 = arith.negf %add3A_1834 : vector<1024x32xf32>
    %logistic3A_1836 = math.exp %logistic3A_1835 : vector<1024x32xf32>
    %logistic3A_1837 = arith.constant 1.000000e+00 : f32
    %logistic3A_1838 = vector.broadcast %logistic3A_1837 : f32 to vector<1024x32xf32>
    %logistic3A_1839 = arith.addf %logistic3A_1838, %logistic3A_1836 : vector<1024x32xf32>
    %logistic3A_1840 = arith.divf %logistic3A_1838, %logistic3A_1839 : vector<1024x32xf32>
    %slice3A_1841 = vector.extract_strided_slice %add3A_1827 {offsets = [0, 32], sizes = [1024, 32], strides = [1, 1]} : vector<1024x96xf32> to vector<1024x32xf32>
    %slice3A_1842 = vector.extract_strided_slice %add3A_1831 {offsets = [0, 32], sizes = [1024, 32], strides = [1, 1]} : vector<1024x96xf32> to vector<1024x32xf32>
    %add3A_1843 = arith.addf %slice3A_1841, %slice3A_1842 : vector<1024x32xf32>
    %logistic3A_1844 = arith.negf %add3A_1843 : vector<1024x32xf32>
    %logistic3A_1845 = math.exp %logistic3A_1844 : vector<1024x32xf32>
    %logistic3A_1846 = arith.constant 1.000000e+00 : f32
    %logistic3A_1847 = vector.broadcast %logistic3A_1846 : f32 to vector<1024x32xf32>
    %logistic3A_1848 = arith.addf %logistic3A_1847, %logistic3A_1845 : vector<1024x32xf32>
    %logistic3A_1849 = arith.divf %logistic3A_1847, %logistic3A_1848 : vector<1024x32xf32>
    %slice3A_1850 = vector.extract_strided_slice %add3A_1827 {offsets = [0, 64], sizes = [1024, 32], strides = [1, 1]} : vector<1024x96xf32> to vector<1024x32xf32>
    %slice3A_1851 = vector.extract_strided_slice %add3A_1831 {offsets = [0, 64], sizes = [1024, 32], strides = [1, 1]} : vector<1024x96xf32> to vector<1024x32xf32>
    %mul3A_1852 = arith.mulf %logistic3A_1840, %slice3A_1851 : vector<1024x32xf32>
    %add3A_1853 = arith.addf %slice3A_1850, %mul3A_1852 : vector<1024x32xf32>
    %tanh3A_1854 = math.tanh %add3A_1853 : vector<1024x32xf32>
    %sub3A_1855 = arith.constant 1.000000e+00 : f32
    %sub3A_1856 = vector.broadcast %sub3A_1855 : f32 to vector<1024x32xf32>
    %sub3A_1857 = arith.subf %sub3A_1856, %logistic3A_1849 : vector<1024x32xf32>
    %mul3A_1858 = arith.mulf %sub3A_1857, %tanh3A_1854 : vector<1024x32xf32>
    %mul3A_1859 = arith.mulf %logistic3A_1849, %add3A_1822 : vector<1024x32xf32>
    %add3A_1860 = arith.addf %mul3A_1858, %mul3A_1859 : vector<1024x32xf32>
    %slice3A_1861 = vector.extract_strided_slice %get3A_1478 {offsets = [0, 10], sizes = [1024, 1], strides = [1, 1]} : vector<1024x12xf32> to vector<1024x1xf32>
    %mul3A_1862 = vector.broadcast %slice3A_1861 : vector<1024x1xf32> to vector<1024x96xf32>
    %mul3A_1863 = vector.broadcast %dot_general3A_22 : vector<1x96xf32> to vector<1024x96xf32>
    %mul3A_1864 = arith.mulf %mul3A_1862, %mul3A_1863 : vector<1024x96xf32>
    %add3A_1865 = arith.addf %mul3A_1864, %add3A_14 : vector<1024x96xf32>
    %dot_general3A_1866 = arith.constant dense<0.000000e+00> : vector<1024x96xf32>
    %dot_general3A_1867 = tpu.matmul %add3A_1860, %get3A_25, %dot_general3A_1866 {dimension_numbers = #tpu.dot_dimension_numbers<[1], [0], [0], [1], [0, 0, 1, 1], [], []>, transpose_lhs_hint = false} : vector<1024x32xf32>, vector<32x96xf32>, vector<1024x96xf32> -> vector<1024x96xf32>
    %add3A_1868 = vector.broadcast %get3A_28 : vector<1x96xf32> to vector<1024x96xf32>
    %add3A_1869 = arith.addf %dot_general3A_1867, %add3A_1868 : vector<1024x96xf32>
    %slice3A_1870 = vector.extract_strided_slice %add3A_1865 {offsets = [0, 0], sizes = [1024, 32], strides = [1, 1]} : vector<1024x96xf32> to vector<1024x32xf32>
    %slice3A_1871 = vector.extract_strided_slice %add3A_1869 {offsets = [0, 0], sizes = [1024, 32], strides = [1, 1]} : vector<1024x96xf32> to vector<1024x32xf32>
    %add3A_1872 = arith.addf %slice3A_1870, %slice3A_1871 : vector<1024x32xf32>
    %logistic3A_1873 = arith.negf %add3A_1872 : vector<1024x32xf32>
    %logistic3A_1874 = math.exp %logistic3A_1873 : vector<1024x32xf32>
    %logistic3A_1875 = arith.constant 1.000000e+00 : f32
    %logistic3A_1876 = vector.broadcast %logistic3A_1875 : f32 to vector<1024x32xf32>
    %logistic3A_1877 = arith.addf %logistic3A_1876, %logistic3A_1874 : vector<1024x32xf32>
    %logistic3A_1878 = arith.divf %logistic3A_1876, %logistic3A_1877 : vector<1024x32xf32>
    %slice3A_1879 = vector.extract_strided_slice %add3A_1865 {offsets = [0, 32], sizes = [1024, 32], strides = [1, 1]} : vector<1024x96xf32> to vector<1024x32xf32>
    %slice3A_1880 = vector.extract_strided_slice %add3A_1869 {offsets = [0, 32], sizes = [1024, 32], strides = [1, 1]} : vector<1024x96xf32> to vector<1024x32xf32>
    %add3A_1881 = arith.addf %slice3A_1879, %slice3A_1880 : vector<1024x32xf32>
    %logistic3A_1882 = arith.negf %add3A_1881 : vector<1024x32xf32>
    %logistic3A_1883 = math.exp %logistic3A_1882 : vector<1024x32xf32>
    %logistic3A_1884 = arith.constant 1.000000e+00 : f32
    %logistic3A_1885 = vector.broadcast %logistic3A_1884 : f32 to vector<1024x32xf32>
    %logistic3A_1886 = arith.addf %logistic3A_1885, %logistic3A_1883 : vector<1024x32xf32>
    %logistic3A_1887 = arith.divf %logistic3A_1885, %logistic3A_1886 : vector<1024x32xf32>
    %slice3A_1888 = vector.extract_strided_slice %add3A_1865 {offsets = [0, 64], sizes = [1024, 32], strides = [1, 1]} : vector<1024x96xf32> to vector<1024x32xf32>
    %slice3A_1889 = vector.extract_strided_slice %add3A_1869 {offsets = [0, 64], sizes = [1024, 32], strides = [1, 1]} : vector<1024x96xf32> to vector<1024x32xf32>
    %mul3A_1890 = arith.mulf %logistic3A_1878, %slice3A_1889 : vector<1024x32xf32>
    %add3A_1891 = arith.addf %slice3A_1888, %mul3A_1890 : vector<1024x32xf32>
    %tanh3A_1892 = math.tanh %add3A_1891 : vector<1024x32xf32>
    %sub3A_1893 = arith.constant 1.000000e+00 : f32
    %sub3A_1894 = vector.broadcast %sub3A_1893 : f32 to vector<1024x32xf32>
    %sub3A_1895 = arith.subf %sub3A_1894, %logistic3A_1887 : vector<1024x32xf32>
    %mul3A_1896 = arith.mulf %sub3A_1895, %tanh3A_1892 : vector<1024x32xf32>
    %mul3A_1897 = arith.mulf %logistic3A_1887, %add3A_1860 : vector<1024x32xf32>
    %add3A_1898 = arith.addf %mul3A_1896, %mul3A_1897 : vector<1024x32xf32>
    %slice3A_1899 = vector.extract_strided_slice %get3A_1478 {offsets = [0, 11], sizes = [1024, 1], strides = [1, 1]} : vector<1024x12xf32> to vector<1024x1xf32>
    %mul3A_1900 = vector.broadcast %slice3A_1899 : vector<1024x1xf32> to vector<1024x96xf32>
    %mul3A_1901 = vector.broadcast %dot_general3A_22 : vector<1x96xf32> to vector<1024x96xf32>
    %mul3A_1902 = arith.mulf %mul3A_1900, %mul3A_1901 : vector<1024x96xf32>
    %add3A_1903 = arith.addf %mul3A_1902, %add3A_14 : vector<1024x96xf32>
    %dot_general3A_1904 = arith.constant dense<0.000000e+00> : vector<1024x96xf32>
    %dot_general3A_1905 = tpu.matmul %add3A_1898, %get3A_25, %dot_general3A_1904 {dimension_numbers = #tpu.dot_dimension_numbers<[1], [0], [0], [1], [0, 0, 1, 1], [], []>, transpose_lhs_hint = false} : vector<1024x32xf32>, vector<32x96xf32>, vector<1024x96xf32> -> vector<1024x96xf32>
    %add3A_1906 = vector.broadcast %get3A_28 : vector<1x96xf32> to vector<1024x96xf32>
    %add3A_1907 = arith.addf %dot_general3A_1905, %add3A_1906 : vector<1024x96xf32>
    %slice3A_1908 = vector.extract_strided_slice %add3A_1903 {offsets = [0, 0], sizes = [1024, 32], strides = [1, 1]} : vector<1024x96xf32> to vector<1024x32xf32>
    %slice3A_1909 = vector.extract_strided_slice %add3A_1907 {offsets = [0, 0], sizes = [1024, 32], strides = [1, 1]} : vector<1024x96xf32> to vector<1024x32xf32>
    %add3A_1910 = arith.addf %slice3A_1908, %slice3A_1909 : vector<1024x32xf32>
    %logistic3A_1911 = arith.negf %add3A_1910 : vector<1024x32xf32>
    %logistic3A_1912 = math.exp %logistic3A_1911 : vector<1024x32xf32>
    %logistic3A_1913 = arith.constant 1.000000e+00 : f32
    %logistic3A_1914 = vector.broadcast %logistic3A_1913 : f32 to vector<1024x32xf32>
    %logistic3A_1915 = arith.addf %logistic3A_1914, %logistic3A_1912 : vector<1024x32xf32>
    %logistic3A_1916 = arith.divf %logistic3A_1914, %logistic3A_1915 : vector<1024x32xf32>
    %slice3A_1917 = vector.extract_strided_slice %add3A_1903 {offsets = [0, 32], sizes = [1024, 32], strides = [1, 1]} : vector<1024x96xf32> to vector<1024x32xf32>
    %slice3A_1918 = vector.extract_strided_slice %add3A_1907 {offsets = [0, 32], sizes = [1024, 32], strides = [1, 1]} : vector<1024x96xf32> to vector<1024x32xf32>
    %add3A_1919 = arith.addf %slice3A_1917, %slice3A_1918 : vector<1024x32xf32>
    %logistic3A_1920 = arith.negf %add3A_1919 : vector<1024x32xf32>
    %logistic3A_1921 = math.exp %logistic3A_1920 : vector<1024x32xf32>
    %logistic3A_1922 = arith.constant 1.000000e+00 : f32
    %logistic3A_1923 = vector.broadcast %logistic3A_1922 : f32 to vector<1024x32xf32>
    %logistic3A_1924 = arith.addf %logistic3A_1923, %logistic3A_1921 : vector<1024x32xf32>
    %logistic3A_1925 = arith.divf %logistic3A_1923, %logistic3A_1924 : vector<1024x32xf32>
    %slice3A_1926 = vector.extract_strided_slice %add3A_1903 {offsets = [0, 64], sizes = [1024, 32], strides = [1, 1]} : vector<1024x96xf32> to vector<1024x32xf32>
    %slice3A_1927 = vector.extract_strided_slice %add3A_1907 {offsets = [0, 64], sizes = [1024, 32], strides = [1, 1]} : vector<1024x96xf32> to vector<1024x32xf32>
    %mul3A_1928 = arith.mulf %logistic3A_1916, %slice3A_1927 : vector<1024x32xf32>
    %add3A_1929 = arith.addf %slice3A_1926, %mul3A_1928 : vector<1024x32xf32>
    %tanh3A_1930 = math.tanh %add3A_1929 : vector<1024x32xf32>
    %sub3A_1931 = arith.constant 1.000000e+00 : f32
    %sub3A_1932 = vector.broadcast %sub3A_1931 : f32 to vector<1024x32xf32>
    %sub3A_1933 = arith.subf %sub3A_1932, %logistic3A_1925 : vector<1024x32xf32>
    %mul3A_1934 = arith.mulf %sub3A_1933, %tanh3A_1930 : vector<1024x32xf32>
    %mul3A_1935 = arith.mulf %logistic3A_1925, %add3A_1898 : vector<1024x32xf32>
    %add3A_1936 = arith.addf %mul3A_1934, %mul3A_1935 : vector<1024x32xf32>
    %get3A_1937 = arith.constant 0 : index
    %get3A_1938 = arith.constant 0 : index
    %get3A_1939 = vector.load %arg9[%get3A_1937, %get3A_1938] : memref<32x32xf32, #tpu.memory_space<vmem>>, vector<32x32xf32>
    %dot_general3A_1940 = arith.constant dense<0.000000e+00> : vector<1024x32xf32>
    %dot_general3A_1941 = tpu.matmul %add3A_1936, %get3A_1939, %dot_general3A_1940 {dimension_numbers = #tpu.dot_dimension_numbers<[1], [0], [0], [1], [0, 0, 1, 1], [], []>, transpose_lhs_hint = false} : vector<1024x32xf32>, vector<32x32xf32>, vector<1024x32xf32> -> vector<1024x32xf32>
    %get3A_1942 = arith.constant 0 : index
    %get3A_1943 = arith.constant 0 : index
    %get3A_1944 = vector.load %arg10[%get3A_1942, %get3A_1943] : memref<32x32xf32, #tpu.memory_space<vmem>>, vector<32x32xf32>
    %dot_general3A_1945 = arith.constant dense<0.000000e+00> : vector<1024x32xf32>
    %dot_general3A_1946 = tpu.matmul %add3A_1936, %get3A_1944, %dot_general3A_1945 {dimension_numbers = #tpu.dot_dimension_numbers<[1], [0], [0], [1], [0, 0, 1, 1], [], []>, transpose_lhs_hint = false} : vector<1024x32xf32>, vector<32x32xf32>, vector<1024x32xf32> -> vector<1024x32xf32>
    %get3A_1947 = arith.constant 0 : index
    %get3A_1948 = arith.constant 0 : index
    %get3A_1949 = vector.load %arg11[%get3A_1947, %get3A_1948] : memref<1x32xf32, #tpu.memory_space<vmem>>, vector<1x32xf32>
    %add3A_1950 = vector.broadcast %get3A_1949 : vector<1x32xf32> to vector<1024x32xf32>
    %add3A_1951 = arith.addf %dot_general3A_1946, %add3A_1950 : vector<1024x32xf32>
    %swap3A_1952 = arith.constant 3 : index
    %swap3A_1953 = arith.constant 0 : index
    %swap3A_1954 = arith.constant 0 : index
    %swap3A_1955 = vector.load %arg13[%swap3A_1952, %swap3A_1953, %swap3A_1954] : memref<4x1024x32xf32, #tpu.memory_space<vmem>>, vector<1x1024x32xf32>
    %swap3A_1956 = vector.shape_cast %swap3A_1955 : vector<1x1024x32xf32> to vector<1024x32xf32>
    %swap3A_1957 = vector.shape_cast %add3A_1951 : vector<1024x32xf32> to vector<1x1024x32xf32>
    tpu.vector_store %arg13[%swap3A_1952, %swap3A_1953, %swap3A_1954], %swap3A_1957 {strides = array<i32>} : memref<4x1024x32xf32, #tpu.memory_space<vmem>>, vector<1x1024x32xf32>,
    %concatenate3A = tpu.concatenate %dot_general3A_490, %dot_general3A_973, %dot_general3A_1457, %dot_general3A_1941 in 1 : vector<1024x32xf32>, vector<1024x32xf32>, vector<1024x32xf32>, vector<1024x32xf32> -> vector<1024x128xf32>
    %swap3A_1958 = arith.constant 0 : index
    %swap3A_1959 = arith.constant 0 : index
    %swap3A_1960 = vector.load %arg12[%swap3A_1958, %swap3A_1959] : memref<1024x128xf32, #tpu.memory_space<vmem>>, vector<1024x128xf32>
    tpu.vector_store %arg12[%swap3A_1958, %swap3A_1959], %concatenate3A {strides = array<i32>} : memref<1024x128xf32, #tpu.memory_space<vmem>>, vector<1024x128xf32>,
    return
  }
  func.func @transform_0(%arg0: i32) -> (i32, i32, i32) {
    %c0_i32 = arith.constant 0 : i32
    %c0_i32_0 = arith.constant 0 : i32
    %c0_i32_1 = arith.constant 0 : i32
    return %c0_i32, %arg0, %c0_i32_0 : i32, i32, i32
  }
  func.func @transform_1(%arg0: i32) -> (i32, i32) {
    %c0_i32 = arith.constant 0 : i32
    %c0_i32_0 = arith.constant 0 : i32
    return %arg0, %c0_i32 : i32, i32
  }
  func.func @transform_2(%arg0: i32) -> (i32, i32) {
    %c0_i32 = arith.constant 0 : i32
    %c0_i32_0 = arith.constant 0 : i32
    %c0_i32_1 = arith.constant 0 : i32
    return %c0_i32, %c0_i32_0 : i32, i32
  }
  func.func @transform_3(%arg0: i32) -> (i32, i32) {
    %c0_i32 = arith.constant 0 : i32
    %c0_i32_0 = arith.constant 0 : i32
    %c0_i32_1 = arith.constant 0 : i32
    return %c0_i32, %c0_i32_0 : i32, i32
  }
  func.func @transform_4(%arg0: i32) -> (i32, i32) {
    %c0_i32 = arith.constant 0 : i32
    %c0_i32_0 = arith.constant 0 : i32
    %c0_i32_1 = arith.constant 0 : i32
    return %c0_i32, %c0_i32_0 : i32, i32
  }
  func.func @transform_5(%arg0: i32) -> (i32, i32) {
    %c0_i32 = arith.constant 0 : i32
    %c0_i32_0 = arith.constant 0 : i32
    %c0_i32_1 = arith.constant 0 : i32
    return %c0_i32, %c0_i32_0 : i32, i32
  }
  func.func @transform_6(%arg0: i32) -> (i32, i32) {
    %c0_i32 = arith.constant 0 : i32
    %c0_i32_0 = arith.constant 0 : i32
    %c0_i32_1 = arith.constant 0 : i32
    return %c0_i32, %c0_i32_0 : i32, i32
  }
  func.func @transform_7(%arg0: i32) -> (i32, i32) {
    %c0_i32 = arith.constant 0 : i32
    %c0_i32_0 = arith.constant 0 : i32
    %c0_i32_1 = arith.constant 0 : i32
    return %c0_i32, %c0_i32_0 : i32, i32
  }
  func.func @transform_8(%arg0: i32) -> (i32, i32) {
    %c0_i32 = arith.constant 0 : i32
    %c0_i32_0 = arith.constant 0 : i32
    %c0_i32_1 = arith.constant 0 : i32
    return %c0_i32, %c0_i32_0 : i32, i32
  }
  func.func @transform_9(%arg0: i32) -> (i32, i32) {
    %c0_i32 = arith.constant 0 : i32
    %c0_i32_0 = arith.constant 0 : i32
    %c0_i32_1 = arith.constant 0 : i32
    return %c0_i32, %c0_i32_0 : i32, i32
  }
  func.func @transform_10(%arg0: i32) -> (i32, i32) {
    %c0_i32 = arith.constant 0 : i32
    %c0_i32_0 = arith.constant 0 : i32
    %c0_i32_1 = arith.constant 0 : i32
    return %c0_i32, %c0_i32_0 : i32, i32
  }
  func.func @transform_11(%arg0: i32) -> (i32, i32) {
    %c0_i32 = arith.constant 0 : i32
    %c0_i32_0 = arith.constant 0 : i32
    return %arg0, %c0_i32 : i32, i32
  }
  func.func @transform_12(%arg0: i32) -> (i32, i32, i32) {
    %c0_i32 = arith.constant 0 : i32
    %c0_i32_0 = arith.constant 0 : i32
    %c0_i32_1 = arith.constant 0 : i32
    return %c0_i32, %arg0, %c0_i32_0 : i32, i32, i32
  }
}

module attributes {stable_mosaic.version = 14 : i64} {
  func.func @_decode_body(%arg0: i32, %arg1: memref<2x1024x128xf32, #tpu.memory_space<vmem>>, %arg2: memref<2x1024x1xf32, #tpu.memory_space<vmem>>, %arg3: memref<4x1024x32xf32, #tpu.memory_space<vmem>>, %arg4: memref<32x12xf32, #tpu.memory_space<vmem>>, %arg5: memref<1x12xf32, #tpu.memory_space<vmem>>, %arg6: memref<4x1024x12xf32, #tpu.memory_space<vmem>>) attributes {dimension_semantics = [#tpu.dimension_semantics<arbitrary>], iteration_bounds = array<i64: 10>, scalar_prefetch = 0 : i64, scratch_operands = 0 : i64, tpu.core_type = #tpu.core_type<tc>, window_params = [{transform_indices = @transform_0, window_bounds = array<i64: 2, 1024, 128>}, {transform_indices = @transform_1, window_bounds = array<i64: 2, 1024, 1>}, {transform_indices = @transform_2, window_bounds = array<i64: 4, 1024, 32>}, {pipeline_mode = #tpu.pipeline_mode<synchronous>, transform_indices = @transform_3, window_bounds = array<i64: 32, 12>}, {pipeline_mode = #tpu.pipeline_mode<synchronous>, transform_indices = @transform_4, window_bounds = array<i64: 1, 12>}, {transform_indices = @transform_5, window_bounds = array<i64: 4, 1024, 12>}]} {
    %get3A = arith.constant 0 : index
    %get3A_0 = arith.constant 0 : index
    %get3A_1 = arith.constant 0 : index
    %get3A_2 = vector.load %arg1[%get3A, %get3A_0, %get3A_1] : memref<2x1024x128xf32, #tpu.memory_space<vmem>>, vector<1x1024x128xf32>
    %get3A_3 = vector.shape_cast %get3A_2 : vector<1x1024x128xf32> to vector<1024x128xf32>
    %get3A_4 = arith.constant 1 : index
    %get3A_5 = arith.constant 0 : index
    %get3A_6 = arith.constant 0 : index
    %get3A_7 = vector.load %arg1[%get3A_4, %get3A_5, %get3A_6] : memref<2x1024x128xf32, #tpu.memory_space<vmem>>, vector<1x1024x128xf32>
    %get3A_8 = vector.shape_cast %get3A_7 : vector<1x1024x128xf32> to vector<1024x128xf32>
    %add3A = arith.addf %get3A_3, %get3A_8 : vector<1024x128xf32>
    %get3A_9 = arith.constant 0 : index
    %get3A_10 = arith.constant 0 : index
    %get3A_11 = arith.constant 0 : index
    %get3A_12 = vector.load %arg2[%get3A_9, %get3A_10, %get3A_11] : memref<2x1024x1xf32, #tpu.memory_space<vmem>>, vector<1x1024x1xf32>
    %get3A_13 = vector.shape_cast %get3A_12 : vector<1x1024x1xf32> to vector<1024x1xf32>
    %get3A_14 = arith.constant 1 : index
    %get3A_15 = arith.constant 0 : index
    %get3A_16 = arith.constant 0 : index
    %get3A_17 = vector.load %arg2[%get3A_14, %get3A_15, %get3A_16] : memref<2x1024x1xf32, #tpu.memory_space<vmem>>, vector<1x1024x1xf32>
    %get3A_18 = vector.shape_cast %get3A_17 : vector<1x1024x1xf32> to vector<1024x1xf32>
    %add3A_19 = arith.addf %get3A_13, %get3A_18 : vector<1024x1xf32>
    %gt3A = arith.constant 0.000000e+00 : f32
    %gt3A_20 = vector.broadcast %gt3A : f32 to vector<1024x1xf32>
    %gt3A_21 = arith.cmpf ogt, %add3A_19, %gt3A_20 : vector<1024x1xf32>
    %jit3A = arith.constant 1.000000e+00 : f32
    %broadcast_in_dim3A = vector.broadcast %jit3A : f32 to vector<1024x1xf32>
    %select_n3A = arith.select %gt3A_21, %add3A_19, %broadcast_in_dim3A : vector<1024x1xi1>, vector<1024x1xf32>
    %div3A = arith.constant 1.000000e+00 : f32
    %div3A_22 = vector.broadcast %div3A : f32 to vector<1024x1xf32>
    %div3A_23 = arith.divf %div3A_22, %select_n3A : vector<1024x1xf32>
    %slice3A = vector.extract_strided_slice %add3A {offsets = [0, 0], sizes = [1024, 32], strides = [1, 1]} : vector<1024x128xf32> to vector<1024x32xf32>
    %mul3A = vector.broadcast %div3A_23 : vector<1024x1xf32> to vector<1024x32xf32>
    %mul3A_24 = arith.mulf %slice3A, %mul3A : vector<1024x32xf32>
    %get3A_25 = arith.constant 0 : index
    %get3A_26 = arith.constant 0 : index
    %get3A_27 = arith.constant 0 : index
    %get3A_28 = vector.load %arg3[%get3A_25, %get3A_26, %get3A_27] : memref<4x1024x32xf32, #tpu.memory_space<vmem>>, vector<1x1024x32xf32>
    %get3A_29 = vector.shape_cast %get3A_28 : vector<1x1024x32xf32> to vector<1024x32xf32>
    %add3A_30 = arith.addf %mul3A_24, %get3A_29 : vector<1024x32xf32>
    %get3A_31 = arith.constant 0 : index
    %get3A_32 = arith.constant 0 : index
    %get3A_33 = vector.load %arg4[%get3A_31, %get3A_32] : memref<32x12xf32, #tpu.memory_space<vmem>>, vector<32x12xf32>
    %dot_general3A = arith.constant dense<0.000000e+00> : vector<1024x12xf32>
    %dot_general3A_34 = tpu.matmul %add3A_30, %get3A_33, %dot_general3A {dimension_numbers = #tpu.dot_dimension_numbers<[1], [0], [0], [1], [0, 0, 1, 1], [], []>, transpose_lhs_hint = false} : vector<1024x32xf32>, vector<32x12xf32>, vector<1024x12xf32> -> vector<1024x12xf32>
    %get3A_35 = arith.constant 0 : index
    %get3A_36 = arith.constant 0 : index
    %get3A_37 = vector.load %arg5[%get3A_35, %get3A_36] : memref<1x12xf32, #tpu.memory_space<vmem>>, vector<1x12xf32>
    %add3A_38 = vector.broadcast %get3A_37 : vector<1x12xf32> to vector<1024x12xf32>
    %add3A_39 = arith.addf %dot_general3A_34, %add3A_38 : vector<1024x12xf32>
    %swap3A = arith.constant 0 : index
    %swap3A_40 = arith.constant 0 : index
    %swap3A_41 = arith.constant 0 : index
    %swap3A_42 = vector.load %arg6[%swap3A, %swap3A_40, %swap3A_41] : memref<4x1024x12xf32, #tpu.memory_space<vmem>>, vector<1x1024x12xf32>
    %swap3A_43 = vector.shape_cast %swap3A_42 : vector<1x1024x12xf32> to vector<1024x12xf32>
    %swap3A_44 = vector.shape_cast %add3A_39 : vector<1024x12xf32> to vector<1x1024x12xf32>
    tpu.vector_store %arg6[%swap3A, %swap3A_40, %swap3A_41], %swap3A_44 {strides = array<i32>} : memref<4x1024x12xf32, #tpu.memory_space<vmem>>, vector<1x1024x12xf32>,
    %slice3A_45 = vector.extract_strided_slice %add3A {offsets = [0, 32], sizes = [1024, 32], strides = [1, 1]} : vector<1024x128xf32> to vector<1024x32xf32>
    %mul3A_46 = vector.broadcast %div3A_23 : vector<1024x1xf32> to vector<1024x32xf32>
    %mul3A_47 = arith.mulf %slice3A_45, %mul3A_46 : vector<1024x32xf32>
    %get3A_48 = arith.constant 1 : index
    %get3A_49 = arith.constant 0 : index
    %get3A_50 = arith.constant 0 : index
    %get3A_51 = vector.load %arg3[%get3A_48, %get3A_49, %get3A_50] : memref<4x1024x32xf32, #tpu.memory_space<vmem>>, vector<1x1024x32xf32>
    %get3A_52 = vector.shape_cast %get3A_51 : vector<1x1024x32xf32> to vector<1024x32xf32>
    %add3A_53 = arith.addf %mul3A_47, %get3A_52 : vector<1024x32xf32>
    %get3A_54 = arith.constant 0 : index
    %get3A_55 = arith.constant 0 : index
    %get3A_56 = vector.load %arg4[%get3A_54, %get3A_55] : memref<32x12xf32, #tpu.memory_space<vmem>>, vector<32x12xf32>
    %dot_general3A_57 = arith.constant dense<0.000000e+00> : vector<1024x12xf32>
    %dot_general3A_58 = tpu.matmul %add3A_53, %get3A_56, %dot_general3A_57 {dimension_numbers = #tpu.dot_dimension_numbers<[1], [0], [0], [1], [0, 0, 1, 1], [], []>, transpose_lhs_hint = false} : vector<1024x32xf32>, vector<32x12xf32>, vector<1024x12xf32> -> vector<1024x12xf32>
    %get3A_59 = arith.constant 0 : index
    %get3A_60 = arith.constant 0 : index
    %get3A_61 = vector.load %arg5[%get3A_59, %get3A_60] : memref<1x12xf32, #tpu.memory_space<vmem>>, vector<1x12xf32>
    %add3A_62 = vector.broadcast %get3A_61 : vector<1x12xf32> to vector<1024x12xf32>
    %add3A_63 = arith.addf %dot_general3A_58, %add3A_62 : vector<1024x12xf32>
    %swap3A_64 = arith.constant 1 : index
    %swap3A_65 = arith.constant 0 : index
    %swap3A_66 = arith.constant 0 : index
    %swap3A_67 = vector.load %arg6[%swap3A_64, %swap3A_65, %swap3A_66] : memref<4x1024x12xf32, #tpu.memory_space<vmem>>, vector<1x1024x12xf32>
    %swap3A_68 = vector.shape_cast %swap3A_67 : vector<1x1024x12xf32> to vector<1024x12xf32>
    %swap3A_69 = vector.shape_cast %add3A_63 : vector<1024x12xf32> to vector<1x1024x12xf32>
    tpu.vector_store %arg6[%swap3A_64, %swap3A_65, %swap3A_66], %swap3A_69 {strides = array<i32>} : memref<4x1024x12xf32, #tpu.memory_space<vmem>>, vector<1x1024x12xf32>,
    %slice3A_70 = vector.extract_strided_slice %add3A {offsets = [0, 64], sizes = [1024, 32], strides = [1, 1]} : vector<1024x128xf32> to vector<1024x32xf32>
    %mul3A_71 = vector.broadcast %div3A_23 : vector<1024x1xf32> to vector<1024x32xf32>
    %mul3A_72 = arith.mulf %slice3A_70, %mul3A_71 : vector<1024x32xf32>
    %get3A_73 = arith.constant 2 : index
    %get3A_74 = arith.constant 0 : index
    %get3A_75 = arith.constant 0 : index
    %get3A_76 = vector.load %arg3[%get3A_73, %get3A_74, %get3A_75] : memref<4x1024x32xf32, #tpu.memory_space<vmem>>, vector<1x1024x32xf32>
    %get3A_77 = vector.shape_cast %get3A_76 : vector<1x1024x32xf32> to vector<1024x32xf32>
    %add3A_78 = arith.addf %mul3A_72, %get3A_77 : vector<1024x32xf32>
    %get3A_79 = arith.constant 0 : index
    %get3A_80 = arith.constant 0 : index
    %get3A_81 = vector.load %arg4[%get3A_79, %get3A_80] : memref<32x12xf32, #tpu.memory_space<vmem>>, vector<32x12xf32>
    %dot_general3A_82 = arith.constant dense<0.000000e+00> : vector<1024x12xf32>
    %dot_general3A_83 = tpu.matmul %add3A_78, %get3A_81, %dot_general3A_82 {dimension_numbers = #tpu.dot_dimension_numbers<[1], [0], [0], [1], [0, 0, 1, 1], [], []>, transpose_lhs_hint = false} : vector<1024x32xf32>, vector<32x12xf32>, vector<1024x12xf32> -> vector<1024x12xf32>
    %get3A_84 = arith.constant 0 : index
    %get3A_85 = arith.constant 0 : index
    %get3A_86 = vector.load %arg5[%get3A_84, %get3A_85] : memref<1x12xf32, #tpu.memory_space<vmem>>, vector<1x12xf32>
    %add3A_87 = vector.broadcast %get3A_86 : vector<1x12xf32> to vector<1024x12xf32>
    %add3A_88 = arith.addf %dot_general3A_83, %add3A_87 : vector<1024x12xf32>
    %swap3A_89 = arith.constant 2 : index
    %swap3A_90 = arith.constant 0 : index
    %swap3A_91 = arith.constant 0 : index
    %swap3A_92 = vector.load %arg6[%swap3A_89, %swap3A_90, %swap3A_91] : memref<4x1024x12xf32, #tpu.memory_space<vmem>>, vector<1x1024x12xf32>
    %swap3A_93 = vector.shape_cast %swap3A_92 : vector<1x1024x12xf32> to vector<1024x12xf32>
    %swap3A_94 = vector.shape_cast %add3A_88 : vector<1024x12xf32> to vector<1x1024x12xf32>
    tpu.vector_store %arg6[%swap3A_89, %swap3A_90, %swap3A_91], %swap3A_94 {strides = array<i32>} : memref<4x1024x12xf32, #tpu.memory_space<vmem>>, vector<1x1024x12xf32>,
    %slice3A_95 = vector.extract_strided_slice %add3A {offsets = [0, 96], sizes = [1024, 32], strides = [1, 1]} : vector<1024x128xf32> to vector<1024x32xf32>
    %mul3A_96 = vector.broadcast %div3A_23 : vector<1024x1xf32> to vector<1024x32xf32>
    %mul3A_97 = arith.mulf %slice3A_95, %mul3A_96 : vector<1024x32xf32>
    %get3A_98 = arith.constant 3 : index
    %get3A_99 = arith.constant 0 : index
    %get3A_100 = arith.constant 0 : index
    %get3A_101 = vector.load %arg3[%get3A_98, %get3A_99, %get3A_100] : memref<4x1024x32xf32, #tpu.memory_space<vmem>>, vector<1x1024x32xf32>
    %get3A_102 = vector.shape_cast %get3A_101 : vector<1x1024x32xf32> to vector<1024x32xf32>
    %add3A_103 = arith.addf %mul3A_97, %get3A_102 : vector<1024x32xf32>
    %get3A_104 = arith.constant 0 : index
    %get3A_105 = arith.constant 0 : index
    %get3A_106 = vector.load %arg4[%get3A_104, %get3A_105] : memref<32x12xf32, #tpu.memory_space<vmem>>, vector<32x12xf32>
    %dot_general3A_107 = arith.constant dense<0.000000e+00> : vector<1024x12xf32>
    %dot_general3A_108 = tpu.matmul %add3A_103, %get3A_106, %dot_general3A_107 {dimension_numbers = #tpu.dot_dimension_numbers<[1], [0], [0], [1], [0, 0, 1, 1], [], []>, transpose_lhs_hint = false} : vector<1024x32xf32>, vector<32x12xf32>, vector<1024x12xf32> -> vector<1024x12xf32>
    %get3A_109 = arith.constant 0 : index
    %get3A_110 = arith.constant 0 : index
    %get3A_111 = vector.load %arg5[%get3A_109, %get3A_110] : memref<1x12xf32, #tpu.memory_space<vmem>>, vector<1x12xf32>
    %add3A_112 = vector.broadcast %get3A_111 : vector<1x12xf32> to vector<1024x12xf32>
    %add3A_113 = arith.addf %dot_general3A_108, %add3A_112 : vector<1024x12xf32>
    %swap3A_114 = arith.constant 3 : index
    %swap3A_115 = arith.constant 0 : index
    %swap3A_116 = arith.constant 0 : index
    %swap3A_117 = vector.load %arg6[%swap3A_114, %swap3A_115, %swap3A_116] : memref<4x1024x12xf32, #tpu.memory_space<vmem>>, vector<1x1024x12xf32>
    %swap3A_118 = vector.shape_cast %swap3A_117 : vector<1x1024x12xf32> to vector<1024x12xf32>
    %swap3A_119 = vector.shape_cast %add3A_113 : vector<1024x12xf32> to vector<1x1024x12xf32>
    tpu.vector_store %arg6[%swap3A_114, %swap3A_115, %swap3A_116], %swap3A_119 {strides = array<i32>} : memref<4x1024x12xf32, #tpu.memory_space<vmem>>, vector<1x1024x12xf32>,
    return
  }
  func.func @transform_0(%arg0: i32) -> (i32, i32, i32) {
    %c0_i32 = arith.constant 0 : i32
    %c0_i32_0 = arith.constant 0 : i32
    %c0_i32_1 = arith.constant 0 : i32
    return %c0_i32, %arg0, %c0_i32_0 : i32, i32, i32
  }
  func.func @transform_1(%arg0: i32) -> (i32, i32, i32) {
    %c0_i32 = arith.constant 0 : i32
    %c0_i32_0 = arith.constant 0 : i32
    %c0_i32_1 = arith.constant 0 : i32
    return %c0_i32, %arg0, %c0_i32_0 : i32, i32, i32
  }
  func.func @transform_2(%arg0: i32) -> (i32, i32, i32) {
    %c0_i32 = arith.constant 0 : i32
    %c0_i32_0 = arith.constant 0 : i32
    %c0_i32_1 = arith.constant 0 : i32
    return %c0_i32, %arg0, %c0_i32_0 : i32, i32, i32
  }
  func.func @transform_3(%arg0: i32) -> (i32, i32) {
    %c0_i32 = arith.constant 0 : i32
    %c0_i32_0 = arith.constant 0 : i32
    %c0_i32_1 = arith.constant 0 : i32
    return %c0_i32, %c0_i32_0 : i32, i32
  }
  func.func @transform_4(%arg0: i32) -> (i32, i32) {
    %c0_i32 = arith.constant 0 : i32
    %c0_i32_0 = arith.constant 0 : i32
    %c0_i32_1 = arith.constant 0 : i32
    return %c0_i32, %c0_i32_0 : i32, i32
  }
  func.func @transform_5(%arg0: i32) -> (i32, i32, i32) {
    %c0_i32 = arith.constant 0 : i32
    %c0_i32_0 = arith.constant 0 : i32
    %c0_i32_1 = arith.constant 0 : i32
    return %c0_i32, %arg0, %c0_i32_0 : i32, i32, i32
  }
}

</mosaic_0001>

<sc_bundles>
// kernel: kernel.5.cloned.1.call-start
scs
__scs_entry_jumppad:
0x0: {  	(pc) =	sbr.rel $0x88, $3  }
0x1: {  	(tag) =	ssettag $0x0;
	lr =	simm.s32 $0x1  }
0x2: {  	[smem:$0x3F92] =	sst lr;
	_ =	strace $0xD0000000  }
0x3: {  	_ = 	snop  }
0x4: {  	_ = 	snop  }
0x5: {  	_ = 	snop  }
0x6: {  	_ = 	snop  }
0x7: {  	_ = 	snop  }
__scs_overlays_trampoline_lowered:
0x8: {  	[smem:$0x3FA1] =	sst s0  }
0x9: {  	[smem:$0x3FA2] =	sst s1  }
0xa: {  	[smem:$0x3FA3] =	sst s2  }
0xb: {  	[smem:$0x3FA4] =	sst s3  }
0xc: {  	[smem:$0x3FA5] =	sst s4  }
0xd: {  	[smem:$0x3FA6] =	sst s5  }
0xe: {  	[smem:$0x3FA7] =	sst s6  }
0xf: {  	[smem:$0x3FA8] =	sst s7  }
0x10: {  	[smem:$0x3FA9] =	sst s8  }
0x11: {  	[smem:$0x3FAA] =	sst s9;
	s0 =	simm.s32 @!p0 $0x0  }
0x12: {  	s1 =	sld [smem:$0x3F90];
	s0 =	simm.s32 @p0 $0x1  }
0x13: {  	[smem:$0x3FAB] =	sst s0;
	s0 =	simm.s32 @!p1 $0x0  }
0x14: {  	s2 =	sld [smem:$0x3F8F];
	s0 =	simm.s32 @p1 $0x1  }
0x15: {  	[smem:$0x3FAC] =	sst s0;
	s0 =	simm.s32 @!p2 $0x0  }
0x16: {  	s3 =	sld [smem:$0x3FDB];
	s0 =	simm.s32 @p2 $0x1  }
0x17: {  	s4 =	simm.s32 $0x1BF5;
	[smem:$0x3FAE] =	sst s0  }
0x18: {  	s0 =	sld [smem:$0x3F91];
	_ =	swait.ge [sflag:s4], $0x0  }
0x19: {  	s7 =	sld [smem:$0x3F92]  }
0x1a: {  	s8 =	sadd.s32 $0xFFFFE003, lr  }
0x1b: {  	s9 =	sadd.s32 $0xFFFFFEF7, lr;
	s5 =	simm.s32 $0xFFFFFFFF;
	p2 =	slt.u32 s8, $0xFFFFF086  }
0x1c: {  	p1 =	slt.u32 s9, $0xF7A;
	s5 =	simm.s32 @!p2 $0x0  }
0x1d: {  	s5 =	simm.s32 @p1 $0x1;
	p0 =	seq.s32 s7, s2  }
0x1e: {  	s7 =	smul.u32 @!p0 $0xF7A, s2;
	p2 =	seq.s32 @!p0 s5, $0x0  }
0x1f: {  	s9 =	smul.u32 $0xF7A, s1;
	s8 =	simm.s32 @!p0 $0x1BF5;
	p2 =	por !p2, p0  }
0x20: {  	[sflag:s8] =	ssyncset.s32 @!p0 $0xFFFFF086;
	s6 =	sadd.s32 @!p0 s3, s7;
	s7 =	simm.s32 @!p0 $0x108  }
0x21: {  	s3 =	sadd.s32 s3, s9;
	s6 =	sadd.s32 @!p0 $0x88, s6;
	s7 =	simm.s32 @p2 $0x1082  }
0x22: {  	[simem:s7], [sflag:s8] =	dma.local @!p0 [hbm:s6], $0xF7A  }
0x23: {  	s9 =	sor.u32 $0xD0000000, s2;
	s6 =	simm.s32 $0x108;
	_ =	swait.ge @!p0 [sflag:s8], $0x0  }
0x24: {  	s3 =	sadd.s32 $0x88, s3;
	s6 =	simm.s32 @!p1 $0x1082;
	[sflag:s4] =	ssyncset.s32 $0xFFFFF086  }
0x25: {  	[simem:s6], [sflag:s4] =	dma.local [hbm:s3], $0xF7A  }
0x26: {  	[smem:$0x3F92] =	sst s1;
	(tag) =	ssettag s2;
	_ =	strace s9  }
0x27: {  	s1 =	sld [smem:$0x3FA2]  }
0x28: {  	s2 =	sld [smem:$0x3FA3]  }
0x29: {  	s4 =	sld [smem:$0x3FA5]  }
0x2a: {  	p0 =	seq.s32 s5, $0x0;
	s5 =	sld [smem:$0x3FA6]  }
0x2b: {  	s6 =	sld [smem:$0x3FA7]  }
0x2c: {  	s7 =	sld [smem:$0x3FA8]  }
0x2d: {  	s3 =	simm.s32 $0x108;
	s8 =	sld [smem:$0x3FA9]  }
0x2e: {  	s3 =	simm.s32 @!p0 $0x1082;
	s9 =	sld [smem:$0x3FAA]  }
0x2f: {  	lr =	sadd.s32 s0, s3;
	s0 =	sld [smem:$0x3FA1]  }
0x30: {  	s3 =	sld [smem:$0x3FA4]  }
0x31: {  	[smem:$0x3FAD] =	sst s10  }
0x32: {  	s10 =	sld [smem:$0x3FAB];
	_ =	sdelay $0x3  }
0x33: {  	p0 =	seq.s32 s10, $0x1;
	s10 =	sld [smem:$0x3FAD];
	_ =	sdelay $0x3  }
0x34: {  	[smem:$0x3FAD] =	sst s10  }
0x35: {  	s10 =	sld [smem:$0x3FAC];
	_ =	sdelay $0x3  }
0x36: {  	p1 =	seq.s32 s10, $0x1;
	s10 =	sld [smem:$0x3FAD];
	_ =	sdelay $0x3  }
0x37: {  	[smem:$0x3FAD] =	sst s10  }
0x38: {  	s10 =	sld [smem:$0x3FAE]  }
0x39: {  	_ = 	snop;
	(pc) =	sbr.ind lr, $3  }
0x3a: {  	_ = 	snop  }
0x3b: {  	_ = 	snop  }
0x3c: {  	p2 =	seq.s32 s10, $0x1;
	s10 =	sld [smem:$0x3FAD]  }
0x3d: {  	_ =	shalt  }
0x3e: {  	_ =	shalt  }
0x3f: {  	_ =	shalt  }
0x40: {  	_ =	shalt  }
0x41: {  	_ =	shalt  }
0x42: {  	_ =	shalt  }
0x43: {  	_ =	shalt  }
0x44: {  	_ =	shalt  }
0x45: {  	_ =	shalt  }
0x46: {  	_ =	shalt  }
0x47: {  	_ =	shalt  }
0x48: {  	_ =	shalt  }
0x49: {  	_ =	shalt  }
0x4a: {  	_ =	shalt  }
0x4b: {  	_ =	shalt  }
0x4c: {  	_ =	shalt  }
0x4d: {  	_ =	shalt  }
0x4e: {  	_ =	shalt  }
0x4f: {  	_ =	shalt  }
0x50: {  	_ =	shalt  }
0x51: {  	_ =	shalt  }
0x52: {  	_ =	shalt  }
0x53: {  	_ =	shalt  }
0x54: {  	_ =	shalt  }
0x55: {  	_ =	shalt  }
0x56: {  	_ =	shalt  }
0x57: {  	_ =	shalt  }
0x58: {  	_ =	shalt  }
0x59: {  	_ =	shalt  }
0x5a: {  	_ =	shalt  }
0x5b: {  	_ =	shalt  }
0x5c: {  	_ =	shalt  }
0x5d: {  	_ =	shalt  }
0x5e: {  	_ =	shalt  }
0x5f: {  	_ =	shalt  }
0x60: {  	_ =	shalt  }
0x61: {  	_ =	shalt  }
0x62: {  	_ =	shalt  }
0x63: {  	_ =	shalt  }
0x64: {  	_ =	shalt  }
0x65: {  	_ =	shalt  }
0x66: {  	_ =	shalt  }
0x67: {  	_ =	shalt  }
0x68: {  	_ =	shalt  }
0x69: {  	_ =	shalt  }
0x6a: {  	_ =	shalt  }
0x6b: {  	_ =	shalt  }
0x6c: {  	_ =	shalt  }
0x6d: {  	_ =	shalt  }
0x6e: {  	_ =	shalt  }
0x6f: {  	_ =	shalt  }
0x70: {  	_ =	shalt  }
0x71: {  	_ =	shalt  }
0x72: {  	_ =	shalt  }
0x73: {  	_ =	shalt  }
0x74: {  	_ =	shalt  }
0x75: {  	_ =	shalt  }
0x76: {  	_ =	shalt  }
0x77: {  	_ =	shalt  }
0x78: {  	_ =	shalt  }
0x79: {  	_ =	shalt  }
0x7a: {  	_ =	shalt  }
0x7b: {  	_ =	shalt  }
0x7c: {  	_ =	shalt  }
0x7d: {  	_ =	shalt  }
0x7e: {  	_ =	shalt  }
0x7f: {  	_ =	shalt  }
0x80: {  	_ =	shalt  }
0x81: {  	_ =	shalt  }
0x82: {  	_ =	shalt  }
0x83: {  	_ =	shalt  }
0x84: {  	_ =	shalt  }
0x85: {  	_ =	shalt  }
0x86: {  	_ =	shalt  }
0x87: {  	_ =	shalt  }
.Lfunc_end0:
.L_simem_size_0:
called_computation_lowered:
.L_overlay_start_0:
0x88: {  	s2 =	sld [smem:$0x3FD9]  }
0x89: {  	s3 =	sld [smem:$0x3FFE];
	_ =	sdelay $0x1  }
0x8a: {  	s1 =	srdreg.scid  }
0x8b: {  	s0 =	sand.u32 $0x1, s1  }
0x8c: {  	s17 =	sshll.u32 s0, $0xA;
	s2 =	sadd.s32 s3, s2  }
0x8d: {  	s2 =	sadd.s32 s2, s17  }
0x8e: {  	[smem:$0x3FB9] =	sst s2  }
0x8f: {  	_ = 	snop  }
0x90: {  	s2 =	sld [smem:$0x3FD0];
	(tm) =	ssettm $0x1  }
0x91: {  	s18 =	sld [smem:$0x3FFB];
	_ =	sdelay $0x3  }
0x92: {  	_ =	strace s18  }
0x93: {  	s3 =	sld [smem:$0x3FFC];
	_ =	sdelay $0x3  }
0x94: {  	_ =	strace s3  }
0x95: {  	s3 =	sld [smem:$0x3FFD];
	_ =	sdelay $0x3  }
0x96: {  	_ =	strace s3  }
0x97: {  	_ =	strace $0x8FFFFFFF  }
0x98: {  	s19 =	sld [smem:$0x3FDB];
	_ =	sdelay $0x1  }
0x99: {  	s4 =	simm.s32 $_scs_section_size  }
0x9a: {  	s5 =	simm.s32 $_size__tile_overlayer_lowered;
	s6 =	simm.s32 $_tile_overlayer_lowered  }
0x9b: {  	s22 =	simm.s32 $0x1BFF;
	s21 =	sshll.u32 s6, $0x1;
	s3 =	sadd.s32 s4, s19  }
0x9c: {  	s7 =	simm.s32 $0x0;
	s20 =	sshll.u32 s5, $0x1;
	s5 =	sadd.s32 s21, s3  }
0x9d: {  	[timem:s7], [sflag:s22] =	dma.local [hbm:s5], s20  }
0x9e: {  	_ =	swait.ge [sflag:s22], s20  }
0x9f: {  	s4 =	ssub.s32 $0x0, s20;
	[sflag:s22] =	ssyncset.done $0x0  }
0xa0: {  	[sflag:s22] =	ssyncadd.s32 s4;
	_ =	sdelay $0x1  }
0xa1: {  	s23 =	simm.s32 $0x1B8B  }
0xa2: {  	_ =	swait.ge [sflag:s23], $0x1  }
0xa3: {  	[sflag:s23] =	ssyncset.done $0x0  }
0xa4: {  	s25 =	simm.s32 $0x1B8E;
	s24 =	sld [smem:$0x3FFE];
	[sflag:s23] =	ssyncadd.s32 $0xFFFFFFFF  }
0xa5: {  	s26 =	simm.s32 $execute0_lowered;
	[smem:$0x3FD2] =	sst s25  }
0xa6: {  	s5 =	sshll.u32 s26, $0x1;
	_ =	strace $0x80000046;
	[dreg:$0x1] =	wrdreg $0xFFFFFFFF  }
0xa7: {  	s28 =	simm.s32 $_size_execute0_lowered;
	s3 =	sadd.s32 s3, s5;
	[dreg:$0x0] =	wrdreg $0x0  }
0xa8: {  	s5 =	sshll.u32 s28, $0x1;
	[dreg:$0x2] =	wrdreg s3  }
0xa9: {  	[dreg:$0x3] =	wrdreg s5  }
0xaa: {  	[dreg:$0x4] =	wrdreg $0xC0  }
0xab: {  	_ =	task [dreg:s7], $0x5FFFF  }
0xac: {  	[dreg:$0x1] =	wrdreg $0xFFFFFFFF  }
0xad: {  	[dreg:$0x0] =	wrdreg $0x60  }
0xae: {  	[dreg:$0x2] =	wrdreg s24  }
0xaf: {  	[dreg:$0x3] =	wrdreg s2  }
0xb0: {  	[dreg:$0x4] =	wrdreg $0x0  }
0xb1: {  	[dreg:$0x5] =	wrdreg $0x140000  }
0xb2: {  	[dreg:$0x6] =	wrdreg $0x9  }
0xb3: {  	_ =	task.clear_ibuf [dreg:s7], $0x7FFFF;
	_ =	strace $0x90000046  }
0xb4: {  	s29 =	simm.s32 $0x9;
	_ =	strace $0x80000048  }
0xb5: {  	_ =	swait.ge [sflag:s29], $0x1  }
0xb6: {  	[sflag:s29] =	ssyncadd.s32 $0xFFFFFFFF  }
0xb7: {  	_ =	strace $0x90000048  }
0xb8: {  	_ =	sfence  }
0xb9: {  	s30 =	sld [smem:$0x0];
	_ =	sdelay $0x2  }
0xba: {  	s31 =	sshll.u32 s1, $0xD;
	s1 =	sshrl.u32 s1, $0x2  }
0xbb: {  	s3 =	sand.u32 $0x4000, s31;
	s1 =	sadd.s32 s1, s30  }
0xbc: {  	s0 =	sor.u32 s3, s0;
	s1 =	sshll.u32 s1, $0x11  }
0xbd: {  	s0 =	sor.u32 s1, s0  }
0xbe: {  	s0 =	sadd.s32 $0x8F2B, s0  }
0xbf: {  	[sflag:s0] =	ssyncadd.remote.s32 $0x1  }
0xc0: {  	_ =	sfence.sel $0xFFFF  }
0xc1: {  	[dreg:$0x0] =	wrdreg $0xFFFFFFFF;
	(pc) =	sbr.abs _section_cstart, $3  }
0xc2: {  	[dreg:$0x1] =	wrdreg $0xFFFFFFFF  }
0xc3: {  	_ =	task.clear_ibuf [dreg:s7], $0x2FFFF;
	_ =	strace $0x9FFFFFFF  }
0xc4: {  	(tm) =	ssettm $0x7FFFFFFF  }
0xc5: {  	_ =	shalt  }
tec
execute0_lowered:
.L_overlay_start_1:
0x0: {  	(tag) =	ssettag $0x1  }
0x1: {  	s0 =	rddreg [dreg:$0x0]  }
0x2: {  	s2 =	rddreg [dreg:$0x2]  }
0x3: {  	s1 =	rddreg [dreg:$0x3];
	s3 =	srdreg.scid  }
0x4: {  	s4 =	stileid.u32;
	s5 =	simm.s32 $0x0;
	s16 =	simm.s32 $0x1  }
0x5: {  	s19 =	simm.s32 $0x14280;
	s20 =	simm.s32 $0x14300;
	s21 =	simm.s32 $0x14380  }
0x6: {  	s22 =	simm.s32 $0x80;
	s3 =	sand.u32 $0x1, s3;
	s8 =	smul.u32 $0x14000, s4  }
0x7: {  	[smem:$0x7FF] =	sst s5;
	s5 =	sadd.s32 $0x16200, s0;
	s6 =	sadd.s32 $0x2200, s0  }
0x8: {  	s7 =	sadd.s32 $0xC200, s0;
	s14 =	sadd.s32 $0x3E200, s0;
	s13 =	smul.u32 $0x50000, s4  }
0x9: {  	s25 =	sshll.u32 s4, $0x1;
	s29 =	sshll.u32 s4, $0x6;
	s9 =	smul.u32 $0x140000, s3  }
0xa: {  	_ =	strace $0x80000047;
	s10 =	smul.u32 $0x500, s3;
	s11 =	ssub.s32 $0x2, s3  }
0xb: {  	s3 =	sor.u32 s3, s25;
	[dreg:$0x5] =	wrdreg s14;
	s12 =	sshrl.u32 s11, $0x1  }
0xc: {  	s26 =	sshrl.u32 s13, $0x2;
	s9 =	sadd.s32 s8, s9;
	s8 =	sshrl.u32 s8, $0x3  }
0xd: {  	s24 =	ssub.s32 s11, s12;
	s28 =	sadd.s32 s26, s2;
	s8 =	sadd.s32 s14, s8  }
0xe: {  	v0 =	vlaneseq.u32;
	v5 =	vimm.s32 $0x0;
	v6 =	vimm.s32 $0x1;
	s11 =	smul.u32 $0x2800, s3;
	s31 =	smax.u32 s24, $0x1;
	[dreg:$0x6] =	wrdreg s8  }
0xf: {  	v7 =	vimm.s32 $0x2;
	v8 =	vimm.s32 $0x3;
	v9 =	vimm.s32 $0x4;
	s9 =	sshrl.u32 s9, $0x3;
	s3 =	sshrl.u32 s28, $0x3;
	[dreg:$0xa] =	wrdreg s31  }
0x10: {  	v10 =	vimm.s32 $0x5;
	v11 =	vimm.s32 $0x6;
	v12 =	vimm.s32 $0x7;
	s9 =	sadd.s32 s9, s0;
	s8 =	sor.u32 $0x1C01, s29;
	[dreg:$0xb] =	wrdreg s3  }
0x11: {  	v13 =	vimm.s32 $0x8;
	v14 =	vimm.s32 $0x9;
	v15 =	vimm.s32 $0xA;
	s0 =	sadd.s32 s10, s0;
	s30 =	sadd.s32 $0x156200, s9;
	[dreg:$0x7] =	wrdreg s8  }
0x12: {  	v16 =	vimm.s32 $0xB;
	v17 =	vimm.s32 $0xC;
	v18 =	vimm.s32 $0xD;
	p0 =	sne.s32 s4, $0x0;
	s0 =	sadd.s32 $0x66200, s0;
	[dreg:$0x8] =	wrdreg s30  }
0x13: {  	s23 =	simm.s32 $0x14400;
	v19 =	vimm.s32 $0xE;
	v20 =	vimm.s32 $0xF;
	v1 =	vor.u32 $0x10, v0;
	s9 =	sshrl.u32 @!p0 s1, $0x3;
	[dreg:$0x9] =	wrdreg s0  }
0x14: {  	v2 =	vor.u32 $0x20, v0;
	v3 =	vor.u32 $0x30, v0;
	v4 =	vor.u32 $0x40, v0;
	s4 =	simm.s32 $0x18400;
	s10 =	simm.s32 $0x0;
	[dreg:$0xc] =	wrdreg s9  }
.LBB2_1:
0x15: {  	[dreg:$0xd] =	wrdreg s10  }
0x16: {  	s0 =	rddreg [dreg:$0x6]  }
0x17: {  	[spmem:s3], [sflag:s8] =	dma.local [hbm:s0], $0x2800  }
0x18: {  	_ =	swait.ge [sflag:s16], $0x2800  }
0x19: {  	[sflag:s16] =	ssyncset.done $0x0  }
0x1a: {  	s31 =	simm.s32 $0x0;
	s1 =	rddreg [dreg:$0x5];
	[sflag:s16] =	ssyncadd.s32 $0xFFFFD800  }
0x1b: {  	[tilespmem:s4], [sflag:$0x1] =	stream.linear.gather [hbm4b:s1+s31], $0x2800, $0x38;
	[tilespmem:$0x1AC80] =	vst v63  }
0x1c: {  	_ =	swait.ge [sflag:s16], $0x2800  }
0x1d: {  	[sflag:s16] =	ssyncset.done $0x0  }
0x1e: {  	s0 =	simm.s32 @!p0 $0x1;
	[sflag:s16] =	ssyncadd.s32 $0xFFFFD800  }
0x1f: {  	[spmem:s9], [sflag:s8] =	dma.local @!p0 [hbm:s1], $0x500  }
0x20: {  	_ =	swait.ge @!p0 [sflag:s0], $0x500  }
0x21: {  	[sflag:s0] =	ssyncset.done @!p0 $0x0  }
0x22: {  	[sflag:s0] =	ssyncadd.s32 @!p0 $0xFFFFFB00  }
0x23: {  	[tilespmem:$0x1AC00] =	vst v0  }
0x24: {  	[tilespmem:$0x1AC10] =	vst v1  }
0x25: {  	[tilespmem:$0x1AC20] =	vst v2  }
0x26: {  	[tilespmem:$0x1AC30] =	vst v3  }
0x27: {  	[tilespmem:$0x1AC40] =	vst v4  }
0x28: {  	s28 =	simm.s32 $0x0;
	[bflag:$0x0] =	sbarrier.arrive $0xFFFF  }
.LBB2_2:
0x29: {  	s0 =	sshll.u32 s28, $0x7  }
0x2a: {  	s3 =	sand.u32 $0x3C00, s0  }
0x2b: {  	s0 =	sand.u32 $0x380, s0;
	s3 =	sadd.s32 s11, s3  }
0x2c: {  	s0 =	sor.u32 s0, s3  }
0x2d: {  	s1 =	rddreg [dreg:$0x1];
	s0 =	sshrl.u32 s0, $0x3  }
0x2e: {  	s29 =	simm.s32 $0x0;
	s30 =	sadd.s32 s1, s0  }
0x2f: {  	[tilespmem:s19], [sflag:$0x1] =	stream.linear.gather [hbm4b:s30+s29], $0x80, $0x38;
	[tilespmem:$0x1AC80] =	vst v63  }
0x30: {  	_ =	swait.ge [sflag:s16], $0x80  }
0x31: {  	[sflag:s16] =	ssyncset.done $0x0  }
0x32: {  	s31 =	sadd.s32 s6, s0;
	[sflag:s16] =	ssyncadd.s32 $0xFFFFFF80  }
0x33: {  	[tilespmem:s20], [sflag:$0x1] =	stream.linear.gather [hbm4b:s31+s29], $0x80, $0x38;
	[tilespmem:$0x1AC80] =	vst v63  }
0x34: {  	_ =	swait.ge [sflag:s16], $0x80  }
0x35: {  	[sflag:s16] =	ssyncset.done $0x0  }
0x36: {  	s0 =	sadd.s32 s7, s0;
	[sflag:s16] =	ssyncadd.s32 $0xFFFFFF80  }
0x37: {  	[tilespmem:s21], [sflag:$0x1] =	stream.linear.gather [hbm4b:s0+s29], $0x80, $0x38;
	[tilespmem:$0x1AC80] =	vst v63  }
0x38: {  	_ =	swait.ge [sflag:s16], $0x80  }
0x39: {  	[sflag:s16] =	ssyncset.done $0x0  }
0x3a: {  	[sflag:s16] =	ssyncadd.s32 $0xFFFFFF80  }
0x3b: {  	[tilespmem:s23], [sflag:$0x1] =	stream.indirect.gather [hbm4b:s5+s22], $0x80, s19, s22, $0xb8;
	[tilespmem:$0x1AC80] =	vst v63  }
0x3c: {  	_ =	swait.ge [sflag:s16], $0x4000  }
0x3d: {  	[sflag:s16] =	ssyncset.done $0x0  }
0x3e: {  	[sflag:s16] =	ssyncadd.s32 $0xFFFFC000  }
.LBB2_3:
0x3f: {  	s0 =	sshll.u32 s29, $0x4  }
0x40: {  	s0 =	sand.u32 $0x3FFFFFF0, s0  }
0x41: {  	s31 =	sshll.u32 s29, $0xB;
	v21 =	vld [tilespmem:s0+$0x14380]  }
0x42: {  	s30 =	sand.u32 $0x3FFFF800, s31  }
0x43: {  	v22 =	vld [tilespmem:s30+$0x14400]  }
0x44: {  	v23 =	vld [tilespmem:s30+$0x14410]  }
0x45: {  	v24 =	vld [tilespmem:s30+$0x14420]  }
0x46: {  	v26 =	vld [tilespmem:s30+$0x14430];
	v25 =	vperm.xlane v21, v5  }
0x47: {  	v27 =	vld [tilespmem:s30+$0x14440]  }
0x48: {  	v28 =	vld [tilespmem:s30+$0x14450];
	v22 =	vmul.f32 v22, v25  }
0x49: {  	v29 =	vld [tilespmem:s30+$0x14460];
	v23 =	vmul.f32 v23, v25  }
0x4a: {  	v54 =	vld [tilespmem:s30+$0x14470];
	[tilespmem:s30+$0x14400] =	vst v22;
	v22 =	vmul.f32 v24, v25  }
0x4b: {  	v55 =	vld [tilespmem:s30+$0x14480];
	[tilespmem:s30+$0x14410] =	vst v23;
	v23 =	vmul.f32 v26, v25  }
0x4c: {  	v56 =	vld [tilespmem:s30+$0x14490];
	[tilespmem:s30+$0x14420] =	vst v22;
	v22 =	vmul.f32 v27, v25  }
0x4d: {  	v57 =	vld [tilespmem:s30+$0x144A0];
	[tilespmem:s30+$0x14430] =	vst v23;
	v23 =	vmul.f32 v28, v25  }
0x4e: {  	v30 =	vld [tilespmem:s30+$0x144B0];
	v58 =	vperm.xlane v21, v6;
	[tilespmem:s30+$0x14440] =	vst v22;
	v22 =	vmul.f32 v29, v25  }
0x4f: {  	v59 =	vld [tilespmem:s30+$0x144C0];
	[tilespmem:s30+$0x14450] =	vst v23;
	v23 =	vmul.f32 v54, v25  }
0x50: {  	v60 =	vld [tilespmem:s30+$0x144D0];
	[tilespmem:s30+$0x14460] =	vst v22;
	v22 =	vmul.f32 v55, v58  }
0x51: {  	v61 =	vld [tilespmem:s30+$0x144E0];
	[tilespmem:s30+$0x14470] =	vst v23;
	v23 =	vmul.f32 v56, v58  }
0x52: {  	v62 =	vld [tilespmem:s30+$0x144F0];
	[tilespmem:s30+$0x14480] =	vst v22;
	v22 =	vmul.f32 v57, v58  }
0x53: {  	v63 =	vld [tilespmem:s30+$0x14500];
	[tilespmem:s30+$0x14490] =	vst v23;
	v23 =	vmul.f32 v30, v58  }
0x54: {  	v33 =	vld [tilespmem:s30+$0x14510];
	[tilespmem:s30+$0x144A0] =	vst v22;
	v22 =	vmul.f32 v59, v58  }
0x55: {  	v34 =	vld [tilespmem:s30+$0x14520];
	[tilespmem:s30+$0x144B0] =	vst v23;
	v23 =	vmul.f32 v60, v58  }
0x56: {  	v36 =	vld [tilespmem:s30+$0x14530];
	v35 =	vperm.xlane v21, v7;
	[tilespmem:s30+$0x144C0] =	vst v22;
	v22 =	vmul.f32 v61, v58  }
0x57: {  	v37 =	vld [tilespmem:s30+$0x14540];
	[tilespmem:s30+$0x144D0] =	vst v23;
	v23 =	vmul.f32 v62, v58  }
0x58: {  	v38 =	vld [tilespmem:s30+$0x14550];
	[tilespmem:s30+$0x144E0] =	vst v22;
	v22 =	vmul.f32 v63, v35  }
0x59: {  	v39 =	vld [tilespmem:s30+$0x14560];
	[tilespmem:s30+$0x144F0] =	vst v23;
	v23 =	vmul.f32 v33, v35  }
0x5a: {  	v40 =	vld [tilespmem:s30+$0x14570];
	[tilespmem:s30+$0x14500] =	vst v22;
	v22 =	vmul.f32 v34, v35  }
0x5b: {  	v41 =	vld [tilespmem:s30+$0x14580];
	[tilespmem:s30+$0x14510] =	vst v23;
	v23 =	vmul.f32 v36, v35  }
0x5c: {  	v42 =	vld [tilespmem:s30+$0x14590];
	[tilespmem:s30+$0x14520] =	vst v22;
	v22 =	vmul.f32 v37, v35  }
0x5d: {  	v43 =	vld [tilespmem:s30+$0x145A0];
	[tilespmem:s30+$0x14530] =	vst v23;
	v23 =	vmul.f32 v38, v35  }
0x5e: {  	v45 =	vld [tilespmem:s30+$0x145B0];
	v44 =	vperm.xlane v21, v8;
	[tilespmem:s30+$0x14540] =	vst v22;
	v22 =	vmul.f32 v39, v35  }
0x5f: {  	v46 =	vld [tilespmem:s30+$0x145C0];
	[tilespmem:s30+$0x14550] =	vst v23;
	v23 =	vmul.f32 v40, v35  }
0x60: {  	v47 =	vld [tilespmem:s30+$0x145D0];
	[tilespmem:s30+$0x14560] =	vst v22;
	v22 =	vmul.f32 v41, v44  }
0x61: {  	v48 =	vld [tilespmem:s30+$0x145E0];
	[tilespmem:s30+$0x14570] =	vst v23;
	v23 =	vmul.f32 v42, v44  }
0x62: {  	v49 =	vld [tilespmem:s30+$0x145F0];
	[tilespmem:s30+$0x14580] =	vst v22;
	v22 =	vmul.f32 v43, v44  }
0x63: {  	v50 =	vld [tilespmem:s30+$0x14600];
	[tilespmem:s30+$0x14590] =	vst v23;
	v23 =	vmul.f32 v45, v44  }
0x64: {  	v51 =	vld [tilespmem:s30+$0x14610];
	[tilespmem:s30+$0x145A0] =	vst v22;
	v22 =	vmul.f32 v46, v44  }
0x65: {  	v52 =	vld [tilespmem:s30+$0x14620];
	[tilespmem:s30+$0x145B0] =	vst v23;
	v23 =	vmul.f32 v47, v44  }
0x66: {  	v53 =	vperm.xlane v21, v9;
	v54 =	vld [tilespmem:s30+$0x14630];
	[tilespmem:s30+$0x145C0] =	vst v22;
	v22 =	vmul.f32 v48, v44  }
0x67: {  	v55 =	vld [tilespmem:s30+$0x14640];
	[tilespmem:s30+$0x145D0] =	vst v23;
	v23 =	vmul.f32 v49, v44  }
0x68: {  	v56 =	vld [tilespmem:s30+$0x14650];
	[tilespmem:s30+$0x145E0] =	vst v22;
	v22 =	vmul.f32 v50, v53  }
0x69: {  	v57 =	vld [tilespmem:s30+$0x14660];
	[tilespmem:s30+$0x145F0] =	vst v23;
	v23 =	vmul.f32 v51, v53  }
0x6a: {  	v58 =	vld [tilespmem:s30+$0x14670];
	[tilespmem:s30+$0x14600] =	vst v22;
	v22 =	vmul.f32 v52, v53  }
0x6b: {  	v59 =	vld [tilespmem:s30+$0x14680];
	[tilespmem:s30+$0x14610] =	vst v23;
	v23 =	vmul.f32 v54, v53  }
0x6c: {  	v60 =	vld [tilespmem:s30+$0x14690];
	[tilespmem:s30+$0x14620] =	vst v22;
	v22 =	vmul.f32 v55, v53  }
0x6d: {  	v61 =	vld [tilespmem:s30+$0x146A0];
	[tilespmem:s30+$0x14630] =	vst v23;
	v23 =	vmul.f32 v56, v53  }
0x6e: {  	v62 =	vperm.xlane v21, v10;
	v63 =	vld [tilespmem:s30+$0x146B0];
	[tilespmem:s30+$0x14640] =	vst v22;
	v22 =	vmul.f32 v57, v53  }
0x6f: {  	v33 =	vld [tilespmem:s30+$0x146C0];
	[tilespmem:s30+$0x14650] =	vst v23;
	v23 =	vmul.f32 v58, v53  }
0x70: {  	v34 =	vld [tilespmem:s30+$0x146D0];
	[tilespmem:s30+$0x14660] =	vst v22;
	v22 =	vmul.f32 v59, v62  }
0x71: {  	v35 =	vld [tilespmem:s30+$0x146E0];
	[tilespmem:s30+$0x14670] =	vst v23;
	v23 =	vmul.f32 v60, v62  }
0x72: {  	v36 =	vld [tilespmem:s30+$0x146F0];
	[tilespmem:s30+$0x14680] =	vst v22;
	v22 =	vmul.f32 v61, v62  }
0x73: {  	v37 =	vld [tilespmem:s30+$0x14700];
	[tilespmem:s30+$0x14690] =	vst v23;
	v23 =	vmul.f32 v63, v62  }
0x74: {  	v38 =	vld [tilespmem:s30+$0x14710];
	[tilespmem:s30+$0x146A0] =	vst v22;
	v22 =	vmul.f32 v33, v62  }
0x75: {  	v39 =	vld [tilespmem:s30+$0x14720];
	[tilespmem:s30+$0x146B0] =	vst v23;
	v23 =	vmul.f32 v34, v62  }
0x76: {  	v40 =	vperm.xlane v21, v11;
	v41 =	vld [tilespmem:s30+$0x14730];
	[tilespmem:s30+$0x146C0] =	vst v22;
	v22 =	vmul.f32 v35, v62  }
0x77: {  	v42 =	vld [tilespmem:s30+$0x14740];
	[tilespmem:s30+$0x146D0] =	vst v23;
	v23 =	vmul.f32 v36, v62  }
0x78: {  	v43 =	vld [tilespmem:s30+$0x14750];
	[tilespmem:s30+$0x146E0] =	vst v22;
	v22 =	vmul.f32 v37, v40  }
0x79: {  	v44 =	vld [tilespmem:s30+$0x14760];
	[tilespmem:s30+$0x146F0] =	vst v23;
	v23 =	vmul.f32 v38, v40  }
0x7a: {  	v45 =	vld [tilespmem:s30+$0x14770];
	[tilespmem:s30+$0x14700] =	vst v22;
	v22 =	vmul.f32 v39, v40  }
0x7b: {  	v46 =	vld [tilespmem:s30+$0x14780];
	[tilespmem:s30+$0x14710] =	vst v23;
	v23 =	vmul.f32 v41, v40  }
0x7c: {  	v47 =	vld [tilespmem:s30+$0x14790];
	[tilespmem:s30+$0x14720] =	vst v22;
	v22 =	vmul.f32 v42, v40  }
0x7d: {  	v48 =	vld [tilespmem:s30+$0x147A0];
	[tilespmem:s30+$0x14730] =	vst v23;
	v23 =	vmul.f32 v43, v40  }
0x7e: {  	v49 =	vperm.xlane v21, v12;
	v50 =	vld [tilespmem:s30+$0x147B0];
	[tilespmem:s30+$0x14740] =	vst v22;
	v22 =	vmul.f32 v44, v40  }
0x7f: {  	v51 =	vld [tilespmem:s30+$0x147C0];
	[tilespmem:s30+$0x14750] =	vst v23;
	v23 =	vmul.f32 v45, v40  }
0x80: {  	v52 =	vld [tilespmem:s30+$0x147D0];
	[tilespmem:s30+$0x14760] =	vst v22;
	v22 =	vmul.f32 v46, v49  }
0x81: {  	v53 =	vld [tilespmem:s30+$0x147E0];
	[tilespmem:s30+$0x14770] =	vst v23;
	v23 =	vmul.f32 v47, v49  }
0x82: {  	v54 =	vld [tilespmem:s30+$0x147F0];
	[tilespmem:s30+$0x14780] =	vst v22;
	v22 =	vmul.f32 v48, v49  }
0x83: {  	v55 =	vld [tilespmem:s30+$0x14800];
	[tilespmem:s30+$0x14790] =	vst v23;
	v23 =	vmul.f32 v50, v49  }
0x84: {  	v56 =	vld [tilespmem:s30+$0x14810];
	[tilespmem:s30+$0x147A0] =	vst v22;
	v22 =	vmul.f32 v51, v49  }
0x85: {  	v57 =	vld [tilespmem:s30+$0x14820];
	[tilespmem:s30+$0x147B0] =	vst v23;
	v23 =	vmul.f32 v52, v49  }
0x86: {  	v58 =	vperm.xlane v21, v13;
	v59 =	vld [tilespmem:s30+$0x14830];
	[tilespmem:s30+$0x147C0] =	vst v22;
	v22 =	vmul.f32 v53, v49  }
0x87: {  	v60 =	vld [tilespmem:s30+$0x14840];
	[tilespmem:s30+$0x147D0] =	vst v23;
	v23 =	vmul.f32 v54, v49  }
0x88: {  	v61 =	vld [tilespmem:s30+$0x14850];
	[tilespmem:s30+$0x147E0] =	vst v22;
	v22 =	vmul.f32 v55, v58  }
0x89: {  	v62 =	vld [tilespmem:s30+$0x14860];
	[tilespmem:s30+$0x147F0] =	vst v23;
	v23 =	vmul.f32 v56, v58  }
0x8a: {  	v63 =	vld [tilespmem:s30+$0x14870];
	[tilespmem:s30+$0x14800] =	vst v22;
	v22 =	vmul.f32 v57, v58  }
0x8b: {  	v33 =	vld [tilespmem:s30+$0x14880];
	[tilespmem:s30+$0x14810] =	vst v23;
	v23 =	vmul.f32 v59, v58  }
0x8c: {  	v34 =	vld [tilespmem:s30+$0x14890];
	[tilespmem:s30+$0x14820] =	vst v22;
	v22 =	vmul.f32 v60, v58  }
0x8d: {  	v35 =	vld [tilespmem:s30+$0x148A0];
	[tilespmem:s30+$0x14830] =	vst v23;
	v23 =	vmul.f32 v61, v58  }
0x8e: {  	v36 =	vperm.xlane v21, v14;
	v37 =	vld [tilespmem:s30+$0x148B0];
	[tilespmem:s30+$0x14840] =	vst v22;
	v22 =	vmul.f32 v62, v58  }
0x8f: {  	v38 =	vld [tilespmem:s30+$0x148C0];
	[tilespmem:s30+$0x14850] =	vst v23;
	v23 =	vmul.f32 v63, v58  }
0x90: {  	v39 =	vld [tilespmem:s30+$0x148D0];
	[tilespmem:s30+$0x14860] =	vst v22;
	v22 =	vmul.f32 v33, v36  }
0x91: {  	v40 =	vld [tilespmem:s30+$0x148E0];
	[tilespmem:s30+$0x14870] =	vst v23;
	v23 =	vmul.f32 v34, v36  }
0x92: {  	v41 =	vld [tilespmem:s30+$0x148F0];
	[tilespmem:s30+$0x14880] =	vst v22;
	v22 =	vmul.f32 v35, v36  }
0x93: {  	v42 =	vld [tilespmem:s30+$0x14900];
	[tilespmem:s30+$0x14890] =	vst v23;
	v23 =	vmul.f32 v37, v36  }
0x94: {  	v43 =	vld [tilespmem:s30+$0x14910];
	[tilespmem:s30+$0x148A0] =	vst v22;
	v22 =	vmul.f32 v38, v36  }
0x95: {  	v44 =	vld [tilespmem:s30+$0x14920];
	[tilespmem:s30+$0x148B0] =	vst v23;
	v23 =	vmul.f32 v39, v36  }
0x96: {  	v45 =	vperm.xlane v21, v15;
	v46 =	vld [tilespmem:s30+$0x14930];
	[tilespmem:s30+$0x148C0] =	vst v22;
	v22 =	vmul.f32 v40, v36  }
0x97: {  	v47 =	vld [tilespmem:s30+$0x14940];
	[tilespmem:s30+$0x148D0] =	vst v23;
	v23 =	vmul.f32 v41, v36  }
0x98: {  	v48 =	vld [tilespmem:s30+$0x14950];
	[tilespmem:s30+$0x148E0] =	vst v22;
	v22 =	vmul.f32 v42, v45  }
0x99: {  	v49 =	vld [tilespmem:s30+$0x14960];
	[tilespmem:s30+$0x148F0] =	vst v23;
	v23 =	vmul.f32 v43, v45  }
0x9a: {  	v50 =	vld [tilespmem:s30+$0x14970];
	[tilespmem:s30+$0x14900] =	vst v22;
	v22 =	vmul.f32 v44, v45  }
0x9b: {  	v51 =	vld [tilespmem:s30+$0x14980];
	[tilespmem:s30+$0x14910] =	vst v23;
	v23 =	vmul.f32 v46, v45  }
0x9c: {  	v52 =	vld [tilespmem:s30+$0x14990];
	[tilespmem:s30+$0x14920] =	vst v22;
	v22 =	vmul.f32 v47, v45  }
0x9d: {  	v53 =	vld [tilespmem:s30+$0x149A0];
	[tilespmem:s30+$0x14930] =	vst v23;
	v23 =	vmul.f32 v48, v45  }
0x9e: {  	v54 =	vperm.xlane v21, v16;
	v55 =	vld [tilespmem:s30+$0x149B0];
	[tilespmem:s30+$0x14940] =	vst v22;
	v22 =	vmul.f32 v49, v45  }
0x9f: {  	v56 =	vld [tilespmem:s30+$0x149C0];
	[tilespmem:s30+$0x14950] =	vst v23;
	v23 =	vmul.f32 v50, v45  }
0xa0: {  	v57 =	vld [tilespmem:s30+$0x149D0];
	[tilespmem:s30+$0x14960] =	vst v22;
	v22 =	vmul.f32 v51, v54  }
0xa1: {  	v58 =	vld [tilespmem:s30+$0x149E0];
	[tilespmem:s30+$0x14970] =	vst v23;
	v23 =	vmul.f32 v52, v54  }
0xa2: {  	v59 =	vld [tilespmem:s30+$0x149F0];
	[tilespmem:s30+$0x14980] =	vst v22;
	v22 =	vmul.f32 v53, v54  }
0xa3: {  	v60 =	vld [tilespmem:s30+$0x14A00];
	[tilespmem:s30+$0x14990] =	vst v23;
	v23 =	vmul.f32 v55, v54  }
0xa4: {  	v61 =	vld [tilespmem:s30+$0x14A10];
	[tilespmem:s30+$0x149A0] =	vst v22;
	v22 =	vmul.f32 v56, v54  }
0xa5: {  	v62 =	vld [tilespmem:s30+$0x14A20];
	[tilespmem:s30+$0x149B0] =	vst v23;
	v23 =	vmul.f32 v57, v54  }
0xa6: {  	v63 =	vperm.xlane v21, v17;
	v33 =	vld [tilespmem:s30+$0x14A30];
	[tilespmem:s30+$0x149C0] =	vst v22;
	v22 =	vmul.f32 v58, v54  }
0xa7: {  	v34 =	vld [tilespmem:s30+$0x14A40];
	[tilespmem:s30+$0x149D0] =	vst v23;
	v23 =	vmul.f32 v59, v54  }
0xa8: {  	v35 =	vld [tilespmem:s30+$0x14A50];
	[tilespmem:s30+$0x149E0] =	vst v22;
	v22 =	vmul.f32 v60, v63  }
0xa9: {  	v36 =	vld [tilespmem:s30+$0x14A60];
	[tilespmem:s30+$0x149F0] =	vst v23;
	v23 =	vmul.f32 v61, v63  }
0xaa: {  	v37 =	vld [tilespmem:s30+$0x14A70];
	[tilespmem:s30+$0x14A00] =	vst v22;
	v22 =	vmul.f32 v62, v63  }
0xab: {  	v38 =	vld [tilespmem:s30+$0x14A80];
	[tilespmem:s30+$0x14A10] =	vst v23;
	v23 =	vmul.f32 v33, v63  }
0xac: {  	v39 =	vld [tilespmem:s30+$0x14A90];
	[tilespmem:s30+$0x14A20] =	vst v22;
	v22 =	vmul.f32 v34, v63  }
0xad: {  	v40 =	vld [tilespmem:s30+$0x14AA0];
	[tilespmem:s30+$0x14A30] =	vst v23;
	v23 =	vmul.f32 v35, v63  }
0xae: {  	v41 =	vperm.xlane v21, v18;
	v42 =	vld [tilespmem:s30+$0x14AB0];
	[tilespmem:s30+$0x14A40] =	vst v22;
	v22 =	vmul.f32 v36, v63  }
0xaf: {  	v43 =	vld [tilespmem:s30+$0x14AC0];
	[tilespmem:s30+$0x14A50] =	vst v23;
	v23 =	vmul.f32 v37, v63  }
0xb0: {  	v44 =	vld [tilespmem:s30+$0x14AD0];
	[tilespmem:s30+$0x14A60] =	vst v22;
	v22 =	vmul.f32 v38, v41  }
0xb1: {  	v45 =	vld [tilespmem:s30+$0x14AE0];
	[tilespmem:s30+$0x14A70] =	vst v23;
	v23 =	vmul.f32 v39, v41  }
0xb2: {  	v46 =	vld [tilespmem:s30+$0x14AF0];
	[tilespmem:s30+$0x14A80] =	vst v22;
	v22 =	vmul.f32 v40, v41  }
0xb3: {  	v47 =	vld [tilespmem:s30+$0x14B00];
	[tilespmem:s30+$0x14A90] =	vst v23;
	v23 =	vmul.f32 v42, v41  }
0xb4: {  	v48 =	vld [tilespmem:s30+$0x14B10];
	[tilespmem:s30+$0x14AA0] =	vst v22;
	v22 =	vmul.f32 v43, v41  }
0xb5: {  	v49 =	vld [tilespmem:s30+$0x14B20];
	[tilespmem:s30+$0x14AB0] =	vst v23;
	v23 =	vmul.f32 v44, v41  }
0xb6: {  	v50 =	vperm.xlane v21, v19;
	v51 =	vld [tilespmem:s30+$0x14B30];
	[tilespmem:s30+$0x14AC0] =	vst v22;
	v22 =	vmul.f32 v45, v41  }
0xb7: {  	v52 =	vld [tilespmem:s30+$0x14B40];
	[tilespmem:s30+$0x14AD0] =	vst v23;
	v23 =	vmul.f32 v46, v41  }
0xb8: {  	v53 =	vld [tilespmem:s30+$0x14B50];
	[tilespmem:s30+$0x14AE0] =	vst v22;
	v22 =	vmul.f32 v47, v50  }
0xb9: {  	v54 =	vld [tilespmem:s30+$0x14B60];
	[tilespmem:s30+$0x14AF0] =	vst v23;
	v23 =	vmul.f32 v48, v50  }
0xba: {  	v55 =	vld [tilespmem:s30+$0x14B70];
	[tilespmem:s30+$0x14B00] =	vst v22;
	v22 =	vmul.f32 v49, v50  }
0xbb: {  	v56 =	vld [tilespmem:s30+$0x14B80];
	[tilespmem:s30+$0x14B10] =	vst v23;
	v23 =	vmul.f32 v51, v50  }
0xbc: {  	v57 =	vld [tilespmem:s30+$0x14B90];
	[tilespmem:s30+$0x14B20] =	vst v22;
	v22 =	vmul.f32 v52, v50  }
0xbd: {  	v58 =	vld [tilespmem:s30+$0x14BA0];
	[tilespmem:s30+$0x14B30] =	vst v23;
	v23 =	vmul.f32 v53, v50  }
0xbe: {  	v21 =	vperm.xlane v21, v20;
	v59 =	vld [tilespmem:s30+$0x14BB0];
	[tilespmem:s30+$0x14B40] =	vst v22;
	v22 =	vmul.f32 v54, v50  }
0xbf: {  	v60 =	vld [tilespmem:s30+$0x14BC0];
	[tilespmem:s30+$0x14B50] =	vst v23;
	v23 =	vmul.f32 v55, v50  }
0xc0: {  	v61 =	vld [tilespmem:s30+$0x14BD0];
	[tilespmem:s30+$0x14B60] =	vst v22;
	v22 =	vmul.f32 v56, v21  }
0xc1: {  	v62 =	vld [tilespmem:s30+$0x14BE0];
	[tilespmem:s30+$0x14B70] =	vst v23;
	v23 =	vmul.f32 v57, v21  }
0xc2: {  	v63 =	vld [tilespmem:s30+$0x14BF0];
	[tilespmem:s30+$0x14B80] =	vst v22;
	v22 =	vmul.f32 v58, v21  }
0xc3: {  	[tilespmem:s30+$0x14B90] =	vst v23;
	v23 =	vmul.f32 v59, v21  }
0xc4: {  	p1 =	sne.s32 s29, $0x7;
	[tilespmem:s30+$0x14BA0] =	vst v22;
	v22 =	vmul.f32 v60, v21  }
.Ltmp0:
0xc5: {  	[tilespmem:s30+$0x14BB0] =	vst v23;
	v23 =	vmul.f32 v61, v21;
	(pc) =	sbr.rel @p1 .LBB2_3-.Ltmp0, $4  }
0xc6: {  	[tilespmem:s30+$0x14BC0] =	vst v22;
	v22 =	vmul.f32 v62, v21  }
0xc7: {  	[tilespmem:s30+$0x14BD0] =	vst v23;
	v21 =	vmul.f32 v63, v21  }
0xc8: {  	[tilespmem:s30+$0x14BE0] =	vst v22  }
0xc9: {  	s29 =	sadd.s32 $0x1, s29;
	[tilespmem:s30+$0x14BF0] =	vst v21  }
0xca: {  	[spmem:s2] =	stream.indirect.scatter.add.f32 [tilespmem:s23], [sflag:$0x1], $0x80, s20, s22, $0xb8;
	[tilespmem:$0x1AC80] =	vst v63  }
0xcb: {  	_ =	swait.ge [sflag:s16], $0x4000  }
0xcc: {  	[sflag:s16] =	ssyncset.done $0x0  }
0xcd: {  	s0 =	simm.s32 $0x0;
	[sflag:s16] =	ssyncadd.s32 $0xFFFFC000  }
0xce: {  	v22 =	vld [tilespmem:s0+$0x14300];
	_ =	sdelay $0x4  }
0xcf: {  	(v2sf) =	vpush v22, $0x0;
	_ =	sdelay $0x7  }
0xd0: {  	(v2sf) =	vpush v22, $0x1;
	_ =	sdelay $0x5  }
0xd1: {  	v21 =	vld [tilespmem:s0+$0x14380]  }
0xd2: {  	s1 =	spop (v2sf)  }
0xd3: {  	(v2sf) =	vpush v22, $0x2;
	s3 =	sand.u32 $0xFFFFFFF0, s1  }
0xd4: {  	v23 =	vld [tilespmem:s3+$0x18400]  }
0xd5: {  	s0 =	sand.u32 $0xF, s1  }
0xd6: {  	v25 =	vbroadcast v21, $0x0;
	v24 =	vmov s0  }
0xd7: {  	vm0 =	veq.s32 v24, v0  }
0xd8: {  	v24 =	vnsel vm0, $0x0, v25  }
0xd9: {  	v23 =	vadd.f32 v24, v23  }
0xda: {  	s4 =	spop (v2sf)  }
0xdb: {  	(v2sf) =	vpush v22, $0x3;
	s8 =	sand.u32 $0xFFFFFFF0, s4;
	[tilespmem:s3+$0x18400] =	vst v23  }
0xdc: {  	v23 =	vld [tilespmem:s8+$0x18400]  }
0xdd: {  	s0 =	sand.u32 $0xF, s4  }
0xde: {  	v39 =	vbroadcast v21, $0x1;
	v38 =	vmov s0  }
0xdf: {  	vm13 =	veq.s32 v38, v0  }
0xe0: {  	v24 =	vnsel vm13, $0x0, v39  }
0xe1: {  	v23 =	vadd.f32 v24, v23  }
0xe2: {  	s9 =	spop (v2sf)  }
0xe3: {  	(v2sf) =	vpush v22, $0x4;
	s10 =	sand.u32 $0xFFFFFFF0, s9;
	[tilespmem:s8+$0x18400] =	vst v23  }
0xe4: {  	v23 =	vld [tilespmem:s10+$0x18400]  }
0xe5: {  	s0 =	sand.u32 $0xF, s9  }
0xe6: {  	v41 =	vbroadcast v21, $0x2;
	v40 =	vmov s0  }
0xe7: {  	vm14 =	veq.s32 v40, v0  }
0xe8: {  	v24 =	vnsel vm14, $0x0, v41  }
0xe9: {  	v23 =	vadd.f32 v24, v23  }
0xea: {  	s12 =	spop (v2sf)  }
0xeb: {  	(v2sf) =	vpush v22, $0x5;
	s13 =	sand.u32 $0xFFFFFFF0, s12;
	[tilespmem:s10+$0x18400] =	vst v23  }
0xec: {  	v23 =	vld [tilespmem:s13+$0x18400]  }
0xed: {  	s0 =	sand.u32 $0xF, s12  }
0xee: {  	v43 =	vbroadcast v21, $0x3;
	v42 =	vmov s0  }
0xef: {  	vm15 =	veq.s32 v42, v0  }
0xf0: {  	v24 =	vnsel vm15, $0x0, v43  }
0xf1: {  	v23 =	vadd.f32 v23, v24  }
0xf2: {  	s14 =	spop (v2sf)  }
0xf3: {  	(v2sf) =	vpush v22, $0x6;
	s15 =	sand.u32 $0xFFFFFFF0, s14;
	[tilespmem:s13+$0x18400] =	vst v23  }
0xf4: {  	v23 =	vld [tilespmem:s15+$0x18400]  }
0xf5: {  	s0 =	sand.u32 $0xF, s14  }
0xf6: {  	v45 =	vbroadcast v21, $0x4;
	v44 =	vmov s0  }
0xf7: {  	vm4 =	veq.s32 v44, v0  }
0xf8: {  	v24 =	vnsel vm4, $0x0, v45  }
0xf9: {  	v23 =	vadd.f32 v23, v24  }
0xfa: {  	s17 =	spop (v2sf)  }
0xfb: {  	(v2sf) =	vpush v22, $0x7;
	s18 =	sand.u32 $0xFFFFFFF0, s17;
	[tilespmem:s15+$0x18400] =	vst v23  }
0xfc: {  	v23 =	vld [tilespmem:s18+$0x18400]  }
0xfd: {  	s0 =	sand.u32 $0xF, s17  }
0xfe: {  	v47 =	vbroadcast v21, $0x5;
	v46 =	vmov s0  }
0xff: {  	vm5 =	veq.s32 v46, v0  }
0x100: {  	v24 =	vnsel vm5, $0x0, v47  }
0x101: {  	v23 =	vadd.f32 v23, v24  }
0x102: {  	s24 =	spop (v2sf)  }
0x103: {  	(v2sf) =	vpush v22, $0x8;
	s25 =	sand.u32 $0xFFFFFFF0, s24;
	[tilespmem:s18+$0x18400] =	vst v23  }
0x104: {  	v23 =	vld [tilespmem:s25+$0x18400]  }
0x105: {  	s0 =	sand.u32 $0xF, s24  }
0x106: {  	v49 =	vbroadcast v21, $0x6;
	v48 =	vmov s0  }
0x107: {  	vm6 =	veq.s32 v48, v0  }
0x108: {  	v24 =	vnsel vm6, $0x0, v49  }
0x109: {  	v23 =	vadd.f32 v23, v24  }
0x10a: {  	s26 =	spop (v2sf)  }
0x10b: {  	(v2sf) =	vpush v22, $0x9;
	s31 =	sand.u32 $0xFFFFFFF0, s26;
	[tilespmem:s25+$0x18400] =	vst v23  }
0x10c: {  	v23 =	vld [tilespmem:s31+$0x18400]  }
0x10d: {  	s0 =	sand.u32 $0xF, s26  }
0x10e: {  	v51 =	vbroadcast v21, $0x7;
	v50 =	vmov s0  }
0x10f: {  	vm7 =	veq.s32 v50, v0  }
0x110: {  	v24 =	vnsel vm7, $0x0, v51  }
0x111: {  	v23 =	vadd.f32 v23, v24  }
0x112: {  	s1 =	spop (v2sf)  }
0x113: {  	(v2sf) =	vpush v22, $0xA;
	s4 =	sand.u32 $0xFFFFFFF0, s1;
	[tilespmem:s31+$0x18400] =	vst v23  }
0x114: {  	v23 =	vld [tilespmem:s4+$0x18400]  }
0x115: {  	s0 =	sand.u32 $0xF, s1  }
0x116: {  	v53 =	vbroadcast v21, $0x8;
	v52 =	vmov s0  }
0x117: {  	vm8 =	veq.s32 v52, v0  }
0x118: {  	v24 =	vnsel vm8, $0x0, v53  }
0x119: {  	v23 =	vadd.f32 v23, v24  }
0x11a: {  	s8 =	spop (v2sf)  }
0x11b: {  	(v2sf) =	vpush v22, $0xB;
	s9 =	sand.u32 $0xFFFFFFF0, s8;
	[tilespmem:s4+$0x18400] =	vst v23  }
0x11c: {  	v23 =	vld [tilespmem:s9+$0x18400]  }
0x11d: {  	s0 =	sand.u32 $0xF, s8  }
0x11e: {  	v54 =	vbroadcast v21, $0x9;
	v55 =	vmov s0  }
0x11f: {  	vm9 =	veq.s32 v55, v0  }
0x120: {  	v24 =	vnsel vm9, $0x0, v54  }
0x121: {  	v23 =	vadd.f32 v23, v24  }
0x122: {  	s10 =	spop (v2sf)  }
0x123: {  	(v2sf) =	vpush v22, $0xC;
	s12 =	sand.u32 $0xFFFFFFF0, s10;
	[tilespmem:s9+$0x18400] =	vst v23  }
0x124: {  	v23 =	vld [tilespmem:s12+$0x18400]  }
0x125: {  	s0 =	sand.u32 $0xF, s10  }
0x126: {  	v57 =	vbroadcast v21, $0xA;
	v56 =	vmov s0  }
0x127: {  	vm10 =	veq.s32 v56, v0  }
0x128: {  	v24 =	vnsel vm10, $0x0, v57  }
0x129: {  	v23 =	vadd.f32 v23, v24  }
0x12a: {  	s13 =	spop (v2sf)  }
0x12b: {  	(v2sf) =	vpush v22, $0xD;
	s14 =	sand.u32 $0xFFFFFFF0, s13;
	[tilespmem:s12+$0x18400] =	vst v23  }
0x12c: {  	v23 =	vld [tilespmem:s14+$0x18400]  }
0x12d: {  	s0 =	sand.u32 $0xF, s13  }
0x12e: {  	v59 =	vbroadcast v21, $0xB;
	v58 =	vmov s0  }
0x12f: {  	vm11 =	veq.s32 v58, v0  }
0x130: {  	v24 =	vnsel vm11, $0x0, v59  }
0x131: {  	v23 =	vadd.f32 v23, v24  }
0x132: {  	s15 =	spop (v2sf)  }
0x133: {  	(v2sf) =	vpush v22, $0xE;
	s17 =	sand.u32 $0xFFFFFFF0, s15;
	[tilespmem:s14+$0x18400] =	vst v23  }
0x134: {  	v23 =	vld [tilespmem:s17+$0x18400]  }
0x135: {  	s0 =	sand.u32 $0xF, s15  }
0x136: {  	v61 =	vbroadcast v21, $0xC;
	v60 =	vmov s0  }
0x137: {  	vm12 =	veq.s32 v60, v0  }
0x138: {  	v24 =	vnsel vm12, $0x0, v61  }
0x139: {  	v23 =	vadd.f32 v23, v24  }
0x13a: {  	s18 =	spop (v2sf)  }
0x13b: {  	(v2sf) =	vpush v22, $0xF;
	s24 =	sand.u32 $0xFFFFFFF0, s18;
	[tilespmem:s17+$0x18400] =	vst v23  }
0x13c: {  	v22 =	vld [tilespmem:s24+$0x18400]  }
0x13d: {  	s0 =	sand.u32 $0xF, s18  }
0x13e: {  	v62 =	vbroadcast v21, $0xD;
	v23 =	vmov s0  }
0x13f: {  	vm13 =	veq.s32 v23, v0  }
0x140: {  	v23 =	vnsel vm13, $0x0, v62  }
0x141: {  	v22 =	vadd.f32 v22, v23  }
0x142: {  	s25 =	spop (v2sf)  }
0x143: {  	s26 =	sand.u32 $0xFFFFFFF0, s25;
	[tilespmem:s24+$0x18400] =	vst v22  }
0x144: {  	v22 =	vld [tilespmem:s26+$0x18400]  }
0x145: {  	s0 =	sand.u32 $0xF, s25  }
0x146: {  	v63 =	vbroadcast v21, $0xE;
	v23 =	vmov s0  }
0x147: {  	vm14 =	veq.s32 v23, v0  }
0x148: {  	v23 =	vnsel vm14, $0x0, v63  }
0x149: {  	v22 =	vadd.f32 v22, v23  }
0x14a: {  	s4 =	spop (v2sf)  }
0x14b: {  	s0 =	sand.u32 $0xFFFFFFF0, s4;
	[tilespmem:s26+$0x18400] =	vst v22  }
0x14c: {  	v22 =	vld [tilespmem:s0+$0x18400]  }
0x14d: {  	s31 =	sand.u32 $0xF, s4  }
0x14e: {  	v21 =	vbroadcast v21, $0xF;
	v23 =	vmov s31  }
0x14f: {  	vm15 =	veq.s32 v23, v0  }
0x150: {  	v21 =	vnsel vm15, $0x0, v21  }
0x151: {  	s29 =	simm.s32 $0x40;
	s30 =	simm.s32 $0x80;
	v21 =	vadd.f32 v22, v21  }
.LBB2_5:
0x152: {  	p1 =	sne.s32 s30, $0x1C0  }
0x153: {  	s3 =	sshra.s32 s29, $0x2;
	s29 =	smov.u32 s30;
	s30 =	sadd.s32 $0x40, s30;
	[tilespmem:s0+$0x18400] =	vst v21  }
0x154: {  	v22 =	vld [tilespmem:s3+$0x14300];
	_ =	sdelay $0x4  }
0x155: {  	(v2sf) =	vpush v22, $0x0  }
0x156: {  	(v2sf) =	vpush v22, $0x1  }
0x157: {  	(v2sf) =	vpush v22, $0x2  }
0x158: {  	(v2sf) =	vpush v22, $0x3  }
0x159: {  	(v2sf) =	vpush v22, $0x4  }
0x15a: {  	(v2sf) =	vpush v22, $0x5  }
0x15b: {  	(v2sf) =	vpush v22, $0x6  }
0x15c: {  	(v2sf) =	vpush v22, $0x7  }
0x15d: {  	(v2sf) =	vpush v22, $0x8  }
0x15e: {  	(v2sf) =	vpush v22, $0x9  }
0x15f: {  	(v2sf) =	vpush v22, $0xA  }
0x160: {  	(v2sf) =	vpush v22, $0xB  }
0x161: {  	(v2sf) =	vpush v22, $0xC  }
0x162: {  	(v2sf) =	vpush v22, $0xD  }
0x163: {  	v21 =	vld [tilespmem:s3+$0x14380];
	(v2sf) =	vpush v22, $0xE  }
0x164: {  	s0 =	spop (v2sf);
	(v2sf) =	vpush v22, $0xF  }
0x165: {  	s3 =	sand.u32 $0xF, s0;
	s0 =	sand.u32 $0xFFFFFFF0, s0;
	s4 =	spop (v2sf)  }
0x166: {  	v22 =	vld [tilespmem:s0+$0x18400];
	v23 =	vmov s3;
	s3 =	sand.u32 $0xF, s4;
	s10 =	spop (v2sf)  }
0x167: {  	vm1 =	veq.s32 v23, v0;
	v23 =	vmov s3;
	s3 =	sand.u32 $0xF, s10;
	s18 =	spop (v2sf)  }
0x168: {  	v24 =	vbroadcast v21, $0x0;
	vm0 =	veq.s32 v23, v0;
	v23 =	vmov s3;
	s3 =	sand.u32 $0xF, s18;
	s15 =	spop (v2sf)  }
0x169: {  	v25 =	vbroadcast v21, $0x9;
	vm6 =	veq.s32 v23, v0;
	v23 =	vmov s3;
	s3 =	sand.u32 $0xF, s15;
	s8 =	spop (v2sf)  }
0x16a: {  	v24 =	vnsel vm1, $0x0, v24;
	vm5 =	veq.s32 v23, v0;
	v23 =	vmov s3;
	s3 =	sand.u32 $0xF, s8;
	s14 =	spop (v2sf)  }
0x16b: {  	v22 =	vadd.f32 v24, v22;
	vm4 =	veq.s32 v23, v0;
	v23 =	vmov s3;
	s3 =	sand.u32 $0xF, s14;
	s13 =	spop (v2sf)  }
0x16c: {  	vm3 =	veq.s32 v23, v0;
	v26 =	vmov s3;
	s3 =	sand.u32 $0xF, s13;
	s12 =	spop (v2sf)  }
0x16d: {  	s26 =	sand.u32 $0xFFFFFFF0, s4;
	[tilespmem:s0+$0x18400] =	vst v22;
	v22 =	vmov s3;
	s0 =	sand.u32 $0xF, s12;
	s9 =	spop (v2sf)  }
0x16e: {  	v27 =	vld [tilespmem:s26+$0x18400];
	vm2 =	veq.s32 v22, v0;
	v28 =	vmov s0;
	s0 =	sand.u32 $0xF, s9;
	s17 =	spop (v2sf)  }
0x16f: {  	v22 =	vmov s0;
	s0 =	sand.u32 $0xF, s17;
	s25 =	spop (v2sf)  }
0x170: {  	v29 =	vbroadcast v21, $0x1;
	vm1 =	veq.s32 v22, v0;
	v24 =	vmov s0;
	s0 =	sand.u32 $0xF, s25;
	s24 =	spop (v2sf)  }
0x171: {  	v25 =	vnsel vm1, $0x0, v25;
	v23 =	vmov s0;
	s0 =	sand.u32 $0xF, s24;
	s4 =	spop (v2sf)  }
0x172: {  	v29 =	vnsel vm0, $0x0, v29;
	v22 =	vmov s0;
	s3 =	sand.u32 $0xF, s4;
	s0 =	spop (v2sf)  }
0x173: {  	v27 =	vadd.f32 v29, v27;
	s1 =	sand.u32 $0xF, s0;
	s31 =	spop (v2sf)  }
0x174: {  	v29 =	vmov s1;
	s1 =	sand.u32 $0xF, s31  }
0x175: {  	s10 =	sand.u32 $0xFFFFFFF0, s10;
	[tilespmem:s26+$0x18400] =	vst v27;
	vm1 =	veq.s32 v29, v0;
	v27 =	vmov s1  }
0x176: {  	v29 =	vld [tilespmem:s10+$0x18400];
	vm0 =	veq.s32 v27, v0;
	_ =	sdelay $0x1  }
0x177: {  	v27 =	vbroadcast v21, $0x2;
	_ =	sdelay $0x1  }
0x178: {  	v27 =	vnsel vm6, $0x0, v27  }
0x179: {  	v27 =	vadd.f32 v27, v29;
	_ =	sdelay $0x1  }
0x17a: {  	s1 =	sand.u32 $0xFFFFFFF0, s18;
	[tilespmem:s10+$0x18400] =	vst v27  }
0x17b: {  	v27 =	vld [tilespmem:s1+$0x18400];
	_ =	sdelay $0x1  }
0x17c: {  	v29 =	vbroadcast v21, $0x3;
	_ =	sdelay $0x1  }
0x17d: {  	v29 =	vnsel vm5, $0x0, v29  }
0x17e: {  	v27 =	vadd.f32 v27, v29;
	_ =	sdelay $0x1  }
0x17f: {  	[tilespmem:s1+$0x18400] =	vst v27;
	s1 =	sand.u32 $0xFFFFFFF0, s15  }
0x180: {  	v27 =	vld [tilespmem:s1+$0x18400];
	_ =	sdelay $0x1  }
0x181: {  	v29 =	vbroadcast v21, $0x4;
	_ =	sdelay $0x1  }
0x182: {  	v29 =	vnsel vm4, $0x0, v29  }
0x183: {  	v27 =	vadd.f32 v27, v29;
	_ =	sdelay $0x1  }
0x184: {  	[tilespmem:s1+$0x18400] =	vst v27;
	s1 =	sand.u32 $0xFFFFFFF0, s8  }
0x185: {  	v27 =	vld [tilespmem:s1+$0x18400];
	_ =	sdelay $0x1  }
0x186: {  	v29 =	vbroadcast v21, $0x5;
	_ =	sdelay $0x1  }
0x187: {  	v29 =	vnsel vm3, $0x0, v29  }
0x188: {  	v27 =	vadd.f32 v27, v29;
	_ =	sdelay $0x1  }
0x189: {  	[tilespmem:s1+$0x18400] =	vst v27;
	s1 =	sand.u32 $0xFFFFFFF0, s14  }
0x18a: {  	v27 =	vld [tilespmem:s1+$0x18400];
	_ =	sdelay $0x1  }
0x18b: {  	v29 =	vbroadcast v21, $0x6  }
0x18c: {  	vm3 =	veq.s32 v26, v0  }
0x18d: {  	v26 =	vnsel vm3, $0x0, v29  }
0x18e: {  	v26 =	vadd.f32 v27, v26;
	_ =	sdelay $0x1  }
0x18f: {  	[tilespmem:s1+$0x18400] =	vst v26;
	s1 =	sand.u32 $0xFFFFFFF0, s13  }
0x190: {  	v26 =	vld [tilespmem:s1+$0x18400];
	_ =	sdelay $0x1  }
0x191: {  	v27 =	vbroadcast v21, $0x7;
	_ =	sdelay $0x1  }
0x192: {  	v27 =	vnsel vm2, $0x0, v27  }
0x193: {  	v26 =	vadd.f32 v26, v27;
	_ =	sdelay $0x1  }
0x194: {  	[tilespmem:s1+$0x18400] =	vst v26;
	s1 =	sand.u32 $0xFFFFFFF0, s12  }
0x195: {  	v26 =	vld [tilespmem:s1+$0x18400];
	_ =	sdelay $0x1  }
0x196: {  	v27 =	vbroadcast v21, $0x8  }
0x197: {  	vm2 =	veq.s32 v28, v0  }
0x198: {  	v27 =	vnsel vm2, $0x0, v27  }
0x199: {  	v26 =	vadd.f32 v26, v27;
	_ =	sdelay $0x1  }
0x19a: {  	[tilespmem:s1+$0x18400] =	vst v26;
	s1 =	sand.u32 $0xFFFFFFF0, s9  }
0x19b: {  	v26 =	vld [tilespmem:s1+$0x18400];
	_ =	sdelay $0x4  }
0x19c: {  	v25 =	vadd.f32 v26, v25;
	_ =	sdelay $0x1  }
0x19d: {  	[tilespmem:s1+$0x18400] =	vst v25;
	s1 =	sand.u32 $0xFFFFFFF0, s17  }
0x19e: {  	v25 =	vld [tilespmem:s1+$0x18400];
	_ =	sdelay $0x1  }
0x19f: {  	v26 =	vbroadcast v21, $0xA  }
0x1a0: {  	vm2 =	veq.s32 v24, v0  }
0x1a1: {  	v24 =	vnsel vm2, $0x0, v26  }
0x1a2: {  	v24 =	vadd.f32 v25, v24;
	_ =	sdelay $0x1  }
0x1a3: {  	[tilespmem:s1+$0x18400] =	vst v24;
	s1 =	sand.u32 $0xFFFFFFF0, s25  }
0x1a4: {  	v24 =	vld [tilespmem:s1+$0x18400];
	_ =	sdelay $0x1  }
0x1a5: {  	v25 =	vbroadcast v21, $0xB  }
0x1a6: {  	vm2 =	veq.s32 v23, v0  }
0x1a7: {  	v23 =	vnsel vm2, $0x0, v25  }
0x1a8: {  	v23 =	vadd.f32 v24, v23;
	_ =	sdelay $0x1  }
0x1a9: {  	[tilespmem:s1+$0x18400] =	vst v23;
	s1 =	sand.u32 $0xFFFFFFF0, s24  }
0x1aa: {  	v23 =	vld [tilespmem:s1+$0x18400];
	_ =	sdelay $0x1  }
0x1ab: {  	v24 =	vbroadcast v21, $0xC  }
0x1ac: {  	vm2 =	veq.s32 v22, v0  }
0x1ad: {  	v22 =	vnsel vm2, $0x0, v24  }
0x1ae: {  	v22 =	vadd.f32 v23, v22;
	_ =	sdelay $0x1  }
0x1af: {  	[tilespmem:s1+$0x18400] =	vst v22;
	s1 =	sand.u32 $0xFFFFFFF0, s4  }
0x1b0: {  	v22 =	vld [tilespmem:s1+$0x18400];
	_ =	sdelay $0x1  }
0x1b1: {  	v24 =	vbroadcast v21, $0xD;
	v23 =	vmov s3  }
0x1b2: {  	vm2 =	veq.s32 v23, v0  }
0x1b3: {  	v23 =	vnsel vm2, $0x0, v24  }
0x1b4: {  	v22 =	vadd.f32 v22, v23;
	_ =	sdelay $0x1  }
0x1b5: {  	s0 =	sand.u32 $0xFFFFFFF0, s0;
	[tilespmem:s1+$0x18400] =	vst v22  }
0x1b6: {  	v22 =	vld [tilespmem:s0+$0x18400];
	_ =	sdelay $0x1  }
0x1b7: {  	v23 =	vbroadcast v21, $0xE;
	_ =	sdelay $0x1  }
0x1b8: {  	v23 =	vnsel vm1, $0x0, v23  }
0x1b9: {  	v22 =	vadd.f32 v22, v23;
	_ =	sdelay $0x1  }
0x1ba: {  	[tilespmem:s0+$0x18400] =	vst v22;
	s0 =	sand.u32 $0xFFFFFFF0, s31  }
0x1bb: {  	v22 =	vld [tilespmem:s0+$0x18400]  }
.Ltmp1:
0x1bc: {  	(pc) =	sbr.rel @p1 .LBB2_5-.Ltmp1, $3  }
0x1bd: {  	v21 =	vbroadcast v21, $0xF;
	_ =	sdelay $0x1  }
0x1be: {  	v21 =	vnsel vm0, $0x0, v21  }
0x1bf: {  	v21 =	vadd.f32 v22, v21  }
0x1c0: {  	_ = 	snop  }
0x1c1: {  	s1 =	sshra.s32 s29, $0x2;
	[tilespmem:s0+$0x18400] =	vst v21  }
0x1c2: {  	v22 =	vld [tilespmem:s1+$0x14300];
	_ =	sdelay $0x4  }
0x1c3: {  	(v2sf) =	vpush v22, $0x0;
	_ =	sdelay $0x7  }
0x1c4: {  	(v2sf) =	vpush v22, $0x1;
	_ =	sdelay $0x5  }
0x1c5: {  	v21 =	vld [tilespmem:s1+$0x14380]  }
0x1c6: {  	s8 =	spop (v2sf)  }
0x1c7: {  	(v2sf) =	vpush v22, $0x2;
	s9 =	sand.u32 $0xFFFFFFF0, s8  }
0x1c8: {  	v23 =	vld [tilespmem:s9+$0x18400]  }
0x1c9: {  	s0 =	sand.u32 $0xF, s8  }
0x1ca: {  	v25 =	vbroadcast v21, $0x0;
	v24 =	vmov s0  }
0x1cb: {  	vm0 =	veq.s32 v24, v0  }
0x1cc: {  	v24 =	vnsel vm0, $0x0, v25  }
0x1cd: {  	v23 =	vadd.f32 v24, v23  }
0x1ce: {  	s10 =	spop (v2sf)  }
0x1cf: {  	(v2sf) =	vpush v22, $0x3;
	s12 =	sand.u32 $0xFFFFFFF0, s10;
	[tilespmem:s9+$0x18400] =	vst v23  }
0x1d0: {  	v23 =	vld [tilespmem:s12+$0x18400]  }
0x1d1: {  	s0 =	sand.u32 $0xF, s10  }
0x1d2: {  	v39 =	vbroadcast v21, $0x1;
	v38 =	vmov s0  }
0x1d3: {  	vm13 =	veq.s32 v38, v0  }
0x1d4: {  	v24 =	vnsel vm13, $0x0, v39  }
0x1d5: {  	v23 =	vadd.f32 v24, v23  }
0x1d6: {  	s13 =	spop (v2sf)  }
0x1d7: {  	(v2sf) =	vpush v22, $0x4;
	s14 =	sand.u32 $0xFFFFFFF0, s13;
	[tilespmem:s12+$0x18400] =	vst v23  }
0x1d8: {  	v23 =	vld [tilespmem:s14+$0x18400]  }
0x1d9: {  	s0 =	sand.u32 $0xF, s13  }
0x1da: {  	v41 =	vbroadcast v21, $0x2;
	v40 =	vmov s0  }
0x1db: {  	vm14 =	veq.s32 v40, v0  }
0x1dc: {  	v24 =	vnsel vm14, $0x0, v41  }
0x1dd: {  	v23 =	vadd.f32 v24, v23  }
0x1de: {  	s15 =	spop (v2sf)  }
0x1df: {  	(v2sf) =	vpush v22, $0x5;
	s17 =	sand.u32 $0xFFFFFFF0, s15;
	[tilespmem:s14+$0x18400] =	vst v23  }
0x1e0: {  	v23 =	vld [tilespmem:s17+$0x18400]  }
0x1e1: {  	s0 =	sand.u32 $0xF, s15  }
0x1e2: {  	v43 =	vbroadcast v21, $0x3;
	v42 =	vmov s0  }
0x1e3: {  	vm15 =	veq.s32 v42, v0  }
0x1e4: {  	v24 =	vnsel vm15, $0x0, v43  }
0x1e5: {  	v23 =	vadd.f32 v23, v24  }
0x1e6: {  	s18 =	spop (v2sf)  }
0x1e7: {  	(v2sf) =	vpush v22, $0x6;
	s24 =	sand.u32 $0xFFFFFFF0, s18;
	[tilespmem:s17+$0x18400] =	vst v23  }
0x1e8: {  	v23 =	vld [tilespmem:s24+$0x18400]  }
0x1e9: {  	s0 =	sand.u32 $0xF, s18  }
0x1ea: {  	v45 =	vbroadcast v21, $0x4;
	v44 =	vmov s0  }
0x1eb: {  	vm4 =	veq.s32 v44, v0  }
0x1ec: {  	v24 =	vnsel vm4, $0x0, v45  }
0x1ed: {  	v23 =	vadd.f32 v23, v24  }
0x1ee: {  	s25 =	spop (v2sf)  }
0x1ef: {  	(v2sf) =	vpush v22, $0x7;
	s26 =	sand.u32 $0xFFFFFFF0, s25;
	[tilespmem:s24+$0x18400] =	vst v23  }
0x1f0: {  	v23 =	vld [tilespmem:s26+$0x18400]  }
0x1f1: {  	s0 =	sand.u32 $0xF, s25  }
0x1f2: {  	v47 =	vbroadcast v21, $0x5;
	v46 =	vmov s0  }
0x1f3: {  	vm5 =	veq.s32 v46, v0  }
0x1f4: {  	v24 =	vnsel vm5, $0x0, v47  }
0x1f5: {  	v23 =	vadd.f32 v23, v24  }
0x1f6: {  	s29 =	spop (v2sf)  }
0x1f7: {  	(v2sf) =	vpush v22, $0x8;
	s30 =	sand.u32 $0xFFFFFFF0, s29;
	[tilespmem:s26+$0x18400] =	vst v23  }
0x1f8: {  	v23 =	vld [tilespmem:s30+$0x18400]  }
0x1f9: {  	s0 =	sand.u32 $0xF, s29  }
0x1fa: {  	v49 =	vbroadcast v21, $0x6;
	v48 =	vmov s0  }
0x1fb: {  	vm6 =	veq.s32 v48, v0  }
0x1fc: {  	v24 =	vnsel vm6, $0x0, v49  }
0x1fd: {  	v23 =	vadd.f32 v23, v24  }
0x1fe: {  	s31 =	spop (v2sf)  }
0x1ff: {  	(v2sf) =	vpush v22, $0x9;
	s3 =	sand.u32 $0xFFFFFFF0, s31;
	[tilespmem:s30+$0x18400] =	vst v23  }
0x200: {  	v23 =	vld [tilespmem:s3+$0x18400]  }
0x201: {  	s0 =	sand.u32 $0xF, s31  }
0x202: {  	v51 =	vbroadcast v21, $0x7;
	v50 =	vmov s0  }
0x203: {  	vm7 =	veq.s32 v50, v0  }
0x204: {  	v24 =	vnsel vm7, $0x0, v51  }
0x205: {  	v23 =	vadd.f32 v23, v24  }
0x206: {  	s4 =	spop (v2sf)  }
0x207: {  	(v2sf) =	vpush v22, $0xA;
	s8 =	sand.u32 $0xFFFFFFF0, s4;
	[tilespmem:s3+$0x18400] =	vst v23  }
0x208: {  	v23 =	vld [tilespmem:s8+$0x18400]  }
0x209: {  	s0 =	sand.u32 $0xF, s4  }
0x20a: {  	v53 =	vbroadcast v21, $0x8;
	v52 =	vmov s0  }
0x20b: {  	vm8 =	veq.s32 v52, v0  }
0x20c: {  	v24 =	vnsel vm8, $0x0, v53  }
0x20d: {  	v23 =	vadd.f32 v23, v24  }
0x20e: {  	s9 =	spop (v2sf)  }
0x20f: {  	(v2sf) =	vpush v22, $0xB;
	s10 =	sand.u32 $0xFFFFFFF0, s9;
	[tilespmem:s8+$0x18400] =	vst v23  }
0x210: {  	v23 =	vld [tilespmem:s10+$0x18400]  }
0x211: {  	s0 =	sand.u32 $0xF, s9  }
0x212: {  	v54 =	vbroadcast v21, $0x9;
	v55 =	vmov s0  }
0x213: {  	vm9 =	veq.s32 v55, v0  }
0x214: {  	v24 =	vnsel vm9, $0x0, v54  }
0x215: {  	v23 =	vadd.f32 v23, v24  }
0x216: {  	s12 =	spop (v2sf)  }
0x217: {  	(v2sf) =	vpush v22, $0xC;
	s13 =	sand.u32 $0xFFFFFFF0, s12;
	[tilespmem:s10+$0x18400] =	vst v23  }
0x218: {  	v23 =	vld [tilespmem:s13+$0x18400]  }
0x219: {  	s0 =	sand.u32 $0xF, s12  }
0x21a: {  	v57 =	vbroadcast v21, $0xA;
	v56 =	vmov s0  }
0x21b: {  	vm10 =	veq.s32 v56, v0  }
0x21c: {  	v24 =	vnsel vm10, $0x0, v57  }
0x21d: {  	v23 =	vadd.f32 v23, v24  }
0x21e: {  	s14 =	spop (v2sf)  }
0x21f: {  	(v2sf) =	vpush v22, $0xD;
	s15 =	sand.u32 $0xFFFFFFF0, s14;
	[tilespmem:s13+$0x18400] =	vst v23  }
0x220: {  	v23 =	vld [tilespmem:s15+$0x18400]  }
0x221: {  	s0 =	sand.u32 $0xF, s14  }
0x222: {  	v59 =	vbroadcast v21, $0xB;
	v58 =	vmov s0  }
0x223: {  	vm11 =	veq.s32 v58, v0  }
0x224: {  	v24 =	vnsel vm11, $0x0, v59  }
0x225: {  	v23 =	vadd.f32 v23, v24  }
0x226: {  	s17 =	spop (v2sf)  }
0x227: {  	(v2sf) =	vpush v22, $0xE;
	s18 =	sand.u32 $0xFFFFFFF0, s17;
	[tilespmem:s15+$0x18400] =	vst v23  }
0x228: {  	v23 =	vld [tilespmem:s18+$0x18400]  }
0x229: {  	s0 =	sand.u32 $0xF, s17  }
0x22a: {  	v61 =	vbroadcast v21, $0xC;
	v60 =	vmov s0  }
0x22b: {  	vm12 =	veq.s32 v60, v0  }
0x22c: {  	v24 =	vnsel vm12, $0x0, v61  }
0x22d: {  	v23 =	vadd.f32 v23, v24  }
0x22e: {  	s24 =	spop (v2sf)  }
0x22f: {  	(v2sf) =	vpush v22, $0xF;
	s25 =	sand.u32 $0xFFFFFFF0, s24;
	[tilespmem:s18+$0x18400] =	vst v23  }
0x230: {  	v22 =	vld [tilespmem:s25+$0x18400]  }
0x231: {  	s0 =	sand.u32 $0xF, s24  }
0x232: {  	v62 =	vbroadcast v21, $0xD;
	v23 =	vmov s0  }
0x233: {  	vm13 =	veq.s32 v23, v0  }
0x234: {  	v23 =	vnsel vm13, $0x0, v62  }
0x235: {  	v22 =	vadd.f32 v22, v23  }
0x236: {  	s26 =	spop (v2sf)  }
0x237: {  	s29 =	sand.u32 $0xFFFFFFF0, s26;
	[tilespmem:s25+$0x18400] =	vst v22  }
0x238: {  	v22 =	vld [tilespmem:s29+$0x18400]  }
0x239: {  	s0 =	sand.u32 $0xF, s26  }
0x23a: {  	v63 =	vbroadcast v21, $0xE;
	v23 =	vmov s0  }
0x23b: {  	vm14 =	veq.s32 v23, v0  }
0x23c: {  	v23 =	vnsel vm14, $0x0, v63  }
0x23d: {  	v22 =	vadd.f32 v22, v23  }
0x23e: {  	s30 =	spop (v2sf)  }
0x23f: {  	s31 =	sand.u32 $0xFFFFFFF0, s30;
	[tilespmem:s29+$0x18400] =	vst v22  }
0x240: {  	v22 =	vld [tilespmem:s31+$0x18400]  }
0x241: {  	s28 =	sadd.s32 $0x1, s28;
	s0 =	sand.u32 $0xF, s30  }
0x242: {  	p1 =	sne.s32 s28, $0x50;
	v21 =	vbroadcast v21, $0xF;
	v23 =	vmov s0  }
.Ltmp2:
0x243: {  	vm15 =	veq.s32 v23, v0;
	(pc) =	sbr.rel @p1 .LBB2_2-.Ltmp2, $3  }
0x244: {  	v21 =	vnsel vm15, $0x0, v21  }
0x245: {  	v21 =	vadd.f32 v22, v21;
	_ =	sdelay $0x1  }
0x246: {  	[tilespmem:s31+$0x18400] =	vst v21  }
0x247: {  	s0 =	rddreg [dreg:$0x3]  }
0x248: {  	s4 =	simm.s32 $0x18400;
	s1 =	simm.s32 $0x50;
	s3 =	simm.s32 $0x1AC00  }
0x249: {  	[spmem:s0] =	stream.indirect.scatter.add.f32 [tilespmem:s4], [sflag:$0x1], $0x80, s3, s1, $0xb8;
	[tilespmem:$0x1AC80] =	vst v63  }
0x24a: {  	_ =	swait.ge [sflag:s16], $0x2800  }
0x24b: {  	[sflag:s16] =	ssyncset.done $0x0  }
0x24c: {  	[sflag:s16] =	ssyncadd.s32 $0xFFFFD800  }
0x24d: {  	[bflag:$0x0] =	sbarrier.arrive $0xFFFF  }
0x24e: {  	s8 =	rddreg [dreg:$0x7]  }
0x24f: {  	s30 =	rddreg [dreg:$0x8]  }
0x250: {  	s3 =	rddreg [dreg:$0xb]  }
0x251: {  	[hbm:s30], [sflag:s8] =	dma.local [spmem:s3], $0x2800  }
0x252: {  	_ =	swait.ge [sflag:s16], $0x2800  }
0x253: {  	[sflag:s16] =	ssyncset.done $0x0;
	s0 =	rddreg [dreg:$0x9]  }
0x254: {  	s9 =	rddreg [dreg:$0xc];
	[sflag:s16] =	ssyncadd.s32 $0xFFFFD800  }
0x255: {  	[hbm:s0], [sflag:s8] =	dma.local @!p0 [spmem:s9], $0x500  }
0x256: {  	s0 =	simm.s32 @!p0 $0x1  }
0x257: {  	_ =	swait.ge @!p0 [sflag:s0], $0x500  }
0x258: {  	s10 =	rddreg [dreg:$0xd]  }
0x259: {  	s31 =	rddreg [dreg:$0xa];
	s10 =	sadd.s32 $0x1, s10  }
0x25a: {  	p1 =	sne.s32 s10, s31  }
.Ltmp3:
0x25b: {  	_ = 	snop;
	(pc) =	sbr.rel @p1 .LBB2_1-.Ltmp3, $3  }
0x25c: {  	_ =	sdelay $0x1  }
0x25d: {  	[sflag:s0] =	ssyncset.done @!p0 $0x0  }
0x25e: {  	[sflag:s0] =	ssyncadd.s32 @!p0 $0xFFFFFB00  }
0x25f: {  	_ =	sfence.sel $0x180000  }
0x260: {  	[bflag:$0x0] =	sbarrier.arrive $0xFFFF  }
0x261: {  	_ =	strace $0x90000047  }
0x262: {  	[bflag:$0x2] =	sbarrier.arrive $0xFFFF  }
0x263: {  	s0 =	rddreg [dreg:$0x4]  }
0x264: {  	s0 =	sadd.s32 @!p0 $0x100000, s0  }
0x265: {  	[sflag:s0] =	ssyncadd.tile.s32 @!p0 $0x1;
	_ =	shalt  }
.Lfunc_end2:
_tile_overlayer_lowered:
.L_overlay_start_2:
0x266: {  	(tag) =	ssettag $0x2  }
0x267: {  	s0 =	rddreg [dreg:$0x0];
	s2 =	stileid.u32  }
0x268: {  	s1 =	rddreg [dreg:$0x1];
	p0 =	sne.s32 s2, $0x0  }
0x269: {  	s3 =	rddreg [dreg:$0x2];
	[bflag:$0x3] =	sbarrier.arrive $0xFFFF;
	s2 =	simm.s32 @!p0 $0x1C01  }
0x26a: {  	[timem:s3], [sflag:s2] =	dma.local @!p0 [hbm:s0], s1  }
0x26b: {  	s0 =	simm.s32 @!p0 $0x1  }
0x26c: {  	_ =	swait.ge @!p0 [sflag:s0], s1  }
0x26d: {  	s1 =	ssub.s32 @!p0 $0x0, s1;
	[sflag:s0] =	ssyncset.done @!p0 $0x0  }
0x26e: {  	[sflag:s0] =	ssyncadd.s32 @!p0 s1  }
0x26f: {  	[bflag:$0x3] =	sbarrier.arrive $0xFFFF  }
0x270: {  	_ =	shalt  }

</sc_bundles>
